<compile_context>
chip_gen: v7x
topology: tpu7x:2x2x1
jax: 0.10.2.dev20260603
libtpu: 0.0.44.dev20260713+nightly
codegen_flags: <defaults>
</compile_context>

<pallas_src>
import jax
import jax.numpy as jnp
from jax.experimental import pallas as pl
from jax.experimental.pallas import tpu as pltpu

H = 64
NB = 10000
EF = 80000
ROWBLK = 2000


def _silu(x):
    return x / (1.0 + jnp.exp(-x))



def _edge_encode_body(efe_ref, efo_ref, w1_ref, b1_ref, w2_ref, b2_ref,
                      wes_ref, b1s_ref, out_ref):
    w1t = w1_ref[...].T
    w2t = w2_ref[...].T
    eme = _silu(efe_ref[...] @ w1t + b1_ref[...]) @ w2t + b2_ref[...]
    emo = _silu(efo_ref[...] @ w1t + b1_ref[...]) @ w2t + b2_ref[...]
    es = (eme + emo) * 0.5
    for l in range(4):
        out_ref[l] = es @ wes_ref[l].T + b1s_ref[l]


def _edge_encode(ef_even, ef_odd, p_ee, wes, b1s):
    nblk = EF // ROWBLK
    full = pl.BlockSpec((None,), lambda i: (0,))
    return pl.pallas_call(
        _edge_encode_body,
        grid=(nblk,),
        in_specs=[
            pl.BlockSpec((ROWBLK, 4), lambda i: (i, 0)),
            pl.BlockSpec((ROWBLK, 4), lambda i: (i, 0)),
            pl.BlockSpec((H, 4), lambda i: (0, 0)),
            pl.BlockSpec((1, H), lambda i: (0, 0)),
            pl.BlockSpec((H, H), lambda i: (0, 0)),
            pl.BlockSpec((1, H), lambda i: (0, 0)),
            pl.BlockSpec((4, H, H), lambda i: (0, 0, 0)),
            pl.BlockSpec((4, 1, H), lambda i: (0, 0, 0)),
        ],
        out_specs=pl.BlockSpec((4, ROWBLK, H), lambda i: (0, i, 0)),
        out_shape=jax.ShapeDtypeStruct((4, EF, H), jnp.float32),
    )(ef_even, ef_odd, p_ee["w1"], p_ee["b1"][None], p_ee["w2"],
      p_ee["b2"][None], wes, b1s)


def _node_encode_body(nf_ref, w1_ref, b1_ref, w2_ref, b2_ref, wa_ref, wb_ref,
                      h_ref, p_ref):
    z = _silu(nf_ref[...] @ w1_ref[...].T + b1_ref[...])
    h = z @ w2_ref[...].T + b2_ref[...]
    h_ref[...] = h
    p_ref[...] = jnp.concatenate([h @ wa_ref[...].T, h @ wb_ref[...].T], axis=1)


def _node_encode(nfr, p_ne, wa, wb):
    nblk = (2 * NB) // ROWBLK
    return pl.pallas_call(
        _node_encode_body,
        grid=(nblk,),
        in_specs=[
            pl.BlockSpec((ROWBLK, 7), lambda i: (i, 0)),
            pl.BlockSpec((H, 7), lambda i: (0, 0)),
            pl.BlockSpec((1, H), lambda i: (0, 0)),
            pl.BlockSpec((H, H), lambda i: (0, 0)),
            pl.BlockSpec((1, H), lambda i: (0, 0)),
            pl.BlockSpec((H, H), lambda i: (0, 0)),
            pl.BlockSpec((H, H), lambda i: (0, 0)),
        ],
        out_specs=[
            pl.BlockSpec((ROWBLK, H), lambda i: (i, 0)),
            pl.BlockSpec((ROWBLK, 2 * H), lambda i: (i, 0)),
        ],
        out_shape=[
            jax.ShapeDtypeStruct((2 * NB, H), jnp.float32),
            jax.ShapeDtypeStruct((2 * NB, 2 * H), jnp.float32),
        ],
    )(nfr, p_ne["w1"], p_ne["b1"][None], p_ne["w2"], p_ne["b2"][None], wa, wb)


def _node_update_body(h_ref, ag_ref, w2e_ref, wh_ref, wg_ref, b1_ref, w2_ref,
                      b2_ref, wa_ref, wb_ref, pb_ref, h_out, p_out):
    h = h_ref[...]
    agg = ag_ref[...] @ w2e_ref[...].T
    z = _silu(h @ wh_ref[...].T + agg @ wg_ref[...].T + b1_ref[...])
    hn = h + z @ w2_ref[...].T + b2_ref[...]
    h_out[...] = hn
    p_out[...] = jnp.concatenate(
        [hn @ wa_ref[...].T, hn @ wb_ref[...].T], axis=1) + pb_ref[...]


def _node_update(h, aggu, w2e, wh, wg, b1, w2, b2, wa, wb, pbias):
    nblk = (2 * NB) // ROWBLK
    wspec = pl.BlockSpec((H, H), lambda i: (0, 0))
    bspec = pl.BlockSpec((1, H), lambda i: (0, 0))
    return pl.pallas_call(
        _node_update_body,
        grid=(nblk,),
        in_specs=[
            pl.BlockSpec((ROWBLK, H), lambda i: (i, 0)),
            pl.BlockSpec((ROWBLK, H), lambda i: (i, 0)),
            wspec, wspec, wspec, bspec, wspec, bspec, wspec, wspec,
            pl.BlockSpec((1, 2 * H), lambda i: (0, 0)),
        ],
        out_specs=[
            pl.BlockSpec((ROWBLK, H), lambda i: (i, 0)),
            pl.BlockSpec((ROWBLK, 2 * H), lambda i: (i, 0)),
        ],
        out_shape=[
            jax.ShapeDtypeStruct((2 * NB, H), jnp.float32),
            jax.ShapeDtypeStruct((2 * NB, 2 * H), jnp.float32),
        ],
    )(h, aggu, w2e, wh, wg, b1[None], w2, b2[None], wa, wb, pbias[None])



def _edge_u_body(as_ref, bs_ref, ad_ref, bd_ref, e_ref, u_ref):
    e = e_ref[...]
    x1 = as_ref[0] + bd_ref[0] + e
    x2 = ad_ref[0] + bs_ref[0] + e
    u_ref[0] = _silu(x1) - _silu(x2)


def _edge_u(a_s, b_s, a_d, b_d, espl):
    nblk = EF // ROWBLK
    espec = pl.BlockSpec((1, ROWBLK, H), lambda b, i: (b, i, 0))
    return pl.pallas_call(
        _edge_u_body,
        grid=(2, nblk),
        in_specs=[espec, espec, espec, espec,
                  pl.BlockSpec((ROWBLK, H), lambda b, i: (i, 0))],
        out_specs=pl.BlockSpec((1, ROWBLK, H), lambda b, i: (b, i, 0)),
        out_shape=jax.ShapeDtypeStruct((2, EF, H), jnp.float32),
    )(a_s, b_s, a_d, b_d, espl)


def kernel(nf, ef, ei, params):
    p = params
    B, N, _ = nf.shape

    se = ei[0, 0::2]
    de = ei[1, 0::2]
    do = ei[1, 1::2]
    ef_even = ef[0::2]
    ef_odd = ef[1::2]

    was = [lp["efn"]["w1"][:, :H] for lp in p["mp"]]
    wbs = [lp["efn"]["w1"][:, H:2 * H] for lp in p["mp"]]
    wes = jnp.stack([lp["efn"]["w1"][:, 2 * H:] for lp in p["mp"]])
    b1s = jnp.stack([lp["efn"]["b1"][None] for lp in p["mp"]])

    esp = _edge_encode(ef_even, ef_odd, p["ee"], wes, b1s)

    nfr = nf.reshape(B * N, 7)
    h, pt = _node_encode(nfr, p["ne"], was[0], wbs[0])

    zeros_pb = jnp.zeros((2 * H,), jnp.float32)
    dec_wa = jnp.zeros((H, H), jnp.float32).at[:3].set(p["dec"]["w"])
    dec_pb = jnp.zeros((2 * H,), jnp.float32).at[:3].set(p["dec"]["b"])
    zeros_w = jnp.zeros((H, H), jnp.float32)

    for l, lp in enumerate(p["mp"]):
        pt3 = pt.reshape(B, N, 2 * H)
        pa, pb = pt3[..., :H], pt3[..., H:]
        u = _edge_u(pa[:, se], pb[:, se], pa[:, de], pb[:, de], esp[l])
        aggu = (jnp.zeros((B, N, H), jnp.float32)
                .at[:, de].add(u).at[:, do].add(-u))
        wh = lp["nfn"]["w1"][:, :H]
        wg = lp["nfn"]["w1"][:, H:]
        if l < 3:
            wa, wb, pb = was[l + 1], wbs[l + 1], zeros_pb
        else:
            wa, wb, pb = dec_wa, zeros_w, dec_pb
        h, pt = _node_update(h, aggu.reshape(B * N, H), lp["efn"]["w2"],
                             wh, wg, lp["nfn"]["b1"], lp["nfn"]["w2"],
                             lp["nfn"]["b2"], wa, wb, pb)

    return pt[:, :3].reshape(B, N, 3)

# --- scband reference (transcript-rebuilt; emitter-appended) ---
"""Pipeline reference for scband-model-d-18528488915347 (READ-ONLY COPY).

The authoritative reference and input builder live on the scoring server;
editing this copy changes nothing except your own understanding.
"""

import jax, jax.numpy as jnp
import numpy as np

H = 64
B, N, E = 2, 10000, 160000

def _lin_params(key, fan_in, fan_out):
    k1, k2 = jax.random.split(key)
    s = 1.0 / np.sqrt(fan_in)
    w = jax.random.uniform(k1, (fan_out, fan_in), minval=-s, maxval=s, dtype=jnp.float32)
    b = jax.random.uniform(k2, (fan_out,), minval=-s, maxval=s, dtype=jnp.float32)
    return w, b

def _mlp_params(key, din, dh, dout):
    k1, k2 = jax.random.split(key)
    w1, b1 = _lin_params(k1, din, dh)
    w2, b2 = _lin_params(k2, dh, dout)
    return {"w1": w1, "b1": b1, "w2": w2, "b2": b2}

def _mlp(p, x):
    x = x @ p["w1"].T + p["b1"]
    x = jax.nn.silu(x)
    return x @ p["w2"].T + p["b2"]

def setup_inputs(seed: int = 0):
    key = jax.random.key(seed)
    ks = jax.random.split(key, 20)
    nf = jax.random.normal(ks[0], (B, N, 7), dtype=jnp.float32)
    ef = jax.random.normal(ks[1], (E, 4), dtype=jnp.float32)
    ei = jax.random.randint(ks[2], (2, E), 0, N, dtype=jnp.int32)
    params = {
        "ne": _mlp_params(ks[3], 7, H, H),
        "ee": _mlp_params(ks[4], 4, H, H),
        "mp": [
            {"efn": _mlp_params(ks[5 + 2 * l], 3 * H, H, H),
             "nfn": _mlp_params(ks[6 + 2 * l], 2 * H, H, H)}
            for l in range(4)
        ],
        "dec": dict(zip(("w", "b"), _lin_params(ks[13], H, 3))),
    }
    return {"nf": nf, "ef": ef, "ei": ei, "params": params}

def _forward(nf, ef, params, ei):
    Bx = nf.shape[0]
    Ex = ei.shape[1]
    h = _mlp(params["ne"], nf)
    e = jnp.broadcast_to(_mlp(params["ee"], ef)[None], (Bx, Ex, H))
    src, dst = ei[0], ei[1]
    fwd = jnp.arange(0, Ex, 2)
    for lp in params["mp"]:
        ha = h[:, src[fwd]]
        hb = h[:, dst[fwd]]
        es = (e[:, fwd] + e[:, fwd + 1]) / 2
        fab = _mlp(lp["efn"], jnp.concatenate([ha, hb, es], -1))
        fba = _mlp(lp["efn"], jnp.concatenate([hb, ha, es], -1))
        mf = fab - fba
        # interleave mf at even edge slots, -mf at odd slots (matches msgs[:, fwd]=mf; msgs[:, fwd+1]=-mf)
        msgs = jnp.stack([mf, -mf], axis=2).reshape(Bx, Ex, H)
        e = e + msgs
        agg = jnp.zeros_like(h).at[:, dst].add(msgs)
        h = h + _mlp(lp["nfn"], jnp.concatenate([h, agg], -1))
    return h @ params["dec"]["w"].T + params["dec"]["b"]

def reference(nf, ef, ei, params):
    return _forward(nf, ef, params, ei)

if __name__ == "__main__":
    import jax
    _d = setup_inputs()
    print(jax.jit(kernel)(*tuple(_d.values())))

</pallas_src>

<mosaic_0001>
module attributes {stable_mosaic.version = 14 : i64} {
  func.func @_node_encode_body(%arg0: i32, %arg1: memref<2000x7xf32, #tpu.memory_space<vmem>>, %arg2: memref<64x7xf32, #tpu.memory_space<vmem>>, %arg3: memref<1x64xf32, #tpu.memory_space<vmem>>, %arg4: memref<64x64xf32, #tpu.memory_space<vmem>>, %arg5: memref<1x64xf32, #tpu.memory_space<vmem>>, %arg6: memref<64x64xf32, #tpu.memory_space<vmem>>, %arg7: memref<64x64xf32, #tpu.memory_space<vmem>>, %arg8: memref<2000x64xf32, #tpu.memory_space<vmem>>, %arg9: memref<2000x128xf32, #tpu.memory_space<vmem>>) attributes {dimension_semantics = [#tpu.dimension_semantics<arbitrary>], iteration_bounds = array<i64: 10>, scalar_prefetch = 0 : i64, scratch_operands = 0 : i64, tpu.core_type = #tpu.core_type<tc>, window_params = [{transform_indices = @transform_0, window_bounds = array<i64: 2000, 7>}, {pipeline_mode = #tpu.pipeline_mode<synchronous>, transform_indices = @transform_1, window_bounds = array<i64: 64, 7>}, {pipeline_mode = #tpu.pipeline_mode<synchronous>, transform_indices = @transform_2, window_bounds = array<i64: 1, 64>}, {pipeline_mode = #tpu.pipeline_mode<synchronous>, transform_indices = @transform_3, window_bounds = array<i64: 64, 64>}, {pipeline_mode = #tpu.pipeline_mode<synchronous>, transform_indices = @transform_4, window_bounds = array<i64: 1, 64>}, {pipeline_mode = #tpu.pipeline_mode<synchronous>, transform_indices = @transform_5, window_bounds = array<i64: 64, 64>}, {pipeline_mode = #tpu.pipeline_mode<synchronous>, transform_indices = @transform_6, window_bounds = array<i64: 64, 64>}, {transform_indices = @transform_7, window_bounds = array<i64: 2000, 64>}, {transform_indices = @transform_8, window_bounds = array<i64: 2000, 128>}]} {
    %get3A = arith.constant 0 : index
    %get3A_0 = arith.constant 0 : index
    %get3A_1 = vector.load %arg1[%get3A, %get3A_0] : memref<2000x7xf32, #tpu.memory_space<vmem>>, vector<2000x7xf32>
    %get3A_2 = arith.constant 0 : index
    %get3A_3 = arith.constant 0 : index
    %get3A_4 = vector.load %arg2[%get3A_2, %get3A_3] : memref<64x7xf32, #tpu.memory_space<vmem>>, vector<64x7xf32>
    %transpose3A = tpu.transpose %get3A_4, [1, 0] : vector<64x7xf32> -> vector<7x64xf32>
    %dot_general3A = arith.constant dense<0.000000e+00> : vector<2000x64xf32>
    %dot_general3A_5 = tpu.matmul %get3A_1, %transpose3A, %dot_general3A {dimension_numbers = #tpu.dot_dimension_numbers<[1], [0], [0], [1], [0, 0, 1, 1], [], []>, transpose_lhs_hint = false} : vector<2000x7xf32>, vector<7x64xf32>, vector<2000x64xf32> -> vector<2000x64xf32>
    %get3A_6 = arith.constant 0 : index
    %get3A_7 = arith.constant 0 : index
    %get3A_8 = vector.load %arg3[%get3A_6, %get3A_7] : memref<1x64xf32, #tpu.memory_space<vmem>>, vector<1x64xf32>
    %add3A = vector.broadcast %get3A_8 : vector<1x64xf32> to vector<2000x64xf32>
    %add3A_9 = arith.addf %dot_general3A_5, %add3A : vector<2000x64xf32>
    %neg3A = arith.constant 0.000000e+00 : f32
    %neg3A_10 = vector.broadcast %neg3A : f32 to vector<2000x64xf32>
    %neg3A_11 = arith.subf %neg3A_10, %add3A_9 : vector<2000x64xf32>
    %exp3A = math.exp %neg3A_11 : vector<2000x64xf32>
    %add3A_12 = arith.constant 1.000000e+00 : f32
    %add3A_13 = vector.broadcast %add3A_12 : f32 to vector<2000x64xf32>
    %add3A_14 = arith.addf %add3A_13, %exp3A : vector<2000x64xf32>
    %div3A = arith.divf %add3A_9, %add3A_14 : vector<2000x64xf32>
    %get3A_15 = arith.constant 0 : index
    %get3A_16 = arith.constant 0 : index
    %get3A_17 = vector.load %arg4[%get3A_15, %get3A_16] : memref<64x64xf32, #tpu.memory_space<vmem>>, vector<64x64xf32>
    %transpose3A_18 = tpu.transpose %get3A_17, [1, 0] : vector<64x64xf32> -> vector<64x64xf32>
    %dot_general3A_19 = arith.constant dense<0.000000e+00> : vector<2000x64xf32>
    %dot_general3A_20 = tpu.matmul %div3A, %transpose3A_18, %dot_general3A_19 {dimension_numbers = #tpu.dot_dimension_numbers<[1], [0], [0], [1], [0, 0, 1, 1], [], []>, transpose_lhs_hint = false} : vector<2000x64xf32>, vector<64x64xf32>, vector<2000x64xf32> -> vector<2000x64xf32>
    %get3A_21 = arith.constant 0 : index
    %get3A_22 = arith.constant 0 : index
    %get3A_23 = vector.load %arg5[%get3A_21, %get3A_22] : memref<1x64xf32, #tpu.memory_space<vmem>>, vector<1x64xf32>
    %add3A_24 = vector.broadcast %get3A_23 : vector<1x64xf32> to vector<2000x64xf32>
    %add3A_25 = arith.addf %dot_general3A_20, %add3A_24 : vector<2000x64xf32>
    %swap3A = arith.constant 0 : index
    %swap3A_26 = arith.constant 0 : index
    %swap3A_27 = vector.load %arg8[%swap3A, %swap3A_26] : memref<2000x64xf32, #tpu.memory_space<vmem>>, vector<2000x64xf32>
    tpu.vector_store %arg8[%swap3A, %swap3A_26], %add3A_25 {strides = array<i32>} : memref<2000x64xf32, #tpu.memory_space<vmem>>, vector<2000x64xf32>,
    %get3A_28 = arith.constant 0 : index
    %get3A_29 = arith.constant 0 : index
    %get3A_30 = vector.load %arg6[%get3A_28, %get3A_29] : memref<64x64xf32, #tpu.memory_space<vmem>>, vector<64x64xf32>
    %transpose3A_31 = tpu.transpose %get3A_30, [1, 0] : vector<64x64xf32> -> vector<64x64xf32>
    %dot_general3A_32 = arith.constant dense<0.000000e+00> : vector<2000x64xf32>
    %dot_general3A_33 = tpu.matmul %add3A_25, %transpose3A_31, %dot_general3A_32 {dimension_numbers = #tpu.dot_dimension_numbers<[1], [0], [0], [1], [0, 0, 1, 1], [], []>, transpose_lhs_hint = false} : vector<2000x64xf32>, vector<64x64xf32>, vector<2000x64xf32> -> vector<2000x64xf32>
    %get3A_34 = arith.constant 0 : index
    %get3A_35 = arith.constant 0 : index
    %get3A_36 = vector.load %arg7[%get3A_34, %get3A_35] : memref<64x64xf32, #tpu.memory_space<vmem>>, vector<64x64xf32>
    %transpose3A_37 = tpu.transpose %get3A_36, [1, 0] : vector<64x64xf32> -> vector<64x64xf32>
    %dot_general3A_38 = arith.constant dense<0.000000e+00> : vector<2000x64xf32>
    %dot_general3A_39 = tpu.matmul %add3A_25, %transpose3A_37, %dot_general3A_38 {dimension_numbers = #tpu.dot_dimension_numbers<[1], [0], [0], [1], [0, 0, 1, 1], [], []>, transpose_lhs_hint = false} : vector<2000x64xf32>, vector<64x64xf32>, vector<2000x64xf32> -> vector<2000x64xf32>
    %concatenate3A = tpu.concatenate %dot_general3A_33, %dot_general3A_39 in 1 : vector<2000x64xf32>, vector<2000x64xf32> -> vector<2000x128xf32>
    %swap3A_40 = arith.constant 0 : index
    %swap3A_41 = arith.constant 0 : index
    %swap3A_42 = vector.load %arg9[%swap3A_40, %swap3A_41] : memref<2000x128xf32, #tpu.memory_space<vmem>>, vector<2000x128xf32>
    tpu.vector_store %arg9[%swap3A_40, %swap3A_41], %concatenate3A {strides = array<i32>} : memref<2000x128xf32, #tpu.memory_space<vmem>>, vector<2000x128xf32>,
    return
  }
  func.func @transform_0(%arg0: i32) -> (i32, i32) {
    %c0_i32 = arith.constant 0 : i32
    %c0_i32_0 = arith.constant 0 : i32
    return %arg0, %c0_i32 : i32, i32
  }
  func.func @transform_1(%arg0: i32) -> (i32, i32) {
    %c0_i32 = arith.constant 0 : i32
    %c0_i32_0 = arith.constant 0 : i32
    %c0_i32_1 = arith.constant 0 : i32
    return %c0_i32, %c0_i32_0 : i32, i32
  }
  func.func @transform_2(%arg0: i32) -> (i32, i32) {
    %c0_i32 = arith.constant 0 : i32
    %c0_i32_0 = arith.constant 0 : i32
    %c0_i32_1 = arith.constant 0 : i32
    return %c0_i32, %c0_i32_0 : i32, i32
  }
  func.func @transform_3(%arg0: i32) -> (i32, i32) {
    %c0_i32 = arith.constant 0 : i32
    %c0_i32_0 = arith.constant 0 : i32
    %c0_i32_1 = arith.constant 0 : i32
    return %c0_i32, %c0_i32_0 : i32, i32
  }
  func.func @transform_4(%arg0: i32) -> (i32, i32) {
    %c0_i32 = arith.constant 0 : i32
    %c0_i32_0 = arith.constant 0 : i32
    %c0_i32_1 = arith.constant 0 : i32
    return %c0_i32, %c0_i32_0 : i32, i32
  }
  func.func @transform_5(%arg0: i32) -> (i32, i32) {
    %c0_i32 = arith.constant 0 : i32
    %c0_i32_0 = arith.constant 0 : i32
    %c0_i32_1 = arith.constant 0 : i32
    return %c0_i32, %c0_i32_0 : i32, i32
  }
  func.func @transform_6(%arg0: i32) -> (i32, i32) {
    %c0_i32 = arith.constant 0 : i32
    %c0_i32_0 = arith.constant 0 : i32
    %c0_i32_1 = arith.constant 0 : i32
    return %c0_i32, %c0_i32_0 : i32, i32
  }
  func.func @transform_7(%arg0: i32) -> (i32, i32) {
    %c0_i32 = arith.constant 0 : i32
    %c0_i32_0 = arith.constant 0 : i32
    return %arg0, %c0_i32 : i32, i32
  }
  func.func @transform_8(%arg0: i32) -> (i32, i32) {
    %c0_i32 = arith.constant 0 : i32
    %c0_i32_0 = arith.constant 0 : i32
    return %arg0, %c0_i32 : i32, i32
  }
}

module attributes {stable_mosaic.version = 14 : i64} {
  func.func @_edge_encode_body(%arg0: i32, %arg1: memref<2000x4xf32, #tpu.memory_space<vmem>>, %arg2: memref<2000x4xf32, #tpu.memory_space<vmem>>, %arg3: memref<64x4xf32, #tpu.memory_space<vmem>>, %arg4: memref<1x64xf32, #tpu.memory_space<vmem>>, %arg5: memref<64x64xf32, #tpu.memory_space<vmem>>, %arg6: memref<1x64xf32, #tpu.memory_space<vmem>>, %arg7: memref<4x64x64xf32, #tpu.memory_space<vmem>>, %arg8: memref<4x1x64xf32, #tpu.memory_space<vmem>>, %arg9: memref<4x2000x64xf32, #tpu.memory_space<vmem>>) attributes {dimension_semantics = [#tpu.dimension_semantics<arbitrary>], iteration_bounds = array<i64: 40>, scalar_prefetch = 0 : i64, scratch_operands = 0 : i64, tpu.core_type = #tpu.core_type<tc>, window_params = [{transform_indices = @transform_0, window_bounds = array<i64: 2000, 4>}, {transform_indices = @transform_1, window_bounds = array<i64: 2000, 4>}, {pipeline_mode = #tpu.pipeline_mode<synchronous>, transform_indices = @transform_2, window_bounds = array<i64: 64, 4>}, {pipeline_mode = #tpu.pipeline_mode<synchronous>, transform_indices = @transform_3, window_bounds = array<i64: 1, 64>}, {pipeline_mode = #tpu.pipeline_mode<synchronous>, transform_indices = @transform_4, window_bounds = array<i64: 64, 64>}, {pipeline_mode = #tpu.pipeline_mode<synchronous>, transform_indices = @transform_5, window_bounds = array<i64: 1, 64>}, {pipeline_mode = #tpu.pipeline_mode<synchronous>, transform_indices = @transform_6, window_bounds = array<i64: 4, 64, 64>}, {pipeline_mode = #tpu.pipeline_mode<synchronous>, transform_indices = @transform_7, window_bounds = array<i64: 4, 1, 64>}, {transform_indices = @transform_8, window_bounds = array<i64: 4, 2000, 64>}]} {
    %get3A = arith.constant 0 : index
    %get3A_0 = arith.constant 0 : index
    %get3A_1 = vector.load %arg3[%get3A, %get3A_0] : memref<64x4xf32, #tpu.memory_space<vmem>>, vector<64x4xf32>
    %transpose3A = tpu.transpose %get3A_1, [1, 0] : vector<64x4xf32> -> vector<4x64xf32>
    %get3A_2 = arith.constant 0 : index
    %get3A_3 = arith.constant 0 : index
    %get3A_4 = vector.load %arg5[%get3A_2, %get3A_3] : memref<64x64xf32, #tpu.memory_space<vmem>>, vector<64x64xf32>
    %transpose3A_5 = tpu.transpose %get3A_4, [1, 0] : vector<64x64xf32> -> vector<64x64xf32>
    %get3A_6 = arith.constant 0 : index
    %get3A_7 = arith.constant 0 : index
    %get3A_8 = vector.load %arg1[%get3A_6, %get3A_7] : memref<2000x4xf32, #tpu.memory_space<vmem>>, vector<2000x4xf32>
    %dot_general3A = arith.constant dense<0.000000e+00> : vector<2000x64xf32>
    %dot_general3A_9 = tpu.matmul %get3A_8, %transpose3A, %dot_general3A {dimension_numbers = #tpu.dot_dimension_numbers<[1], [0], [0], [1], [0, 0, 1, 1], [], []>, transpose_lhs_hint = false} : vector<2000x4xf32>, vector<4x64xf32>, vector<2000x64xf32> -> vector<2000x64xf32>
    %get3A_10 = arith.constant 0 : index
    %get3A_11 = arith.constant 0 : index
    %get3A_12 = vector.load %arg4[%get3A_10, %get3A_11] : memref<1x64xf32, #tpu.memory_space<vmem>>, vector<1x64xf32>
    %add3A = vector.broadcast %get3A_12 : vector<1x64xf32> to vector<2000x64xf32>
    %add3A_13 = arith.addf %dot_general3A_9, %add3A : vector<2000x64xf32>
    %neg3A = arith.constant 0.000000e+00 : f32
    %neg3A_14 = vector.broadcast %neg3A : f32 to vector<2000x64xf32>
    %neg3A_15 = arith.subf %neg3A_14, %add3A_13 : vector<2000x64xf32>
    %exp3A = math.exp %neg3A_15 : vector<2000x64xf32>
    %add3A_16 = arith.constant 1.000000e+00 : f32
    %add3A_17 = vector.broadcast %add3A_16 : f32 to vector<2000x64xf32>
    %add3A_18 = arith.addf %add3A_17, %exp3A : vector<2000x64xf32>
    %div3A = arith.divf %add3A_13, %add3A_18 : vector<2000x64xf32>
    %dot_general3A_19 = arith.constant dense<0.000000e+00> : vector<2000x64xf32>
    %dot_general3A_20 = tpu.matmul %div3A, %transpose3A_5, %dot_general3A_19 {dimension_numbers = #tpu.dot_dimension_numbers<[1], [0], [0], [1], [0, 0, 1, 1], [], []>, transpose_lhs_hint = false} : vector<2000x64xf32>, vector<64x64xf32>, vector<2000x64xf32> -> vector<2000x64xf32>
    %get3A_21 = arith.constant 0 : index
    %get3A_22 = arith.constant 0 : index
    %get3A_23 = vector.load %arg6[%get3A_21, %get3A_22] : memref<1x64xf32, #tpu.memory_space<vmem>>, vector<1x64xf32>
    %add3A_24 = vector.broadcast %get3A_23 : vector<1x64xf32> to vector<2000x64xf32>
    %add3A_25 = arith.addf %dot_general3A_20, %add3A_24 : vector<2000x64xf32>
    %get3A_26 = arith.constant 0 : index
    %get3A_27 = arith.constant 0 : index
    %get3A_28 = vector.load %arg2[%get3A_26, %get3A_27] : memref<2000x4xf32, #tpu.memory_space<vmem>>, vector<2000x4xf32>
    %dot_general3A_29 = arith.constant dense<0.000000e+00> : vector<2000x64xf32>
    %dot_general3A_30 = tpu.matmul %get3A_28, %transpose3A, %dot_general3A_29 {dimension_numbers = #tpu.dot_dimension_numbers<[1], [0], [0], [1], [0, 0, 1, 1], [], []>, transpose_lhs_hint = false} : vector<2000x4xf32>, vector<4x64xf32>, vector<2000x64xf32> -> vector<2000x64xf32>
    %get3A_31 = arith.constant 0 : index
    %get3A_32 = arith.constant 0 : index
    %get3A_33 = vector.load %arg4[%get3A_31, %get3A_32] : memref<1x64xf32, #tpu.memory_space<vmem>>, vector<1x64xf32>
    %add3A_34 = vector.broadcast %get3A_33 : vector<1x64xf32> to vector<2000x64xf32>
    %add3A_35 = arith.addf %dot_general3A_30, %add3A_34 : vector<2000x64xf32>
    %neg3A_36 = arith.constant 0.000000e+00 : f32
    %neg3A_37 = vector.broadcast %neg3A_36 : f32 to vector<2000x64xf32>
    %neg3A_38 = arith.subf %neg3A_37, %add3A_35 : vector<2000x64xf32>
    %exp3A_39 = math.exp %neg3A_38 : vector<2000x64xf32>
    %add3A_40 = arith.constant 1.000000e+00 : f32
    %add3A_41 = vector.broadcast %add3A_40 : f32 to vector<2000x64xf32>
    %add3A_42 = arith.addf %add3A_41, %exp3A_39 : vector<2000x64xf32>
    %div3A_43 = arith.divf %add3A_35, %add3A_42 : vector<2000x64xf32>
    %dot_general3A_44 = arith.constant dense<0.000000e+00> : vector<2000x64xf32>
    %dot_general3A_45 = tpu.matmul %div3A_43, %transpose3A_5, %dot_general3A_44 {dimension_numbers = #tpu.dot_dimension_numbers<[1], [0], [0], [1], [0, 0, 1, 1], [], []>, transpose_lhs_hint = false} : vector<2000x64xf32>, vector<64x64xf32>, vector<2000x64xf32> -> vector<2000x64xf32>
    %get3A_46 = arith.constant 0 : index
    %get3A_47 = arith.constant 0 : index
    %get3A_48 = vector.load %arg6[%get3A_46, %get3A_47] : memref<1x64xf32, #tpu.memory_space<vmem>>, vector<1x64xf32>
    %add3A_49 = vector.broadcast %get3A_48 : vector<1x64xf32> to vector<2000x64xf32>
    %add3A_50 = arith.addf %dot_general3A_45, %add3A_49 : vector<2000x64xf32>
    %add3A_51 = arith.addf %add3A_25, %add3A_50 : vector<2000x64xf32>
    %mul3A = arith.constant 5.000000e-01 : f32
    %mul3A_52 = vector.broadcast %mul3A : f32 to vector<2000x64xf32>
    %mul3A_53 = arith.mulf %add3A_51, %mul3A_52 : vector<2000x64xf32>
    %get3A_54 = arith.constant 0 : index
    %get3A_55 = arith.constant 0 : index
    %get3A_56 = arith.constant 0 : index
    %get3A_57 = vector.load %arg7[%get3A_54, %get3A_55, %get3A_56] : memref<4x64x64xf32, #tpu.memory_space<vmem>>, vector<1x64x64xf32>
    %get3A_58 = vector.shape_cast %get3A_57 : vector<1x64x64xf32> to vector<64x64xf32>
    %transpose3A_59 = tpu.transpose %get3A_58, [1, 0] : vector<64x64xf32> -> vector<64x64xf32>
    %dot_general3A_60 = arith.constant dense<0.000000e+00> : vector<2000x64xf32>
    %dot_general3A_61 = tpu.matmul %mul3A_53, %transpose3A_59, %dot_general3A_60 {dimension_numbers = #tpu.dot_dimension_numbers<[1], [0], [0], [1], [0, 0, 1, 1], [], []>, transpose_lhs_hint = false} : vector<2000x64xf32>, vector<64x64xf32>, vector<2000x64xf32> -> vector<2000x64xf32>
    %get3A_62 = arith.constant 0 : index
    %get3A_63 = arith.constant 0 : index
    %get3A_64 = arith.constant 0 : index
    %get3A_65 = vector.load %arg8[%get3A_62, %get3A_63, %get3A_64] : memref<4x1x64xf32, #tpu.memory_space<vmem>>, vector<1x1x64xf32>
    %get3A_66 = vector.shape_cast %get3A_65 : vector<1x1x64xf32> to vector<1x64xf32>
    %add3A_67 = vector.broadcast %get3A_66 : vector<1x64xf32> to vector<2000x64xf32>
    %add3A_68 = arith.addf %dot_general3A_61, %add3A_67 : vector<2000x64xf32>
    %swap3A = arith.constant 0 : index
    %swap3A_69 = arith.constant 0 : index
    %swap3A_70 = arith.constant 0 : index
    %swap3A_71 = vector.load %arg9[%swap3A, %swap3A_69, %swap3A_70] : memref<4x2000x64xf32, #tpu.memory_space<vmem>>, vector<1x2000x64xf32>
    %swap3A_72 = vector.shape_cast %swap3A_71 : vector<1x2000x64xf32> to vector<2000x64xf32>
    %swap3A_73 = vector.shape_cast %add3A_68 : vector<2000x64xf32> to vector<1x2000x64xf32>
    tpu.vector_store %arg9[%swap3A, %swap3A_69, %swap3A_70], %swap3A_73 {strides = array<i32>} : memref<4x2000x64xf32, #tpu.memory_space<vmem>>, vector<1x2000x64xf32>,
    %get3A_74 = arith.constant 1 : index
    %get3A_75 = arith.constant 0 : index
    %get3A_76 = arith.constant 0 : index
    %get3A_77 = vector.load %arg7[%get3A_74, %get3A_75, %get3A_76] : memref<4x64x64xf32, #tpu.memory_space<vmem>>, vector<1x64x64xf32>
    %get3A_78 = vector.shape_cast %get3A_77 : vector<1x64x64xf32> to vector<64x64xf32>
    %transpose3A_79 = tpu.transpose %get3A_78, [1, 0] : vector<64x64xf32> -> vector<64x64xf32>
    %dot_general3A_80 = arith.constant dense<0.000000e+00> : vector<2000x64xf32>
    %dot_general3A_81 = tpu.matmul %mul3A_53, %transpose3A_79, %dot_general3A_80 {dimension_numbers = #tpu.dot_dimension_numbers<[1], [0], [0], [1], [0, 0, 1, 1], [], []>, transpose_lhs_hint = false} : vector<2000x64xf32>, vector<64x64xf32>, vector<2000x64xf32> -> vector<2000x64xf32>
    %get3A_82 = arith.constant 1 : index
    %get3A_83 = arith.constant 0 : index
    %get3A_84 = arith.constant 0 : index
    %get3A_85 = vector.load %arg8[%get3A_82, %get3A_83, %get3A_84] : memref<4x1x64xf32, #tpu.memory_space<vmem>>, vector<1x1x64xf32>
    %get3A_86 = vector.shape_cast %get3A_85 : vector<1x1x64xf32> to vector<1x64xf32>
    %add3A_87 = vector.broadcast %get3A_86 : vector<1x64xf32> to vector<2000x64xf32>
    %add3A_88 = arith.addf %dot_general3A_81, %add3A_87 : vector<2000x64xf32>
    %swap3A_89 = arith.constant 1 : index
    %swap3A_90 = arith.constant 0 : index
    %swap3A_91 = arith.constant 0 : index
    %swap3A_92 = vector.load %arg9[%swap3A_89, %swap3A_90, %swap3A_91] : memref<4x2000x64xf32, #tpu.memory_space<vmem>>, vector<1x2000x64xf32>
    %swap3A_93 = vector.shape_cast %swap3A_92 : vector<1x2000x64xf32> to vector<2000x64xf32>
    %swap3A_94 = vector.shape_cast %add3A_88 : vector<2000x64xf32> to vector<1x2000x64xf32>
    tpu.vector_store %arg9[%swap3A_89, %swap3A_90, %swap3A_91], %swap3A_94 {strides = array<i32>} : memref<4x2000x64xf32, #tpu.memory_space<vmem>>, vector<1x2000x64xf32>,
    %get3A_95 = arith.constant 2 : index
    %get3A_96 = arith.constant 0 : index
    %get3A_97 = arith.constant 0 : index
    %get3A_98 = vector.load %arg7[%get3A_95, %get3A_96, %get3A_97] : memref<4x64x64xf32, #tpu.memory_space<vmem>>, vector<1x64x64xf32>
    %get3A_99 = vector.shape_cast %get3A_98 : vector<1x64x64xf32> to vector<64x64xf32>
    %transpose3A_100 = tpu.transpose %get3A_99, [1, 0] : vector<64x64xf32> -> vector<64x64xf32>
    %dot_general3A_101 = arith.constant dense<0.000000e+00> : vector<2000x64xf32>
    %dot_general3A_102 = tpu.matmul %mul3A_53, %transpose3A_100, %dot_general3A_101 {dimension_numbers = #tpu.dot_dimension_numbers<[1], [0], [0], [1], [0, 0, 1, 1], [], []>, transpose_lhs_hint = false} : vector<2000x64xf32>, vector<64x64xf32>, vector<2000x64xf32> -> vector<2000x64xf32>
    %get3A_103 = arith.constant 2 : index
    %get3A_104 = arith.constant 0 : index
    %get3A_105 = arith.constant 0 : index
    %get3A_106 = vector.load %arg8[%get3A_103, %get3A_104, %get3A_105] : memref<4x1x64xf32, #tpu.memory_space<vmem>>, vector<1x1x64xf32>
    %get3A_107 = vector.shape_cast %get3A_106 : vector<1x1x64xf32> to vector<1x64xf32>
    %add3A_108 = vector.broadcast %get3A_107 : vector<1x64xf32> to vector<2000x64xf32>
    %add3A_109 = arith.addf %dot_general3A_102, %add3A_108 : vector<2000x64xf32>
    %swap3A_110 = arith.constant 2 : index
    %swap3A_111 = arith.constant 0 : index
    %swap3A_112 = arith.constant 0 : index
    %swap3A_113 = vector.load %arg9[%swap3A_110, %swap3A_111, %swap3A_112] : memref<4x2000x64xf32, #tpu.memory_space<vmem>>, vector<1x2000x64xf32>
    %swap3A_114 = vector.shape_cast %swap3A_113 : vector<1x2000x64xf32> to vector<2000x64xf32>
    %swap3A_115 = vector.shape_cast %add3A_109 : vector<2000x64xf32> to vector<1x2000x64xf32>
    tpu.vector_store %arg9[%swap3A_110, %swap3A_111, %swap3A_112], %swap3A_115 {strides = array<i32>} : memref<4x2000x64xf32, #tpu.memory_space<vmem>>, vector<1x2000x64xf32>,
    %get3A_116 = arith.constant 3 : index
    %get3A_117 = arith.constant 0 : index
    %get3A_118 = arith.constant 0 : index
    %get3A_119 = vector.load %arg7[%get3A_116, %get3A_117, %get3A_118] : memref<4x64x64xf32, #tpu.memory_space<vmem>>, vector<1x64x64xf32>
    %get3A_120 = vector.shape_cast %get3A_119 : vector<1x64x64xf32> to vector<64x64xf32>
    %transpose3A_121 = tpu.transpose %get3A_120, [1, 0] : vector<64x64xf32> -> vector<64x64xf32>
    %dot_general3A_122 = arith.constant dense<0.000000e+00> : vector<2000x64xf32>
    %dot_general3A_123 = tpu.matmul %mul3A_53, %transpose3A_121, %dot_general3A_122 {dimension_numbers = #tpu.dot_dimension_numbers<[1], [0], [0], [1], [0, 0, 1, 1], [], []>, transpose_lhs_hint = false} : vector<2000x64xf32>, vector<64x64xf32>, vector<2000x64xf32> -> vector<2000x64xf32>
    %get3A_124 = arith.constant 3 : index
    %get3A_125 = arith.constant 0 : index
    %get3A_126 = arith.constant 0 : index
    %get3A_127 = vector.load %arg8[%get3A_124, %get3A_125, %get3A_126] : memref<4x1x64xf32, #tpu.memory_space<vmem>>, vector<1x1x64xf32>
    %get3A_128 = vector.shape_cast %get3A_127 : vector<1x1x64xf32> to vector<1x64xf32>
    %add3A_129 = vector.broadcast %get3A_128 : vector<1x64xf32> to vector<2000x64xf32>
    %add3A_130 = arith.addf %dot_general3A_123, %add3A_129 : vector<2000x64xf32>
    %swap3A_131 = arith.constant 3 : index
    %swap3A_132 = arith.constant 0 : index
    %swap3A_133 = arith.constant 0 : index
    %swap3A_134 = vector.load %arg9[%swap3A_131, %swap3A_132, %swap3A_133] : memref<4x2000x64xf32, #tpu.memory_space<vmem>>, vector<1x2000x64xf32>
    %swap3A_135 = vector.shape_cast %swap3A_134 : vector<1x2000x64xf32> to vector<2000x64xf32>
    %swap3A_136 = vector.shape_cast %add3A_130 : vector<2000x64xf32> to vector<1x2000x64xf32>
    tpu.vector_store %arg9[%swap3A_131, %swap3A_132, %swap3A_133], %swap3A_136 {strides = array<i32>} : memref<4x2000x64xf32, #tpu.memory_space<vmem>>, vector<1x2000x64xf32>,
    return
  }
  func.func @transform_0(%arg0: i32) -> (i32, i32) {
    %c0_i32 = arith.constant 0 : i32
    %c0_i32_0 = arith.constant 0 : i32
    return %arg0, %c0_i32 : i32, i32
  }
  func.func @transform_1(%arg0: i32) -> (i32, i32) {
    %c0_i32 = arith.constant 0 : i32
    %c0_i32_0 = arith.constant 0 : i32
    return %arg0, %c0_i32 : i32, i32
  }
  func.func @transform_2(%arg0: i32) -> (i32, i32) {
    %c0_i32 = arith.constant 0 : i32
    %c0_i32_0 = arith.constant 0 : i32
    %c0_i32_1 = arith.constant 0 : i32
    return %c0_i32, %c0_i32_0 : i32, i32
  }
  func.func @transform_3(%arg0: i32) -> (i32, i32) {
    %c0_i32 = arith.constant 0 : i32
    %c0_i32_0 = arith.constant 0 : i32
    %c0_i32_1 = arith.constant 0 : i32
    return %c0_i32, %c0_i32_0 : i32, i32
  }
  func.func @transform_4(%arg0: i32) -> (i32, i32) {
    %c0_i32 = arith.constant 0 : i32
    %c0_i32_0 = arith.constant 0 : i32
    %c0_i32_1 = arith.constant 0 : i32
    return %c0_i32, %c0_i32_0 : i32, i32
  }
  func.func @transform_5(%arg0: i32) -> (i32, i32) {
    %c0_i32 = arith.constant 0 : i32
    %c0_i32_0 = arith.constant 0 : i32
    %c0_i32_1 = arith.constant 0 : i32
    return %c0_i32, %c0_i32_0 : i32, i32
  }
  func.func @transform_6(%arg0: i32) -> (i32, i32, i32) {
    %c0_i32 = arith.constant 0 : i32
    %c0_i32_0 = arith.constant 0 : i32
    %c0_i32_1 = arith.constant 0 : i32
    %c0_i32_2 = arith.constant 0 : i32
    return %c0_i32, %c0_i32_0, %c0_i32_1 : i32, i32, i32
  }
  func.func @transform_7(%arg0: i32) -> (i32, i32, i32) {
    %c0_i32 = arith.constant 0 : i32
    %c0_i32_0 = arith.constant 0 : i32
    %c0_i32_1 = arith.constant 0 : i32
    %c0_i32_2 = arith.constant 0 : i32
    return %c0_i32, %c0_i32_0, %c0_i32_1 : i32, i32, i32
  }
  func.func @transform_8(%arg0: i32) -> (i32, i32, i32) {
    %c0_i32 = arith.constant 0 : i32
    %c0_i32_0 = arith.constant 0 : i32
    %c0_i32_1 = arith.constant 0 : i32
    return %c0_i32, %arg0, %c0_i32_0 : i32, i32, i32
  }
}

module attributes {stable_mosaic.version = 14 : i64} {
  func.func @_edge_u_body(%arg0: i32, %arg1: i32, %arg2: memref<1x2000x64xf32, #tpu.memory_space<vmem>>, %arg3: memref<1x2000x64xf32, #tpu.memory_space<vmem>>, %arg4: memref<1x2000x64xf32, #tpu.memory_space<vmem>>, %arg5: memref<1x2000x64xf32, #tpu.memory_space<vmem>>, %arg6: memref<2000x64xf32, #tpu.memory_space<vmem>>, %arg7: memref<1x2000x64xf32, #tpu.memory_space<vmem>>) attributes {dimension_semantics = [#tpu.dimension_semantics<arbitrary>, #tpu.dimension_semantics<arbitrary>], iteration_bounds = array<i64: 2, 40>, scalar_prefetch = 0 : i64, scratch_operands = 0 : i64, tpu.core_type = #tpu.core_type<tc>, window_params = [{transform_indices = @transform_0, window_bounds = array<i64: 1, 2000, 64>}, {transform_indices = @transform_1, window_bounds = array<i64: 1, 2000, 64>}, {transform_indices = @transform_2, window_bounds = array<i64: 1, 2000, 64>}, {transform_indices = @transform_3, window_bounds = array<i64: 1, 2000, 64>}, {transform_indices = @transform_4, window_bounds = array<i64: 2000, 64>}, {transform_indices = @transform_5, window_bounds = array<i64: 1, 2000, 64>}]} {
    %get3A = arith.constant 0 : index
    %get3A_0 = arith.constant 0 : index
    %get3A_1 = vector.load %arg6[%get3A, %get3A_0] : memref<2000x64xf32, #tpu.memory_space<vmem>>, vector<2000x64xf32>
    %get3A_2 = arith.constant 0 : index
    %get3A_3 = arith.constant 0 : index
    %get3A_4 = arith.constant 0 : index
    %get3A_5 = vector.load %arg2[%get3A_2, %get3A_3, %get3A_4] : memref<1x2000x64xf32, #tpu.memory_space<vmem>>, vector<1x2000x64xf32>
    %get3A_6 = vector.shape_cast %get3A_5 : vector<1x2000x64xf32> to vector<2000x64xf32>
    %get3A_7 = arith.constant 0 : index
    %get3A_8 = arith.constant 0 : index
    %get3A_9 = arith.constant 0 : index
    %get3A_10 = vector.load %arg5[%get3A_7, %get3A_8, %get3A_9] : memref<1x2000x64xf32, #tpu.memory_space<vmem>>, vector<1x2000x64xf32>
    %get3A_11 = vector.shape_cast %get3A_10 : vector<1x2000x64xf32> to vector<2000x64xf32>
    %add3A = arith.addf %get3A_6, %get3A_11 : vector<2000x64xf32>
    %add3A_12 = arith.addf %add3A, %get3A_1 : vector<2000x64xf32>
    %get3A_13 = arith.constant 0 : index
    %get3A_14 = arith.constant 0 : index
    %get3A_15 = arith.constant 0 : index
    %get3A_16 = vector.load %arg4[%get3A_13, %get3A_14, %get3A_15] : memref<1x2000x64xf32, #tpu.memory_space<vmem>>, vector<1x2000x64xf32>
    %get3A_17 = vector.shape_cast %get3A_16 : vector<1x2000x64xf32> to vector<2000x64xf32>
    %get3A_18 = arith.constant 0 : index
    %get3A_19 = arith.constant 0 : index
    %get3A_20 = arith.constant 0 : index
    %get3A_21 = vector.load %arg3[%get3A_18, %get3A_19, %get3A_20] : memref<1x2000x64xf32, #tpu.memory_space<vmem>>, vector<1x2000x64xf32>
    %get3A_22 = vector.shape_cast %get3A_21 : vector<1x2000x64xf32> to vector<2000x64xf32>
    %add3A_23 = arith.addf %get3A_17, %get3A_22 : vector<2000x64xf32>
    %add3A_24 = arith.addf %add3A_23, %get3A_1 : vector<2000x64xf32>
    %neg3A = arith.constant 0.000000e+00 : f32
    %neg3A_25 = vector.broadcast %neg3A : f32 to vector<2000x64xf32>
    %neg3A_26 = arith.subf %neg3A_25, %add3A_12 : vector<2000x64xf32>
    %exp3A = math.exp %neg3A_26 : vector<2000x64xf32>
    %add3A_27 = arith.constant 1.000000e+00 : f32
    %add3A_28 = vector.broadcast %add3A_27 : f32 to vector<2000x64xf32>
    %add3A_29 = arith.addf %add3A_28, %exp3A : vector<2000x64xf32>
    %div3A = arith.divf %add3A_12, %add3A_29 : vector<2000x64xf32>
    %neg3A_30 = arith.constant 0.000000e+00 : f32
    %neg3A_31 = vector.broadcast %neg3A_30 : f32 to vector<2000x64xf32>
    %neg3A_32 = arith.subf %neg3A_31, %add3A_24 : vector<2000x64xf32>
    %exp3A_33 = math.exp %neg3A_32 : vector<2000x64xf32>
    %add3A_34 = arith.constant 1.000000e+00 : f32
    %add3A_35 = vector.broadcast %add3A_34 : f32 to vector<2000x64xf32>
    %add3A_36 = arith.addf %add3A_35, %exp3A_33 : vector<2000x64xf32>
    %div3A_37 = arith.divf %add3A_24, %add3A_36 : vector<2000x64xf32>
    %sub3A = arith.subf %div3A, %div3A_37 : vector<2000x64xf32>
    %swap3A = arith.constant 0 : index
    %swap3A_38 = arith.constant 0 : index
    %swap3A_39 = arith.constant 0 : index
    %swap3A_40 = vector.load %arg7[%swap3A, %swap3A_38, %swap3A_39] : memref<1x2000x64xf32, #tpu.memory_space<vmem>>, vector<1x2000x64xf32>
    %swap3A_41 = vector.shape_cast %swap3A_40 : vector<1x2000x64xf32> to vector<2000x64xf32>
    %swap3A_42 = vector.shape_cast %sub3A : vector<2000x64xf32> to vector<1x2000x64xf32>
    tpu.vector_store %arg7[%swap3A, %swap3A_38, %swap3A_39], %swap3A_42 {strides = array<i32>} : memref<1x2000x64xf32, #tpu.memory_space<vmem>>, vector<1x2000x64xf32>,
    return
  }
  func.func @transform_0(%arg0: i32, %arg1: i32) -> (i32, i32, i32) {
    %c0_i32 = arith.constant 0 : i32
    %c0_i32_0 = arith.constant 0 : i32
    return %arg0, %arg1, %c0_i32 : i32, i32, i32
  }
  func.func @transform_1(%arg0: i32, %arg1: i32) -> (i32, i32, i32) {
    %c0_i32 = arith.constant 0 : i32
    %c0_i32_0 = arith.constant 0 : i32
    return %arg0, %arg1, %c0_i32 : i32, i32, i32
  }
  func.func @transform_2(%arg0: i32, %arg1: i32) -> (i32, i32, i32) {
    %c0_i32 = arith.constant 0 : i32
    %c0_i32_0 = arith.constant 0 : i32
    return %arg0, %arg1, %c0_i32 : i32, i32, i32
  }
  func.func @transform_3(%arg0: i32, %arg1: i32) -> (i32, i32, i32) {
    %c0_i32 = arith.constant 0 : i32
    %c0_i32_0 = arith.constant 0 : i32
    return %arg0, %arg1, %c0_i32 : i32, i32, i32
  }
  func.func @transform_4(%arg0: i32, %arg1: i32) -> (i32, i32) {
    %c0_i32 = arith.constant 0 : i32
    %c0_i32_0 = arith.constant 0 : i32
    return %arg1, %c0_i32 : i32, i32
  }
  func.func @transform_5(%arg0: i32, %arg1: i32) -> (i32, i32, i32) {
    %c0_i32 = arith.constant 0 : i32
    %c0_i32_0 = arith.constant 0 : i32
    return %arg0, %arg1, %c0_i32 : i32, i32, i32
  }
}

module attributes {stable_mosaic.version = 14 : i64} {
  func.func @_node_update_body(%arg0: i32, %arg1: memref<2000x64xf32, #tpu.memory_space<vmem>>, %arg2: memref<2000x64xf32, #tpu.memory_space<vmem>>, %arg3: memref<64x64xf32, #tpu.memory_space<vmem>>, %arg4: memref<64x64xf32, #tpu.memory_space<vmem>>, %arg5: memref<64x64xf32, #tpu.memory_space<vmem>>, %arg6: memref<1x64xf32, #tpu.memory_space<vmem>>, %arg7: memref<64x64xf32, #tpu.memory_space<vmem>>, %arg8: memref<1x64xf32, #tpu.memory_space<vmem>>, %arg9: memref<64x64xf32, #tpu.memory_space<vmem>>, %arg10: memref<64x64xf32, #tpu.memory_space<vmem>>, %arg11: memref<1x128xf32, #tpu.memory_space<vmem>>, %arg12: memref<2000x64xf32, #tpu.memory_space<vmem>>, %arg13: memref<2000x128xf32, #tpu.memory_space<vmem>>) attributes {dimension_semantics = [#tpu.dimension_semantics<arbitrary>], iteration_bounds = array<i64: 10>, scalar_prefetch = 0 : i64, scratch_operands = 0 : i64, tpu.core_type = #tpu.core_type<tc>, window_params = [{transform_indices = @transform_0, window_bounds = array<i64: 2000, 64>}, {transform_indices = @transform_1, window_bounds = array<i64: 2000, 64>}, {pipeline_mode = #tpu.pipeline_mode<synchronous>, transform_indices = @transform_2, window_bounds = array<i64: 64, 64>}, {pipeline_mode = #tpu.pipeline_mode<synchronous>, transform_indices = @transform_3, window_bounds = array<i64: 64, 64>}, {pipeline_mode = #tpu.pipeline_mode<synchronous>, transform_indices = @transform_4, window_bounds = array<i64: 64, 64>}, {pipeline_mode = #tpu.pipeline_mode<synchronous>, transform_indices = @transform_5, window_bounds = array<i64: 1, 64>}, {pipeline_mode = #tpu.pipeline_mode<synchronous>, transform_indices = @transform_6, window_bounds = array<i64: 64, 64>}, {pipeline_mode = #tpu.pipeline_mode<synchronous>, transform_indices = @transform_7, window_bounds = array<i64: 1, 64>}, {pipeline_mode = #tpu.pipeline_mode<synchronous>, transform_indices = @transform_8, window_bounds = array<i64: 64, 64>}, {pipeline_mode = #tpu.pipeline_mode<synchronous>, transform_indices = @transform_9, window_bounds = array<i64: 64, 64>}, {pipeline_mode = #tpu.pipeline_mode<synchronous>, transform_indices = @transform_10, window_bounds = array<i64: 1, 128>}, {transform_indices = @transform_11, window_bounds = array<i64: 2000, 64>}, {transform_indices = @transform_12, window_bounds = array<i64: 2000, 128>}]} {
    %get3A = arith.constant 0 : index
    %get3A_0 = arith.constant 0 : index
    %get3A_1 = vector.load %arg1[%get3A, %get3A_0] : memref<2000x64xf32, #tpu.memory_space<vmem>>, vector<2000x64xf32>
    %get3A_2 = arith.constant 0 : index
    %get3A_3 = arith.constant 0 : index
    %get3A_4 = vector.load %arg2[%get3A_2, %get3A_3] : memref<2000x64xf32, #tpu.memory_space<vmem>>, vector<2000x64xf32>
    %get3A_5 = arith.constant 0 : index
    %get3A_6 = arith.constant 0 : index
    %get3A_7 = vector.load %arg3[%get3A_5, %get3A_6] : memref<64x64xf32, #tpu.memory_space<vmem>>, vector<64x64xf32>
    %transpose3A = tpu.transpose %get3A_7, [1, 0] : vector<64x64xf32> -> vector<64x64xf32>
    %dot_general3A = arith.constant dense<0.000000e+00> : vector<2000x64xf32>
    %dot_general3A_8 = tpu.matmul %get3A_4, %transpose3A, %dot_general3A {dimension_numbers = #tpu.dot_dimension_numbers<[1], [0], [0], [1], [0, 0, 1, 1], [], []>, transpose_lhs_hint = false} : vector<2000x64xf32>, vector<64x64xf32>, vector<2000x64xf32> -> vector<2000x64xf32>
    %get3A_9 = arith.constant 0 : index
    %get3A_10 = arith.constant 0 : index
    %get3A_11 = vector.load %arg4[%get3A_9, %get3A_10] : memref<64x64xf32, #tpu.memory_space<vmem>>, vector<64x64xf32>
    %transpose3A_12 = tpu.transpose %get3A_11, [1, 0] : vector<64x64xf32> -> vector<64x64xf32>
    %dot_general3A_13 = arith.constant dense<0.000000e+00> : vector<2000x64xf32>
    %dot_general3A_14 = tpu.matmul %get3A_1, %transpose3A_12, %dot_general3A_13 {dimension_numbers = #tpu.dot_dimension_numbers<[1], [0], [0], [1], [0, 0, 1, 1], [], []>, transpose_lhs_hint = false} : vector<2000x64xf32>, vector<64x64xf32>, vector<2000x64xf32> -> vector<2000x64xf32>
    %get3A_15 = arith.constant 0 : index
    %get3A_16 = arith.constant 0 : index
    %get3A_17 = vector.load %arg5[%get3A_15, %get3A_16] : memref<64x64xf32, #tpu.memory_space<vmem>>, vector<64x64xf32>
    %transpose3A_18 = tpu.transpose %get3A_17, [1, 0] : vector<64x64xf32> -> vector<64x64xf32>
    %dot_general3A_19 = arith.constant dense<0.000000e+00> : vector<2000x64xf32>
    %dot_general3A_20 = tpu.matmul %dot_general3A_8, %transpose3A_18, %dot_general3A_19 {dimension_numbers = #tpu.dot_dimension_numbers<[1], [0], [0], [1], [0, 0, 1, 1], [], []>, transpose_lhs_hint = false} : vector<2000x64xf32>, vector<64x64xf32>, vector<2000x64xf32> -> vector<2000x64xf32>
    %add3A = arith.addf %dot_general3A_14, %dot_general3A_20 : vector<2000x64xf32>
    %get3A_21 = arith.constant 0 : index
    %get3A_22 = arith.constant 0 : index
    %get3A_23 = vector.load %arg6[%get3A_21, %get3A_22] : memref<1x64xf32, #tpu.memory_space<vmem>>, vector<1x64xf32>
    %add3A_24 = vector.broadcast %get3A_23 : vector<1x64xf32> to vector<2000x64xf32>
    %add3A_25 = arith.addf %add3A, %add3A_24 : vector<2000x64xf32>
    %neg3A = arith.constant 0.000000e+00 : f32
    %neg3A_26 = vector.broadcast %neg3A : f32 to vector<2000x64xf32>
    %neg3A_27 = arith.subf %neg3A_26, %add3A_25 : vector<2000x64xf32>
    %exp3A = math.exp %neg3A_27 : vector<2000x64xf32>
    %add3A_28 = arith.constant 1.000000e+00 : f32
    %add3A_29 = vector.broadcast %add3A_28 : f32 to vector<2000x64xf32>
    %add3A_30 = arith.addf %add3A_29, %exp3A : vector<2000x64xf32>
    %div3A = arith.divf %add3A_25, %add3A_30 : vector<2000x64xf32>
    %get3A_31 = arith.constant 0 : index
    %get3A_32 = arith.constant 0 : index
    %get3A_33 = vector.load %arg7[%get3A_31, %get3A_32] : memref<64x64xf32, #tpu.memory_space<vmem>>, vector<64x64xf32>
    %transpose3A_34 = tpu.transpose %get3A_33, [1, 0] : vector<64x64xf32> -> vector<64x64xf32>
    %dot_general3A_35 = arith.constant dense<0.000000e+00> : vector<2000x64xf32>
    %dot_general3A_36 = tpu.matmul %div3A, %transpose3A_34, %dot_general3A_35 {dimension_numbers = #tpu.dot_dimension_numbers<[1], [0], [0], [1], [0, 0, 1, 1], [], []>, transpose_lhs_hint = false} : vector<2000x64xf32>, vector<64x64xf32>, vector<2000x64xf32> -> vector<2000x64xf32>
    %add3A_37 = arith.addf %get3A_1, %dot_general3A_36 : vector<2000x64xf32>
    %get3A_38 = arith.constant 0 : index
    %get3A_39 = arith.constant 0 : index
    %get3A_40 = vector.load %arg8[%get3A_38, %get3A_39] : memref<1x64xf32, #tpu.memory_space<vmem>>, vector<1x64xf32>
    %add3A_41 = vector.broadcast %get3A_40 : vector<1x64xf32> to vector<2000x64xf32>
    %add3A_42 = arith.addf %add3A_37, %add3A_41 : vector<2000x64xf32>
    %swap3A = arith.constant 0 : index
    %swap3A_43 = arith.constant 0 : index
    %swap3A_44 = vector.load %arg12[%swap3A, %swap3A_43] : memref<2000x64xf32, #tpu.memory_space<vmem>>, vector<2000x64xf32>
    tpu.vector_store %arg12[%swap3A, %swap3A_43], %add3A_42 {strides = array<i32>} : memref<2000x64xf32, #tpu.memory_space<vmem>>, vector<2000x64xf32>,
    %get3A_45 = arith.constant 0 : index
    %get3A_46 = arith.constant 0 : index
    %get3A_47 = vector.load %arg9[%get3A_45, %get3A_46] : memref<64x64xf32, #tpu.memory_space<vmem>>, vector<64x64xf32>
    %transpose3A_48 = tpu.transpose %get3A_47, [1, 0] : vector<64x64xf32> -> vector<64x64xf32>
    %dot_general3A_49 = arith.constant dense<0.000000e+00> : vector<2000x64xf32>
    %dot_general3A_50 = tpu.matmul %add3A_42, %transpose3A_48, %dot_general3A_49 {dimension_numbers = #tpu.dot_dimension_numbers<[1], [0], [0], [1], [0, 0, 1, 1], [], []>, transpose_lhs_hint = false} : vector<2000x64xf32>, vector<64x64xf32>, vector<2000x64xf32> -> vector<2000x64xf32>
    %get3A_51 = arith.constant 0 : index
    %get3A_52 = arith.constant 0 : index
    %get3A_53 = vector.load %arg10[%get3A_51, %get3A_52] : memref<64x64xf32, #tpu.memory_space<vmem>>, vector<64x64xf32>
    %transpose3A_54 = tpu.transpose %get3A_53, [1, 0] : vector<64x64xf32> -> vector<64x64xf32>
    %dot_general3A_55 = arith.constant dense<0.000000e+00> : vector<2000x64xf32>
    %dot_general3A_56 = tpu.matmul %add3A_42, %transpose3A_54, %dot_general3A_55 {dimension_numbers = #tpu.dot_dimension_numbers<[1], [0], [0], [1], [0, 0, 1, 1], [], []>, transpose_lhs_hint = false} : vector<2000x64xf32>, vector<64x64xf32>, vector<2000x64xf32> -> vector<2000x64xf32>
    %concatenate3A = tpu.concatenate %dot_general3A_50, %dot_general3A_56 in 1 : vector<2000x64xf32>, vector<2000x64xf32> -> vector<2000x128xf32>
    %get3A_57 = arith.constant 0 : index
    %get3A_58 = arith.constant 0 : index
    %get3A_59 = vector.load %arg11[%get3A_57, %get3A_58] : memref<1x128xf32, #tpu.memory_space<vmem>>, vector<1x128xf32>
    %add3A_60 = vector.broadcast %get3A_59 : vector<1x128xf32> to vector<2000x128xf32>
    %add3A_61 = arith.addf %concatenate3A, %add3A_60 : vector<2000x128xf32>
    %swap3A_62 = arith.constant 0 : index
    %swap3A_63 = arith.constant 0 : index
    %swap3A_64 = vector.load %arg13[%swap3A_62, %swap3A_63] : memref<2000x128xf32, #tpu.memory_space<vmem>>, vector<2000x128xf32>
    tpu.vector_store %arg13[%swap3A_62, %swap3A_63], %add3A_61 {strides = array<i32>} : memref<2000x128xf32, #tpu.memory_space<vmem>>, vector<2000x128xf32>,
    return
  }
  func.func @transform_0(%arg0: i32) -> (i32, i32) {
    %c0_i32 = arith.constant 0 : i32
    %c0_i32_0 = arith.constant 0 : i32
    return %arg0, %c0_i32 : i32, i32
  }
  func.func @transform_1(%arg0: i32) -> (i32, i32) {
    %c0_i32 = arith.constant 0 : i32
    %c0_i32_0 = arith.constant 0 : i32
    return %arg0, %c0_i32 : i32, i32
  }
  func.func @transform_2(%arg0: i32) -> (i32, i32) {
    %c0_i32 = arith.constant 0 : i32
    %c0_i32_0 = arith.constant 0 : i32
    %c0_i32_1 = arith.constant 0 : i32
    return %c0_i32, %c0_i32_0 : i32, i32
  }
  func.func @transform_3(%arg0: i32) -> (i32, i32) {
    %c0_i32 = arith.constant 0 : i32
    %c0_i32_0 = arith.constant 0 : i32
    %c0_i32_1 = arith.constant 0 : i32
    return %c0_i32, %c0_i32_0 : i32, i32
  }
  func.func @transform_4(%arg0: i32) -> (i32, i32) {
    %c0_i32 = arith.constant 0 : i32
    %c0_i32_0 = arith.constant 0 : i32
    %c0_i32_1 = arith.constant 0 : i32
    return %c0_i32, %c0_i32_0 : i32, i32
  }
  func.func @transform_5(%arg0: i32) -> (i32, i32) {
    %c0_i32 = arith.constant 0 : i32
    %c0_i32_0 = arith.constant 0 : i32
    %c0_i32_1 = arith.constant 0 : i32
    return %c0_i32, %c0_i32_0 : i32, i32
  }
  func.func @transform_6(%arg0: i32) -> (i32, i32) {
    %c0_i32 = arith.constant 0 : i32
    %c0_i32_0 = arith.constant 0 : i32
    %c0_i32_1 = arith.constant 0 : i32
    return %c0_i32, %c0_i32_0 : i32, i32
  }
  func.func @transform_7(%arg0: i32) -> (i32, i32) {
    %c0_i32 = arith.constant 0 : i32
    %c0_i32_0 = arith.constant 0 : i32
    %c0_i32_1 = arith.constant 0 : i32
    return %c0_i32, %c0_i32_0 : i32, i32
  }
  func.func @transform_8(%arg0: i32) -> (i32, i32) {
    %c0_i32 = arith.constant 0 : i32
    %c0_i32_0 = arith.constant 0 : i32
    %c0_i32_1 = arith.constant 0 : i32
    return %c0_i32, %c0_i32_0 : i32, i32
  }
  func.func @transform_9(%arg0: i32) -> (i32, i32) {
    %c0_i32 = arith.constant 0 : i32
    %c0_i32_0 = arith.constant 0 : i32
    %c0_i32_1 = arith.constant 0 : i32
    return %c0_i32, %c0_i32_0 : i32, i32
  }
  func.func @transform_10(%arg0: i32) -> (i32, i32) {
    %c0_i32 = arith.constant 0 : i32
    %c0_i32_0 = arith.constant 0 : i32
    %c0_i32_1 = arith.constant 0 : i32
    return %c0_i32, %c0_i32_0 : i32, i32
  }
  func.func @transform_11(%arg0: i32) -> (i32, i32) {
    %c0_i32 = arith.constant 0 : i32
    %c0_i32_0 = arith.constant 0 : i32
    return %arg0, %c0_i32 : i32, i32
  }
  func.func @transform_12(%arg0: i32) -> (i32, i32) {
    %c0_i32 = arith.constant 0 : i32
    %c0_i32_0 = arith.constant 0 : i32
    return %arg0, %c0_i32 : i32, i32
  }
}

module attributes {stable_mosaic.version = 14 : i64} {
  func.func @_node_update_body(%arg0: i32, %arg1: memref<2000x64xf32, #tpu.memory_space<vmem>>, %arg2: memref<2000x64xf32, #tpu.memory_space<vmem>>, %arg3: memref<64x64xf32, #tpu.memory_space<vmem>>, %arg4: memref<64x64xf32, #tpu.memory_space<vmem>>, %arg5: memref<64x64xf32, #tpu.memory_space<vmem>>, %arg6: memref<1x64xf32, #tpu.memory_space<vmem>>, %arg7: memref<64x64xf32, #tpu.memory_space<vmem>>, %arg8: memref<1x64xf32, #tpu.memory_space<vmem>>, %arg9: memref<64x64xf32, #tpu.memory_space<vmem>>, %arg10: memref<64x64xf32, #tpu.memory_space<vmem>>, %arg11: memref<1x128xf32, #tpu.memory_space<vmem>>, %arg12: memref<2000x64xf32, #tpu.memory_space<vmem>>, %arg13: memref<2000x128xf32, #tpu.memory_space<vmem>>) attributes {dimension_semantics = [#tpu.dimension_semantics<arbitrary>], iteration_bounds = array<i64: 10>, scalar_prefetch = 0 : i64, scratch_operands = 0 : i64, tpu.core_type = #tpu.core_type<tc>, window_params = [{transform_indices = @transform_0, window_bounds = array<i64: 2000, 64>}, {transform_indices = @transform_1, window_bounds = array<i64: 2000, 64>}, {pipeline_mode = #tpu.pipeline_mode<synchronous>, transform_indices = @transform_2, window_bounds = array<i64: 64, 64>}, {pipeline_mode = #tpu.pipeline_mode<synchronous>, transform_indices = @transform_3, window_bounds = array<i64: 64, 64>}, {pipeline_mode = #tpu.pipeline_mode<synchronous>, transform_indices = @transform_4, window_bounds = array<i64: 64, 64>}, {pipeline_mode = #tpu.pipeline_mode<synchronous>, transform_indices = @transform_5, window_bounds = array<i64: 1, 64>}, {pipeline_mode = #tpu.pipeline_mode<synchronous>, transform_indices = @transform_6, window_bounds = array<i64: 64, 64>}, {pipeline_mode = #tpu.pipeline_mode<synchronous>, transform_indices = @transform_7, window_bounds = array<i64: 1, 64>}, {pipeline_mode = #tpu.pipeline_mode<synchronous>, transform_indices = @transform_8, window_bounds = array<i64: 64, 64>}, {pipeline_mode = #tpu.pipeline_mode<synchronous>, transform_indices = @transform_9, window_bounds = array<i64: 64, 64>}, {pipeline_mode = #tpu.pipeline_mode<synchronous>, transform_indices = @transform_10, window_bounds = array<i64: 1, 128>}, {transform_indices = @transform_11, window_bounds = array<i64: 2000, 64>}, {transform_indices = @transform_12, window_bounds = array<i64: 2000, 128>}]} {
    %get3A = arith.constant 0 : index
    %get3A_0 = arith.constant 0 : index
    %get3A_1 = vector.load %arg1[%get3A, %get3A_0] : memref<2000x64xf32, #tpu.memory_space<vmem>>, vector<2000x64xf32>
    %get3A_2 = arith.constant 0 : index
    %get3A_3 = arith.constant 0 : index
    %get3A_4 = vector.load %arg2[%get3A_2, %get3A_3] : memref<2000x64xf32, #tpu.memory_space<vmem>>, vector<2000x64xf32>
    %get3A_5 = arith.constant 0 : index
    %get3A_6 = arith.constant 0 : index
    %get3A_7 = vector.load %arg3[%get3A_5, %get3A_6] : memref<64x64xf32, #tpu.memory_space<vmem>>, vector<64x64xf32>
    %transpose3A = tpu.transpose %get3A_7, [1, 0] : vector<64x64xf32> -> vector<64x64xf32>
    %dot_general3A = arith.constant dense<0.000000e+00> : vector<2000x64xf32>
    %dot_general3A_8 = tpu.matmul %get3A_4, %transpose3A, %dot_general3A {dimension_numbers = #tpu.dot_dimension_numbers<[1], [0], [0], [1], [0, 0, 1, 1], [], []>, transpose_lhs_hint = false} : vector<2000x64xf32>, vector<64x64xf32>, vector<2000x64xf32> -> vector<2000x64xf32>
    %get3A_9 = arith.constant 0 : index
    %get3A_10 = arith.constant 0 : index
    %get3A_11 = vector.load %arg4[%get3A_9, %get3A_10] : memref<64x64xf32, #tpu.memory_space<vmem>>, vector<64x64xf32>
    %transpose3A_12 = tpu.transpose %get3A_11, [1, 0] : vector<64x64xf32> -> vector<64x64xf32>
    %dot_general3A_13 = arith.constant dense<0.000000e+00> : vector<2000x64xf32>
    %dot_general3A_14 = tpu.matmul %get3A_1, %transpose3A_12, %dot_general3A_13 {dimension_numbers = #tpu.dot_dimension_numbers<[1], [0], [0], [1], [0, 0, 1, 1], [], []>, transpose_lhs_hint = false} : vector<2000x64xf32>, vector<64x64xf32>, vector<2000x64xf32> -> vector<2000x64xf32>
    %get3A_15 = arith.constant 0 : index
    %get3A_16 = arith.constant 0 : index
    %get3A_17 = vector.load %arg5[%get3A_15, %get3A_16] : memref<64x64xf32, #tpu.memory_space<vmem>>, vector<64x64xf32>
    %transpose3A_18 = tpu.transpose %get3A_17, [1, 0] : vector<64x64xf32> -> vector<64x64xf32>
    %dot_general3A_19 = arith.constant dense<0.000000e+00> : vector<2000x64xf32>
    %dot_general3A_20 = tpu.matmul %dot_general3A_8, %transpose3A_18, %dot_general3A_19 {dimension_numbers = #tpu.dot_dimension_numbers<[1], [0], [0], [1], [0, 0, 1, 1], [], []>, transpose_lhs_hint = false} : vector<2000x64xf32>, vector<64x64xf32>, vector<2000x64xf32> -> vector<2000x64xf32>
    %add3A = arith.addf %dot_general3A_14, %dot_general3A_20 : vector<2000x64xf32>
    %get3A_21 = arith.constant 0 : index
    %get3A_22 = arith.constant 0 : index
    %get3A_23 = vector.load %arg6[%get3A_21, %get3A_22] : memref<1x64xf32, #tpu.memory_space<vmem>>, vector<1x64xf32>
    %add3A_24 = vector.broadcast %get3A_23 : vector<1x64xf32> to vector<2000x64xf32>
    %add3A_25 = arith.addf %add3A, %add3A_24 : vector<2000x64xf32>
    %neg3A = arith.constant 0.000000e+00 : f32
    %neg3A_26 = vector.broadcast %neg3A : f32 to vector<2000x64xf32>
    %neg3A_27 = arith.subf %neg3A_26, %add3A_25 : vector<2000x64xf32>
    %exp3A = math.exp %neg3A_27 : vector<2000x64xf32>
    %add3A_28 = arith.constant 1.000000e+00 : f32
    %add3A_29 = vector.broadcast %add3A_28 : f32 to vector<2000x64xf32>
    %add3A_30 = arith.addf %add3A_29, %exp3A : vector<2000x64xf32>
    %div3A = arith.divf %add3A_25, %add3A_30 : vector<2000x64xf32>
    %get3A_31 = arith.constant 0 : index
    %get3A_32 = arith.constant 0 : index
    %get3A_33 = vector.load %arg7[%get3A_31, %get3A_32] : memref<64x64xf32, #tpu.memory_space<vmem>>, vector<64x64xf32>
    %transpose3A_34 = tpu.transpose %get3A_33, [1, 0] : vector<64x64xf32> -> vector<64x64xf32>
    %dot_general3A_35 = arith.constant dense<0.000000e+00> : vector<2000x64xf32>
    %dot_general3A_36 = tpu.matmul %div3A, %transpose3A_34, %dot_general3A_35 {dimension_numbers = #tpu.dot_dimension_numbers<[1], [0], [0], [1], [0, 0, 1, 1], [], []>, transpose_lhs_hint = false} : vector<2000x64xf32>, vector<64x64xf32>, vector<2000x64xf32> -> vector<2000x64xf32>
    %add3A_37 = arith.addf %get3A_1, %dot_general3A_36 : vector<2000x64xf32>
    %get3A_38 = arith.constant 0 : index
    %get3A_39 = arith.constant 0 : index
    %get3A_40 = vector.load %arg8[%get3A_38, %get3A_39] : memref<1x64xf32, #tpu.memory_space<vmem>>, vector<1x64xf32>
    %add3A_41 = vector.broadcast %get3A_40 : vector<1x64xf32> to vector<2000x64xf32>
    %add3A_42 = arith.addf %add3A_37, %add3A_41 : vector<2000x64xf32>
    %swap3A = arith.constant 0 : index
    %swap3A_43 = arith.constant 0 : index
    %swap3A_44 = vector.load %arg12[%swap3A, %swap3A_43] : memref<2000x64xf32, #tpu.memory_space<vmem>>, vector<2000x64xf32>
    tpu.vector_store %arg12[%swap3A, %swap3A_43], %add3A_42 {strides = array<i32>} : memref<2000x64xf32, #tpu.memory_space<vmem>>, vector<2000x64xf32>,
    %get3A_45 = arith.constant 0 : index
    %get3A_46 = arith.constant 0 : index
    %get3A_47 = vector.load %arg9[%get3A_45, %get3A_46] : memref<64x64xf32, #tpu.memory_space<vmem>>, vector<64x64xf32>
    %transpose3A_48 = tpu.transpose %get3A_47, [1, 0] : vector<64x64xf32> -> vector<64x64xf32>
    %dot_general3A_49 = arith.constant dense<0.000000e+00> : vector<2000x64xf32>
    %dot_general3A_50 = tpu.matmul %add3A_42, %transpose3A_48, %dot_general3A_49 {dimension_numbers = #tpu.dot_dimension_numbers<[1], [0], [0], [1], [0, 0, 1, 1], [], []>, transpose_lhs_hint = false} : vector<2000x64xf32>, vector<64x64xf32>, vector<2000x64xf32> -> vector<2000x64xf32>
    %get3A_51 = arith.constant 0 : index
    %get3A_52 = arith.constant 0 : index
    %get3A_53 = vector.load %arg10[%get3A_51, %get3A_52] : memref<64x64xf32, #tpu.memory_space<vmem>>, vector<64x64xf32>
    %transpose3A_54 = tpu.transpose %get3A_53, [1, 0] : vector<64x64xf32> -> vector<64x64xf32>
    %dot_general3A_55 = arith.constant dense<0.000000e+00> : vector<2000x64xf32>
    %dot_general3A_56 = tpu.matmul %add3A_42, %transpose3A_54, %dot_general3A_55 {dimension_numbers = #tpu.dot_dimension_numbers<[1], [0], [0], [1], [0, 0, 1, 1], [], []>, transpose_lhs_hint = false} : vector<2000x64xf32>, vector<64x64xf32>, vector<2000x64xf32> -> vector<2000x64xf32>
    %concatenate3A = tpu.concatenate %dot_general3A_50, %dot_general3A_56 in 1 : vector<2000x64xf32>, vector<2000x64xf32> -> vector<2000x128xf32>
    %get3A_57 = arith.constant 0 : index
    %get3A_58 = arith.constant 0 : index
    %get3A_59 = vector.load %arg11[%get3A_57, %get3A_58] : memref<1x128xf32, #tpu.memory_space<vmem>>, vector<1x128xf32>
    %add3A_60 = vector.broadcast %get3A_59 : vector<1x128xf32> to vector<2000x128xf32>
    %add3A_61 = arith.addf %concatenate3A, %add3A_60 : vector<2000x128xf32>
    %swap3A_62 = arith.constant 0 : index
    %swap3A_63 = arith.constant 0 : index
    %swap3A_64 = vector.load %arg13[%swap3A_62, %swap3A_63] : memref<2000x128xf32, #tpu.memory_space<vmem>>, vector<2000x128xf32>
    tpu.vector_store %arg13[%swap3A_62, %swap3A_63], %add3A_61 {strides = array<i32>} : memref<2000x128xf32, #tpu.memory_space<vmem>>, vector<2000x128xf32>,
    return
  }
  func.func @transform_0(%arg0: i32) -> (i32, i32) {
    %c0_i32 = arith.constant 0 : i32
    %c0_i32_0 = arith.constant 0 : i32
    return %arg0, %c0_i32 : i32, i32
  }
  func.func @transform_1(%arg0: i32) -> (i32, i32) {
    %c0_i32 = arith.constant 0 : i32
    %c0_i32_0 = arith.constant 0 : i32
    return %arg0, %c0_i32 : i32, i32
  }
  func.func @transform_2(%arg0: i32) -> (i32, i32) {
    %c0_i32 = arith.constant 0 : i32
    %c0_i32_0 = arith.constant 0 : i32
    %c0_i32_1 = arith.constant 0 : i32
    return %c0_i32, %c0_i32_0 : i32, i32
  }
  func.func @transform_3(%arg0: i32) -> (i32, i32) {
    %c0_i32 = arith.constant 0 : i32
    %c0_i32_0 = arith.constant 0 : i32
    %c0_i32_1 = arith.constant 0 : i32
    return %c0_i32, %c0_i32_0 : i32, i32
  }
  func.func @transform_4(%arg0: i32) -> (i32, i32) {
    %c0_i32 = arith.constant 0 : i32
    %c0_i32_0 = arith.constant 0 : i32
    %c0_i32_1 = arith.constant 0 : i32
    return %c0_i32, %c0_i32_0 : i32, i32
  }
  func.func @transform_5(%arg0: i32) -> (i32, i32) {
    %c0_i32 = arith.constant 0 : i32
    %c0_i32_0 = arith.constant 0 : i32
    %c0_i32_1 = arith.constant 0 : i32
    return %c0_i32, %c0_i32_0 : i32, i32
  }
  func.func @transform_6(%arg0: i32) -> (i32, i32) {
    %c0_i32 = arith.constant 0 : i32
    %c0_i32_0 = arith.constant 0 : i32
    %c0_i32_1 = arith.constant 0 : i32
    return %c0_i32, %c0_i32_0 : i32, i32
  }
  func.func @transform_7(%arg0: i32) -> (i32, i32) {
    %c0_i32 = arith.constant 0 : i32
    %c0_i32_0 = arith.constant 0 : i32
    %c0_i32_1 = arith.constant 0 : i32
    return %c0_i32, %c0_i32_0 : i32, i32
  }
  func.func @transform_8(%arg0: i32) -> (i32, i32) {
    %c0_i32 = arith.constant 0 : i32
    %c0_i32_0 = arith.constant 0 : i32
    %c0_i32_1 = arith.constant 0 : i32
    return %c0_i32, %c0_i32_0 : i32, i32
  }
  func.func @transform_9(%arg0: i32) -> (i32, i32) {
    %c0_i32 = arith.constant 0 : i32
    %c0_i32_0 = arith.constant 0 : i32
    %c0_i32_1 = arith.constant 0 : i32
    return %c0_i32, %c0_i32_0 : i32, i32
  }
  func.func @transform_10(%arg0: i32) -> (i32, i32) {
    %c0_i32 = arith.constant 0 : i32
    %c0_i32_0 = arith.constant 0 : i32
    %c0_i32_1 = arith.constant 0 : i32
    return %c0_i32, %c0_i32_0 : i32, i32
  }
  func.func @transform_11(%arg0: i32) -> (i32, i32) {
    %c0_i32 = arith.constant 0 : i32
    %c0_i32_0 = arith.constant 0 : i32
    return %arg0, %c0_i32 : i32, i32
  }
  func.func @transform_12(%arg0: i32) -> (i32, i32) {
    %c0_i32 = arith.constant 0 : i32
    %c0_i32_0 = arith.constant 0 : i32
    return %arg0, %c0_i32 : i32, i32
  }
}

</mosaic_0001>

<sc_bundles>
// kernel: sparse-core-data-format-call.1.cloned.1.call-start
scs
called_computation.1_lowered:
.L_overlay_start_0:
0x0: {  	s1 =	sld [smem:$0x3FD9]  }
0x1: {  	s2 =	sld [smem:$0x3FFE];
	_ =	sdelay $0x1  }
0x2: {  	s3 =	srdreg.scid  }
0x3: {  	s0 =	sand.u32 $0x1, s3  }
0x4: {  	s17 =	sshll.u32 s0, $0xA;
	s1 =	sadd.s32 s2, s1  }
0x5: {  	s1 =	sadd.s32 s1, s17  }
0x6: {  	[smem:$0x3F9F] =	sst s1  }
0x7: {  	_ = 	snop  }
0x8: {  	(tm) =	ssettm $0x1  }
0x9: {  	s18 =	sld [smem:$0x3FFB];
	_ =	sdelay $0x3  }
0xa: {  	_ =	strace s18  }
0xb: {  	s1 =	sld [smem:$0x3FFC];
	_ =	sdelay $0x3  }
0xc: {  	_ =	strace s1  }
0xd: {  	s1 =	sld [smem:$0x3FFD];
	_ =	sdelay $0x3  }
0xe: {  	_ =	strace s1  }
0xf: {  	_ =	strace $0x8FFFFFFF  }
0x10: {  	s19 =	sld [smem:$0x3FDB];
	_ =	sdelay $0x1  }
0x11: {  	s20 =	simm.s32 $_scs_section_size  }
0x12: {  	s4 =	simm.s32 $_size__tile_overlayer_lowered;
	s5 =	simm.s32 $_tile_overlayer_lowered  }
0x13: {  	s23 =	simm.s32 $0x1BFF;
	s22 =	sshll.u32 s5, $0x1;
	s1 =	sadd.s32 s20, s19  }
0x14: {  	s6 =	simm.s32 $0x0;
	s21 =	sshll.u32 s4, $0x1;
	s4 =	sadd.s32 s22, s1  }
0x15: {  	[timem:s6], [sflag:s23] =	dma.local [hbm:s4], s21  }
0x16: {  	_ =	swait.ge [sflag:s23], s21  }
0x17: {  	s2 =	ssub.s32 $0x0, s21;
	[sflag:s23] =	ssyncset.done $0x0  }
0x18: {  	[sflag:s23] =	ssyncadd.s32 s2;
	_ =	sdelay $0x1  }
0x19: {  	s24 =	simm.s32 $0x1B8B  }
0x1a: {  	_ =	swait.ge [sflag:s24], $0x1  }
0x1b: {  	[sflag:s24] =	ssyncset.done $0x0  }
0x1c: {  	s26 =	simm.s32 $0x1B8E;
	s25 =	sld [smem:$0x3FFE];
	[sflag:s24] =	ssyncadd.s32 $0xFFFFFFFF  }
0x1d: {  	s27 =	simm.s32 $execute0_lowered;
	[smem:$0x3FD2] =	sst s26  }
0x1e: {  	s4 =	sshll.u32 s27, $0x1;
	_ =	strace $0x80000088;
	[dreg:$0x1] =	wrdreg $0xFFFFFFFF  }
0x1f: {  	s28 =	simm.s32 $_size_execute0_lowered;
	s1 =	sadd.s32 s1, s4;
	[dreg:$0x0] =	wrdreg $0x0  }
0x20: {  	s4 =	sshll.u32 s28, $0x1;
	[dreg:$0x2] =	wrdreg s1  }
0x21: {  	[dreg:$0x3] =	wrdreg s4  }
0x22: {  	[dreg:$0x4] =	wrdreg $0xC0  }
0x23: {  	_ =	task [dreg:s6], $0x5FFFF  }
0x24: {  	[dreg:$0x1] =	wrdreg $0xFFFFFFFF  }
0x25: {  	[dreg:$0x0] =	wrdreg $0x60  }
0x26: {  	[dreg:$0x2] =	wrdreg s25  }
0x27: {  	[dreg:$0x3] =	wrdreg $0xA  }
0x28: {  	_ =	task.clear_ibuf [dreg:s6], $0x4FFFF;
	_ =	strace $0x90000088  }
0x29: {  	s29 =	simm.s32 $0xA;
	_ =	strace $0x8000008A  }
0x2a: {  	_ =	swait.ge [sflag:s29], $0x1  }
0x2b: {  	[sflag:s29] =	ssyncadd.s32 $0xFFFFFFFF  }
0x2c: {  	_ =	strace $0x9000008A  }
0x2d: {  	_ =	sfence  }
0x2e: {  	s30 =	sld [smem:$0x0];
	_ =	sdelay $0x2  }
0x2f: {  	s31 =	sshll.u32 s3, $0xD;
	s3 =	sshrl.u32 s3, $0x2  }
0x30: {  	s2 =	sand.u32 $0x4000, s31;
	s1 =	sadd.s32 s3, s30  }
0x31: {  	s0 =	sor.u32 s2, s0;
	s1 =	sshll.u32 s1, $0x11  }
0x32: {  	s0 =	sor.u32 s1, s0  }
0x33: {  	s0 =	sadd.s32 $0x8F2B, s0  }
0x34: {  	[sflag:s0] =	ssyncadd.remote.s32 $0x1  }
0x35: {  	_ =	sfence.sel $0xFFFF  }
0x36: {  	[dreg:$0x0] =	wrdreg $0xFFFFFFFF;
	(pc) =	sbr.abs _section_cstart, $3  }
0x37: {  	[dreg:$0x1] =	wrdreg $0xFFFFFFFF  }
0x38: {  	_ =	task.clear_ibuf [dreg:s6], $0x2FFFF;
	_ =	strace $0x9FFFFFFF  }
0x39: {  	(tm) =	ssettm $0x7FFFFFFF  }
tec
execute0_lowered:
.L_overlay_start_1:
0x0: {  	(tag) =	ssettag $0x1  }
0x1: {  	s0 =	stileid.u32  }
0x2: {  	s1 =	srdreg.scid;
	s7 =	rddreg [dreg:$0x0]  }
0x3: {  	s31 =	simm.s32 $0x2;
	s18 =	simm.s32 $0x0;
	s9 =	simm.s32 $0x40  }
0x4: {  	s10 =	simm.s32 $0x100;
	s11 =	simm.s32 $0x0;
	s17 =	simm.s32 $0x0  }
0x5: {  	s12 =	simm.s32 $0x0;
	s2 =	sshll.u32 s0, $0x7;
	s1 =	sshll.u32 s1, $0xB  }
0x6: {  	s13 =	simm.s32 $0x0;
	s3 =	sor.u32 s2, s1;
	s2 =	sand.u32 $0x1, s0  }
0x7: {  	s1 =	rddreg [dreg:$0x1];
	s3 =	sand.u32 $0xF00, s3;
	s4 =	ssub.s32 $0x2, s2  }
0x8: {  	_ =	strace $0x80000089;
	s5 =	ssub.s32 $0x13800, s3;
	s6 =	sshrl.u32 s4, $0x1  }
.Ltmp0:
0x9: {  	s8 =	sand.u32 $0x1, s4;
	s5 =	sshrl.u32 s5, $0xC;
	(pc) =	sbr.rel .LBB1_1-.Ltmp0, $4  }
0xa: {  	s4 =	simm.s32 $0x1;
	s6 =	sadd.s32 s8, s6;
	s5 =	sadd.s32 $0x1, s5  }
0xb: {  	s16 =	simm.s32 $0x0;
	[sflag:s4] =	ssyncpa.u1 $0x0;
	s5 =	smul.u32 s6, s5  }
0xc: {  	s15 =	smov.u32 s2;
	s14 =	smov.u32 s3;
	[sflag:s31] =	ssyncpa.u1 $0x0  }
0xd: {  	s6 =	sadd.s32 $0x630400, s7;
	s7 =	sadd.s32 $0xFDA00, s7;
	s8 =	sadd.s32 $0x1, s5  }
.LBB1_7:
0xe: {  	s20 =	sshll.u32 s13, $0x4  }
0xf: {  	s20 =	sand.u32 $0x10, s20  }
0x10: {  	s21 =	sshll.u32 s12, $0x5;
	s20 =	sadd.s32 s7, s20  }
0x11: {  	s22 =	sor.u32 $0x8000, s22;
	s20 =	sadd.s32 s21, s20  }
0x12: {  	[hbm4b:s20+s9] =	stream.strided.scatter [tilespmem:s22], [sflag:$0x2], s19, s10, s9, $0x38;
	[tilespmem:$0x10000] =	vst v63  }
.LBB1_8:
0x13: {  	p0 =	slt.u32 s16, $0x2  }
0x14: {  	p1 =	sgt.s32 @!p0 s18, $0x13780  }
0x15: {  	s19 =	smov.u32 s18;
	s20 =	sshra.s32 @!p0 s18, $0x1F;
	p1 =	por !p1, p0  }
0x16: {  	s18 =	sand.u32 @!p0 s20, s18;
	s19 =	simm.s32 @p1 $0x13780  }
0x17: {  	s20 =	sshra.s32 @!p0 s17, $0x1F;
	p1 =	sgt.s32 @!p0 s17, $0x1;
	s18 =	ssub.s32 @!p0 s19, s18  }
0x18: {  	p1 =	por !p1, p0;
	s19 =	smov.u32 s17;
	s17 =	sand.u32 @!p0 s20, s17  }
0x19: {  	s21 =	smov.u32 s15;
	s19 =	simm.s32 @p1 $0x1;
	s17 =	sxor.u32 @!p0 $0xFFFFFFFF, s17  }
0x1a: {  	s20 =	sadd.s32 @!p0 $0xFFFEC880, s18;
	s18 =	ssub.s32 @!p0 $0x13880, s18;
	s17 =	sadd.s32 @!p0 s17, s19  }
0x1b: {  	p1 =	sgt.s32 @!p0 s20, $0xFF;
	p2 =	sgt.s32 @!p0 s17, $0x0;
	s17 =	sshll.u32 @!p0 s17, $0x6  }
0x1c: {  	p1 =	por !p1, p0;
	s17 =	ssub.s32 @!p0 $0x40, s17;
	p2 =	por !p2, p0  }
0x1d: {  	s19 =	sadd.s32 $0x1000, s14;
	s18 =	simm.s32 @!p1 $0x0;
	s17 =	simm.s32 @!p2 $0x0  }
0x1e: {  	p1 =	sgt.s32 s19, $0x1387F;
	s17 =	smul.u32 @!p0 s18, s17;
	s18 =	sadd.s32 $0x2, s15  }
0x1f: {  	s21 =	smov.u32 @p1 s18  }
0x20: {  	s19 =	smov.u32 @p1 s3;
	p1 =	sgt.s32 s21, $0x1  }
0x21: {  	s21 =	smov.u32 @p1 s2;
	p1 =	sne.s32 s16, s8  }
.Ltmp1:
0x22: {  	s11 =	sadd.s32 $0x4000, s11;
	s20 =	simm.s32 @!p0 $0x2;
	(pc) =	sbr.rel @!p1 .LBB1_9-.Ltmp1, $4  }
0x23: {  	s18 =	smov.u32 s12;
	s12 =	smov.u32 s14;
	s17 =	sand.u32 @!p0 $0x3FFFFFC0, s17  }
0x24: {  	s14 =	smov.u32 s19;
	_ =	swait.ge @!p0 [sflag:s20], s17;
	s22 =	ssub.s32 @!p0 $0x0, s17  }
0x25: {  	s17 =	smov.u32 s13;
	s16 =	sadd.s32 $0x1, s16;
	[sflag:s20] =	ssyncset.done @!p0 $0x0  }
0x26: {  	s13 =	smov.u32 s15;
	s15 =	smov.u32 s21;
	[sflag:s20] =	ssyncadd.s32 @!p0 s22  }
.LBB1_1:
0x27: {  	p0 =	sge.u32 s16, s5  }
0x28: {  	s21 =	smov.u32 s15;
	p1 =	sgt.s32 @!p0 s15, $0x1  }
0x29: {  	s23 =	smov.u32 s14;
	s19 =	sand.u32 @!p0 $0x1FFFFFF, s14;
	p1 =	por !p1, p0  }
0x2a: {  	s22 =	sshra.s32 @!p0 s15, $0x1F;
	s21 =	simm.s32 @p1 $0x1;
	p1 =	sgt.s32 @!p0 s14, $0x13780  }
0x2b: {  	s24 =	sshra.s32 @!p0 s14, $0x1F;
	s22 =	sand.u32 @!p0 s22, s15;
	p1 =	por !p1, p0  }
0x2c: {  	s24 =	sand.u32 @!p0 s24, s14;
	s22 =	sxor.u32 @!p0 $0xFFFFFFFF, s22;
	s23 =	simm.s32 @p1 $0x13780  }
0x2d: {  	s20 =	smulhi.u32 @!p0 $0x1A36E2F, s19;
	s21 =	sadd.s32 @!p0 s22, s21;
	s22 =	ssub.s32 @!p0 s23, s24  }
0x2e: {  	p1 =	sgt.s32 @!p0 s21, $0x0;
	s21 =	sshll.u32 @!p0 s21, $0x6;
	s23 =	sadd.s32 @!p0 $0xFFFEC880, s22  }
0x2f: {  	s20 =	sshrl.u32 @!p0 s20, $0x9;
	s21 =	ssub.s32 @!p0 $0x40, s21;
	p2 =	sgt.s32 @!p0 s23, $0xFF  }
0x30: {  	p1 =	por !p1, p0;
	s22 =	ssub.s32 @!p0 $0x13880, s22;
	p2 =	por !p2, p0  }
0x31: {  	s20 =	smul.u32 @!p0 $0x13880, s20;
	s21 =	simm.s32 @!p1 $0x0;
	s22 =	simm.s32 @!p2 $0x0  }
0x32: {  	s23 =	sxor.u32 @!p0 $0xFFFFFFFF, s16;
	s21 =	smul.u32 @!p0 s22, s21  }
0x33: {  	s19 =	ssub.s32 @!p0 s19, s20;
	s22 =	sshll.u32 @!p0 s23, $0xE;
	s23 =	smul.u32 @!p0 $0x138800, s15  }
0x34: {  	s31 =	sadd.s32 $0xFFFFFFFF, s16;
	s19 =	sshll.u32 @!p0 s19, $0x4  }
0x35: {  	s22 =	sand.u32 @!p0 $0x4000, s22;
	s20 =	sand.u32 @!p0 $0x3FFFFFC0, s21;
	s21 =	sadd.s32 @!p0 s6, s23  }
0x36: {  	s23 =	simm.s32 @!p0 $0x80;
	s19 =	sadd.s32 @!p0 s19, s21;
	s21 =	simm.s32 @!p0 $0x40  }
0x37: {  	[tilespmem:s22], [sflag:$0x1] =	stream.strided.gather @!p0 [hbm4b:s19+s21], s20, s23, s21, $0x38;
	[tilespmem:$0x10000] =	vst v63  }
0x38: {  	p0 =	sge.u32 s31, s5  }
.Ltmp2:
0x39: {  	_ = 	snop;
	(pc) =	sbr.rel @p0 .LBB1_8-.Ltmp2, $1  }
0x3a: {  	_ =	sdelay $0x3  }
0x3b: {  	p0 =	sgt.s32 s13, $0x1;
	s19 =	smov.u32 s13  }
0x3c: {  	s20 =	sshra.s32 s13, $0x1F;
	s21 =	smov.u32 s12;
	s22 =	sshra.s32 s12, $0x1F  }
0x3d: {  	s19 =	simm.s32 @!p0 $0x1;
	s20 =	sand.u32 s20, s13;
	p0 =	sgt.s32 s12, $0x13780  }
0x3e: {  	s22 =	sand.u32 s22, s12;
	s20 =	sxor.u32 $0xFFFFFFFF, s20;
	s21 =	simm.s32 @!p0 $0x13780  }
0x3f: {  	s19 =	sadd.s32 s20, s19;
	s30 =	ssub.s32 s21, s22;
	s22 =	sadd.s32 $0x100, s12  }
0x40: {  	p0 =	sgt.s32 s19, $0x0;
	s21 =	sadd.s32 $0xFFFEC880, s30;
	s19 =	sshll.u32 s19, $0x6  }
0x41: {  	p1 =	sgt.s32 s21, $0xFF;
	s19 =	ssub.s32 $0x40, s19;
	s21 =	sadd.s32 $0x1, s13  }
0x42: {  	s20 =	ssub.s32 $0x13880, s30;
	s19 =	simm.s32 @p0 $0x0;
	p0 =	slt.s32 s21, $0x2  }
0x43: {  	s20 =	simm.s32 @p1 $0x0;
	s21 =	simm.s32 @!p0 $0x2;
	p0 =	slt.s32 s22, $0x13880  }
0x44: {  	s19 =	smul.u32 s20, s19;
	s20 =	ssub.s32 s21, s13;
	s22 =	simm.s32 @!p0 $0x13880  }
0x45: {  	s21 =	ssub.s32 s22, s12;
	p0 =	slt.s32 s20, $0x1  }
0x46: {  	p1 =	slt.s32 @!p0 s21, $0x1  }
0x47: {  	p0 =	por p0, p1  }
.Ltmp3:
0x48: {  	_ = 	snop;
	(pc) =	sbr.rel @p0 .LBB1_7-.Ltmp3, $4  }
0x49: {  	s19 =	sand.u32 $0x3FFFFFC0, s19  }
0x4a: {  	_ =	swait.ge [sflag:s4], s19  }
0x4b: {  	s23 =	sshll.u32 s16, $0xE;
	s31 =	ssub.s32 $0x0, s19;
	[sflag:s4] =	ssyncset.done $0x0  }
0x4c: {  	s22 =	sand.u32 $0x4000, s23;
	[sflag:s4] =	ssyncadd.s32 s31  }
0x4d: {  	s23 =	sshll.u32 s11, $0x2  }
0x4e: {  	s23 =	sand.u32 $0x10000, s23  }
0x4f: {  	s24 =	simm.s32 $0x0;
	s23 =	sshrl.u32 s23, $0x2  }
0x50: {  	s25 =	simm.s32 $0x0;
	s26 =	simm.s32 $0x0;
	s23 =	sadd.s32 $0x8020, s23  }
.LBB1_4:
0x51: {  	s27 =	sshll.u32 s26, $0x10  }
0x52: {  	s27 =	sshra.s32 s27, $0x2  }
0x53: {  	s27 =	sadd.s32 s27, s22  }
0x54: {  	v0 =	vmov s27;
	_ =	sdelay $0x2  }
0x55: {  	p0 =	sne.s32 s21, $0x1  }
.Ltmp4:
0x56: {  	s29 =	sand.u32 $0x3FC0, s24;
	(pc) =	sbr.rel @!p0 .LBB1_6-.Ltmp4, $4  }
0x57: {  	v1 =	vld.idx.msk [tilespmem:v0+s29+$0x30 ss:$0x1], $0xffff  }
0x58: {  	v2 =	vld.idx.msk [tilespmem:v0+s29+$0x0 ss:$0x1], $0xffff  }
0x59: {  	s27 =	sand.u32 $0x40, s25;
	v3 =	vld.idx.msk [tilespmem:v0+s29+$0x10 ss:$0x1], $0xffff  }
0x5a: {  	s28 =	sadd.s32 $0xFFFFFFFF, s21;
	s27 =	sadd.s32 s27, s23;
	v4 =	vld.idx.msk [tilespmem:v0+s29+$0x20 ss:$0x1], $0xffff;
	s29 =	simm.s32 $0x40  }
.LBB1_5:
0x5b: {  	s30 =	sand.u32 $0x3FC0, s29;
	p0 =	sne.s32 s28, $0x1;
	s28 =	sadd.s32 $0xFFFFFFFF, s28  }
.Ltmp5:
0x5c: {  	[tilespmem:s27+$0x10] =	vst v1;
	v1 =	vld.idx.msk [tilespmem:v0+s30+$0x30 ss:$0x1], $0xffff;
	(pc) =	sbr.rel @p0 .LBB1_5-.Ltmp5, $4  }
0x5d: {  	[tilespmem:s27+$0xFFFFFFE0] =	vst v2;
	v2 =	vld.idx.msk [tilespmem:v0+s30+$0x0 ss:$0x1], $0xffff  }
0x5e: {  	[tilespmem:s27+$0xFFFFFFF0] =	vst v3;
	v3 =	vld.idx.msk [tilespmem:v0+s30+$0x10 ss:$0x1], $0xffff  }
0x5f: {  	[tilespmem:s27+$0x0] =	vst v4;
	v4 =	vld.idx.msk [tilespmem:v0+s30+$0x20 ss:$0x1], $0xffff  }
0x60: {  	s29 =	sadd.s32 $0x40, s29;
	s27 =	sadd.s32 $0x40, s27  }
.LBB1_6:
0x61: {  	s26 =	sadd.s32 $0x1, s26  }
0x62: {  	p0 =	sne.s32 s26, s20  }
.Ltmp6:
0x63: {  	_ = 	snop;
	(pc) =	sbr.rel @p0 .LBB1_4-.Ltmp6, $4  }
.Ltmp7:
0x64: {  	[tilespmem:s27+$0x10] =	vst v1;
	(pc) =	sbr.rel @!p0 .LBB1_7-.Ltmp7, $4  }
0x65: {  	[tilespmem:s27+$0xFFFFFFE0] =	vst v2  }
0x66: {  	[tilespmem:s27+$0xFFFFFFF0] =	vst v3  }
0x67: {  	s25 =	sadd.s32 $0x40, s25;
	[tilespmem:s27+$0x0] =	vst v4  }
0x68: {  	_ = 	snop  }
.LBB1_9:
0x69: {  	_ =	sfence.sel $0x180000  }
0x6a: {  	s2 =	simm.s32 $0x1;
	[bflag:$0x0] =	sbarrier.arrive $0xFFFF  }
0x6b: {  	s31 =	simm.s32 $0x2;
	[sflag:s2] =	ssyncpa.u1 $0x1  }
0x6c: {  	[sflag:s31] =	ssyncpa.u1 $0x1  }
0x6d: {  	p0 =	sne.s32 s0, $0x0;
	_ =	strace $0x90000089  }
0x6e: {  	s0 =	sadd.s32 @!p0 $0x100000, s1;
	[bflag:$0x2] =	sbarrier.arrive $0xFFFF  }
0x6f: {  	[sflag:s0] =	ssyncadd.tile.s32 @!p0 $0x1;
	_ =	shalt  }
.Lfunc_end1:
_tile_overlayer_lowered:
.L_overlay_start_2:
0x70: {  	(tag) =	ssettag $0x2  }
0x71: {  	s0 =	rddreg [dreg:$0x0];
	s2 =	stileid.u32  }
0x72: {  	s1 =	rddreg [dreg:$0x1];
	p0 =	sne.s32 s2, $0x0  }
0x73: {  	s3 =	rddreg [dreg:$0x2];
	[bflag:$0x3] =	sbarrier.arrive $0xFFFF;
	s2 =	simm.s32 @!p0 $0x1C01  }
0x74: {  	[timem:s3], [sflag:s2] =	dma.local @!p0 [hbm:s0], s1  }
0x75: {  	s0 =	simm.s32 @!p0 $0x1  }
0x76: {  	_ =	swait.ge @!p0 [sflag:s0], s1  }
0x77: {  	s1 =	ssub.s32 @!p0 $0x0, s1;
	[sflag:s0] =	ssyncset.done @!p0 $0x0  }
0x78: {  	[sflag:s0] =	ssyncadd.s32 @!p0 s1  }
0x79: {  	[bflag:$0x3] =	sbarrier.arrive $0xFFFF  }
0x7a: {  	_ =	shalt  }

// kernel: sparse-core-data-format-call.10.cloned.1.call-start
scs
called_computation.10_lowered:
.L_overlay_start_0:
0x0: {  	s2 =	sld [smem:$0x3FD9]  }
0x1: {  	s3 =	sld [smem:$0x3FFE];
	_ =	sdelay $0x1  }
0x2: {  	s1 =	srdreg.scid  }
0x3: {  	s0 =	sand.u32 $0x1, s1  }
0x4: {  	s18 =	sshll.u32 s0, $0xA;
	s2 =	sadd.s32 s3, s2  }
0x5: {  	s2 =	sadd.s32 s2, s18  }
0x6: {  	[smem:$0x3F9F] =	sst s2  }
0x7: {  	_ = 	snop  }
0x8: {  	(tm) =	ssettm $0x1  }
0x9: {  	s19 =	sld [smem:$0x3FFB];
	_ =	sdelay $0x3  }
0xa: {  	_ =	strace s19  }
0xb: {  	s2 =	sld [smem:$0x3FFC];
	_ =	sdelay $0x3  }
0xc: {  	_ =	strace s2  }
0xd: {  	s2 =	sld [smem:$0x3FFD];
	_ =	sdelay $0x3  }
0xe: {  	_ =	strace s2  }
0xf: {  	_ =	strace $0x8FFFFFFF  }
0x10: {  	s20 =	sld [smem:$0x3FDB];
	_ =	sdelay $0x1  }
0x11: {  	s21 =	simm.s32 $_scs_section_size  }
0x12: {  	s4 =	simm.s32 $_size__tile_overlayer_lowered;
	s5 =	simm.s32 $_tile_overlayer_lowered  }
0x13: {  	s6 =	simm.s32 $0x1BFF;
	s22 =	sshll.u32 s5, $0x1;
	s3 =	sadd.s32 s21, s20  }
0x14: {  	s23 =	simm.s32 $0x0;
	s4 =	sshll.u32 s4, $0x1;
	s5 =	sadd.s32 s22, s3  }
0x15: {  	[timem:s23], [sflag:s6] =	dma.local [hbm:s5], s4  }
0x16: {  	_ =	swait.ge [sflag:s6], s4  }
0x17: {  	s4 =	ssub.s32 $0x0, s4;
	[sflag:s6] =	ssyncset.done $0x0  }
0x18: {  	[sflag:s6] =	ssyncadd.s32 s4;
	_ =	sdelay $0x1  }
0x19: {  	s24 =	simm.s32 $0x1B8B  }
0x1a: {  	_ =	swait.ge [sflag:s24], $0x1  }
0x1b: {  	[sflag:s24] =	ssyncset.done $0x0  }
0x1c: {  	[sflag:s24] =	ssyncadd.s32 $0xFFFFFFFF  }
0x1d: {  	s4 =	sld [smem:$0x0]  }
0x1e: {  	s5 =	sand.u32 $0xFFFFFFFE, s1  }
0x1f: {  	p0 =	sne.s32 s1, s5  }
0x20: {  	s5 =	sshll.u32 @p0 s5, $0xE  }
0x21: {  	s5 =	sadd.s32 @p0 $0x11B8D, s5;
	s6 =	sshll.u32 @p0 s4, $0x11  }
0x22: {  	s5 =	sor.u32 @p0 s6, s5  }
0x23: {  	[sflag:s5] =	ssyncadd.remote.s32 @p0 $0x1;
	_ =	sdelay $0x1  }
0x24: {  	s5 =	simm.s32 @p0 $0x1B8D  }
0x25: {  	_ =	swait.eq @p0 [sflag:s5], $0x1  }
0x26: {  	[sflag:s5] =	ssyncadd.s32 @p0 $0xFFFFFFFF  }
0x27: {  	s6 =	sshll.u32 @!p0 s1, $0xE  }
0x28: {  	s6 =	sor.u32 @!p0 $0x4000, s6;
	s5 =	simm.s32 @!p0 $0x1B8D  }
0x29: {  	s4 =	sshll.u32 @!p0 s4, $0x11;
	s6 =	sadd.s32 @!p0 $0x11B8D, s6;
	_ =	swait.eq @!p0 [sflag:s5], $0x1  }
0x2a: {  	s4 =	sor.u32 @!p0 s4, s6;
	[sflag:s5] =	ssyncadd.s32 @!p0 $0xFFFFFFFF  }
0x2b: {  	s26 =	simm.s32 $0x1B8E;
	s25 =	sld [smem:$0x3FFE];
	[sflag:s4] =	ssyncadd.remote.s32 @!p0 $0x1  }
0x2c: {  	s27 =	simm.s32 $execute0_lowered;
	[smem:$0x3FD2] =	sst s26  }
0x2d: {  	s5 =	sshll.u32 s27, $0x1;
	_ =	strace $0x80000073;
	[dreg:$0x1] =	wrdreg $0xFFFFFFFF  }
0x2e: {  	s28 =	simm.s32 $_size_execute0_lowered;
	s3 =	sadd.s32 s3, s5;
	[dreg:$0x0] =	wrdreg $0x0  }
0x2f: {  	s5 =	sshll.u32 s28, $0x1;
	[dreg:$0x2] =	wrdreg s3  }
0x30: {  	[dreg:$0x3] =	wrdreg s5  }
0x31: {  	[dreg:$0x4] =	wrdreg $0xC0  }
0x32: {  	_ =	task [dreg:s23], $0x5FFFF  }
0x33: {  	[dreg:$0x1] =	wrdreg $0xFFFFFFFF  }
0x34: {  	[dreg:$0x0] =	wrdreg $0x60  }
0x35: {  	[dreg:$0x2] =	wrdreg s25  }
0x36: {  	[dreg:$0x3] =	wrdreg $0xB  }
0x37: {  	_ =	task.clear_ibuf [dreg:s23], $0x4FFFF;
	_ =	strace $0x90000073  }
0x38: {  	s29 =	simm.s32 $0xB;
	_ =	strace $0x80000075  }
0x39: {  	_ =	swait.ge [sflag:s29], $0x1  }
0x3a: {  	[sflag:s29] =	ssyncadd.s32 $0xFFFFFFFF  }
0x3b: {  	_ =	strace $0x90000075  }
0x3c: {  	_ =	sfence  }
0x3d: {  	s30 =	sld [smem:$0x0];
	_ =	sdelay $0x2  }
0x3e: {  	s31 =	sshll.u32 s1, $0xD;
	s1 =	sshrl.u32 s1, $0x2  }
0x3f: {  	s4 =	sand.u32 $0x4000, s31;
	s1 =	sadd.s32 s1, s30  }
0x40: {  	s0 =	sor.u32 s4, s0;
	s1 =	sshll.u32 s1, $0x11  }
0x41: {  	s0 =	sor.u32 s1, s0  }
0x42: {  	s0 =	sadd.s32 $0x8F2B, s0  }
0x43: {  	[sflag:s0] =	ssyncadd.remote.s32 $0x1  }
0x44: {  	_ =	sfence.sel $0xFFFF  }
0x45: {  	[dreg:$0x0] =	wrdreg $0xFFFFFFFF;
	(pc) =	sbr.abs _section_cstart, $3  }
0x46: {  	[dreg:$0x1] =	wrdreg $0xFFFFFFFF  }
0x47: {  	_ =	task.clear_ibuf [dreg:s23], $0x2FFFF;
	_ =	strace $0x9FFFFFFF  }
0x48: {  	(tm) =	ssettm $0x7FFFFFFF  }
0x49: {  	_ =	shalt  }
tec
execute0_lowered:
.L_overlay_start_1:
0x0: {  	(tag) =	ssettag $0x1  }
0x1: {  	s6 =	rddreg [dreg:$0x0];
	s2 =	srdreg.scid  }
0x2: {  	s1 =	stileid.u32;
	s0 =	rddreg [dreg:$0x1];
	_ =	strace $0x80000074  }
0x3: {  	s31 =	simm.s32 $0x2;
	s15 =	simm.s32 $0x0;
	s10 =	simm.s32 $0x80  }
0x4: {  	s11 =	simm.s32 $0x0;
	s16 =	simm.s32 $0x0;
	s12 =	simm.s32 $0x0  }
0x5: {  	s14 =	simm.s32 $0x0;
	s2 =	sand.u32 $0x1, s2;
	s3 =	sshll.u32 s1, $0x8  }
0x6: {  	s4 =	ssub.s32 $0x13800, s3;
	s5 =	ssub.s32 $0x2, s2;
	s7 =	sshll.u32 s2, $0x4  }
.Ltmp0:
0x7: {  	s8 =	sshrl.u32 s4, $0xC;
	s9 =	sshrl.u32 s5, $0x1;
	(pc) =	sbr.rel .LBB1_1-.Ltmp0, $4  }
0x8: {  	s13 =	smov.u32 s3;
	s8 =	sadd.s32 $0x1, s8;
	s5 =	ssub.s32 s5, s9  }
0x9: {  	s4 =	simm.s32 $0x1;
	s7 =	sadd.s32 s7, s6;
	s5 =	smul.u32 s8, s5  }
0xa: {  	s6 =	sadd.s32 $0x1265400, s6;
	[sflag:s4] =	ssyncpa.u1 $0x0;
	s7 =	sadd.s32 $0xFF4400, s7  }
0xb: {  	s9 =	simm.s32 $0x40;
	[sflag:s31] =	ssyncpa.u1 $0x0;
	s8 =	sadd.s32 $0x1, s5  }
.LBB1_5:
0xc: {  	_ =	sdelay $0x3  }
0xd: {  	[tilespmem:v0+s21+$0x0 ss:$0x1] =	vst.idx.msk $0xffff, v1  }
0xe: {  	[tilespmem:v0+s21+$0x10 ss:$0x1] =	vst.idx.msk $0xffff, v2  }
0xf: {  	[tilespmem:v0+s21+$0x20 ss:$0x1] =	vst.idx.msk $0xffff, v3  }
.LBB1_6:
0x10: {  	s19 =	sand.u32 $0x1FFFFFF, s12  }
0x11: {  	s20 =	smulhi.u32 $0x1A36E2F, s19;
	_ =	sdelay $0x1  }
0x12: {  	s20 =	sshrl.u32 s20, $0x9  }
0x13: {  	s20 =	smul.u32 $0x13880, s20  }
0x14: {  	s16 =	smul.u32 $0x138800, s16  }
0x15: {  	s19 =	ssub.s32 s19, s20  }
0x16: {  	s16 =	sadd.s32 s6, s16;
	s19 =	sshll.u32 s19, $0x4  }
0x17: {  	s16 =	sadd.s32 s19, s16  }
0x18: {  	[hbm4b:s16+s9] =	stream.strided.scatter [tilespmem:s18], [sflag:$0x2], s17, s10, s9, $0x38;
	[tilespmem:$0x10000] =	vst v63  }
.LBB1_7:
0x19: {  	p0 =	slt.u32 s14, $0x2  }
0x1a: {  	p1 =	sgt.s32 @!p0 s15, $0x13780  }
0x1b: {  	s16 =	smov.u32 s15;
	s17 =	sshra.s32 @!p0 s15, $0x1F;
	p1 =	por !p1, p0  }
0x1c: {  	s15 =	sand.u32 @!p0 s17, s15;
	s16 =	simm.s32 @p1 $0x13780  }
0x1d: {  	s15 =	ssub.s32 @!p0 s16, s15  }
0x1e: {  	s15 =	sadd.s32 @!p0 $0xFFFEC880, s15  }
0x1f: {  	s16 =	sshll.u32 @!p0 s15, $0x6  }
0x20: {  	p1 =	sgt.s32 @!p0 s15, $0xFF;
	s15 =	ssub.s32 @!p0 $0x4000, s16  }
0x21: {  	s17 =	sadd.s32 $0x1000, s13;
	p1 =	por !p1, p0;
	s15 =	sand.u32 @!p0 $0x3FFFFFC0, s15  }
0x22: {  	s15 =	simm.s32 @!p1 $0x0;
	p1 =	sgt.s32 s17, $0x1387F  }
0x23: {  	s17 =	smov.u32 @p1 s3;
	p1 =	sne.s32 s14, s8  }
.Ltmp1:
0x24: {  	_ = 	snop;
	(pc) =	sbr.rel @!p1 .LBB1_8-.Ltmp1, $4  }
0x25: {  	s11 =	sadd.s32 $0x4000, s11;
	s16 =	simm.s32 @!p0 $0x2  }
0x26: {  	_ =	swait.ge @!p0 [sflag:s16], s15;
	s18 =	ssub.s32 @!p0 $0x0, s15;
	s15 =	smov.u32 s12  }
0x27: {  	s14 =	sadd.s32 $0x1, s14;
	s12 =	smov.u32 s13;
	[sflag:s16] =	ssyncset.done @!p0 $0x0  }
0x28: {  	s13 =	smov.u32 s17;
	[sflag:s16] =	ssyncadd.s32 @!p0 s18;
	s16 =	smov.u32 s2  }
.LBB1_1:
0x29: {  	p0 =	sge.u32 s14, s5  }
0x2a: {  	p1 =	sgt.s32 @!p0 s13, $0x13780  }
0x2b: {  	s17 =	smov.u32 s13;
	s18 =	sshra.s32 @!p0 s13, $0x1F;
	p1 =	por !p1, p0  }
0x2c: {  	s18 =	sand.u32 @!p0 s18, s13;
	s17 =	simm.s32 @p1 $0x13780  }
0x2d: {  	s17 =	ssub.s32 @!p0 s17, s18  }
0x2e: {  	s31 =	sadd.s32 $0xFFFFFFFF, s14;
	s19 =	sxor.u32 @!p0 $0xFFFFFFFF, s14;
	s17 =	sadd.s32 @!p0 $0xFFFEC880, s17  }
0x2f: {  	s20 =	simm.s32 @!p0 $0x40;
	s21 =	simm.s32 @!p0 $0x100;
	s18 =	sshll.u32 @!p0 s17, $0x6  }
0x30: {  	p1 =	sgt.s32 @!p0 s17, $0xFF;
	s17 =	ssub.s32 @!p0 $0x4000, s18;
	s18 =	sshll.u32 @!p0 s19, $0xE  }
0x31: {  	p1 =	por !p1, p0;
	s19 =	sshll.u32 @!p0 s13, $0x5;
	s17 =	sand.u32 @!p0 $0x3FFFFFC0, s17  }
0x32: {  	s18 =	sand.u32 @!p0 $0x4000, s18;
	s19 =	sadd.s32 @!p0 s19, s7;
	s17 =	simm.s32 @!p1 $0x0  }
0x33: {  	[tilespmem:s18], [sflag:$0x1] =	stream.strided.gather @!p0 [hbm4b:s19+s20], s17, s21, s20, $0x38;
	[tilespmem:$0x10000] =	vst v63  }
0x34: {  	p0 =	sge.u32 s31, s5  }
.Ltmp2:
0x35: {  	_ = 	snop;
	(pc) =	sbr.rel @p0 .LBB1_7-.Ltmp2, $1  }
0x36: {  	_ =	sdelay $0x3  }
0x37: {  	p0 =	sgt.s32 s12, $0x13780;
	s17 =	smov.u32 s12;
	s18 =	sshra.s32 s12, $0x1F  }
0x38: {  	s17 =	simm.s32 @!p0 $0x13780;
	s18 =	sand.u32 s18, s12  }
0x39: {  	s17 =	ssub.s32 s17, s18  }
0x3a: {  	s17 =	sadd.s32 $0xFFFEC880, s17  }
0x3b: {  	s30 =	sshll.u32 s17, $0x6  }
0x3c: {  	s18 =	ssub.s32 $0x4000, s30  }
0x3d: {  	p0 =	sgt.s32 s17, $0xFF;
	s17 =	sand.u32 $0x3FFFFFC0, s18;
	s18 =	sadd.s32 $0x100, s12  }
0x3e: {  	s17 =	simm.s32 @p0 $0x0;
	p0 =	slt.s32 s18, $0x13880  }
0x3f: {  	s18 =	simm.s32 @!p0 $0x13880  }
0x40: {  	s20 =	ssub.s32 s18, s12  }
0x41: {  	p0 =	slt.s32 s20, $0x1  }
.Ltmp3:
0x42: {  	_ = 	snop;
	(pc) =	sbr.rel @p0 .LBB1_6-.Ltmp3, $4  }
0x43: {  	_ = 	snop  }
0x44: {  	s21 =	sshll.u32 s14, $0xE;
	_ =	swait.ge [sflag:s4], s17  }
0x45: {  	s31 =	sand.u32 $0x4000, s21;
	s19 =	ssub.s32 $0x0, s17;
	[sflag:s4] =	ssyncset.done $0x0  }
0x46: {  	s18 =	sor.u32 $0x8000, s31;
	[sflag:s4] =	ssyncadd.s32 s19  }
0x47: {  	s19 =	sand.u32 $0x4000, s11  }
0x48: {  	s22 =	sor.u32 $0x20, s19  }
0x49: {  	v0 =	vmov s18;
	p0 =	sne.s32 s20, $0x1;
	v4 =	vld [tilespmem:s22+$0x10]  }
.Ltmp4:
0x4a: {  	v1 =	vld [tilespmem:s22+$0xFFFFFFE0];
	(pc) =	sbr.rel @!p0 .LBB1_5-.Ltmp4, $4  }
0x4b: {  	v2 =	vld [tilespmem:s22+$0xFFFFFFF0]  }
0x4c: {  	s19 =	simm.s32 $0x0;
	v3 =	vld [tilespmem:s22+$0x0]  }
0x4d: {  	s21 =	sand.u32 $0x3FC0, s19  }
0x4e: {  	s20 =	sadd.s32 $0xFFFFFFFF, s20;
	s22 =	sadd.s32 $0x40, s22;
	[tilespmem:v0+s21+$0x30 ss:$0x1] =	vst.idx.msk $0xffff, v4  }
.LBB1_4:
0x4f: {  	v4 =	vld [tilespmem:s22+$0x10];
	p0 =	sne.s32 s20, $0x1;
	s20 =	sadd.s32 $0xFFFFFFFF, s20;
	[tilespmem:v0+s21+$0x0 ss:$0x1] =	vst.idx.msk $0xffff, v1  }
.Ltmp5:
0x50: {  	v1 =	vld [tilespmem:s22+$0xFFFFFFE0];
	[tilespmem:v0+s21+$0x10 ss:$0x1] =	vst.idx.msk $0xffff, v2;
	(pc) =	sbr.rel @p0 .LBB1_4-.Ltmp5, $4  }
0x51: {  	v2 =	vld [tilespmem:s22+$0xFFFFFFF0];
	[tilespmem:v0+s21+$0x20 ss:$0x1] =	vst.idx.msk $0xffff, v3  }
0x52: {  	s19 =	sadd.s32 $0x40, s19;
	v3 =	vld [tilespmem:s22+$0x0]  }
0x53: {  	s21 =	sand.u32 $0x3FC0, s19  }
0x54: {  	s22 =	sadd.s32 $0x40, s22;
	[tilespmem:v0+s21+$0x30 ss:$0x1] =	vst.idx.msk $0xffff, v4  }
.Ltmp6:
0x55: {  	_ = 	snop;
	(pc) =	sbr.rel .LBB1_5-.Ltmp6, $1  }
0x56: {  	_ =	sdelay $0x3  }
.LBB1_8:
0x57: {  	_ =	sfence.sel $0x180000  }
0x58: {  	s2 =	simm.s32 $0x1;
	[bflag:$0x0] =	sbarrier.arrive $0xFFFF  }
0x59: {  	s31 =	simm.s32 $0x2;
	[sflag:s2] =	ssyncpa.u1 $0x1  }
0x5a: {  	[sflag:s31] =	ssyncpa.u1 $0x1  }
0x5b: {  	p0 =	sne.s32 s1, $0x0;
	_ =	strace $0x90000074  }
0x5c: {  	s0 =	sadd.s32 @!p0 $0x100000, s0;
	[bflag:$0x2] =	sbarrier.arrive $0xFFFF  }
0x5d: {  	[sflag:s0] =	ssyncadd.tile.s32 @!p0 $0x1;
	_ =	shalt  }
.Lfunc_end1:
_tile_overlayer_lowered:
.L_overlay_start_2:
0x5e: {  	(tag) =	ssettag $0x2  }
0x5f: {  	s0 =	rddreg [dreg:$0x0];
	s2 =	stileid.u32  }
0x60: {  	s1 =	rddreg [dreg:$0x1];
	p0 =	sne.s32 s2, $0x0  }
0x61: {  	s3 =	rddreg [dreg:$0x2];
	[bflag:$0x3] =	sbarrier.arrive $0xFFFF;
	s2 =	simm.s32 @!p0 $0x1C01  }
0x62: {  	[timem:s3], [sflag:s2] =	dma.local @!p0 [hbm:s0], s1  }
0x63: {  	s0 =	simm.s32 @!p0 $0x1  }
0x64: {  	_ =	swait.ge @!p0 [sflag:s0], s1  }
0x65: {  	s1 =	ssub.s32 @!p0 $0x0, s1;
	[sflag:s0] =	ssyncset.done @!p0 $0x0  }
0x66: {  	[sflag:s0] =	ssyncadd.s32 @!p0 s1  }
0x67: {  	[bflag:$0x3] =	sbarrier.arrive $0xFFFF  }
0x68: {  	_ =	shalt  }

// kernel: sparse-core-data-format-call.11.cloned.1.call-start
scs
called_computation.11_lowered:
.L_overlay_start_0:
0x0: {  	s1 =	sld [smem:$0x3FD9]  }
0x1: {  	s2 =	sld [smem:$0x3FFE];
	_ =	sdelay $0x1  }
0x2: {  	s3 =	srdreg.scid  }
0x3: {  	s0 =	sand.u32 $0x1, s3  }
0x4: {  	s17 =	sshll.u32 s0, $0xA;
	s1 =	sadd.s32 s2, s1  }
0x5: {  	s1 =	sadd.s32 s1, s17  }
0x6: {  	[smem:$0x3F9F] =	sst s1  }
0x7: {  	_ = 	snop  }
0x8: {  	(tm) =	ssettm $0x1  }
0x9: {  	s18 =	sld [smem:$0x3FFB];
	_ =	sdelay $0x3  }
0xa: {  	_ =	strace s18  }
0xb: {  	s1 =	sld [smem:$0x3FFC];
	_ =	sdelay $0x3  }
0xc: {  	_ =	strace s1  }
0xd: {  	s1 =	sld [smem:$0x3FFD];
	_ =	sdelay $0x3  }
0xe: {  	_ =	strace s1  }
0xf: {  	_ =	strace $0x8FFFFFFF  }
0x10: {  	s19 =	sld [smem:$0x3FDB];
	_ =	sdelay $0x1  }
0x11: {  	s20 =	simm.s32 $_scs_section_size  }
0x12: {  	s4 =	simm.s32 $_size__tile_overlayer_lowered;
	s5 =	simm.s32 $_tile_overlayer_lowered  }
0x13: {  	s23 =	simm.s32 $0x1BFF;
	s22 =	sshll.u32 s5, $0x1;
	s1 =	sadd.s32 s20, s19  }
0x14: {  	s6 =	simm.s32 $0x0;
	s21 =	sshll.u32 s4, $0x1;
	s4 =	sadd.s32 s22, s1  }
0x15: {  	[timem:s6], [sflag:s23] =	dma.local [hbm:s4], s21  }
0x16: {  	_ =	swait.ge [sflag:s23], s21  }
0x17: {  	s2 =	ssub.s32 $0x0, s21;
	[sflag:s23] =	ssyncset.done $0x0  }
0x18: {  	[sflag:s23] =	ssyncadd.s32 s2;
	_ =	sdelay $0x1  }
0x19: {  	s24 =	simm.s32 $0x1B8B  }
0x1a: {  	_ =	swait.ge [sflag:s24], $0x1  }
0x1b: {  	[sflag:s24] =	ssyncset.done $0x0  }
0x1c: {  	s26 =	simm.s32 $0x1B8E;
	s25 =	sld [smem:$0x3FFE];
	[sflag:s24] =	ssyncadd.s32 $0xFFFFFFFF  }
0x1d: {  	s27 =	simm.s32 $execute0_lowered;
	[smem:$0x3FD2] =	sst s26  }
0x1e: {  	s4 =	sshll.u32 s27, $0x1;
	_ =	strace $0x8000006A;
	[dreg:$0x1] =	wrdreg $0xFFFFFFFF  }
0x1f: {  	s28 =	simm.s32 $_size_execute0_lowered;
	s1 =	sadd.s32 s1, s4;
	[dreg:$0x0] =	wrdreg $0x0  }
0x20: {  	s4 =	sshll.u32 s28, $0x1;
	[dreg:$0x2] =	wrdreg s1  }
0x21: {  	[dreg:$0x3] =	wrdreg s4  }
0x22: {  	[dreg:$0x4] =	wrdreg $0xC0  }
0x23: {  	_ =	task [dreg:s6], $0x5FFFF  }
0x24: {  	[dreg:$0x1] =	wrdreg $0xFFFFFFFF  }
0x25: {  	[dreg:$0x0] =	wrdreg $0x60  }
0x26: {  	[dreg:$0x2] =	wrdreg s25  }
0x27: {  	[dreg:$0x3] =	wrdreg $0xC  }
0x28: {  	_ =	task.clear_ibuf [dreg:s6], $0x4FFFF;
	_ =	strace $0x9000006A  }
0x29: {  	s29 =	simm.s32 $0xC;
	_ =	strace $0x8000006C  }
0x2a: {  	_ =	swait.ge [sflag:s29], $0x1  }
0x2b: {  	[sflag:s29] =	ssyncadd.s32 $0xFFFFFFFF  }
0x2c: {  	_ =	strace $0x9000006C  }
0x2d: {  	_ =	sfence  }
0x2e: {  	s30 =	sld [smem:$0x0];
	_ =	sdelay $0x2  }
0x2f: {  	s31 =	sshll.u32 s3, $0xD;
	s3 =	sshrl.u32 s3, $0x2  }
0x30: {  	s2 =	sand.u32 $0x4000, s31;
	s1 =	sadd.s32 s3, s30  }
0x31: {  	s0 =	sor.u32 s2, s0;
	s1 =	sshll.u32 s1, $0x11  }
0x32: {  	s0 =	sor.u32 s1, s0  }
0x33: {  	s0 =	sadd.s32 $0x8F2B, s0  }
0x34: {  	[sflag:s0] =	ssyncadd.remote.s32 $0x1  }
0x35: {  	_ =	sfence.sel $0xFFFF  }
0x36: {  	[dreg:$0x0] =	wrdreg $0xFFFFFFFF;
	(pc) =	sbr.abs _section_cstart, $3  }
0x37: {  	[dreg:$0x1] =	wrdreg $0xFFFFFFFF  }
0x38: {  	_ =	task.clear_ibuf [dreg:s6], $0x2FFFF;
	_ =	strace $0x9FFFFFFF  }
0x39: {  	(tm) =	ssettm $0x7FFFFFFF  }
tec
execute0_lowered:
.L_overlay_start_1:
0x0: {  	(tag) =	ssettag $0x1  }
0x1: {  	s6 =	rddreg [dreg:$0x0];
	s2 =	srdreg.scid  }
0x2: {  	s1 =	stileid.u32;
	s0 =	rddreg [dreg:$0x1];
	_ =	strace $0x8000006B  }
0x3: {  	s31 =	simm.s32 $0x2;
	s15 =	simm.s32 $0x0;
	s10 =	simm.s32 $0x80  }
0x4: {  	s11 =	simm.s32 $0x0;
	s16 =	simm.s32 $0x0;
	s12 =	simm.s32 $0x0  }
0x5: {  	s14 =	simm.s32 $0x0;
	s2 =	sand.u32 $0x1, s2;
	s3 =	sshll.u32 s1, $0x8  }
0x6: {  	s4 =	ssub.s32 $0x13800, s3;
	s5 =	ssub.s32 $0x2, s2;
	s7 =	sshll.u32 s2, $0x4  }
.Ltmp0:
0x7: {  	s8 =	sshrl.u32 s4, $0xC;
	s9 =	sshrl.u32 s5, $0x1;
	(pc) =	sbr.rel .LBB1_1-.Ltmp0, $4  }
0x8: {  	s13 =	smov.u32 s3;
	s8 =	sadd.s32 $0x1, s8;
	s5 =	ssub.s32 s5, s9  }
0x9: {  	s4 =	simm.s32 $0x1;
	s7 =	sadd.s32 s7, s6;
	s5 =	smul.u32 s8, s5  }
0xa: {  	s6 =	sadd.s32 $0x3BF400, s6;
	[sflag:s4] =	ssyncpa.u1 $0x0;
	s7 =	sadd.s32 $0x14E400, s7  }
0xb: {  	s9 =	simm.s32 $0x40;
	[sflag:s31] =	ssyncpa.u1 $0x0;
	s8 =	sadd.s32 $0x1, s5  }
.LBB1_5:
0xc: {  	_ =	sdelay $0x3  }
0xd: {  	[tilespmem:v0+s21+$0x0 ss:$0x1] =	vst.idx.msk $0xffff, v1  }
0xe: {  	[tilespmem:v0+s21+$0x10 ss:$0x1] =	vst.idx.msk $0xffff, v2  }
0xf: {  	[tilespmem:v0+s21+$0x20 ss:$0x1] =	vst.idx.msk $0xffff, v3  }
.LBB1_6:
0x10: {  	s19 =	sand.u32 $0x1FFFFFF, s12  }
0x11: {  	s20 =	smulhi.u32 $0x1A36E2F, s19;
	_ =	sdelay $0x1  }
0x12: {  	s20 =	sshrl.u32 s20, $0x9  }
0x13: {  	s20 =	smul.u32 $0x13880, s20  }
0x14: {  	s16 =	smul.u32 $0x138800, s16  }
0x15: {  	s19 =	ssub.s32 s19, s20  }
0x16: {  	s16 =	sadd.s32 s6, s16;
	s19 =	sshll.u32 s19, $0x4  }
0x17: {  	s16 =	sadd.s32 s19, s16  }
0x18: {  	[hbm4b:s16+s9] =	stream.strided.scatter [tilespmem:s18], [sflag:$0x2], s17, s10, s9, $0x38;
	[tilespmem:$0x10000] =	vst v63  }
.LBB1_7:
0x19: {  	p0 =	slt.u32 s14, $0x2  }
0x1a: {  	p1 =	sgt.s32 @!p0 s15, $0x13780  }
0x1b: {  	s16 =	smov.u32 s15;
	s17 =	sshra.s32 @!p0 s15, $0x1F;
	p1 =	por !p1, p0  }
0x1c: {  	s15 =	sand.u32 @!p0 s17, s15;
	s16 =	simm.s32 @p1 $0x13780  }
0x1d: {  	s15 =	ssub.s32 @!p0 s16, s15  }
0x1e: {  	s15 =	sadd.s32 @!p0 $0xFFFEC880, s15  }
0x1f: {  	s16 =	sshll.u32 @!p0 s15, $0x6  }
0x20: {  	p1 =	sgt.s32 @!p0 s15, $0xFF;
	s15 =	ssub.s32 @!p0 $0x4000, s16  }
0x21: {  	s17 =	sadd.s32 $0x1000, s13;
	p1 =	por !p1, p0;
	s15 =	sand.u32 @!p0 $0x3FFFFFC0, s15  }
0x22: {  	s15 =	simm.s32 @!p1 $0x0;
	p1 =	sgt.s32 s17, $0x1387F  }
0x23: {  	s17 =	smov.u32 @p1 s3;
	p1 =	sne.s32 s14, s8  }
.Ltmp1:
0x24: {  	_ = 	snop;
	(pc) =	sbr.rel @!p1 .LBB1_8-.Ltmp1, $4  }
0x25: {  	s11 =	sadd.s32 $0x4000, s11;
	s16 =	simm.s32 @!p0 $0x2  }
0x26: {  	_ =	swait.ge @!p0 [sflag:s16], s15;
	s18 =	ssub.s32 @!p0 $0x0, s15;
	s15 =	smov.u32 s12  }
0x27: {  	s14 =	sadd.s32 $0x1, s14;
	s12 =	smov.u32 s13;
	[sflag:s16] =	ssyncset.done @!p0 $0x0  }
0x28: {  	s13 =	smov.u32 s17;
	[sflag:s16] =	ssyncadd.s32 @!p0 s18;
	s16 =	smov.u32 s2  }
.LBB1_1:
0x29: {  	p0 =	sge.u32 s14, s5  }
0x2a: {  	p1 =	sgt.s32 @!p0 s13, $0x13780  }
0x2b: {  	s17 =	smov.u32 s13;
	s18 =	sshra.s32 @!p0 s13, $0x1F;
	p1 =	por !p1, p0  }
0x2c: {  	s18 =	sand.u32 @!p0 s18, s13;
	s17 =	simm.s32 @p1 $0x13780  }
0x2d: {  	s17 =	ssub.s32 @!p0 s17, s18  }
0x2e: {  	s31 =	sadd.s32 $0xFFFFFFFF, s14;
	s19 =	sxor.u32 @!p0 $0xFFFFFFFF, s14;
	s17 =	sadd.s32 @!p0 $0xFFFEC880, s17  }
0x2f: {  	s20 =	simm.s32 @!p0 $0x40;
	s21 =	simm.s32 @!p0 $0x100;
	s18 =	sshll.u32 @!p0 s17, $0x6  }
0x30: {  	p1 =	sgt.s32 @!p0 s17, $0xFF;
	s17 =	ssub.s32 @!p0 $0x4000, s18;
	s18 =	sshll.u32 @!p0 s19, $0xE  }
0x31: {  	p1 =	por !p1, p0;
	s19 =	sshll.u32 @!p0 s13, $0x5;
	s17 =	sand.u32 @!p0 $0x3FFFFFC0, s17  }
0x32: {  	s18 =	sand.u32 @!p0 $0x4000, s18;
	s19 =	sadd.s32 @!p0 s19, s7;
	s17 =	simm.s32 @!p1 $0x0  }
0x33: {  	[tilespmem:s18], [sflag:$0x1] =	stream.strided.gather @!p0 [hbm4b:s19+s20], s17, s21, s20, $0x38;
	[tilespmem:$0x10000] =	vst v63  }
0x34: {  	p0 =	sge.u32 s31, s5  }
.Ltmp2:
0x35: {  	_ = 	snop;
	(pc) =	sbr.rel @p0 .LBB1_7-.Ltmp2, $1  }
0x36: {  	_ =	sdelay $0x3  }
0x37: {  	p0 =	sgt.s32 s12, $0x13780;
	s17 =	smov.u32 s12;
	s18 =	sshra.s32 s12, $0x1F  }
0x38: {  	s17 =	simm.s32 @!p0 $0x13780;
	s18 =	sand.u32 s18, s12  }
0x39: {  	s17 =	ssub.s32 s17, s18  }
0x3a: {  	s17 =	sadd.s32 $0xFFFEC880, s17  }
0x3b: {  	s30 =	sshll.u32 s17, $0x6  }
0x3c: {  	s18 =	ssub.s32 $0x4000, s30  }
0x3d: {  	p0 =	sgt.s32 s17, $0xFF;
	s17 =	sand.u32 $0x3FFFFFC0, s18;
	s18 =	sadd.s32 $0x100, s12  }
0x3e: {  	s17 =	simm.s32 @p0 $0x0;
	p0 =	slt.s32 s18, $0x13880  }
0x3f: {  	s18 =	simm.s32 @!p0 $0x13880  }
0x40: {  	s20 =	ssub.s32 s18, s12  }
0x41: {  	p0 =	slt.s32 s20, $0x1  }
.Ltmp3:
0x42: {  	_ = 	snop;
	(pc) =	sbr.rel @p0 .LBB1_6-.Ltmp3, $4  }
0x43: {  	_ = 	snop  }
0x44: {  	s21 =	sshll.u32 s14, $0xE;
	_ =	swait.ge [sflag:s4], s17  }
0x45: {  	s31 =	sand.u32 $0x4000, s21;
	s19 =	ssub.s32 $0x0, s17;
	[sflag:s4] =	ssyncset.done $0x0  }
0x46: {  	s18 =	sor.u32 $0x8000, s31;
	[sflag:s4] =	ssyncadd.s32 s19  }
0x47: {  	s19 =	sand.u32 $0x4000, s11  }
0x48: {  	s22 =	sor.u32 $0x20, s19  }
0x49: {  	v0 =	vmov s18;
	p0 =	sne.s32 s20, $0x1;
	v4 =	vld [tilespmem:s22+$0x10]  }
.Ltmp4:
0x4a: {  	v1 =	vld [tilespmem:s22+$0xFFFFFFE0];
	(pc) =	sbr.rel @!p0 .LBB1_5-.Ltmp4, $4  }
0x4b: {  	v2 =	vld [tilespmem:s22+$0xFFFFFFF0]  }
0x4c: {  	s19 =	simm.s32 $0x0;
	v3 =	vld [tilespmem:s22+$0x0]  }
0x4d: {  	s21 =	sand.u32 $0x3FC0, s19  }
0x4e: {  	s20 =	sadd.s32 $0xFFFFFFFF, s20;
	s22 =	sadd.s32 $0x40, s22;
	[tilespmem:v0+s21+$0x30 ss:$0x1] =	vst.idx.msk $0xffff, v4  }
.LBB1_4:
0x4f: {  	v4 =	vld [tilespmem:s22+$0x10];
	p0 =	sne.s32 s20, $0x1;
	s20 =	sadd.s32 $0xFFFFFFFF, s20;
	[tilespmem:v0+s21+$0x0 ss:$0x1] =	vst.idx.msk $0xffff, v1  }
.Ltmp5:
0x50: {  	v1 =	vld [tilespmem:s22+$0xFFFFFFE0];
	[tilespmem:v0+s21+$0x10 ss:$0x1] =	vst.idx.msk $0xffff, v2;
	(pc) =	sbr.rel @p0 .LBB1_4-.Ltmp5, $4  }
0x51: {  	v2 =	vld [tilespmem:s22+$0xFFFFFFF0];
	[tilespmem:v0+s21+$0x20 ss:$0x1] =	vst.idx.msk $0xffff, v3  }
0x52: {  	s19 =	sadd.s32 $0x40, s19;
	v3 =	vld [tilespmem:s22+$0x0]  }
0x53: {  	s21 =	sand.u32 $0x3FC0, s19  }
0x54: {  	s22 =	sadd.s32 $0x40, s22;
	[tilespmem:v0+s21+$0x30 ss:$0x1] =	vst.idx.msk $0xffff, v4  }
.Ltmp6:
0x55: {  	_ = 	snop;
	(pc) =	sbr.rel .LBB1_5-.Ltmp6, $1  }
0x56: {  	_ =	sdelay $0x3  }
.LBB1_8:
0x57: {  	_ =	sfence.sel $0x180000  }
0x58: {  	s2 =	simm.s32 $0x1;
	[bflag:$0x0] =	sbarrier.arrive $0xFFFF  }
0x59: {  	s31 =	simm.s32 $0x2;
	[sflag:s2] =	ssyncpa.u1 $0x1  }
0x5a: {  	[sflag:s31] =	ssyncpa.u1 $0x1  }
0x5b: {  	p0 =	sne.s32 s1, $0x0;
	_ =	strace $0x9000006B  }
0x5c: {  	s0 =	sadd.s32 @!p0 $0x100000, s0;
	[bflag:$0x2] =	sbarrier.arrive $0xFFFF  }
0x5d: {  	[sflag:s0] =	ssyncadd.tile.s32 @!p0 $0x1;
	_ =	shalt  }
.Lfunc_end1:
_tile_overlayer_lowered:
.L_overlay_start_2:
0x5e: {  	(tag) =	ssettag $0x2  }
0x5f: {  	s0 =	rddreg [dreg:$0x0];
	s2 =	stileid.u32  }
0x60: {  	s1 =	rddreg [dreg:$0x1];
	p0 =	sne.s32 s2, $0x0  }
0x61: {  	s3 =	rddreg [dreg:$0x2];
	[bflag:$0x3] =	sbarrier.arrive $0xFFFF;
	s2 =	simm.s32 @!p0 $0x1C01  }
0x62: {  	[timem:s3], [sflag:s2] =	dma.local @!p0 [hbm:s0], s1  }
0x63: {  	s0 =	simm.s32 @!p0 $0x1  }
0x64: {  	_ =	swait.ge @!p0 [sflag:s0], s1  }
0x65: {  	s1 =	ssub.s32 @!p0 $0x0, s1;
	[sflag:s0] =	ssyncset.done @!p0 $0x0  }
0x66: {  	[sflag:s0] =	ssyncadd.s32 @!p0 s1  }
0x67: {  	[bflag:$0x3] =	sbarrier.arrive $0xFFFF  }
0x68: {  	_ =	shalt  }

// kernel: sparse-core-data-format-call.12.cloned.1.call-start
scs
called_computation.12_lowered:
.L_overlay_start_0:
0x0: {  	s2 =	sld [smem:$0x3FD9]  }
0x1: {  	s3 =	sld [smem:$0x3FFE];
	_ =	sdelay $0x1  }
0x2: {  	s1 =	srdreg.scid  }
0x3: {  	s0 =	sand.u32 $0x1, s1  }
0x4: {  	s18 =	sshll.u32 s0, $0xA;
	s2 =	sadd.s32 s3, s2  }
0x5: {  	s2 =	sadd.s32 s2, s18  }
0x6: {  	[smem:$0x3F9F] =	sst s2  }
0x7: {  	_ = 	snop  }
0x8: {  	(tm) =	ssettm $0x1  }
0x9: {  	s19 =	sld [smem:$0x3FFB];
	_ =	sdelay $0x3  }
0xa: {  	_ =	strace s19  }
0xb: {  	s2 =	sld [smem:$0x3FFC];
	_ =	sdelay $0x3  }
0xc: {  	_ =	strace s2  }
0xd: {  	s2 =	sld [smem:$0x3FFD];
	_ =	sdelay $0x3  }
0xe: {  	_ =	strace s2  }
0xf: {  	_ =	strace $0x8FFFFFFF  }
0x10: {  	s20 =	sld [smem:$0x3FDB];
	_ =	sdelay $0x1  }
0x11: {  	s21 =	simm.s32 $_scs_section_size  }
0x12: {  	s4 =	simm.s32 $_size__tile_overlayer_lowered;
	s5 =	simm.s32 $_tile_overlayer_lowered  }
0x13: {  	s6 =	simm.s32 $0x1BFF;
	s22 =	sshll.u32 s5, $0x1;
	s3 =	sadd.s32 s21, s20  }
0x14: {  	s23 =	simm.s32 $0x0;
	s4 =	sshll.u32 s4, $0x1;
	s5 =	sadd.s32 s22, s3  }
0x15: {  	[timem:s23], [sflag:s6] =	dma.local [hbm:s5], s4  }
0x16: {  	_ =	swait.ge [sflag:s6], s4  }
0x17: {  	s4 =	ssub.s32 $0x0, s4;
	[sflag:s6] =	ssyncset.done $0x0  }
0x18: {  	[sflag:s6] =	ssyncadd.s32 s4;
	_ =	sdelay $0x1  }
0x19: {  	s24 =	simm.s32 $0x1B8B  }
0x1a: {  	_ =	swait.ge [sflag:s24], $0x1  }
0x1b: {  	[sflag:s24] =	ssyncset.done $0x0  }
0x1c: {  	[sflag:s24] =	ssyncadd.s32 $0xFFFFFFFF  }
0x1d: {  	s4 =	sld [smem:$0x0]  }
0x1e: {  	s5 =	sand.u32 $0xFFFFFFFE, s1  }
0x1f: {  	p0 =	sne.s32 s1, s5  }
0x20: {  	s5 =	sshll.u32 @p0 s5, $0xE  }
0x21: {  	s5 =	sadd.s32 @p0 $0x11B8D, s5;
	s6 =	sshll.u32 @p0 s4, $0x11  }
0x22: {  	s5 =	sor.u32 @p0 s6, s5  }
0x23: {  	[sflag:s5] =	ssyncadd.remote.s32 @p0 $0x1;
	_ =	sdelay $0x1  }
0x24: {  	s5 =	simm.s32 @p0 $0x1B8D  }
0x25: {  	_ =	swait.eq @p0 [sflag:s5], $0x1  }
0x26: {  	[sflag:s5] =	ssyncadd.s32 @p0 $0xFFFFFFFF  }
0x27: {  	s6 =	sshll.u32 @!p0 s1, $0xE  }
0x28: {  	s6 =	sor.u32 @!p0 $0x4000, s6;
	s5 =	simm.s32 @!p0 $0x1B8D  }
0x29: {  	s4 =	sshll.u32 @!p0 s4, $0x11;
	s6 =	sadd.s32 @!p0 $0x11B8D, s6;
	_ =	swait.eq @!p0 [sflag:s5], $0x1  }
0x2a: {  	s4 =	sor.u32 @!p0 s4, s6;
	[sflag:s5] =	ssyncadd.s32 @!p0 $0xFFFFFFFF  }
0x2b: {  	s26 =	simm.s32 $0x1B8E;
	s25 =	sld [smem:$0x3FFE];
	[sflag:s4] =	ssyncadd.remote.s32 @!p0 $0x1  }
0x2c: {  	s27 =	simm.s32 $execute0_lowered;
	[smem:$0x3FD2] =	sst s26  }
0x2d: {  	s5 =	sshll.u32 s27, $0x1;
	_ =	strace $0x80000067;
	[dreg:$0x1] =	wrdreg $0xFFFFFFFF  }
0x2e: {  	s28 =	simm.s32 $_size_execute0_lowered;
	s3 =	sadd.s32 s3, s5;
	[dreg:$0x0] =	wrdreg $0x0  }
0x2f: {  	s5 =	sshll.u32 s28, $0x1;
	[dreg:$0x2] =	wrdreg s3  }
0x30: {  	[dreg:$0x3] =	wrdreg s5  }
0x31: {  	[dreg:$0x4] =	wrdreg $0xC0  }
0x32: {  	_ =	task [dreg:s23], $0x5FFFF  }
0x33: {  	[dreg:$0x1] =	wrdreg $0xFFFFFFFF  }
0x34: {  	[dreg:$0x0] =	wrdreg $0x60  }
0x35: {  	[dreg:$0x2] =	wrdreg s25  }
0x36: {  	[dreg:$0x3] =	wrdreg $0x9  }
0x37: {  	_ =	task.clear_ibuf [dreg:s23], $0x4FFFF;
	_ =	strace $0x90000067  }
0x38: {  	s29 =	simm.s32 $0x9;
	_ =	strace $0x80000069  }
0x39: {  	_ =	swait.ge [sflag:s29], $0x1  }
0x3a: {  	[sflag:s29] =	ssyncadd.s32 $0xFFFFFFFF  }
0x3b: {  	_ =	strace $0x90000069  }
0x3c: {  	_ =	sfence  }
0x3d: {  	s30 =	sld [smem:$0x0];
	_ =	sdelay $0x2  }
0x3e: {  	s31 =	sshll.u32 s1, $0xD;
	s1 =	sshrl.u32 s1, $0x2  }
0x3f: {  	s4 =	sand.u32 $0x4000, s31;
	s1 =	sadd.s32 s1, s30  }
0x40: {  	s0 =	sor.u32 s4, s0;
	s1 =	sshll.u32 s1, $0x11  }
0x41: {  	s0 =	sor.u32 s1, s0  }
0x42: {  	s0 =	sadd.s32 $0x8F2B, s0  }
0x43: {  	[sflag:s0] =	ssyncadd.remote.s32 $0x1  }
0x44: {  	_ =	sfence.sel $0xFFFF  }
0x45: {  	[dreg:$0x0] =	wrdreg $0xFFFFFFFF;
	(pc) =	sbr.abs _section_cstart, $3  }
0x46: {  	[dreg:$0x1] =	wrdreg $0xFFFFFFFF  }
0x47: {  	_ =	task.clear_ibuf [dreg:s23], $0x2FFFF;
	_ =	strace $0x9FFFFFFF  }
0x48: {  	(tm) =	ssettm $0x7FFFFFFF  }
0x49: {  	_ =	shalt  }
tec
execute0_lowered:
.L_overlay_start_1:
0x0: {  	(tag) =	ssettag $0x1  }
0x1: {  	s0 =	stileid.u32  }
0x2: {  	s1 =	srdreg.scid;
	s7 =	rddreg [dreg:$0x0]  }
0x3: {  	s31 =	simm.s32 $0x2;
	s18 =	simm.s32 $0x0;
	s9 =	simm.s32 $0x40  }
0x4: {  	s10 =	simm.s32 $0x100;
	s11 =	simm.s32 $0x0;
	s17 =	simm.s32 $0x0  }
0x5: {  	s12 =	simm.s32 $0x0;
	s2 =	sshll.u32 s0, $0x7;
	s1 =	sshll.u32 s1, $0xB  }
0x6: {  	s13 =	simm.s32 $0x0;
	s3 =	sor.u32 s2, s1;
	s2 =	sand.u32 $0x1, s0  }
0x7: {  	s1 =	rddreg [dreg:$0x1];
	s3 =	sand.u32 $0xF00, s3;
	s4 =	ssub.s32 $0x2, s2  }
0x8: {  	_ =	strace $0x80000068;
	s5 =	ssub.s32 $0x13800, s3;
	s6 =	sshrl.u32 s4, $0x1  }
.Ltmp0:
0x9: {  	s8 =	sand.u32 $0x1, s4;
	s5 =	sshrl.u32 s5, $0xC;
	(pc) =	sbr.rel .LBB1_1-.Ltmp0, $4  }
0xa: {  	s4 =	simm.s32 $0x1;
	s6 =	sadd.s32 s8, s6;
	s5 =	sadd.s32 $0x1, s5  }
0xb: {  	s16 =	simm.s32 $0x0;
	[sflag:s4] =	ssyncpa.u1 $0x0;
	s5 =	smul.u32 s6, s5  }
0xc: {  	s15 =	smov.u32 s2;
	s14 =	smov.u32 s3;
	[sflag:s31] =	ssyncpa.u1 $0x0  }
0xd: {  	s6 =	sadd.s32 $0x5E2200, s7;
	s7 =	sadd.s32 $0x853200, s7;
	s8 =	sadd.s32 $0x1, s5  }
.LBB1_7:
0xe: {  	s20 =	sshll.u32 s13, $0x4  }
0xf: {  	s20 =	sand.u32 $0x10, s20  }
0x10: {  	s21 =	sshll.u32 s12, $0x5;
	s20 =	sadd.s32 s7, s20  }
0x11: {  	s22 =	sor.u32 $0x8000, s22;
	s20 =	sadd.s32 s21, s20  }
0x12: {  	[hbm4b:s20+s9] =	stream.strided.scatter [tilespmem:s22], [sflag:$0x2], s19, s10, s9, $0x38;
	[tilespmem:$0x10000] =	vst v63  }
.LBB1_8:
0x13: {  	p0 =	slt.u32 s16, $0x2  }
0x14: {  	p1 =	sgt.s32 @!p0 s18, $0x13780  }
0x15: {  	s19 =	smov.u32 s18;
	s20 =	sshra.s32 @!p0 s18, $0x1F;
	p1 =	por !p1, p0  }
0x16: {  	s18 =	sand.u32 @!p0 s20, s18;
	s19 =	simm.s32 @p1 $0x13780  }
0x17: {  	s20 =	sshra.s32 @!p0 s17, $0x1F;
	p1 =	sgt.s32 @!p0 s17, $0x1;
	s18 =	ssub.s32 @!p0 s19, s18  }
0x18: {  	p1 =	por !p1, p0;
	s19 =	smov.u32 s17;
	s17 =	sand.u32 @!p0 s20, s17  }
0x19: {  	s21 =	smov.u32 s15;
	s19 =	simm.s32 @p1 $0x1;
	s17 =	sxor.u32 @!p0 $0xFFFFFFFF, s17  }
0x1a: {  	s20 =	sadd.s32 @!p0 $0xFFFEC880, s18;
	s18 =	ssub.s32 @!p0 $0x13880, s18;
	s17 =	sadd.s32 @!p0 s17, s19  }
0x1b: {  	p1 =	sgt.s32 @!p0 s20, $0xFF;
	p2 =	sgt.s32 @!p0 s17, $0x0;
	s17 =	sshll.u32 @!p0 s17, $0x6  }
0x1c: {  	p1 =	por !p1, p0;
	s17 =	ssub.s32 @!p0 $0x40, s17;
	p2 =	por !p2, p0  }
0x1d: {  	s19 =	sadd.s32 $0x1000, s14;
	s18 =	simm.s32 @!p1 $0x0;
	s17 =	simm.s32 @!p2 $0x0  }
0x1e: {  	p1 =	sgt.s32 s19, $0x1387F;
	s17 =	smul.u32 @!p0 s18, s17;
	s18 =	sadd.s32 $0x2, s15  }
0x1f: {  	s21 =	smov.u32 @p1 s18  }
0x20: {  	s19 =	smov.u32 @p1 s3;
	p1 =	sgt.s32 s21, $0x1  }
0x21: {  	s21 =	smov.u32 @p1 s2;
	p1 =	sne.s32 s16, s8  }
.Ltmp1:
0x22: {  	s11 =	sadd.s32 $0x4000, s11;
	s20 =	simm.s32 @!p0 $0x2;
	(pc) =	sbr.rel @!p1 .LBB1_9-.Ltmp1, $4  }
0x23: {  	s18 =	smov.u32 s12;
	s12 =	smov.u32 s14;
	s17 =	sand.u32 @!p0 $0x3FFFFFC0, s17  }
0x24: {  	s14 =	smov.u32 s19;
	_ =	swait.ge @!p0 [sflag:s20], s17;
	s22 =	ssub.s32 @!p0 $0x0, s17  }
0x25: {  	s17 =	smov.u32 s13;
	s16 =	sadd.s32 $0x1, s16;
	[sflag:s20] =	ssyncset.done @!p0 $0x0  }
0x26: {  	s13 =	smov.u32 s15;
	s15 =	smov.u32 s21;
	[sflag:s20] =	ssyncadd.s32 @!p0 s22  }
.LBB1_1:
0x27: {  	p0 =	sge.u32 s16, s5  }
0x28: {  	s21 =	smov.u32 s15;
	p1 =	sgt.s32 @!p0 s15, $0x1  }
0x29: {  	s23 =	smov.u32 s14;
	s19 =	sand.u32 @!p0 $0x1FFFFFF, s14;
	p1 =	por !p1, p0  }
0x2a: {  	s22 =	sshra.s32 @!p0 s15, $0x1F;
	s21 =	simm.s32 @p1 $0x1;
	p1 =	sgt.s32 @!p0 s14, $0x13780  }
0x2b: {  	s24 =	sshra.s32 @!p0 s14, $0x1F;
	s22 =	sand.u32 @!p0 s22, s15;
	p1 =	por !p1, p0  }
0x2c: {  	s24 =	sand.u32 @!p0 s24, s14;
	s22 =	sxor.u32 @!p0 $0xFFFFFFFF, s22;
	s23 =	simm.s32 @p1 $0x13780  }
0x2d: {  	s20 =	smulhi.u32 @!p0 $0x1A36E2F, s19;
	s21 =	sadd.s32 @!p0 s22, s21;
	s22 =	ssub.s32 @!p0 s23, s24  }
0x2e: {  	p1 =	sgt.s32 @!p0 s21, $0x0;
	s21 =	sshll.u32 @!p0 s21, $0x6;
	s23 =	sadd.s32 @!p0 $0xFFFEC880, s22  }
0x2f: {  	s20 =	sshrl.u32 @!p0 s20, $0x9;
	s21 =	ssub.s32 @!p0 $0x40, s21;
	p2 =	sgt.s32 @!p0 s23, $0xFF  }
0x30: {  	p1 =	por !p1, p0;
	s22 =	ssub.s32 @!p0 $0x13880, s22;
	p2 =	por !p2, p0  }
0x31: {  	s20 =	smul.u32 @!p0 $0x13880, s20;
	s21 =	simm.s32 @!p1 $0x0;
	s22 =	simm.s32 @!p2 $0x0  }
0x32: {  	s23 =	sxor.u32 @!p0 $0xFFFFFFFF, s16;
	s21 =	smul.u32 @!p0 s22, s21  }
0x33: {  	s19 =	ssub.s32 @!p0 s19, s20;
	s22 =	sshll.u32 @!p0 s23, $0xE;
	s23 =	smul.u32 @!p0 $0x138800, s15  }
0x34: {  	s31 =	sadd.s32 $0xFFFFFFFF, s16;
	s19 =	sshll.u32 @!p0 s19, $0x4  }
0x35: {  	s22 =	sand.u32 @!p0 $0x4000, s22;
	s20 =	sand.u32 @!p0 $0x3FFFFFC0, s21;
	s21 =	sadd.s32 @!p0 s6, s23  }
0x36: {  	s23 =	simm.s32 @!p0 $0x80;
	s19 =	sadd.s32 @!p0 s19, s21;
	s21 =	simm.s32 @!p0 $0x40  }
0x37: {  	[tilespmem:s22], [sflag:$0x1] =	stream.strided.gather @!p0 [hbm4b:s19+s21], s20, s23, s21, $0x38;
	[tilespmem:$0x10000] =	vst v63  }
0x38: {  	p0 =	sge.u32 s31, s5  }
.Ltmp2:
0x39: {  	_ = 	snop;
	(pc) =	sbr.rel @p0 .LBB1_8-.Ltmp2, $1  }
0x3a: {  	_ =	sdelay $0x3  }
0x3b: {  	p0 =	sgt.s32 s13, $0x1;
	s19 =	smov.u32 s13  }
0x3c: {  	s20 =	sshra.s32 s13, $0x1F;
	s21 =	smov.u32 s12;
	s22 =	sshra.s32 s12, $0x1F  }
0x3d: {  	s19 =	simm.s32 @!p0 $0x1;
	s20 =	sand.u32 s20, s13;
	p0 =	sgt.s32 s12, $0x13780  }
0x3e: {  	s22 =	sand.u32 s22, s12;
	s20 =	sxor.u32 $0xFFFFFFFF, s20;
	s21 =	simm.s32 @!p0 $0x13780  }
0x3f: {  	s19 =	sadd.s32 s20, s19;
	s30 =	ssub.s32 s21, s22;
	s22 =	sadd.s32 $0x100, s12  }
0x40: {  	p0 =	sgt.s32 s19, $0x0;
	s21 =	sadd.s32 $0xFFFEC880, s30;
	s19 =	sshll.u32 s19, $0x6  }
0x41: {  	p1 =	sgt.s32 s21, $0xFF;
	s19 =	ssub.s32 $0x40, s19;
	s21 =	sadd.s32 $0x1, s13  }
0x42: {  	s20 =	ssub.s32 $0x13880, s30;
	s19 =	simm.s32 @p0 $0x0;
	p0 =	slt.s32 s21, $0x2  }
0x43: {  	s20 =	simm.s32 @p1 $0x0;
	s21 =	simm.s32 @!p0 $0x2;
	p0 =	slt.s32 s22, $0x13880  }
0x44: {  	s19 =	smul.u32 s20, s19;
	s20 =	ssub.s32 s21, s13;
	s22 =	simm.s32 @!p0 $0x13880  }
0x45: {  	s21 =	ssub.s32 s22, s12;
	p0 =	slt.s32 s20, $0x1  }
0x46: {  	p1 =	slt.s32 @!p0 s21, $0x1  }
0x47: {  	p0 =	por p0, p1  }
.Ltmp3:
0x48: {  	_ = 	snop;
	(pc) =	sbr.rel @p0 .LBB1_7-.Ltmp3, $4  }
0x49: {  	s19 =	sand.u32 $0x3FFFFFC0, s19  }
0x4a: {  	_ =	swait.ge [sflag:s4], s19  }
0x4b: {  	s23 =	sshll.u32 s16, $0xE;
	s31 =	ssub.s32 $0x0, s19;
	[sflag:s4] =	ssyncset.done $0x0  }
0x4c: {  	s22 =	sand.u32 $0x4000, s23;
	[sflag:s4] =	ssyncadd.s32 s31  }
0x4d: {  	s23 =	sshll.u32 s11, $0x2  }
0x4e: {  	s23 =	sand.u32 $0x10000, s23  }
0x4f: {  	s24 =	simm.s32 $0x0;
	s23 =	sshrl.u32 s23, $0x2  }
0x50: {  	s25 =	simm.s32 $0x0;
	s26 =	simm.s32 $0x0;
	s23 =	sadd.s32 $0x8020, s23  }
.LBB1_4:
0x51: {  	s27 =	sshll.u32 s26, $0x10  }
0x52: {  	s27 =	sshra.s32 s27, $0x2  }
0x53: {  	s27 =	sadd.s32 s27, s22  }
0x54: {  	v0 =	vmov s27;
	_ =	sdelay $0x2  }
0x55: {  	p0 =	sne.s32 s21, $0x1  }
.Ltmp4:
0x56: {  	s29 =	sand.u32 $0x3FC0, s24;
	(pc) =	sbr.rel @!p0 .LBB1_6-.Ltmp4, $4  }
0x57: {  	v1 =	vld.idx.msk [tilespmem:v0+s29+$0x30 ss:$0x1], $0xffff  }
0x58: {  	v2 =	vld.idx.msk [tilespmem:v0+s29+$0x0 ss:$0x1], $0xffff  }
0x59: {  	s27 =	sand.u32 $0x40, s25;
	v3 =	vld.idx.msk [tilespmem:v0+s29+$0x10 ss:$0x1], $0xffff  }
0x5a: {  	s28 =	sadd.s32 $0xFFFFFFFF, s21;
	s27 =	sadd.s32 s27, s23;
	v4 =	vld.idx.msk [tilespmem:v0+s29+$0x20 ss:$0x1], $0xffff;
	s29 =	simm.s32 $0x40  }
.LBB1_5:
0x5b: {  	s30 =	sand.u32 $0x3FC0, s29;
	p0 =	sne.s32 s28, $0x1;
	s28 =	sadd.s32 $0xFFFFFFFF, s28  }
.Ltmp5:
0x5c: {  	[tilespmem:s27+$0x10] =	vst v1;
	v1 =	vld.idx.msk [tilespmem:v0+s30+$0x30 ss:$0x1], $0xffff;
	(pc) =	sbr.rel @p0 .LBB1_5-.Ltmp5, $4  }
0x5d: {  	[tilespmem:s27+$0xFFFFFFE0] =	vst v2;
	v2 =	vld.idx.msk [tilespmem:v0+s30+$0x0 ss:$0x1], $0xffff  }
0x5e: {  	[tilespmem:s27+$0xFFFFFFF0] =	vst v3;
	v3 =	vld.idx.msk [tilespmem:v0+s30+$0x10 ss:$0x1], $0xffff  }
0x5f: {  	[tilespmem:s27+$0x0] =	vst v4;
	v4 =	vld.idx.msk [tilespmem:v0+s30+$0x20 ss:$0x1], $0xffff  }
0x60: {  	s29 =	sadd.s32 $0x40, s29;
	s27 =	sadd.s32 $0x40, s27  }
.LBB1_6:
0x61: {  	s26 =	sadd.s32 $0x1, s26  }
0x62: {  	p0 =	sne.s32 s26, s20  }
.Ltmp6:
0x63: {  	_ = 	snop;
	(pc) =	sbr.rel @p0 .LBB1_4-.Ltmp6, $4  }
.Ltmp7:
0x64: {  	[tilespmem:s27+$0x10] =	vst v1;
	(pc) =	sbr.rel @!p0 .LBB1_7-.Ltmp7, $4  }
0x65: {  	[tilespmem:s27+$0xFFFFFFE0] =	vst v2  }
0x66: {  	[tilespmem:s27+$0xFFFFFFF0] =	vst v3  }
0x67: {  	s25 =	sadd.s32 $0x40, s25;
	[tilespmem:s27+$0x0] =	vst v4  }
0x68: {  	_ = 	snop  }
.LBB1_9:
0x69: {  	_ =	sfence.sel $0x180000  }
0x6a: {  	s2 =	simm.s32 $0x1;
	[bflag:$0x0] =	sbarrier.arrive $0xFFFF  }
0x6b: {  	s31 =	simm.s32 $0x2;
	[sflag:s2] =	ssyncpa.u1 $0x1  }
0x6c: {  	[sflag:s31] =	ssyncpa.u1 $0x1  }
0x6d: {  	p0 =	sne.s32 s0, $0x0;
	_ =	strace $0x90000068  }
0x6e: {  	s0 =	sadd.s32 @!p0 $0x100000, s1;
	[bflag:$0x2] =	sbarrier.arrive $0xFFFF  }
0x6f: {  	[sflag:s0] =	ssyncadd.tile.s32 @!p0 $0x1;
	_ =	shalt  }
.Lfunc_end1:
_tile_overlayer_lowered:
.L_overlay_start_2:
0x70: {  	(tag) =	ssettag $0x2  }
0x71: {  	s0 =	rddreg [dreg:$0x0];
	s2 =	stileid.u32  }
0x72: {  	s1 =	rddreg [dreg:$0x1];
	p0 =	sne.s32 s2, $0x0  }
0x73: {  	s3 =	rddreg [dreg:$0x2];
	[bflag:$0x3] =	sbarrier.arrive $0xFFFF;
	s2 =	simm.s32 @!p0 $0x1C01  }
0x74: {  	[timem:s3], [sflag:s2] =	dma.local @!p0 [hbm:s0], s1  }
0x75: {  	s0 =	simm.s32 @!p0 $0x1  }
0x76: {  	_ =	swait.ge @!p0 [sflag:s0], s1  }
0x77: {  	s1 =	ssub.s32 @!p0 $0x0, s1;
	[sflag:s0] =	ssyncset.done @!p0 $0x0  }
0x78: {  	[sflag:s0] =	ssyncadd.s32 @!p0 s1  }
0x79: {  	[bflag:$0x3] =	sbarrier.arrive $0xFFFF  }
0x7a: {  	_ =	shalt  }

// kernel: sparse-core-data-format-call.13.cloned.1.call-start
scs
called_computation.13_lowered:
.L_overlay_start_0:
0x0: {  	s1 =	sld [smem:$0x3FD9]  }
0x1: {  	s2 =	sld [smem:$0x3FFE];
	_ =	sdelay $0x1  }
0x2: {  	s3 =	srdreg.scid  }
0x3: {  	s0 =	sand.u32 $0x1, s3  }
0x4: {  	s17 =	sshll.u32 s0, $0xA;
	s1 =	sadd.s32 s2, s1  }
0x5: {  	s1 =	sadd.s32 s1, s17  }
0x6: {  	[smem:$0x3F9F] =	sst s1  }
0x7: {  	_ = 	snop  }
0x8: {  	(tm) =	ssettm $0x1  }
0x9: {  	s18 =	sld [smem:$0x3FFB];
	_ =	sdelay $0x3  }
0xa: {  	_ =	strace s18  }
0xb: {  	s1 =	sld [smem:$0x3FFC];
	_ =	sdelay $0x3  }
0xc: {  	_ =	strace s1  }
0xd: {  	s1 =	sld [smem:$0x3FFD];
	_ =	sdelay $0x3  }
0xe: {  	_ =	strace s1  }
0xf: {  	_ =	strace $0x8FFFFFFF  }
0x10: {  	s19 =	sld [smem:$0x3FDB];
	_ =	sdelay $0x1  }
0x11: {  	s20 =	simm.s32 $_scs_section_size  }
0x12: {  	s4 =	simm.s32 $_size__tile_overlayer_lowered;
	s5 =	simm.s32 $_tile_overlayer_lowered  }
0x13: {  	s23 =	simm.s32 $0x1BFF;
	s22 =	sshll.u32 s5, $0x1;
	s1 =	sadd.s32 s20, s19  }
0x14: {  	s6 =	simm.s32 $0x0;
	s21 =	sshll.u32 s4, $0x1;
	s4 =	sadd.s32 s22, s1  }
0x15: {  	[timem:s6], [sflag:s23] =	dma.local [hbm:s4], s21  }
0x16: {  	_ =	swait.ge [sflag:s23], s21  }
0x17: {  	s2 =	ssub.s32 $0x0, s21;
	[sflag:s23] =	ssyncset.done $0x0  }
0x18: {  	[sflag:s23] =	ssyncadd.s32 s2;
	_ =	sdelay $0x1  }
0x19: {  	s24 =	simm.s32 $0x1B8B  }
0x1a: {  	_ =	swait.ge [sflag:s24], $0x1  }
0x1b: {  	[sflag:s24] =	ssyncset.done $0x0  }
0x1c: {  	s26 =	simm.s32 $0x1B8E;
	s25 =	sld [smem:$0x3FFE];
	[sflag:s24] =	ssyncadd.s32 $0xFFFFFFFF  }
0x1d: {  	s27 =	simm.s32 $execute0_lowered;
	[smem:$0x3FD2] =	sst s26  }
0x1e: {  	s4 =	sshll.u32 s27, $0x1;
	_ =	strace $0x80000064;
	[dreg:$0x1] =	wrdreg $0xFFFFFFFF  }
0x1f: {  	s28 =	simm.s32 $_size_execute0_lowered;
	s1 =	sadd.s32 s1, s4;
	[dreg:$0x0] =	wrdreg $0x0  }
0x20: {  	s4 =	sshll.u32 s28, $0x1;
	[dreg:$0x2] =	wrdreg s1  }
0x21: {  	[dreg:$0x3] =	wrdreg s4  }
0x22: {  	[dreg:$0x4] =	wrdreg $0xC0  }
0x23: {  	_ =	task [dreg:s6], $0x5FFFF  }
0x24: {  	[dreg:$0x1] =	wrdreg $0xFFFFFFFF  }
0x25: {  	[dreg:$0x0] =	wrdreg $0x60  }
0x26: {  	[dreg:$0x2] =	wrdreg s25  }
0x27: {  	[dreg:$0x3] =	wrdreg $0xA  }
0x28: {  	_ =	task.clear_ibuf [dreg:s6], $0x4FFFF;
	_ =	strace $0x90000064  }
0x29: {  	s29 =	simm.s32 $0xA;
	_ =	strace $0x80000066  }
0x2a: {  	_ =	swait.ge [sflag:s29], $0x1  }
0x2b: {  	[sflag:s29] =	ssyncadd.s32 $0xFFFFFFFF  }
0x2c: {  	_ =	strace $0x90000066  }
0x2d: {  	_ =	sfence  }
0x2e: {  	s30 =	sld [smem:$0x0];
	_ =	sdelay $0x2  }
0x2f: {  	s31 =	sshll.u32 s3, $0xD;
	s3 =	sshrl.u32 s3, $0x2  }
0x30: {  	s2 =	sand.u32 $0x4000, s31;
	s1 =	sadd.s32 s3, s30  }
0x31: {  	s0 =	sor.u32 s2, s0;
	s1 =	sshll.u32 s1, $0x11  }
0x32: {  	s0 =	sor.u32 s1, s0  }
0x33: {  	s0 =	sadd.s32 $0x8F2B, s0  }
0x34: {  	[sflag:s0] =	ssyncadd.remote.s32 $0x1  }
0x35: {  	_ =	sfence.sel $0xFFFF  }
0x36: {  	[dreg:$0x0] =	wrdreg $0xFFFFFFFF;
	(pc) =	sbr.abs _section_cstart, $3  }
0x37: {  	[dreg:$0x1] =	wrdreg $0xFFFFFFFF  }
0x38: {  	_ =	task.clear_ibuf [dreg:s6], $0x2FFFF;
	_ =	strace $0x9FFFFFFF  }
0x39: {  	(tm) =	ssettm $0x7FFFFFFF  }
tec
execute0_lowered:
.L_overlay_start_1:
0x0: {  	(tag) =	ssettag $0x1  }
0x1: {  	s0 =	stileid.u32  }
0x2: {  	s1 =	srdreg.scid;
	s7 =	rddreg [dreg:$0x0]  }
0x3: {  	s31 =	simm.s32 $0x2;
	s18 =	simm.s32 $0x0;
	s9 =	simm.s32 $0x40  }
0x4: {  	s10 =	simm.s32 $0x100;
	s11 =	simm.s32 $0x0;
	s17 =	simm.s32 $0x0  }
0x5: {  	s12 =	simm.s32 $0x0;
	s2 =	sshll.u32 s0, $0x7;
	s1 =	sshll.u32 s1, $0xB  }
0x6: {  	s13 =	simm.s32 $0x0;
	s3 =	sor.u32 s2, s1;
	s2 =	sand.u32 $0x1, s0  }
0x7: {  	s1 =	rddreg [dreg:$0x1];
	s3 =	sand.u32 $0xF00, s3;
	s4 =	ssub.s32 $0x2, s2  }
0x8: {  	_ =	strace $0x80000065;
	s5 =	ssub.s32 $0x13800, s3;
	s6 =	sshrl.u32 s4, $0x1  }
.Ltmp0:
0x9: {  	s8 =	sand.u32 $0x1, s4;
	s5 =	sshrl.u32 s5, $0xC;
	(pc) =	sbr.rel .LBB1_1-.Ltmp0, $4  }
0xa: {  	s4 =	simm.s32 $0x1;
	s6 =	sadd.s32 s8, s6;
	s5 =	sadd.s32 $0x1, s5  }
0xb: {  	s16 =	simm.s32 $0x0;
	[sflag:s4] =	ssyncpa.u1 $0x0;
	s5 =	smul.u32 s6, s5  }
0xc: {  	s15 =	smov.u32 s2;
	s14 =	smov.u32 s3;
	[sflag:s31] =	ssyncpa.u1 $0x0  }
0xd: {  	s6 =	sadd.s32 $0x371200, s7;
	s7 =	sadd.s32 $0x100200, s7;
	s8 =	sadd.s32 $0x1, s5  }
.LBB1_7:
0xe: {  	s20 =	sshll.u32 s13, $0x4  }
0xf: {  	s20 =	sand.u32 $0x10, s20  }
0x10: {  	s21 =	sshll.u32 s12, $0x5;
	s20 =	sadd.s32 s7, s20  }
0x11: {  	s22 =	sor.u32 $0x8000, s22;
	s20 =	sadd.s32 s21, s20  }
0x12: {  	[hbm4b:s20+s9] =	stream.strided.scatter [tilespmem:s22], [sflag:$0x2], s19, s10, s9, $0x38;
	[tilespmem:$0x10000] =	vst v63  }
.LBB1_8:
0x13: {  	p0 =	slt.u32 s16, $0x2  }
0x14: {  	p1 =	sgt.s32 @!p0 s18, $0x13780  }
0x15: {  	s19 =	smov.u32 s18;
	s20 =	sshra.s32 @!p0 s18, $0x1F;
	p1 =	por !p1, p0  }
0x16: {  	s18 =	sand.u32 @!p0 s20, s18;
	s19 =	simm.s32 @p1 $0x13780  }
0x17: {  	s20 =	sshra.s32 @!p0 s17, $0x1F;
	p1 =	sgt.s32 @!p0 s17, $0x1;
	s18 =	ssub.s32 @!p0 s19, s18  }
0x18: {  	p1 =	por !p1, p0;
	s19 =	smov.u32 s17;
	s17 =	sand.u32 @!p0 s20, s17  }
0x19: {  	s21 =	smov.u32 s15;
	s19 =	simm.s32 @p1 $0x1;
	s17 =	sxor.u32 @!p0 $0xFFFFFFFF, s17  }
0x1a: {  	s20 =	sadd.s32 @!p0 $0xFFFEC880, s18;
	s18 =	ssub.s32 @!p0 $0x13880, s18;
	s17 =	sadd.s32 @!p0 s17, s19  }
0x1b: {  	p1 =	sgt.s32 @!p0 s20, $0xFF;
	p2 =	sgt.s32 @!p0 s17, $0x0;
	s17 =	sshll.u32 @!p0 s17, $0x6  }
0x1c: {  	p1 =	por !p1, p0;
	s17 =	ssub.s32 @!p0 $0x40, s17;
	p2 =	por !p2, p0  }
0x1d: {  	s19 =	sadd.s32 $0x1000, s14;
	s18 =	simm.s32 @!p1 $0x0;
	s17 =	simm.s32 @!p2 $0x0  }
0x1e: {  	p1 =	sgt.s32 s19, $0x1387F;
	s17 =	smul.u32 @!p0 s18, s17;
	s18 =	sadd.s32 $0x2, s15  }
0x1f: {  	s21 =	smov.u32 @p1 s18  }
0x20: {  	s19 =	smov.u32 @p1 s3;
	p1 =	sgt.s32 s21, $0x1  }
0x21: {  	s21 =	smov.u32 @p1 s2;
	p1 =	sne.s32 s16, s8  }
.Ltmp1:
0x22: {  	s11 =	sadd.s32 $0x4000, s11;
	s20 =	simm.s32 @!p0 $0x2;
	(pc) =	sbr.rel @!p1 .LBB1_9-.Ltmp1, $4  }
0x23: {  	s18 =	smov.u32 s12;
	s12 =	smov.u32 s14;
	s17 =	sand.u32 @!p0 $0x3FFFFFC0, s17  }
0x24: {  	s14 =	smov.u32 s19;
	_ =	swait.ge @!p0 [sflag:s20], s17;
	s22 =	ssub.s32 @!p0 $0x0, s17  }
0x25: {  	s17 =	smov.u32 s13;
	s16 =	sadd.s32 $0x1, s16;
	[sflag:s20] =	ssyncset.done @!p0 $0x0  }
0x26: {  	s13 =	smov.u32 s15;
	s15 =	smov.u32 s21;
	[sflag:s20] =	ssyncadd.s32 @!p0 s22  }
.LBB1_1:
0x27: {  	p0 =	sge.u32 s16, s5  }
0x28: {  	s21 =	smov.u32 s15;
	p1 =	sgt.s32 @!p0 s15, $0x1  }
0x29: {  	s23 =	smov.u32 s14;
	s19 =	sand.u32 @!p0 $0x1FFFFFF, s14;
	p1 =	por !p1, p0  }
0x2a: {  	s22 =	sshra.s32 @!p0 s15, $0x1F;
	s21 =	simm.s32 @p1 $0x1;
	p1 =	sgt.s32 @!p0 s14, $0x13780  }
0x2b: {  	s24 =	sshra.s32 @!p0 s14, $0x1F;
	s22 =	sand.u32 @!p0 s22, s15;
	p1 =	por !p1, p0  }
0x2c: {  	s24 =	sand.u32 @!p0 s24, s14;
	s22 =	sxor.u32 @!p0 $0xFFFFFFFF, s22;
	s23 =	simm.s32 @p1 $0x13780  }
0x2d: {  	s20 =	smulhi.u32 @!p0 $0x1A36E2F, s19;
	s21 =	sadd.s32 @!p0 s22, s21;
	s22 =	ssub.s32 @!p0 s23, s24  }
0x2e: {  	p1 =	sgt.s32 @!p0 s21, $0x0;
	s21 =	sshll.u32 @!p0 s21, $0x6;
	s23 =	sadd.s32 @!p0 $0xFFFEC880, s22  }
0x2f: {  	s20 =	sshrl.u32 @!p0 s20, $0x9;
	s21 =	ssub.s32 @!p0 $0x40, s21;
	p2 =	sgt.s32 @!p0 s23, $0xFF  }
0x30: {  	p1 =	por !p1, p0;
	s22 =	ssub.s32 @!p0 $0x13880, s22;
	p2 =	por !p2, p0  }
0x31: {  	s20 =	smul.u32 @!p0 $0x13880, s20;
	s21 =	simm.s32 @!p1 $0x0;
	s22 =	simm.s32 @!p2 $0x0  }
0x32: {  	s23 =	sxor.u32 @!p0 $0xFFFFFFFF, s16;
	s21 =	smul.u32 @!p0 s22, s21  }
0x33: {  	s19 =	ssub.s32 @!p0 s19, s20;
	s22 =	sshll.u32 @!p0 s23, $0xE;
	s23 =	smul.u32 @!p0 $0x138800, s15  }
0x34: {  	s31 =	sadd.s32 $0xFFFFFFFF, s16;
	s19 =	sshll.u32 @!p0 s19, $0x4  }
0x35: {  	s22 =	sand.u32 @!p0 $0x4000, s22;
	s20 =	sand.u32 @!p0 $0x3FFFFFC0, s21;
	s21 =	sadd.s32 @!p0 s6, s23  }
0x36: {  	s23 =	simm.s32 @!p0 $0x80;
	s19 =	sadd.s32 @!p0 s19, s21;
	s21 =	simm.s32 @!p0 $0x40  }
0x37: {  	[tilespmem:s22], [sflag:$0x1] =	stream.strided.gather @!p0 [hbm4b:s19+s21], s20, s23, s21, $0x38;
	[tilespmem:$0x10000] =	vst v63  }
0x38: {  	p0 =	sge.u32 s31, s5  }
.Ltmp2:
0x39: {  	_ = 	snop;
	(pc) =	sbr.rel @p0 .LBB1_8-.Ltmp2, $1  }
0x3a: {  	_ =	sdelay $0x3  }
0x3b: {  	p0 =	sgt.s32 s13, $0x1;
	s19 =	smov.u32 s13  }
0x3c: {  	s20 =	sshra.s32 s13, $0x1F;
	s21 =	smov.u32 s12;
	s22 =	sshra.s32 s12, $0x1F  }
0x3d: {  	s19 =	simm.s32 @!p0 $0x1;
	s20 =	sand.u32 s20, s13;
	p0 =	sgt.s32 s12, $0x13780  }
0x3e: {  	s22 =	sand.u32 s22, s12;
	s20 =	sxor.u32 $0xFFFFFFFF, s20;
	s21 =	simm.s32 @!p0 $0x13780  }
0x3f: {  	s19 =	sadd.s32 s20, s19;
	s30 =	ssub.s32 s21, s22;
	s22 =	sadd.s32 $0x100, s12  }
0x40: {  	p0 =	sgt.s32 s19, $0x0;
	s21 =	sadd.s32 $0xFFFEC880, s30;
	s19 =	sshll.u32 s19, $0x6  }
0x41: {  	p1 =	sgt.s32 s21, $0xFF;
	s19 =	ssub.s32 $0x40, s19;
	s21 =	sadd.s32 $0x1, s13  }
0x42: {  	s20 =	ssub.s32 $0x13880, s30;
	s19 =	simm.s32 @p0 $0x0;
	p0 =	slt.s32 s21, $0x2  }
0x43: {  	s20 =	simm.s32 @p1 $0x0;
	s21 =	simm.s32 @!p0 $0x2;
	p0 =	slt.s32 s22, $0x13880  }
0x44: {  	s19 =	smul.u32 s20, s19;
	s20 =	ssub.s32 s21, s13;
	s22 =	simm.s32 @!p0 $0x13880  }
0x45: {  	s21 =	ssub.s32 s22, s12;
	p0 =	slt.s32 s20, $0x1  }
0x46: {  	p1 =	slt.s32 @!p0 s21, $0x1  }
0x47: {  	p0 =	por p0, p1  }
.Ltmp3:
0x48: {  	_ = 	snop;
	(pc) =	sbr.rel @p0 .LBB1_7-.Ltmp3, $4  }
0x49: {  	s19 =	sand.u32 $0x3FFFFFC0, s19  }
0x4a: {  	_ =	swait.ge [sflag:s4], s19  }
0x4b: {  	s23 =	sshll.u32 s16, $0xE;
	s31 =	ssub.s32 $0x0, s19;
	[sflag:s4] =	ssyncset.done $0x0  }
0x4c: {  	s22 =	sand.u32 $0x4000, s23;
	[sflag:s4] =	ssyncadd.s32 s31  }
0x4d: {  	s23 =	sshll.u32 s11, $0x2  }
0x4e: {  	s23 =	sand.u32 $0x10000, s23  }
0x4f: {  	s24 =	simm.s32 $0x0;
	s23 =	sshrl.u32 s23, $0x2  }
0x50: {  	s25 =	simm.s32 $0x0;
	s26 =	simm.s32 $0x0;
	s23 =	sadd.s32 $0x8020, s23  }
.LBB1_4:
0x51: {  	s27 =	sshll.u32 s26, $0x10  }
0x52: {  	s27 =	sshra.s32 s27, $0x2  }
0x53: {  	s27 =	sadd.s32 s27, s22  }
0x54: {  	v0 =	vmov s27;
	_ =	sdelay $0x2  }
0x55: {  	p0 =	sne.s32 s21, $0x1  }
.Ltmp4:
0x56: {  	s29 =	sand.u32 $0x3FC0, s24;
	(pc) =	sbr.rel @!p0 .LBB1_6-.Ltmp4, $4  }
0x57: {  	v1 =	vld.idx.msk [tilespmem:v0+s29+$0x30 ss:$0x1], $0xffff  }
0x58: {  	v2 =	vld.idx.msk [tilespmem:v0+s29+$0x0 ss:$0x1], $0xffff  }
0x59: {  	s27 =	sand.u32 $0x40, s25;
	v3 =	vld.idx.msk [tilespmem:v0+s29+$0x10 ss:$0x1], $0xffff  }
0x5a: {  	s28 =	sadd.s32 $0xFFFFFFFF, s21;
	s27 =	sadd.s32 s27, s23;
	v4 =	vld.idx.msk [tilespmem:v0+s29+$0x20 ss:$0x1], $0xffff;
	s29 =	simm.s32 $0x40  }
.LBB1_5:
0x5b: {  	s30 =	sand.u32 $0x3FC0, s29;
	p0 =	sne.s32 s28, $0x1;
	s28 =	sadd.s32 $0xFFFFFFFF, s28  }
.Ltmp5:
0x5c: {  	[tilespmem:s27+$0x10] =	vst v1;
	v1 =	vld.idx.msk [tilespmem:v0+s30+$0x30 ss:$0x1], $0xffff;
	(pc) =	sbr.rel @p0 .LBB1_5-.Ltmp5, $4  }
0x5d: {  	[tilespmem:s27+$0xFFFFFFE0] =	vst v2;
	v2 =	vld.idx.msk [tilespmem:v0+s30+$0x0 ss:$0x1], $0xffff  }
0x5e: {  	[tilespmem:s27+$0xFFFFFFF0] =	vst v3;
	v3 =	vld.idx.msk [tilespmem:v0+s30+$0x10 ss:$0x1], $0xffff  }
0x5f: {  	[tilespmem:s27+$0x0] =	vst v4;
	v4 =	vld.idx.msk [tilespmem:v0+s30+$0x20 ss:$0x1], $0xffff  }
0x60: {  	s29 =	sadd.s32 $0x40, s29;
	s27 =	sadd.s32 $0x40, s27  }
.LBB1_6:
0x61: {  	s26 =	sadd.s32 $0x1, s26  }
0x62: {  	p0 =	sne.s32 s26, s20  }
.Ltmp6:
0x63: {  	_ = 	snop;
	(pc) =	sbr.rel @p0 .LBB1_4-.Ltmp6, $4  }
.Ltmp7:
0x64: {  	[tilespmem:s27+$0x10] =	vst v1;
	(pc) =	sbr.rel @!p0 .LBB1_7-.Ltmp7, $4  }
0x65: {  	[tilespmem:s27+$0xFFFFFFE0] =	vst v2  }
0x66: {  	[tilespmem:s27+$0xFFFFFFF0] =	vst v3  }
0x67: {  	s25 =	sadd.s32 $0x40, s25;
	[tilespmem:s27+$0x0] =	vst v4  }
0x68: {  	_ = 	snop  }
.LBB1_9:
0x69: {  	_ =	sfence.sel $0x180000  }
0x6a: {  	s2 =	simm.s32 $0x1;
	[bflag:$0x0] =	sbarrier.arrive $0xFFFF  }
0x6b: {  	s31 =	simm.s32 $0x2;
	[sflag:s2] =	ssyncpa.u1 $0x1  }
0x6c: {  	[sflag:s31] =	ssyncpa.u1 $0x1  }
0x6d: {  	p0 =	sne.s32 s0, $0x0;
	_ =	strace $0x90000065  }
0x6e: {  	s0 =	sadd.s32 @!p0 $0x100000, s1;
	[bflag:$0x2] =	sbarrier.arrive $0xFFFF  }
0x6f: {  	[sflag:s0] =	ssyncadd.tile.s32 @!p0 $0x1;
	_ =	shalt  }
.Lfunc_end1:
_tile_overlayer_lowered:
.L_overlay_start_2:
0x70: {  	(tag) =	ssettag $0x2  }
0x71: {  	s0 =	rddreg [dreg:$0x0];
	s2 =	stileid.u32  }
0x72: {  	s1 =	rddreg [dreg:$0x1];
	p0 =	sne.s32 s2, $0x0  }
0x73: {  	s3 =	rddreg [dreg:$0x2];
	[bflag:$0x3] =	sbarrier.arrive $0xFFFF;
	s2 =	simm.s32 @!p0 $0x1C01  }
0x74: {  	[timem:s3], [sflag:s2] =	dma.local @!p0 [hbm:s0], s1  }
0x75: {  	s0 =	simm.s32 @!p0 $0x1  }
0x76: {  	_ =	swait.ge @!p0 [sflag:s0], s1  }
0x77: {  	s1 =	ssub.s32 @!p0 $0x0, s1;
	[sflag:s0] =	ssyncset.done @!p0 $0x0  }
0x78: {  	[sflag:s0] =	ssyncadd.s32 @!p0 s1  }
0x79: {  	[bflag:$0x3] =	sbarrier.arrive $0xFFFF  }
0x7a: {  	_ =	shalt  }

// kernel: sparse-core-data-format-call.14.cloned.1.call-start
scs
called_computation.14_lowered:
.L_overlay_start_0:
0x0: {  	s1 =	sld [smem:$0x3FD9]  }
0x1: {  	s2 =	sld [smem:$0x3FFE];
	_ =	sdelay $0x1  }
0x2: {  	s3 =	srdreg.scid  }
0x3: {  	s0 =	sand.u32 $0x1, s3  }
0x4: {  	s17 =	sshll.u32 s0, $0xA;
	s1 =	sadd.s32 s2, s1  }
0x5: {  	s1 =	sadd.s32 s1, s17  }
0x6: {  	[smem:$0x3F9F] =	sst s1  }
0x7: {  	_ = 	snop  }
0x8: {  	(tm) =	ssettm $0x1  }
0x9: {  	s18 =	sld [smem:$0x3FFB];
	_ =	sdelay $0x3  }
0xa: {  	_ =	strace s18  }
0xb: {  	s1 =	sld [smem:$0x3FFC];
	_ =	sdelay $0x3  }
0xc: {  	_ =	strace s1  }
0xd: {  	s1 =	sld [smem:$0x3FFD];
	_ =	sdelay $0x3  }
0xe: {  	_ =	strace s1  }
0xf: {  	_ =	strace $0x8FFFFFFF  }
0x10: {  	s19 =	sld [smem:$0x3FDB];
	_ =	sdelay $0x1  }
0x11: {  	s20 =	simm.s32 $_scs_section_size  }
0x12: {  	s4 =	simm.s32 $_size__tile_overlayer_lowered;
	s5 =	simm.s32 $_tile_overlayer_lowered  }
0x13: {  	s23 =	simm.s32 $0x1BFF;
	s22 =	sshll.u32 s5, $0x1;
	s1 =	sadd.s32 s20, s19  }
0x14: {  	s6 =	simm.s32 $0x0;
	s21 =	sshll.u32 s4, $0x1;
	s4 =	sadd.s32 s22, s1  }
0x15: {  	[timem:s6], [sflag:s23] =	dma.local [hbm:s4], s21  }
0x16: {  	_ =	swait.ge [sflag:s23], s21  }
0x17: {  	s2 =	ssub.s32 $0x0, s21;
	[sflag:s23] =	ssyncset.done $0x0  }
0x18: {  	[sflag:s23] =	ssyncadd.s32 s2;
	_ =	sdelay $0x1  }
0x19: {  	s24 =	simm.s32 $0x1B8B  }
0x1a: {  	_ =	swait.ge [sflag:s24], $0x1  }
0x1b: {  	[sflag:s24] =	ssyncset.done $0x0  }
0x1c: {  	s26 =	simm.s32 $0x1B8E;
	s25 =	sld [smem:$0x3FFE];
	[sflag:s24] =	ssyncadd.s32 $0xFFFFFFFF  }
0x1d: {  	s27 =	simm.s32 $execute0_lowered;
	[smem:$0x3FD2] =	sst s26  }
0x1e: {  	s4 =	sshll.u32 s27, $0x1;
	_ =	strace $0x80000058;
	[dreg:$0x1] =	wrdreg $0xFFFFFFFF  }
0x1f: {  	s28 =	simm.s32 $_size_execute0_lowered;
	s1 =	sadd.s32 s1, s4;
	[dreg:$0x0] =	wrdreg $0x0  }
0x20: {  	s4 =	sshll.u32 s28, $0x1;
	[dreg:$0x2] =	wrdreg s1  }
0x21: {  	[dreg:$0x3] =	wrdreg s4  }
0x22: {  	[dreg:$0x4] =	wrdreg $0xC0  }
0x23: {  	_ =	task [dreg:s6], $0x5FFFF  }
0x24: {  	[dreg:$0x1] =	wrdreg $0xFFFFFFFF  }
0x25: {  	[dreg:$0x0] =	wrdreg $0x60  }
0x26: {  	[dreg:$0x2] =	wrdreg s25  }
0x27: {  	[dreg:$0x3] =	wrdreg $0x9  }
0x28: {  	_ =	task.clear_ibuf [dreg:s6], $0x4FFFF;
	_ =	strace $0x90000058  }
0x29: {  	s29 =	simm.s32 $0x9;
	_ =	strace $0x8000005A  }
0x2a: {  	_ =	swait.ge [sflag:s29], $0x1  }
0x2b: {  	[sflag:s29] =	ssyncadd.s32 $0xFFFFFFFF  }
0x2c: {  	_ =	strace $0x9000005A  }
0x2d: {  	_ =	sfence  }
0x2e: {  	s30 =	sld [smem:$0x0];
	_ =	sdelay $0x2  }
0x2f: {  	s31 =	sshll.u32 s3, $0xD;
	s3 =	sshrl.u32 s3, $0x2  }
0x30: {  	s2 =	sand.u32 $0x4000, s31;
	s1 =	sadd.s32 s3, s30  }
0x31: {  	s0 =	sor.u32 s2, s0;
	s1 =	sshll.u32 s1, $0x11  }
0x32: {  	s0 =	sor.u32 s1, s0  }
0x33: {  	s0 =	sadd.s32 $0x8F2B, s0  }
0x34: {  	[sflag:s0] =	ssyncadd.remote.s32 $0x1  }
0x35: {  	_ =	sfence.sel $0xFFFF  }
0x36: {  	[dreg:$0x0] =	wrdreg $0xFFFFFFFF;
	(pc) =	sbr.abs _section_cstart, $3  }
0x37: {  	[dreg:$0x1] =	wrdreg $0xFFFFFFFF  }
0x38: {  	_ =	task.clear_ibuf [dreg:s6], $0x2FFFF;
	_ =	strace $0x9FFFFFFF  }
0x39: {  	(tm) =	ssettm $0x7FFFFFFF  }
tec
execute0_lowered:
.L_overlay_start_1:
0x0: {  	(tag) =	ssettag $0x1  }
0x1: {  	s6 =	rddreg [dreg:$0x0];
	s2 =	srdreg.scid  }
0x2: {  	s1 =	stileid.u32;
	s0 =	rddreg [dreg:$0x1];
	_ =	strace $0x80000059  }
0x3: {  	s31 =	simm.s32 $0x2;
	s15 =	simm.s32 $0x0;
	s10 =	simm.s32 $0x80  }
0x4: {  	s11 =	simm.s32 $0x0;
	s16 =	simm.s32 $0x0;
	s12 =	simm.s32 $0x0  }
0x5: {  	s14 =	simm.s32 $0x0;
	s2 =	sand.u32 $0x1, s2;
	s3 =	sshll.u32 s1, $0x8  }
0x6: {  	s4 =	ssub.s32 $0x13800, s3;
	s5 =	ssub.s32 $0x2, s2;
	s7 =	sshll.u32 s2, $0x4  }
.Ltmp0:
0x7: {  	s8 =	sshrl.u32 s4, $0xC;
	s9 =	sshrl.u32 s5, $0x1;
	(pc) =	sbr.rel .LBB1_1-.Ltmp0, $4  }
0x8: {  	s13 =	smov.u32 s3;
	s8 =	sadd.s32 $0x1, s8;
	s5 =	ssub.s32 s5, s9  }
0x9: {  	s4 =	simm.s32 $0x1;
	s7 =	sadd.s32 s7, s6;
	s5 =	smul.u32 s8, s5  }
0xa: {  	s6 =	sadd.s32 $0x100200, s6;
	[sflag:s4] =	ssyncpa.u1 $0x0;
	s7 =	sadd.s32 $0x1747400, s7  }
0xb: {  	s9 =	simm.s32 $0x40;
	[sflag:s31] =	ssyncpa.u1 $0x0;
	s8 =	sadd.s32 $0x1, s5  }
.LBB1_5:
0xc: {  	_ =	sdelay $0x3  }
0xd: {  	[tilespmem:v0+s21+$0x0 ss:$0x1] =	vst.idx.msk $0xffff, v1  }
0xe: {  	[tilespmem:v0+s21+$0x10 ss:$0x1] =	vst.idx.msk $0xffff, v2  }
0xf: {  	[tilespmem:v0+s21+$0x20 ss:$0x1] =	vst.idx.msk $0xffff, v3  }
.LBB1_6:
0x10: {  	s19 =	sand.u32 $0x1FFFFFF, s12  }
0x11: {  	s20 =	smulhi.u32 $0x1A36E2F, s19;
	_ =	sdelay $0x1  }
0x12: {  	s20 =	sshrl.u32 s20, $0x9  }
0x13: {  	s20 =	smul.u32 $0x13880, s20  }
0x14: {  	s16 =	smul.u32 $0x138800, s16  }
0x15: {  	s19 =	ssub.s32 s19, s20  }
0x16: {  	s16 =	sadd.s32 s6, s16;
	s19 =	sshll.u32 s19, $0x4  }
0x17: {  	s16 =	sadd.s32 s19, s16  }
0x18: {  	[hbm4b:s16+s9] =	stream.strided.scatter [tilespmem:s18], [sflag:$0x2], s17, s10, s9, $0x38;
	[tilespmem:$0x10000] =	vst v63  }
.LBB1_7:
0x19: {  	p0 =	slt.u32 s14, $0x2  }
0x1a: {  	p1 =	sgt.s32 @!p0 s15, $0x13780  }
0x1b: {  	s16 =	smov.u32 s15;
	s17 =	sshra.s32 @!p0 s15, $0x1F;
	p1 =	por !p1, p0  }
0x1c: {  	s15 =	sand.u32 @!p0 s17, s15;
	s16 =	simm.s32 @p1 $0x13780  }
0x1d: {  	s15 =	ssub.s32 @!p0 s16, s15  }
0x1e: {  	s15 =	sadd.s32 @!p0 $0xFFFEC880, s15  }
0x1f: {  	s16 =	sshll.u32 @!p0 s15, $0x6  }
0x20: {  	p1 =	sgt.s32 @!p0 s15, $0xFF;
	s15 =	ssub.s32 @!p0 $0x4000, s16  }
0x21: {  	s17 =	sadd.s32 $0x1000, s13;
	p1 =	por !p1, p0;
	s15 =	sand.u32 @!p0 $0x3FFFFFC0, s15  }
0x22: {  	s15 =	simm.s32 @!p1 $0x0;
	p1 =	sgt.s32 s17, $0x1387F  }
0x23: {  	s17 =	smov.u32 @p1 s3;
	p1 =	sne.s32 s14, s8  }
.Ltmp1:
0x24: {  	_ = 	snop;
	(pc) =	sbr.rel @!p1 .LBB1_8-.Ltmp1, $4  }
0x25: {  	s11 =	sadd.s32 $0x4000, s11;
	s16 =	simm.s32 @!p0 $0x2  }
0x26: {  	_ =	swait.ge @!p0 [sflag:s16], s15;
	s18 =	ssub.s32 @!p0 $0x0, s15;
	s15 =	smov.u32 s12  }
0x27: {  	s14 =	sadd.s32 $0x1, s14;
	s12 =	smov.u32 s13;
	[sflag:s16] =	ssyncset.done @!p0 $0x0  }
0x28: {  	s13 =	smov.u32 s17;
	[sflag:s16] =	ssyncadd.s32 @!p0 s18;
	s16 =	smov.u32 s2  }
.LBB1_1:
0x29: {  	p0 =	sge.u32 s14, s5  }
0x2a: {  	p1 =	sgt.s32 @!p0 s13, $0x13780  }
0x2b: {  	s17 =	smov.u32 s13;
	s18 =	sshra.s32 @!p0 s13, $0x1F;
	p1 =	por !p1, p0  }
0x2c: {  	s18 =	sand.u32 @!p0 s18, s13;
	s17 =	simm.s32 @p1 $0x13780  }
0x2d: {  	s17 =	ssub.s32 @!p0 s17, s18  }
0x2e: {  	s31 =	sadd.s32 $0xFFFFFFFF, s14;
	s19 =	sxor.u32 @!p0 $0xFFFFFFFF, s14;
	s17 =	sadd.s32 @!p0 $0xFFFEC880, s17  }
0x2f: {  	s20 =	simm.s32 @!p0 $0x40;
	s21 =	simm.s32 @!p0 $0x100;
	s18 =	sshll.u32 @!p0 s17, $0x6  }
0x30: {  	p1 =	sgt.s32 @!p0 s17, $0xFF;
	s17 =	ssub.s32 @!p0 $0x4000, s18;
	s18 =	sshll.u32 @!p0 s19, $0xE  }
0x31: {  	p1 =	por !p1, p0;
	s19 =	sshll.u32 @!p0 s13, $0x5;
	s17 =	sand.u32 @!p0 $0x3FFFFFC0, s17  }
0x32: {  	s18 =	sand.u32 @!p0 $0x4000, s18;
	s19 =	sadd.s32 @!p0 s19, s7;
	s17 =	simm.s32 @!p1 $0x0  }
0x33: {  	[tilespmem:s18], [sflag:$0x1] =	stream.strided.gather @!p0 [hbm4b:s19+s20], s17, s21, s20, $0x38;
	[tilespmem:$0x10000] =	vst v63  }
0x34: {  	p0 =	sge.u32 s31, s5  }
.Ltmp2:
0x35: {  	_ = 	snop;
	(pc) =	sbr.rel @p0 .LBB1_7-.Ltmp2, $1  }
0x36: {  	_ =	sdelay $0x3  }
0x37: {  	p0 =	sgt.s32 s12, $0x13780;
	s17 =	smov.u32 s12;
	s18 =	sshra.s32 s12, $0x1F  }
0x38: {  	s17 =	simm.s32 @!p0 $0x13780;
	s18 =	sand.u32 s18, s12  }
0x39: {  	s17 =	ssub.s32 s17, s18  }
0x3a: {  	s17 =	sadd.s32 $0xFFFEC880, s17  }
0x3b: {  	s30 =	sshll.u32 s17, $0x6  }
0x3c: {  	s18 =	ssub.s32 $0x4000, s30  }
0x3d: {  	p0 =	sgt.s32 s17, $0xFF;
	s17 =	sand.u32 $0x3FFFFFC0, s18;
	s18 =	sadd.s32 $0x100, s12  }
0x3e: {  	s17 =	simm.s32 @p0 $0x0;
	p0 =	slt.s32 s18, $0x13880  }
0x3f: {  	s18 =	simm.s32 @!p0 $0x13880  }
0x40: {  	s20 =	ssub.s32 s18, s12  }
0x41: {  	p0 =	slt.s32 s20, $0x1  }
.Ltmp3:
0x42: {  	_ = 	snop;
	(pc) =	sbr.rel @p0 .LBB1_6-.Ltmp3, $4  }
0x43: {  	_ = 	snop  }
0x44: {  	s21 =	sshll.u32 s14, $0xE;
	_ =	swait.ge [sflag:s4], s17  }
0x45: {  	s31 =	sand.u32 $0x4000, s21;
	s19 =	ssub.s32 $0x0, s17;
	[sflag:s4] =	ssyncset.done $0x0  }
0x46: {  	s18 =	sor.u32 $0x8000, s31;
	[sflag:s4] =	ssyncadd.s32 s19  }
0x47: {  	s19 =	sand.u32 $0x4000, s11  }
0x48: {  	s22 =	sor.u32 $0x20, s19  }
0x49: {  	v0 =	vmov s18;
	p0 =	sne.s32 s20, $0x1;
	v4 =	vld [tilespmem:s22+$0x10]  }
.Ltmp4:
0x4a: {  	v1 =	vld [tilespmem:s22+$0xFFFFFFE0];
	(pc) =	sbr.rel @!p0 .LBB1_5-.Ltmp4, $4  }
0x4b: {  	v2 =	vld [tilespmem:s22+$0xFFFFFFF0]  }
0x4c: {  	s19 =	simm.s32 $0x0;
	v3 =	vld [tilespmem:s22+$0x0]  }
0x4d: {  	s21 =	sand.u32 $0x3FC0, s19  }
0x4e: {  	s20 =	sadd.s32 $0xFFFFFFFF, s20;
	s22 =	sadd.s32 $0x40, s22;
	[tilespmem:v0+s21+$0x30 ss:$0x1] =	vst.idx.msk $0xffff, v4  }
.LBB1_4:
0x4f: {  	v4 =	vld [tilespmem:s22+$0x10];
	p0 =	sne.s32 s20, $0x1;
	s20 =	sadd.s32 $0xFFFFFFFF, s20;
	[tilespmem:v0+s21+$0x0 ss:$0x1] =	vst.idx.msk $0xffff, v1  }
.Ltmp5:
0x50: {  	v1 =	vld [tilespmem:s22+$0xFFFFFFE0];
	[tilespmem:v0+s21+$0x10 ss:$0x1] =	vst.idx.msk $0xffff, v2;
	(pc) =	sbr.rel @p0 .LBB1_4-.Ltmp5, $4  }
0x51: {  	v2 =	vld [tilespmem:s22+$0xFFFFFFF0];
	[tilespmem:v0+s21+$0x20 ss:$0x1] =	vst.idx.msk $0xffff, v3  }
0x52: {  	s19 =	sadd.s32 $0x40, s19;
	v3 =	vld [tilespmem:s22+$0x0]  }
0x53: {  	s21 =	sand.u32 $0x3FC0, s19  }
0x54: {  	s22 =	sadd.s32 $0x40, s22;
	[tilespmem:v0+s21+$0x30 ss:$0x1] =	vst.idx.msk $0xffff, v4  }
.Ltmp6:
0x55: {  	_ = 	snop;
	(pc) =	sbr.rel .LBB1_5-.Ltmp6, $1  }
0x56: {  	_ =	sdelay $0x3  }
.LBB1_8:
0x57: {  	_ =	sfence.sel $0x180000  }
0x58: {  	s2 =	simm.s32 $0x1;
	[bflag:$0x0] =	sbarrier.arrive $0xFFFF  }
0x59: {  	s31 =	simm.s32 $0x2;
	[sflag:s2] =	ssyncpa.u1 $0x1  }
0x5a: {  	[sflag:s31] =	ssyncpa.u1 $0x1  }
0x5b: {  	p0 =	sne.s32 s1, $0x0;
	_ =	strace $0x90000059  }
0x5c: {  	s0 =	sadd.s32 @!p0 $0x100000, s0;
	[bflag:$0x2] =	sbarrier.arrive $0xFFFF  }
0x5d: {  	[sflag:s0] =	ssyncadd.tile.s32 @!p0 $0x1;
	_ =	shalt  }
.Lfunc_end1:
_tile_overlayer_lowered:
.L_overlay_start_2:
0x5e: {  	(tag) =	ssettag $0x2  }
0x5f: {  	s0 =	rddreg [dreg:$0x0];
	s2 =	stileid.u32  }
0x60: {  	s1 =	rddreg [dreg:$0x1];
	p0 =	sne.s32 s2, $0x0  }
0x61: {  	s3 =	rddreg [dreg:$0x2];
	[bflag:$0x3] =	sbarrier.arrive $0xFFFF;
	s2 =	simm.s32 @!p0 $0x1C01  }
0x62: {  	[timem:s3], [sflag:s2] =	dma.local @!p0 [hbm:s0], s1  }
0x63: {  	s0 =	simm.s32 @!p0 $0x1  }
0x64: {  	_ =	swait.ge @!p0 [sflag:s0], s1  }
0x65: {  	s1 =	ssub.s32 @!p0 $0x0, s1;
	[sflag:s0] =	ssyncset.done @!p0 $0x0  }
0x66: {  	[sflag:s0] =	ssyncadd.s32 @!p0 s1  }
0x67: {  	[bflag:$0x3] =	sbarrier.arrive $0xFFFF  }
0x68: {  	_ =	shalt  }

// kernel: sparse-core-data-format-call.15.cloned.1.call-start
scs
called_computation.15_lowered:
.L_overlay_start_0:
0x0: {  	s2 =	sld [smem:$0x3FD9]  }
0x1: {  	s3 =	sld [smem:$0x3FFE];
	_ =	sdelay $0x1  }
0x2: {  	s1 =	srdreg.scid  }
0x3: {  	s0 =	sand.u32 $0x1, s1  }
0x4: {  	s18 =	sshll.u32 s0, $0xA;
	s2 =	sadd.s32 s3, s2  }
0x5: {  	s2 =	sadd.s32 s2, s18  }
0x6: {  	[smem:$0x3F9F] =	sst s2  }
0x7: {  	_ = 	snop  }
0x8: {  	(tm) =	ssettm $0x1  }
0x9: {  	s19 =	sld [smem:$0x3FFB];
	_ =	sdelay $0x3  }
0xa: {  	_ =	strace s19  }
0xb: {  	s2 =	sld [smem:$0x3FFC];
	_ =	sdelay $0x3  }
0xc: {  	_ =	strace s2  }
0xd: {  	s2 =	sld [smem:$0x3FFD];
	_ =	sdelay $0x3  }
0xe: {  	_ =	strace s2  }
0xf: {  	_ =	strace $0x8FFFFFFF  }
0x10: {  	s20 =	sld [smem:$0x3FDB];
	_ =	sdelay $0x1  }
0x11: {  	s21 =	simm.s32 $_scs_section_size  }
0x12: {  	s4 =	simm.s32 $_size__tile_overlayer_lowered;
	s5 =	simm.s32 $_tile_overlayer_lowered  }
0x13: {  	s6 =	simm.s32 $0x1BFF;
	s22 =	sshll.u32 s5, $0x1;
	s3 =	sadd.s32 s21, s20  }
0x14: {  	s23 =	simm.s32 $0x0;
	s4 =	sshll.u32 s4, $0x1;
	s5 =	sadd.s32 s22, s3  }
0x15: {  	[timem:s23], [sflag:s6] =	dma.local [hbm:s5], s4  }
0x16: {  	_ =	swait.ge [sflag:s6], s4  }
0x17: {  	s4 =	ssub.s32 $0x0, s4;
	[sflag:s6] =	ssyncset.done $0x0  }
0x18: {  	[sflag:s6] =	ssyncadd.s32 s4;
	_ =	sdelay $0x1  }
0x19: {  	s24 =	simm.s32 $0x1B8B  }
0x1a: {  	_ =	swait.ge [sflag:s24], $0x1  }
0x1b: {  	[sflag:s24] =	ssyncset.done $0x0  }
0x1c: {  	[sflag:s24] =	ssyncadd.s32 $0xFFFFFFFF  }
0x1d: {  	s4 =	sld [smem:$0x0]  }
0x1e: {  	s5 =	sand.u32 $0xFFFFFFFE, s1  }
0x1f: {  	p0 =	sne.s32 s1, s5  }
0x20: {  	s5 =	sshll.u32 @p0 s5, $0xE  }
0x21: {  	s5 =	sadd.s32 @p0 $0x11B8D, s5;
	s6 =	sshll.u32 @p0 s4, $0x11  }
0x22: {  	s5 =	sor.u32 @p0 s6, s5  }
0x23: {  	[sflag:s5] =	ssyncadd.remote.s32 @p0 $0x1;
	_ =	sdelay $0x1  }
0x24: {  	s5 =	simm.s32 @p0 $0x1B8D  }
0x25: {  	_ =	swait.eq @p0 [sflag:s5], $0x1  }
0x26: {  	[sflag:s5] =	ssyncadd.s32 @p0 $0xFFFFFFFF  }
0x27: {  	s6 =	sshll.u32 @!p0 s1, $0xE  }
0x28: {  	s6 =	sor.u32 @!p0 $0x4000, s6;
	s5 =	simm.s32 @!p0 $0x1B8D  }
0x29: {  	s4 =	sshll.u32 @!p0 s4, $0x11;
	s6 =	sadd.s32 @!p0 $0x11B8D, s6;
	_ =	swait.eq @!p0 [sflag:s5], $0x1  }
0x2a: {  	s4 =	sor.u32 @!p0 s4, s6;
	[sflag:s5] =	ssyncadd.s32 @!p0 $0xFFFFFFFF  }
0x2b: {  	s26 =	simm.s32 $0x1B8E;
	s25 =	sld [smem:$0x3FFE];
	[sflag:s4] =	ssyncadd.remote.s32 @!p0 $0x1  }
0x2c: {  	s27 =	simm.s32 $execute0_lowered;
	[smem:$0x3FD2] =	sst s26  }
0x2d: {  	s5 =	sshll.u32 s27, $0x1;
	_ =	strace $0x8000005B;
	[dreg:$0x1] =	wrdreg $0xFFFFFFFF  }
0x2e: {  	s28 =	simm.s32 $_size_execute0_lowered;
	s3 =	sadd.s32 s3, s5;
	[dreg:$0x0] =	wrdreg $0x0  }
0x2f: {  	s5 =	sshll.u32 s28, $0x1;
	[dreg:$0x2] =	wrdreg s3  }
0x30: {  	[dreg:$0x3] =	wrdreg s5  }
0x31: {  	[dreg:$0x4] =	wrdreg $0xC0  }
0x32: {  	_ =	task [dreg:s23], $0x5FFFF  }
0x33: {  	[dreg:$0x1] =	wrdreg $0xFFFFFFFF  }
0x34: {  	[dreg:$0x0] =	wrdreg $0x60  }
0x35: {  	[dreg:$0x2] =	wrdreg s25  }
0x36: {  	[dreg:$0x3] =	wrdreg $0xA  }
0x37: {  	_ =	task.clear_ibuf [dreg:s23], $0x4FFFF;
	_ =	strace $0x9000005B  }
0x38: {  	s29 =	simm.s32 $0xA;
	_ =	strace $0x8000005D  }
0x39: {  	_ =	swait.ge [sflag:s29], $0x1  }
0x3a: {  	[sflag:s29] =	ssyncadd.s32 $0xFFFFFFFF  }
0x3b: {  	_ =	strace $0x9000005D  }
0x3c: {  	_ =	sfence  }
0x3d: {  	s30 =	sld [smem:$0x0];
	_ =	sdelay $0x2  }
0x3e: {  	s31 =	sshll.u32 s1, $0xD;
	s1 =	sshrl.u32 s1, $0x2  }
0x3f: {  	s4 =	sand.u32 $0x4000, s31;
	s1 =	sadd.s32 s1, s30  }
0x40: {  	s0 =	sor.u32 s4, s0;
	s1 =	sshll.u32 s1, $0x11  }
0x41: {  	s0 =	sor.u32 s1, s0  }
0x42: {  	s0 =	sadd.s32 $0x8F2B, s0  }
0x43: {  	[sflag:s0] =	ssyncadd.remote.s32 $0x1  }
0x44: {  	_ =	sfence.sel $0xFFFF  }
0x45: {  	[dreg:$0x0] =	wrdreg $0xFFFFFFFF;
	(pc) =	sbr.abs _section_cstart, $3  }
0x46: {  	[dreg:$0x1] =	wrdreg $0xFFFFFFFF  }
0x47: {  	_ =	task.clear_ibuf [dreg:s23], $0x2FFFF;
	_ =	strace $0x9FFFFFFF  }
0x48: {  	(tm) =	ssettm $0x7FFFFFFF  }
0x49: {  	_ =	shalt  }
tec
execute0_lowered:
.L_overlay_start_1:
0x0: {  	(tag) =	ssettag $0x1  }
0x1: {  	s6 =	rddreg [dreg:$0x0];
	s2 =	srdreg.scid  }
0x2: {  	s1 =	stileid.u32;
	s0 =	rddreg [dreg:$0x1];
	_ =	strace $0x8000005C  }
0x3: {  	s31 =	simm.s32 $0x2;
	s15 =	simm.s32 $0x0;
	s10 =	simm.s32 $0x80  }
0x4: {  	s11 =	simm.s32 $0x0;
	s16 =	simm.s32 $0x0;
	s12 =	simm.s32 $0x0  }
0x5: {  	s14 =	simm.s32 $0x0;
	s2 =	sand.u32 $0x1, s2;
	s3 =	sshll.u32 s1, $0x8  }
0x6: {  	s4 =	ssub.s32 $0x13800, s3;
	s5 =	ssub.s32 $0x2, s2;
	s7 =	sshll.u32 s2, $0x4  }
.Ltmp0:
0x7: {  	s8 =	sshrl.u32 s4, $0xC;
	s9 =	sshrl.u32 s5, $0x1;
	(pc) =	sbr.rel .LBB1_1-.Ltmp0, $4  }
0x8: {  	s13 =	smov.u32 s3;
	s8 =	sadd.s32 $0x1, s8;
	s5 =	ssub.s32 s5, s9  }
0x9: {  	s4 =	simm.s32 $0x1;
	s7 =	sadd.s32 s7, s6;
	s5 =	smul.u32 s8, s5  }
0xa: {  	s6 =	sadd.s32 $0x5E2200, s6;
	[sflag:s4] =	ssyncpa.u1 $0x0;
	s7 =	sadd.s32 $0x371200, s7  }
0xb: {  	s9 =	simm.s32 $0x40;
	[sflag:s31] =	ssyncpa.u1 $0x0;
	s8 =	sadd.s32 $0x1, s5  }
.LBB1_5:
0xc: {  	_ =	sdelay $0x3  }
0xd: {  	[tilespmem:v0+s21+$0x0 ss:$0x1] =	vst.idx.msk $0xffff, v1  }
0xe: {  	[tilespmem:v0+s21+$0x10 ss:$0x1] =	vst.idx.msk $0xffff, v2  }
0xf: {  	[tilespmem:v0+s21+$0x20 ss:$0x1] =	vst.idx.msk $0xffff, v3  }
.LBB1_6:
0x10: {  	s19 =	sand.u32 $0x1FFFFFF, s12  }
0x11: {  	s20 =	smulhi.u32 $0x1A36E2F, s19;
	_ =	sdelay $0x1  }
0x12: {  	s20 =	sshrl.u32 s20, $0x9  }
0x13: {  	s20 =	smul.u32 $0x13880, s20  }
0x14: {  	s16 =	smul.u32 $0x138800, s16  }
0x15: {  	s19 =	ssub.s32 s19, s20  }
0x16: {  	s16 =	sadd.s32 s6, s16;
	s19 =	sshll.u32 s19, $0x4  }
0x17: {  	s16 =	sadd.s32 s19, s16  }
0x18: {  	[hbm4b:s16+s9] =	stream.strided.scatter [tilespmem:s18], [sflag:$0x2], s17, s10, s9, $0x38;
	[tilespmem:$0x10000] =	vst v63  }
.LBB1_7:
0x19: {  	p0 =	slt.u32 s14, $0x2  }
0x1a: {  	p1 =	sgt.s32 @!p0 s15, $0x13780  }
0x1b: {  	s16 =	smov.u32 s15;
	s17 =	sshra.s32 @!p0 s15, $0x1F;
	p1 =	por !p1, p0  }
0x1c: {  	s15 =	sand.u32 @!p0 s17, s15;
	s16 =	simm.s32 @p1 $0x13780  }
0x1d: {  	s15 =	ssub.s32 @!p0 s16, s15  }
0x1e: {  	s15 =	sadd.s32 @!p0 $0xFFFEC880, s15  }
0x1f: {  	s16 =	sshll.u32 @!p0 s15, $0x6  }
0x20: {  	p1 =	sgt.s32 @!p0 s15, $0xFF;
	s15 =	ssub.s32 @!p0 $0x4000, s16  }
0x21: {  	s17 =	sadd.s32 $0x1000, s13;
	p1 =	por !p1, p0;
	s15 =	sand.u32 @!p0 $0x3FFFFFC0, s15  }
0x22: {  	s15 =	simm.s32 @!p1 $0x0;
	p1 =	sgt.s32 s17, $0x1387F  }
0x23: {  	s17 =	smov.u32 @p1 s3;
	p1 =	sne.s32 s14, s8  }
.Ltmp1:
0x24: {  	_ = 	snop;
	(pc) =	sbr.rel @!p1 .LBB1_8-.Ltmp1, $4  }
0x25: {  	s11 =	sadd.s32 $0x4000, s11;
	s16 =	simm.s32 @!p0 $0x2  }
0x26: {  	_ =	swait.ge @!p0 [sflag:s16], s15;
	s18 =	ssub.s32 @!p0 $0x0, s15;
	s15 =	smov.u32 s12  }
0x27: {  	s14 =	sadd.s32 $0x1, s14;
	s12 =	smov.u32 s13;
	[sflag:s16] =	ssyncset.done @!p0 $0x0  }
0x28: {  	s13 =	smov.u32 s17;
	[sflag:s16] =	ssyncadd.s32 @!p0 s18;
	s16 =	smov.u32 s2  }
.LBB1_1:
0x29: {  	p0 =	sge.u32 s14, s5  }
0x2a: {  	p1 =	sgt.s32 @!p0 s13, $0x13780  }
0x2b: {  	s17 =	smov.u32 s13;
	s18 =	sshra.s32 @!p0 s13, $0x1F;
	p1 =	por !p1, p0  }
0x2c: {  	s18 =	sand.u32 @!p0 s18, s13;
	s17 =	simm.s32 @p1 $0x13780  }
0x2d: {  	s17 =	ssub.s32 @!p0 s17, s18  }
0x2e: {  	s31 =	sadd.s32 $0xFFFFFFFF, s14;
	s19 =	sxor.u32 @!p0 $0xFFFFFFFF, s14;
	s17 =	sadd.s32 @!p0 $0xFFFEC880, s17  }
0x2f: {  	s20 =	simm.s32 @!p0 $0x40;
	s21 =	simm.s32 @!p0 $0x100;
	s18 =	sshll.u32 @!p0 s17, $0x6  }
0x30: {  	p1 =	sgt.s32 @!p0 s17, $0xFF;
	s17 =	ssub.s32 @!p0 $0x4000, s18;
	s18 =	sshll.u32 @!p0 s19, $0xE  }
0x31: {  	p1 =	por !p1, p0;
	s19 =	sshll.u32 @!p0 s13, $0x5;
	s17 =	sand.u32 @!p0 $0x3FFFFFC0, s17  }
0x32: {  	s18 =	sand.u32 @!p0 $0x4000, s18;
	s19 =	sadd.s32 @!p0 s19, s7;
	s17 =	simm.s32 @!p1 $0x0  }
0x33: {  	[tilespmem:s18], [sflag:$0x1] =	stream.strided.gather @!p0 [hbm4b:s19+s20], s17, s21, s20, $0x38;
	[tilespmem:$0x10000] =	vst v63  }
0x34: {  	p0 =	sge.u32 s31, s5  }
.Ltmp2:
0x35: {  	_ = 	snop;
	(pc) =	sbr.rel @p0 .LBB1_7-.Ltmp2, $1  }
0x36: {  	_ =	sdelay $0x3  }
0x37: {  	p0 =	sgt.s32 s12, $0x13780;
	s17 =	smov.u32 s12;
	s18 =	sshra.s32 s12, $0x1F  }
0x38: {  	s17 =	simm.s32 @!p0 $0x13780;
	s18 =	sand.u32 s18, s12  }
0x39: {  	s17 =	ssub.s32 s17, s18  }
0x3a: {  	s17 =	sadd.s32 $0xFFFEC880, s17  }
0x3b: {  	s30 =	sshll.u32 s17, $0x6  }
0x3c: {  	s18 =	ssub.s32 $0x4000, s30  }
0x3d: {  	p0 =	sgt.s32 s17, $0xFF;
	s17 =	sand.u32 $0x3FFFFFC0, s18;
	s18 =	sadd.s32 $0x100, s12  }
0x3e: {  	s17 =	simm.s32 @p0 $0x0;
	p0 =	slt.s32 s18, $0x13880  }
0x3f: {  	s18 =	simm.s32 @!p0 $0x13880  }
0x40: {  	s20 =	ssub.s32 s18, s12  }
0x41: {  	p0 =	slt.s32 s20, $0x1  }
.Ltmp3:
0x42: {  	_ = 	snop;
	(pc) =	sbr.rel @p0 .LBB1_6-.Ltmp3, $4  }
0x43: {  	_ = 	snop  }
0x44: {  	s21 =	sshll.u32 s14, $0xE;
	_ =	swait.ge [sflag:s4], s17  }
0x45: {  	s31 =	sand.u32 $0x4000, s21;
	s19 =	ssub.s32 $0x0, s17;
	[sflag:s4] =	ssyncset.done $0x0  }
0x46: {  	s18 =	sor.u32 $0x8000, s31;
	[sflag:s4] =	ssyncadd.s32 s19  }
0x47: {  	s19 =	sand.u32 $0x4000, s11  }
0x48: {  	s22 =	sor.u32 $0x20, s19  }
0x49: {  	v0 =	vmov s18;
	p0 =	sne.s32 s20, $0x1;
	v4 =	vld [tilespmem:s22+$0x10]  }
.Ltmp4:
0x4a: {  	v1 =	vld [tilespmem:s22+$0xFFFFFFE0];
	(pc) =	sbr.rel @!p0 .LBB1_5-.Ltmp4, $4  }
0x4b: {  	v2 =	vld [tilespmem:s22+$0xFFFFFFF0]  }
0x4c: {  	s19 =	simm.s32 $0x0;
	v3 =	vld [tilespmem:s22+$0x0]  }
0x4d: {  	s21 =	sand.u32 $0x3FC0, s19  }
0x4e: {  	s20 =	sadd.s32 $0xFFFFFFFF, s20;
	s22 =	sadd.s32 $0x40, s22;
	[tilespmem:v0+s21+$0x30 ss:$0x1] =	vst.idx.msk $0xffff, v4  }
.LBB1_4:
0x4f: {  	v4 =	vld [tilespmem:s22+$0x10];
	p0 =	sne.s32 s20, $0x1;
	s20 =	sadd.s32 $0xFFFFFFFF, s20;
	[tilespmem:v0+s21+$0x0 ss:$0x1] =	vst.idx.msk $0xffff, v1  }
.Ltmp5:
0x50: {  	v1 =	vld [tilespmem:s22+$0xFFFFFFE0];
	[tilespmem:v0+s21+$0x10 ss:$0x1] =	vst.idx.msk $0xffff, v2;
	(pc) =	sbr.rel @p0 .LBB1_4-.Ltmp5, $4  }
0x51: {  	v2 =	vld [tilespmem:s22+$0xFFFFFFF0];
	[tilespmem:v0+s21+$0x20 ss:$0x1] =	vst.idx.msk $0xffff, v3  }
0x52: {  	s19 =	sadd.s32 $0x40, s19;
	v3 =	vld [tilespmem:s22+$0x0]  }
0x53: {  	s21 =	sand.u32 $0x3FC0, s19  }
0x54: {  	s22 =	sadd.s32 $0x40, s22;
	[tilespmem:v0+s21+$0x30 ss:$0x1] =	vst.idx.msk $0xffff, v4  }
.Ltmp6:
0x55: {  	_ = 	snop;
	(pc) =	sbr.rel .LBB1_5-.Ltmp6, $1  }
0x56: {  	_ =	sdelay $0x3  }
.LBB1_8:
0x57: {  	_ =	sfence.sel $0x180000  }
0x58: {  	s2 =	simm.s32 $0x1;
	[bflag:$0x0] =	sbarrier.arrive $0xFFFF  }
0x59: {  	s31 =	simm.s32 $0x2;
	[sflag:s2] =	ssyncpa.u1 $0x1  }
0x5a: {  	[sflag:s31] =	ssyncpa.u1 $0x1  }
0x5b: {  	p0 =	sne.s32 s1, $0x0;
	_ =	strace $0x9000005C  }
0x5c: {  	s0 =	sadd.s32 @!p0 $0x100000, s0;
	[bflag:$0x2] =	sbarrier.arrive $0xFFFF  }
0x5d: {  	[sflag:s0] =	ssyncadd.tile.s32 @!p0 $0x1;
	_ =	shalt  }
.Lfunc_end1:
_tile_overlayer_lowered:
.L_overlay_start_2:
0x5e: {  	(tag) =	ssettag $0x2  }
0x5f: {  	s0 =	rddreg [dreg:$0x0];
	s2 =	stileid.u32  }
0x60: {  	s1 =	rddreg [dreg:$0x1];
	p0 =	sne.s32 s2, $0x0  }
0x61: {  	s3 =	rddreg [dreg:$0x2];
	[bflag:$0x3] =	sbarrier.arrive $0xFFFF;
	s2 =	simm.s32 @!p0 $0x1C01  }
0x62: {  	[timem:s3], [sflag:s2] =	dma.local @!p0 [hbm:s0], s1  }
0x63: {  	s0 =	simm.s32 @!p0 $0x1  }
0x64: {  	_ =	swait.ge @!p0 [sflag:s0], s1  }
0x65: {  	s1 =	ssub.s32 @!p0 $0x0, s1;
	[sflag:s0] =	ssyncset.done @!p0 $0x0  }
0x66: {  	[sflag:s0] =	ssyncadd.s32 @!p0 s1  }
0x67: {  	[bflag:$0x3] =	sbarrier.arrive $0xFFFF  }
0x68: {  	_ =	shalt  }

// kernel: sparse-core-data-format-call.16.cloned.1.call-start
scs
called_computation.16_lowered:
.L_overlay_start_0:
0x0: {  	s2 =	sld [smem:$0x3FD9]  }
0x1: {  	s3 =	sld [smem:$0x3FFE];
	_ =	sdelay $0x1  }
0x2: {  	s1 =	srdreg.scid  }
0x3: {  	s0 =	sand.u32 $0x1, s1  }
0x4: {  	s18 =	sshll.u32 s0, $0xA;
	s2 =	sadd.s32 s3, s2  }
0x5: {  	s2 =	sadd.s32 s2, s18  }
0x6: {  	[smem:$0x3F9F] =	sst s2  }
0x7: {  	_ = 	snop  }
0x8: {  	(tm) =	ssettm $0x1  }
0x9: {  	s19 =	sld [smem:$0x3FFB];
	_ =	sdelay $0x3  }
0xa: {  	_ =	strace s19  }
0xb: {  	s2 =	sld [smem:$0x3FFC];
	_ =	sdelay $0x3  }
0xc: {  	_ =	strace s2  }
0xd: {  	s2 =	sld [smem:$0x3FFD];
	_ =	sdelay $0x3  }
0xe: {  	_ =	strace s2  }
0xf: {  	_ =	strace $0x8FFFFFFF  }
0x10: {  	s20 =	sld [smem:$0x3FDB];
	_ =	sdelay $0x1  }
0x11: {  	s21 =	simm.s32 $_scs_section_size  }
0x12: {  	s4 =	simm.s32 $_size__tile_overlayer_lowered;
	s5 =	simm.s32 $_tile_overlayer_lowered  }
0x13: {  	s6 =	simm.s32 $0x1BFF;
	s22 =	sshll.u32 s5, $0x1;
	s3 =	sadd.s32 s21, s20  }
0x14: {  	s23 =	simm.s32 $0x0;
	s4 =	sshll.u32 s4, $0x1;
	s5 =	sadd.s32 s22, s3  }
0x15: {  	[timem:s23], [sflag:s6] =	dma.local [hbm:s5], s4  }
0x16: {  	_ =	swait.ge [sflag:s6], s4  }
0x17: {  	s4 =	ssub.s32 $0x0, s4;
	[sflag:s6] =	ssyncset.done $0x0  }
0x18: {  	[sflag:s6] =	ssyncadd.s32 s4;
	_ =	sdelay $0x1  }
0x19: {  	s24 =	simm.s32 $0x1B8B  }
0x1a: {  	_ =	swait.ge [sflag:s24], $0x1  }
0x1b: {  	[sflag:s24] =	ssyncset.done $0x0  }
0x1c: {  	[sflag:s24] =	ssyncadd.s32 $0xFFFFFFFF  }
0x1d: {  	s4 =	sld [smem:$0x0]  }
0x1e: {  	s5 =	sand.u32 $0xFFFFFFFE, s1  }
0x1f: {  	p0 =	sne.s32 s1, s5  }
0x20: {  	s5 =	sshll.u32 @p0 s5, $0xE  }
0x21: {  	s5 =	sadd.s32 @p0 $0x11B8D, s5;
	s6 =	sshll.u32 @p0 s4, $0x11  }
0x22: {  	s5 =	sor.u32 @p0 s6, s5  }
0x23: {  	[sflag:s5] =	ssyncadd.remote.s32 @p0 $0x1;
	_ =	sdelay $0x1  }
0x24: {  	s5 =	simm.s32 @p0 $0x1B8D  }
0x25: {  	_ =	swait.eq @p0 [sflag:s5], $0x1  }
0x26: {  	[sflag:s5] =	ssyncadd.s32 @p0 $0xFFFFFFFF  }
0x27: {  	s6 =	sshll.u32 @!p0 s1, $0xE  }
0x28: {  	s6 =	sor.u32 @!p0 $0x4000, s6;
	s5 =	simm.s32 @!p0 $0x1B8D  }
0x29: {  	s4 =	sshll.u32 @!p0 s4, $0x11;
	s6 =	sadd.s32 @!p0 $0x11B8D, s6;
	_ =	swait.eq @!p0 [sflag:s5], $0x1  }
0x2a: {  	s4 =	sor.u32 @!p0 s4, s6;
	[sflag:s5] =	ssyncadd.s32 @!p0 $0xFFFFFFFF  }
0x2b: {  	s26 =	simm.s32 $0x1B8E;
	s25 =	sld [smem:$0x3FFE];
	[sflag:s4] =	ssyncadd.remote.s32 @!p0 $0x1  }
0x2c: {  	s27 =	simm.s32 $execute0_lowered;
	[smem:$0x3FD2] =	sst s26  }
0x2d: {  	s5 =	sshll.u32 s27, $0x1;
	_ =	strace $0x8000005E;
	[dreg:$0x1] =	wrdreg $0xFFFFFFFF  }
0x2e: {  	s28 =	simm.s32 $_size_execute0_lowered;
	s3 =	sadd.s32 s3, s5;
	[dreg:$0x0] =	wrdreg $0x0  }
0x2f: {  	s5 =	sshll.u32 s28, $0x1;
	[dreg:$0x2] =	wrdreg s3  }
0x30: {  	[dreg:$0x3] =	wrdreg s5  }
0x31: {  	[dreg:$0x4] =	wrdreg $0xC0  }
0x32: {  	_ =	task [dreg:s23], $0x5FFFF  }
0x33: {  	[dreg:$0x1] =	wrdreg $0xFFFFFFFF  }
0x34: {  	[dreg:$0x0] =	wrdreg $0x60  }
0x35: {  	[dreg:$0x2] =	wrdreg s25  }
0x36: {  	[dreg:$0x3] =	wrdreg $0xB  }
0x37: {  	_ =	task.clear_ibuf [dreg:s23], $0x4FFFF;
	_ =	strace $0x9000005E  }
0x38: {  	s29 =	simm.s32 $0xB;
	_ =	strace $0x80000060  }
0x39: {  	_ =	swait.ge [sflag:s29], $0x1  }
0x3a: {  	[sflag:s29] =	ssyncadd.s32 $0xFFFFFFFF  }
0x3b: {  	_ =	strace $0x90000060  }
0x3c: {  	_ =	sfence  }
0x3d: {  	s30 =	sld [smem:$0x0];
	_ =	sdelay $0x2  }
0x3e: {  	s31 =	sshll.u32 s1, $0xD;
	s1 =	sshrl.u32 s1, $0x2  }
0x3f: {  	s4 =	sand.u32 $0x4000, s31;
	s1 =	sadd.s32 s1, s30  }
0x40: {  	s0 =	sor.u32 s4, s0;
	s1 =	sshll.u32 s1, $0x11  }
0x41: {  	s0 =	sor.u32 s1, s0  }
0x42: {  	s0 =	sadd.s32 $0x8F2B, s0  }
0x43: {  	[sflag:s0] =	ssyncadd.remote.s32 $0x1  }
0x44: {  	_ =	sfence.sel $0xFFFF  }
0x45: {  	[dreg:$0x0] =	wrdreg $0xFFFFFFFF;
	(pc) =	sbr.abs _section_cstart, $3  }
0x46: {  	[dreg:$0x1] =	wrdreg $0xFFFFFFFF  }
0x47: {  	_ =	task.clear_ibuf [dreg:s23], $0x2FFFF;
	_ =	strace $0x9FFFFFFF  }
0x48: {  	(tm) =	ssettm $0x7FFFFFFF  }
0x49: {  	_ =	shalt  }
tec
execute0_lowered:
.L_overlay_start_1:
0x0: {  	(tag) =	ssettag $0x1  }
0x1: {  	s6 =	rddreg [dreg:$0x0];
	s2 =	srdreg.scid  }
0x2: {  	s1 =	stileid.u32;
	s0 =	rddreg [dreg:$0x1];
	_ =	strace $0x8000005F  }
0x3: {  	s31 =	simm.s32 $0x2;
	s15 =	simm.s32 $0x0;
	s10 =	simm.s32 $0x80  }
0x4: {  	s11 =	simm.s32 $0x0;
	s16 =	simm.s32 $0x0;
	s12 =	simm.s32 $0x0  }
0x5: {  	s14 =	simm.s32 $0x0;
	s2 =	sand.u32 $0x1, s2;
	s3 =	sshll.u32 s1, $0x8  }
0x6: {  	s4 =	ssub.s32 $0x13800, s3;
	s5 =	ssub.s32 $0x2, s2;
	s7 =	sshll.u32 s2, $0x4  }
.Ltmp0:
0x7: {  	s8 =	sshrl.u32 s4, $0xC;
	s9 =	sshrl.u32 s5, $0x1;
	(pc) =	sbr.rel .LBB1_1-.Ltmp0, $4  }
0x8: {  	s13 =	smov.u32 s3;
	s8 =	sadd.s32 $0x1, s8;
	s5 =	ssub.s32 s5, s9  }
0x9: {  	s4 =	simm.s32 $0x1;
	s7 =	sadd.s32 s7, s6;
	s5 =	smul.u32 s8, s5  }
0xa: {  	s6 =	sadd.s32 $0xAC4200, s6;
	[sflag:s4] =	ssyncpa.u1 $0x0;
	s7 =	sadd.s32 $0x853200, s7  }
0xb: {  	s9 =	simm.s32 $0x40;
	[sflag:s31] =	ssyncpa.u1 $0x0;
	s8 =	sadd.s32 $0x1, s5  }
.LBB1_5:
0xc: {  	_ =	sdelay $0x3  }
0xd: {  	[tilespmem:v0+s21+$0x0 ss:$0x1] =	vst.idx.msk $0xffff, v1  }
0xe: {  	[tilespmem:v0+s21+$0x10 ss:$0x1] =	vst.idx.msk $0xffff, v2  }
0xf: {  	[tilespmem:v0+s21+$0x20 ss:$0x1] =	vst.idx.msk $0xffff, v3  }
.LBB1_6:
0x10: {  	s19 =	sand.u32 $0x1FFFFFF, s12  }
0x11: {  	s20 =	smulhi.u32 $0x1A36E2F, s19;
	_ =	sdelay $0x1  }
0x12: {  	s20 =	sshrl.u32 s20, $0x9  }
0x13: {  	s20 =	smul.u32 $0x13880, s20  }
0x14: {  	s16 =	smul.u32 $0x138800, s16  }
0x15: {  	s19 =	ssub.s32 s19, s20  }
0x16: {  	s16 =	sadd.s32 s6, s16;
	s19 =	sshll.u32 s19, $0x4  }
0x17: {  	s16 =	sadd.s32 s19, s16  }
0x18: {  	[hbm4b:s16+s9] =	stream.strided.scatter [tilespmem:s18], [sflag:$0x2], s17, s10, s9, $0x38;
	[tilespmem:$0x10000] =	vst v63  }
.LBB1_7:
0x19: {  	p0 =	slt.u32 s14, $0x2  }
0x1a: {  	p1 =	sgt.s32 @!p0 s15, $0x13780  }
0x1b: {  	s16 =	smov.u32 s15;
	s17 =	sshra.s32 @!p0 s15, $0x1F;
	p1 =	por !p1, p0  }
0x1c: {  	s15 =	sand.u32 @!p0 s17, s15;
	s16 =	simm.s32 @p1 $0x13780  }
0x1d: {  	s15 =	ssub.s32 @!p0 s16, s15  }
0x1e: {  	s15 =	sadd.s32 @!p0 $0xFFFEC880, s15  }
0x1f: {  	s16 =	sshll.u32 @!p0 s15, $0x6  }
0x20: {  	p1 =	sgt.s32 @!p0 s15, $0xFF;
	s15 =	ssub.s32 @!p0 $0x4000, s16  }
0x21: {  	s17 =	sadd.s32 $0x1000, s13;
	p1 =	por !p1, p0;
	s15 =	sand.u32 @!p0 $0x3FFFFFC0, s15  }
0x22: {  	s15 =	simm.s32 @!p1 $0x0;
	p1 =	sgt.s32 s17, $0x1387F  }
0x23: {  	s17 =	smov.u32 @p1 s3;
	p1 =	sne.s32 s14, s8  }
.Ltmp1:
0x24: {  	_ = 	snop;
	(pc) =	sbr.rel @!p1 .LBB1_8-.Ltmp1, $4  }
0x25: {  	s11 =	sadd.s32 $0x4000, s11;
	s16 =	simm.s32 @!p0 $0x2  }
0x26: {  	_ =	swait.ge @!p0 [sflag:s16], s15;
	s18 =	ssub.s32 @!p0 $0x0, s15;
	s15 =	smov.u32 s12  }
0x27: {  	s14 =	sadd.s32 $0x1, s14;
	s12 =	smov.u32 s13;
	[sflag:s16] =	ssyncset.done @!p0 $0x0  }
0x28: {  	s13 =	smov.u32 s17;
	[sflag:s16] =	ssyncadd.s32 @!p0 s18;
	s16 =	smov.u32 s2  }
.LBB1_1:
0x29: {  	p0 =	sge.u32 s14, s5  }
0x2a: {  	p1 =	sgt.s32 @!p0 s13, $0x13780  }
0x2b: {  	s17 =	smov.u32 s13;
	s18 =	sshra.s32 @!p0 s13, $0x1F;
	p1 =	por !p1, p0  }
0x2c: {  	s18 =	sand.u32 @!p0 s18, s13;
	s17 =	simm.s32 @p1 $0x13780  }
0x2d: {  	s17 =	ssub.s32 @!p0 s17, s18  }
0x2e: {  	s31 =	sadd.s32 $0xFFFFFFFF, s14;
	s19 =	sxor.u32 @!p0 $0xFFFFFFFF, s14;
	s17 =	sadd.s32 @!p0 $0xFFFEC880, s17  }
0x2f: {  	s20 =	simm.s32 @!p0 $0x40;
	s21 =	simm.s32 @!p0 $0x100;
	s18 =	sshll.u32 @!p0 s17, $0x6  }
0x30: {  	p1 =	sgt.s32 @!p0 s17, $0xFF;
	s17 =	ssub.s32 @!p0 $0x4000, s18;
	s18 =	sshll.u32 @!p0 s19, $0xE  }
0x31: {  	p1 =	por !p1, p0;
	s19 =	sshll.u32 @!p0 s13, $0x5;
	s17 =	sand.u32 @!p0 $0x3FFFFFC0, s17  }
0x32: {  	s18 =	sand.u32 @!p0 $0x4000, s18;
	s19 =	sadd.s32 @!p0 s19, s7;
	s17 =	simm.s32 @!p1 $0x0  }
0x33: {  	[tilespmem:s18], [sflag:$0x1] =	stream.strided.gather @!p0 [hbm4b:s19+s20], s17, s21, s20, $0x38;
	[tilespmem:$0x10000] =	vst v63  }
0x34: {  	p0 =	sge.u32 s31, s5  }
.Ltmp2:
0x35: {  	_ = 	snop;
	(pc) =	sbr.rel @p0 .LBB1_7-.Ltmp2, $1  }
0x36: {  	_ =	sdelay $0x3  }
0x37: {  	p0 =	sgt.s32 s12, $0x13780;
	s17 =	smov.u32 s12;
	s18 =	sshra.s32 s12, $0x1F  }
0x38: {  	s17 =	simm.s32 @!p0 $0x13780;
	s18 =	sand.u32 s18, s12  }
0x39: {  	s17 =	ssub.s32 s17, s18  }
0x3a: {  	s17 =	sadd.s32 $0xFFFEC880, s17  }
0x3b: {  	s30 =	sshll.u32 s17, $0x6  }
0x3c: {  	s18 =	ssub.s32 $0x4000, s30  }
0x3d: {  	p0 =	sgt.s32 s17, $0xFF;
	s17 =	sand.u32 $0x3FFFFFC0, s18;
	s18 =	sadd.s32 $0x100, s12  }
0x3e: {  	s17 =	simm.s32 @p0 $0x0;
	p0 =	slt.s32 s18, $0x13880  }
0x3f: {  	s18 =	simm.s32 @!p0 $0x13880  }
0x40: {  	s20 =	ssub.s32 s18, s12  }
0x41: {  	p0 =	slt.s32 s20, $0x1  }
.Ltmp3:
0x42: {  	_ = 	snop;
	(pc) =	sbr.rel @p0 .LBB1_6-.Ltmp3, $4  }
0x43: {  	_ = 	snop  }
0x44: {  	s21 =	sshll.u32 s14, $0xE;
	_ =	swait.ge [sflag:s4], s17  }
0x45: {  	s31 =	sand.u32 $0x4000, s21;
	s19 =	ssub.s32 $0x0, s17;
	[sflag:s4] =	ssyncset.done $0x0  }
0x46: {  	s18 =	sor.u32 $0x8000, s31;
	[sflag:s4] =	ssyncadd.s32 s19  }
0x47: {  	s19 =	sand.u32 $0x4000, s11  }
0x48: {  	s22 =	sor.u32 $0x20, s19  }
0x49: {  	v0 =	vmov s18;
	p0 =	sne.s32 s20, $0x1;
	v4 =	vld [tilespmem:s22+$0x10]  }
.Ltmp4:
0x4a: {  	v1 =	vld [tilespmem:s22+$0xFFFFFFE0];
	(pc) =	sbr.rel @!p0 .LBB1_5-.Ltmp4, $4  }
0x4b: {  	v2 =	vld [tilespmem:s22+$0xFFFFFFF0]  }
0x4c: {  	s19 =	simm.s32 $0x0;
	v3 =	vld [tilespmem:s22+$0x0]  }
0x4d: {  	s21 =	sand.u32 $0x3FC0, s19  }
0x4e: {  	s20 =	sadd.s32 $0xFFFFFFFF, s20;
	s22 =	sadd.s32 $0x40, s22;
	[tilespmem:v0+s21+$0x30 ss:$0x1] =	vst.idx.msk $0xffff, v4  }
.LBB1_4:
0x4f: {  	v4 =	vld [tilespmem:s22+$0x10];
	p0 =	sne.s32 s20, $0x1;
	s20 =	sadd.s32 $0xFFFFFFFF, s20;
	[tilespmem:v0+s21+$0x0 ss:$0x1] =	vst.idx.msk $0xffff, v1  }
.Ltmp5:
0x50: {  	v1 =	vld [tilespmem:s22+$0xFFFFFFE0];
	[tilespmem:v0+s21+$0x10 ss:$0x1] =	vst.idx.msk $0xffff, v2;
	(pc) =	sbr.rel @p0 .LBB1_4-.Ltmp5, $4  }
0x51: {  	v2 =	vld [tilespmem:s22+$0xFFFFFFF0];
	[tilespmem:v0+s21+$0x20 ss:$0x1] =	vst.idx.msk $0xffff, v3  }
0x52: {  	s19 =	sadd.s32 $0x40, s19;
	v3 =	vld [tilespmem:s22+$0x0]  }
0x53: {  	s21 =	sand.u32 $0x3FC0, s19  }
0x54: {  	s22 =	sadd.s32 $0x40, s22;
	[tilespmem:v0+s21+$0x30 ss:$0x1] =	vst.idx.msk $0xffff, v4  }
.Ltmp6:
0x55: {  	_ = 	snop;
	(pc) =	sbr.rel .LBB1_5-.Ltmp6, $1  }
0x56: {  	_ =	sdelay $0x3  }
.LBB1_8:
0x57: {  	_ =	sfence.sel $0x180000  }
0x58: {  	s2 =	simm.s32 $0x1;
	[bflag:$0x0] =	sbarrier.arrive $0xFFFF  }
0x59: {  	s31 =	simm.s32 $0x2;
	[sflag:s2] =	ssyncpa.u1 $0x1  }
0x5a: {  	[sflag:s31] =	ssyncpa.u1 $0x1  }
0x5b: {  	p0 =	sne.s32 s1, $0x0;
	_ =	strace $0x9000005F  }
0x5c: {  	s0 =	sadd.s32 @!p0 $0x100000, s0;
	[bflag:$0x2] =	sbarrier.arrive $0xFFFF  }
0x5d: {  	[sflag:s0] =	ssyncadd.tile.s32 @!p0 $0x1;
	_ =	shalt  }
.Lfunc_end1:
_tile_overlayer_lowered:
.L_overlay_start_2:
0x5e: {  	(tag) =	ssettag $0x2  }
0x5f: {  	s0 =	rddreg [dreg:$0x0];
	s2 =	stileid.u32  }
0x60: {  	s1 =	rddreg [dreg:$0x1];
	p0 =	sne.s32 s2, $0x0  }
0x61: {  	s3 =	rddreg [dreg:$0x2];
	[bflag:$0x3] =	sbarrier.arrive $0xFFFF;
	s2 =	simm.s32 @!p0 $0x1C01  }
0x62: {  	[timem:s3], [sflag:s2] =	dma.local @!p0 [hbm:s0], s1  }
0x63: {  	s0 =	simm.s32 @!p0 $0x1  }
0x64: {  	_ =	swait.ge @!p0 [sflag:s0], s1  }
0x65: {  	s1 =	ssub.s32 @!p0 $0x0, s1;
	[sflag:s0] =	ssyncset.done @!p0 $0x0  }
0x66: {  	[sflag:s0] =	ssyncadd.s32 @!p0 s1  }
0x67: {  	[bflag:$0x3] =	sbarrier.arrive $0xFFFF  }
0x68: {  	_ =	shalt  }

// kernel: sparse-core-data-format-call.17.cloned.1.call-start
scs
called_computation.17_lowered:
.L_overlay_start_0:
0x0: {  	s2 =	sld [smem:$0x3FD9]  }
0x1: {  	s3 =	sld [smem:$0x3FFE];
	_ =	sdelay $0x1  }
0x2: {  	s1 =	srdreg.scid  }
0x3: {  	s0 =	sand.u32 $0x1, s1  }
0x4: {  	s18 =	sshll.u32 s0, $0xA;
	s2 =	sadd.s32 s3, s2  }
0x5: {  	s2 =	sadd.s32 s2, s18  }
0x6: {  	[smem:$0x3F9F] =	sst s2  }
0x7: {  	_ = 	snop  }
0x8: {  	(tm) =	ssettm $0x1  }
0x9: {  	s19 =	sld [smem:$0x3FFB];
	_ =	sdelay $0x3  }
0xa: {  	_ =	strace s19  }
0xb: {  	s2 =	sld [smem:$0x3FFC];
	_ =	sdelay $0x3  }
0xc: {  	_ =	strace s2  }
0xd: {  	s2 =	sld [smem:$0x3FFD];
	_ =	sdelay $0x3  }
0xe: {  	_ =	strace s2  }
0xf: {  	_ =	strace $0x8FFFFFFF  }
0x10: {  	s20 =	sld [smem:$0x3FDB];
	_ =	sdelay $0x1  }
0x11: {  	s21 =	simm.s32 $_scs_section_size  }
0x12: {  	s4 =	simm.s32 $_size__tile_overlayer_lowered;
	s5 =	simm.s32 $_tile_overlayer_lowered  }
0x13: {  	s6 =	simm.s32 $0x1BFF;
	s22 =	sshll.u32 s5, $0x1;
	s3 =	sadd.s32 s21, s20  }
0x14: {  	s23 =	simm.s32 $0x0;
	s4 =	sshll.u32 s4, $0x1;
	s5 =	sadd.s32 s22, s3  }
0x15: {  	[timem:s23], [sflag:s6] =	dma.local [hbm:s5], s4  }
0x16: {  	_ =	swait.ge [sflag:s6], s4  }
0x17: {  	s4 =	ssub.s32 $0x0, s4;
	[sflag:s6] =	ssyncset.done $0x0  }
0x18: {  	[sflag:s6] =	ssyncadd.s32 s4;
	_ =	sdelay $0x1  }
0x19: {  	s24 =	simm.s32 $0x1B8B  }
0x1a: {  	_ =	swait.ge [sflag:s24], $0x1  }
0x1b: {  	[sflag:s24] =	ssyncset.done $0x0  }
0x1c: {  	[sflag:s24] =	ssyncadd.s32 $0xFFFFFFFF  }
0x1d: {  	s4 =	sld [smem:$0x0]  }
0x1e: {  	s5 =	sand.u32 $0xFFFFFFFE, s1  }
0x1f: {  	p0 =	sne.s32 s1, s5  }
0x20: {  	s5 =	sshll.u32 @p0 s5, $0xE  }
0x21: {  	s5 =	sadd.s32 @p0 $0x11B8D, s5;
	s6 =	sshll.u32 @p0 s4, $0x11  }
0x22: {  	s5 =	sor.u32 @p0 s6, s5  }
0x23: {  	[sflag:s5] =	ssyncadd.remote.s32 @p0 $0x1;
	_ =	sdelay $0x1  }
0x24: {  	s5 =	simm.s32 @p0 $0x1B8D  }
0x25: {  	_ =	swait.eq @p0 [sflag:s5], $0x1  }
0x26: {  	[sflag:s5] =	ssyncadd.s32 @p0 $0xFFFFFFFF  }
0x27: {  	s6 =	sshll.u32 @!p0 s1, $0xE  }
0x28: {  	s6 =	sor.u32 @!p0 $0x4000, s6;
	s5 =	simm.s32 @!p0 $0x1B8D  }
0x29: {  	s4 =	sshll.u32 @!p0 s4, $0x11;
	s6 =	sadd.s32 @!p0 $0x11B8D, s6;
	_ =	swait.eq @!p0 [sflag:s5], $0x1  }
0x2a: {  	s4 =	sor.u32 @!p0 s4, s6;
	[sflag:s5] =	ssyncadd.s32 @!p0 $0xFFFFFFFF  }
0x2b: {  	s26 =	simm.s32 $0x1B8E;
	s25 =	sld [smem:$0x3FFE];
	[sflag:s4] =	ssyncadd.remote.s32 @!p0 $0x1  }
0x2c: {  	s27 =	simm.s32 $execute0_lowered;
	[smem:$0x3FD2] =	sst s26  }
0x2d: {  	s5 =	sshll.u32 s27, $0x1;
	_ =	strace $0x80000061;
	[dreg:$0x1] =	wrdreg $0xFFFFFFFF  }
0x2e: {  	s28 =	simm.s32 $_size_execute0_lowered;
	s3 =	sadd.s32 s3, s5;
	[dreg:$0x0] =	wrdreg $0x0  }
0x2f: {  	s5 =	sshll.u32 s28, $0x1;
	[dreg:$0x2] =	wrdreg s3  }
0x30: {  	[dreg:$0x3] =	wrdreg s5  }
0x31: {  	[dreg:$0x4] =	wrdreg $0xC0  }
0x32: {  	_ =	task [dreg:s23], $0x5FFFF  }
0x33: {  	[dreg:$0x1] =	wrdreg $0xFFFFFFFF  }
0x34: {  	[dreg:$0x0] =	wrdreg $0x60  }
0x35: {  	[dreg:$0x2] =	wrdreg s25  }
0x36: {  	[dreg:$0x3] =	wrdreg $0xC  }
0x37: {  	_ =	task.clear_ibuf [dreg:s23], $0x4FFFF;
	_ =	strace $0x90000061  }
0x38: {  	s29 =	simm.s32 $0xC;
	_ =	strace $0x80000063  }
0x39: {  	_ =	swait.ge [sflag:s29], $0x1  }
0x3a: {  	[sflag:s29] =	ssyncadd.s32 $0xFFFFFFFF  }
0x3b: {  	_ =	strace $0x90000063  }
0x3c: {  	_ =	sfence  }
0x3d: {  	s30 =	sld [smem:$0x0];
	_ =	sdelay $0x2  }
0x3e: {  	s31 =	sshll.u32 s1, $0xD;
	s1 =	sshrl.u32 s1, $0x2  }
0x3f: {  	s4 =	sand.u32 $0x4000, s31;
	s1 =	sadd.s32 s1, s30  }
0x40: {  	s0 =	sor.u32 s4, s0;
	s1 =	sshll.u32 s1, $0x11  }
0x41: {  	s0 =	sor.u32 s1, s0  }
0x42: {  	s0 =	sadd.s32 $0x8F2B, s0  }
0x43: {  	[sflag:s0] =	ssyncadd.remote.s32 $0x1  }
0x44: {  	_ =	sfence.sel $0xFFFF  }
0x45: {  	[dreg:$0x0] =	wrdreg $0xFFFFFFFF;
	(pc) =	sbr.abs _section_cstart, $3  }
0x46: {  	[dreg:$0x1] =	wrdreg $0xFFFFFFFF  }
0x47: {  	_ =	task.clear_ibuf [dreg:s23], $0x2FFFF;
	_ =	strace $0x9FFFFFFF  }
0x48: {  	(tm) =	ssettm $0x7FFFFFFF  }
0x49: {  	_ =	shalt  }
tec
execute0_lowered:
.L_overlay_start_1:
0x0: {  	(tag) =	ssettag $0x1  }
0x1: {  	s6 =	rddreg [dreg:$0x0];
	s2 =	srdreg.scid  }
0x2: {  	s1 =	stileid.u32;
	s0 =	rddreg [dreg:$0x1];
	_ =	strace $0x80000062  }
0x3: {  	s31 =	simm.s32 $0x2;
	s15 =	simm.s32 $0x0;
	s10 =	simm.s32 $0x80  }
0x4: {  	s11 =	simm.s32 $0x0;
	s16 =	simm.s32 $0x0;
	s12 =	simm.s32 $0x0  }
0x5: {  	s14 =	simm.s32 $0x0;
	s2 =	sand.u32 $0x1, s2;
	s3 =	sshll.u32 s1, $0x8  }
0x6: {  	s4 =	ssub.s32 $0x13800, s3;
	s5 =	ssub.s32 $0x2, s2;
	s7 =	sshll.u32 s2, $0x4  }
.Ltmp0:
0x7: {  	s8 =	sshrl.u32 s4, $0xC;
	s9 =	sshrl.u32 s5, $0x1;
	(pc) =	sbr.rel .LBB1_1-.Ltmp0, $4  }
0x8: {  	s13 =	smov.u32 s3;
	s8 =	sadd.s32 $0x1, s8;
	s5 =	ssub.s32 s5, s9  }
0x9: {  	s4 =	simm.s32 $0x1;
	s7 =	sadd.s32 s7, s6;
	s5 =	smul.u32 s8, s5  }
0xa: {  	s6 =	sadd.s32 $0xFA6200, s6;
	[sflag:s4] =	ssyncpa.u1 $0x0;
	s7 =	sadd.s32 $0xD35200, s7  }
0xb: {  	s9 =	simm.s32 $0x40;
	[sflag:s31] =	ssyncpa.u1 $0x0;
	s8 =	sadd.s32 $0x1, s5  }
.LBB1_5:
0xc: {  	_ =	sdelay $0x3  }
0xd: {  	[tilespmem:v0+s21+$0x0 ss:$0x1] =	vst.idx.msk $0xffff, v1  }
0xe: {  	[tilespmem:v0+s21+$0x10 ss:$0x1] =	vst.idx.msk $0xffff, v2  }
0xf: {  	[tilespmem:v0+s21+$0x20 ss:$0x1] =	vst.idx.msk $0xffff, v3  }
.LBB1_6:
0x10: {  	s19 =	sand.u32 $0x1FFFFFF, s12  }
0x11: {  	s20 =	smulhi.u32 $0x1A36E2F, s19;
	_ =	sdelay $0x1  }
0x12: {  	s20 =	sshrl.u32 s20, $0x9  }
0x13: {  	s20 =	smul.u32 $0x13880, s20  }
0x14: {  	s16 =	smul.u32 $0x138800, s16  }
0x15: {  	s19 =	ssub.s32 s19, s20  }
0x16: {  	s16 =	sadd.s32 s6, s16;
	s19 =	sshll.u32 s19, $0x4  }
0x17: {  	s16 =	sadd.s32 s19, s16  }
0x18: {  	[hbm4b:s16+s9] =	stream.strided.scatter [tilespmem:s18], [sflag:$0x2], s17, s10, s9, $0x38;
	[tilespmem:$0x10000] =	vst v63  }
.LBB1_7:
0x19: {  	p0 =	slt.u32 s14, $0x2  }
0x1a: {  	p1 =	sgt.s32 @!p0 s15, $0x13780  }
0x1b: {  	s16 =	smov.u32 s15;
	s17 =	sshra.s32 @!p0 s15, $0x1F;
	p1 =	por !p1, p0  }
0x1c: {  	s15 =	sand.u32 @!p0 s17, s15;
	s16 =	simm.s32 @p1 $0x13780  }
0x1d: {  	s15 =	ssub.s32 @!p0 s16, s15  }
0x1e: {  	s15 =	sadd.s32 @!p0 $0xFFFEC880, s15  }
0x1f: {  	s16 =	sshll.u32 @!p0 s15, $0x6  }
0x20: {  	p1 =	sgt.s32 @!p0 s15, $0xFF;
	s15 =	ssub.s32 @!p0 $0x4000, s16  }
0x21: {  	s17 =	sadd.s32 $0x1000, s13;
	p1 =	por !p1, p0;
	s15 =	sand.u32 @!p0 $0x3FFFFFC0, s15  }
0x22: {  	s15 =	simm.s32 @!p1 $0x0;
	p1 =	sgt.s32 s17, $0x1387F  }
0x23: {  	s17 =	smov.u32 @p1 s3;
	p1 =	sne.s32 s14, s8  }
.Ltmp1:
0x24: {  	_ = 	snop;
	(pc) =	sbr.rel @!p1 .LBB1_8-.Ltmp1, $4  }
0x25: {  	s11 =	sadd.s32 $0x4000, s11;
	s16 =	simm.s32 @!p0 $0x2  }
0x26: {  	_ =	swait.ge @!p0 [sflag:s16], s15;
	s18 =	ssub.s32 @!p0 $0x0, s15;
	s15 =	smov.u32 s12  }
0x27: {  	s14 =	sadd.s32 $0x1, s14;
	s12 =	smov.u32 s13;
	[sflag:s16] =	ssyncset.done @!p0 $0x0  }
0x28: {  	s13 =	smov.u32 s17;
	[sflag:s16] =	ssyncadd.s32 @!p0 s18;
	s16 =	smov.u32 s2  }
.LBB1_1:
0x29: {  	p0 =	sge.u32 s14, s5  }
0x2a: {  	p1 =	sgt.s32 @!p0 s13, $0x13780  }
0x2b: {  	s17 =	smov.u32 s13;
	s18 =	sshra.s32 @!p0 s13, $0x1F;
	p1 =	por !p1, p0  }
0x2c: {  	s18 =	sand.u32 @!p0 s18, s13;
	s17 =	simm.s32 @p1 $0x13780  }
0x2d: {  	s17 =	ssub.s32 @!p0 s17, s18  }
0x2e: {  	s31 =	sadd.s32 $0xFFFFFFFF, s14;
	s19 =	sxor.u32 @!p0 $0xFFFFFFFF, s14;
	s17 =	sadd.s32 @!p0 $0xFFFEC880, s17  }
0x2f: {  	s20 =	simm.s32 @!p0 $0x40;
	s21 =	simm.s32 @!p0 $0x100;
	s18 =	sshll.u32 @!p0 s17, $0x6  }
0x30: {  	p1 =	sgt.s32 @!p0 s17, $0xFF;
	s17 =	ssub.s32 @!p0 $0x4000, s18;
	s18 =	sshll.u32 @!p0 s19, $0xE  }
0x31: {  	p1 =	por !p1, p0;
	s19 =	sshll.u32 @!p0 s13, $0x5;
	s17 =	sand.u32 @!p0 $0x3FFFFFC0, s17  }
0x32: {  	s18 =	sand.u32 @!p0 $0x4000, s18;
	s19 =	sadd.s32 @!p0 s19, s7;
	s17 =	simm.s32 @!p1 $0x0  }
0x33: {  	[tilespmem:s18], [sflag:$0x1] =	stream.strided.gather @!p0 [hbm4b:s19+s20], s17, s21, s20, $0x38;
	[tilespmem:$0x10000] =	vst v63  }
0x34: {  	p0 =	sge.u32 s31, s5  }
.Ltmp2:
0x35: {  	_ = 	snop;
	(pc) =	sbr.rel @p0 .LBB1_7-.Ltmp2, $1  }
0x36: {  	_ =	sdelay $0x3  }
0x37: {  	p0 =	sgt.s32 s12, $0x13780;
	s17 =	smov.u32 s12;
	s18 =	sshra.s32 s12, $0x1F  }
0x38: {  	s17 =	simm.s32 @!p0 $0x13780;
	s18 =	sand.u32 s18, s12  }
0x39: {  	s17 =	ssub.s32 s17, s18  }
0x3a: {  	s17 =	sadd.s32 $0xFFFEC880, s17  }
0x3b: {  	s30 =	sshll.u32 s17, $0x6  }
0x3c: {  	s18 =	ssub.s32 $0x4000, s30  }
0x3d: {  	p0 =	sgt.s32 s17, $0xFF;
	s17 =	sand.u32 $0x3FFFFFC0, s18;
	s18 =	sadd.s32 $0x100, s12  }
0x3e: {  	s17 =	simm.s32 @p0 $0x0;
	p0 =	slt.s32 s18, $0x13880  }
0x3f: {  	s18 =	simm.s32 @!p0 $0x13880  }
0x40: {  	s20 =	ssub.s32 s18, s12  }
0x41: {  	p0 =	slt.s32 s20, $0x1  }
.Ltmp3:
0x42: {  	_ = 	snop;
	(pc) =	sbr.rel @p0 .LBB1_6-.Ltmp3, $4  }
0x43: {  	_ = 	snop  }
0x44: {  	s21 =	sshll.u32 s14, $0xE;
	_ =	swait.ge [sflag:s4], s17  }
0x45: {  	s31 =	sand.u32 $0x4000, s21;
	s19 =	ssub.s32 $0x0, s17;
	[sflag:s4] =	ssyncset.done $0x0  }
0x46: {  	s18 =	sor.u32 $0x8000, s31;
	[sflag:s4] =	ssyncadd.s32 s19  }
0x47: {  	s19 =	sand.u32 $0x4000, s11  }
0x48: {  	s22 =	sor.u32 $0x20, s19  }
0x49: {  	v0 =	vmov s18;
	p0 =	sne.s32 s20, $0x1;
	v4 =	vld [tilespmem:s22+$0x10]  }
.Ltmp4:
0x4a: {  	v1 =	vld [tilespmem:s22+$0xFFFFFFE0];
	(pc) =	sbr.rel @!p0 .LBB1_5-.Ltmp4, $4  }
0x4b: {  	v2 =	vld [tilespmem:s22+$0xFFFFFFF0]  }
0x4c: {  	s19 =	simm.s32 $0x0;
	v3 =	vld [tilespmem:s22+$0x0]  }
0x4d: {  	s21 =	sand.u32 $0x3FC0, s19  }
0x4e: {  	s20 =	sadd.s32 $0xFFFFFFFF, s20;
	s22 =	sadd.s32 $0x40, s22;
	[tilespmem:v0+s21+$0x30 ss:$0x1] =	vst.idx.msk $0xffff, v4  }
.LBB1_4:
0x4f: {  	v4 =	vld [tilespmem:s22+$0x10];
	p0 =	sne.s32 s20, $0x1;
	s20 =	sadd.s32 $0xFFFFFFFF, s20;
	[tilespmem:v0+s21+$0x0 ss:$0x1] =	vst.idx.msk $0xffff, v1  }
.Ltmp5:
0x50: {  	v1 =	vld [tilespmem:s22+$0xFFFFFFE0];
	[tilespmem:v0+s21+$0x10 ss:$0x1] =	vst.idx.msk $0xffff, v2;
	(pc) =	sbr.rel @p0 .LBB1_4-.Ltmp5, $4  }
0x51: {  	v2 =	vld [tilespmem:s22+$0xFFFFFFF0];
	[tilespmem:v0+s21+$0x20 ss:$0x1] =	vst.idx.msk $0xffff, v3  }
0x52: {  	s19 =	sadd.s32 $0x40, s19;
	v3 =	vld [tilespmem:s22+$0x0]  }
0x53: {  	s21 =	sand.u32 $0x3FC0, s19  }
0x54: {  	s22 =	sadd.s32 $0x40, s22;
	[tilespmem:v0+s21+$0x30 ss:$0x1] =	vst.idx.msk $0xffff, v4  }
.Ltmp6:
0x55: {  	_ = 	snop;
	(pc) =	sbr.rel .LBB1_5-.Ltmp6, $1  }
0x56: {  	_ =	sdelay $0x3  }
.LBB1_8:
0x57: {  	_ =	sfence.sel $0x180000  }
0x58: {  	s2 =	simm.s32 $0x1;
	[bflag:$0x0] =	sbarrier.arrive $0xFFFF  }
0x59: {  	s31 =	simm.s32 $0x2;
	[sflag:s2] =	ssyncpa.u1 $0x1  }
0x5a: {  	[sflag:s31] =	ssyncpa.u1 $0x1  }
0x5b: {  	p0 =	sne.s32 s1, $0x0;
	_ =	strace $0x90000062  }
0x5c: {  	s0 =	sadd.s32 @!p0 $0x100000, s0;
	[bflag:$0x2] =	sbarrier.arrive $0xFFFF  }
0x5d: {  	[sflag:s0] =	ssyncadd.tile.s32 @!p0 $0x1;
	_ =	shalt  }
.Lfunc_end1:
_tile_overlayer_lowered:
.L_overlay_start_2:
0x5e: {  	(tag) =	ssettag $0x2  }
0x5f: {  	s0 =	rddreg [dreg:$0x0];
	s2 =	stileid.u32  }
0x60: {  	s1 =	rddreg [dreg:$0x1];
	p0 =	sne.s32 s2, $0x0  }
0x61: {  	s3 =	rddreg [dreg:$0x2];
	[bflag:$0x3] =	sbarrier.arrive $0xFFFF;
	s2 =	simm.s32 @!p0 $0x1C01  }
0x62: {  	[timem:s3], [sflag:s2] =	dma.local @!p0 [hbm:s0], s1  }
0x63: {  	s0 =	simm.s32 @!p0 $0x1  }
0x64: {  	_ =	swait.ge @!p0 [sflag:s0], s1  }
0x65: {  	s1 =	ssub.s32 @!p0 $0x0, s1;
	[sflag:s0] =	ssyncset.done @!p0 $0x0  }
0x66: {  	[sflag:s0] =	ssyncadd.s32 @!p0 s1  }
0x67: {  	[bflag:$0x3] =	sbarrier.arrive $0xFFFF  }
0x68: {  	_ =	shalt  }

// kernel: sparse-core-data-format-call.18.cloned.1.call-start
scs
called_computation.18_lowered:
.L_overlay_start_0:
0x0: {  	s2 =	sld [smem:$0x3FD9]  }
0x1: {  	s3 =	sld [smem:$0x3FFE];
	_ =	sdelay $0x1  }
0x2: {  	s1 =	srdreg.scid  }
0x3: {  	s0 =	sand.u32 $0x1, s1  }
0x4: {  	s18 =	sshll.u32 s0, $0xA;
	s2 =	sadd.s32 s3, s2  }
0x5: {  	s2 =	sadd.s32 s2, s18  }
0x6: {  	[smem:$0x3F9F] =	sst s2  }
0x7: {  	_ = 	snop  }
0x8: {  	(tm) =	ssettm $0x1  }
0x9: {  	s19 =	sld [smem:$0x3FFB];
	_ =	sdelay $0x3  }
0xa: {  	_ =	strace s19  }
0xb: {  	s2 =	sld [smem:$0x3FFC];
	_ =	sdelay $0x3  }
0xc: {  	_ =	strace s2  }
0xd: {  	s2 =	sld [smem:$0x3FFD];
	_ =	sdelay $0x3  }
0xe: {  	_ =	strace s2  }
0xf: {  	_ =	strace $0x8FFFFFFF  }
0x10: {  	s20 =	sld [smem:$0x3FDB];
	_ =	sdelay $0x1  }
0x11: {  	s21 =	simm.s32 $_scs_section_size  }
0x12: {  	s4 =	simm.s32 $_size__tile_overlayer_lowered;
	s5 =	simm.s32 $_tile_overlayer_lowered  }
0x13: {  	s6 =	simm.s32 $0x1BFF;
	s22 =	sshll.u32 s5, $0x1;
	s3 =	sadd.s32 s21, s20  }
0x14: {  	s23 =	simm.s32 $0x0;
	s4 =	sshll.u32 s4, $0x1;
	s5 =	sadd.s32 s22, s3  }
0x15: {  	[timem:s23], [sflag:s6] =	dma.local [hbm:s5], s4  }
0x16: {  	_ =	swait.ge [sflag:s6], s4  }
0x17: {  	s4 =	ssub.s32 $0x0, s4;
	[sflag:s6] =	ssyncset.done $0x0  }
0x18: {  	[sflag:s6] =	ssyncadd.s32 s4;
	_ =	sdelay $0x1  }
0x19: {  	s24 =	simm.s32 $0x1B8B  }
0x1a: {  	_ =	swait.ge [sflag:s24], $0x1  }
0x1b: {  	[sflag:s24] =	ssyncset.done $0x0  }
0x1c: {  	[sflag:s24] =	ssyncadd.s32 $0xFFFFFFFF  }
0x1d: {  	s4 =	sld [smem:$0x0]  }
0x1e: {  	s5 =	sand.u32 $0xFFFFFFFE, s1  }
0x1f: {  	p0 =	sne.s32 s1, s5  }
0x20: {  	s5 =	sshll.u32 @p0 s5, $0xE  }
0x21: {  	s5 =	sadd.s32 @p0 $0x11B8D, s5;
	s6 =	sshll.u32 @p0 s4, $0x11  }
0x22: {  	s5 =	sor.u32 @p0 s6, s5  }
0x23: {  	[sflag:s5] =	ssyncadd.remote.s32 @p0 $0x1;
	_ =	sdelay $0x1  }
0x24: {  	s5 =	simm.s32 @p0 $0x1B8D  }
0x25: {  	_ =	swait.eq @p0 [sflag:s5], $0x1  }
0x26: {  	[sflag:s5] =	ssyncadd.s32 @p0 $0xFFFFFFFF  }
0x27: {  	s6 =	sshll.u32 @!p0 s1, $0xE  }
0x28: {  	s6 =	sor.u32 @!p0 $0x4000, s6;
	s5 =	simm.s32 @!p0 $0x1B8D  }
0x29: {  	s4 =	sshll.u32 @!p0 s4, $0x11;
	s6 =	sadd.s32 @!p0 $0x11B8D, s6;
	_ =	swait.eq @!p0 [sflag:s5], $0x1  }
0x2a: {  	s4 =	sor.u32 @!p0 s4, s6;
	[sflag:s5] =	ssyncadd.s32 @!p0 $0xFFFFFFFF  }
0x2b: {  	s26 =	simm.s32 $0x1B8E;
	s25 =	sld [smem:$0x3FFE];
	[sflag:s4] =	ssyncadd.remote.s32 @!p0 $0x1  }
0x2c: {  	s27 =	simm.s32 $execute0_lowered;
	[smem:$0x3FD2] =	sst s26  }
0x2d: {  	s5 =	sshll.u32 s27, $0x1;
	_ =	strace $0x80000055;
	[dreg:$0x1] =	wrdreg $0xFFFFFFFF  }
0x2e: {  	s28 =	simm.s32 $_size_execute0_lowered;
	s3 =	sadd.s32 s3, s5;
	[dreg:$0x0] =	wrdreg $0x0  }
0x2f: {  	s5 =	sshll.u32 s28, $0x1;
	[dreg:$0x2] =	wrdreg s3  }
0x30: {  	[dreg:$0x3] =	wrdreg s5  }
0x31: {  	[dreg:$0x4] =	wrdreg $0xC0  }
0x32: {  	_ =	task [dreg:s23], $0x5FFFF  }
0x33: {  	[dreg:$0x1] =	wrdreg $0xFFFFFFFF  }
0x34: {  	[dreg:$0x0] =	wrdreg $0x60  }
0x35: {  	[dreg:$0x2] =	wrdreg s25  }
0x36: {  	[dreg:$0x3] =	wrdreg $0x9  }
0x37: {  	_ =	task.clear_ibuf [dreg:s23], $0x4FFFF;
	_ =	strace $0x90000055  }
0x38: {  	s29 =	simm.s32 $0x9;
	_ =	strace $0x80000057  }
0x39: {  	_ =	swait.ge [sflag:s29], $0x1  }
0x3a: {  	[sflag:s29] =	ssyncadd.s32 $0xFFFFFFFF  }
0x3b: {  	_ =	strace $0x90000057  }
0x3c: {  	_ =	sfence  }
0x3d: {  	s30 =	sld [smem:$0x0];
	_ =	sdelay $0x2  }
0x3e: {  	s31 =	sshll.u32 s1, $0xD;
	s1 =	sshrl.u32 s1, $0x2  }
0x3f: {  	s4 =	sand.u32 $0x4000, s31;
	s1 =	sadd.s32 s1, s30  }
0x40: {  	s0 =	sor.u32 s4, s0;
	s1 =	sshll.u32 s1, $0x11  }
0x41: {  	s0 =	sor.u32 s1, s0  }
0x42: {  	s0 =	sadd.s32 $0x8F2B, s0  }
0x43: {  	[sflag:s0] =	ssyncadd.remote.s32 $0x1  }
0x44: {  	_ =	sfence.sel $0xFFFF  }
0x45: {  	[dreg:$0x0] =	wrdreg $0xFFFFFFFF;
	(pc) =	sbr.abs _section_cstart, $3  }
0x46: {  	[dreg:$0x1] =	wrdreg $0xFFFFFFFF  }
0x47: {  	_ =	task.clear_ibuf [dreg:s23], $0x2FFFF;
	_ =	strace $0x9FFFFFFF  }
0x48: {  	(tm) =	ssettm $0x7FFFFFFF  }
0x49: {  	_ =	shalt  }
tec
execute0_lowered:
.L_overlay_start_1:
0x0: {  	(tag) =	ssettag $0x1  }
0x1: {  	s0 =	stileid.u32  }
0x2: {  	s1 =	srdreg.scid;
	s7 =	rddreg [dreg:$0x0]  }
0x3: {  	s31 =	simm.s32 $0x2;
	s18 =	simm.s32 $0x0;
	s9 =	simm.s32 $0x40  }
0x4: {  	s10 =	simm.s32 $0x100;
	s11 =	simm.s32 $0x0;
	s17 =	simm.s32 $0x0  }
0x5: {  	s12 =	simm.s32 $0x0;
	s2 =	sshll.u32 s0, $0x7;
	s1 =	sshll.u32 s1, $0xB  }
0x6: {  	s13 =	simm.s32 $0x0;
	s3 =	sor.u32 s2, s1;
	s2 =	sand.u32 $0x1, s0  }
0x7: {  	s1 =	rddreg [dreg:$0x1];
	s3 =	sand.u32 $0xF00, s3;
	s4 =	ssub.s32 $0x2, s2  }
0x8: {  	_ =	strace $0x80000056;
	s5 =	ssub.s32 $0x13800, s3;
	s6 =	sshrl.u32 s4, $0x1  }
.Ltmp0:
0x9: {  	s8 =	sand.u32 $0x1, s4;
	s5 =	sshrl.u32 s5, $0xC;
	(pc) =	sbr.rel .LBB1_1-.Ltmp0, $4  }
0xa: {  	s4 =	simm.s32 $0x1;
	s6 =	sadd.s32 s8, s6;
	s5 =	sadd.s32 $0x1, s5  }
0xb: {  	s16 =	simm.s32 $0x0;
	[sflag:s4] =	ssyncpa.u1 $0x0;
	s5 =	smul.u32 s6, s5  }
0xc: {  	s15 =	smov.u32 s2;
	s14 =	smov.u32 s3;
	[sflag:s31] =	ssyncpa.u1 $0x0  }
0xd: {  	s6 =	sadd.s32 $0x196A200, s7;
	s7 =	sadd.s32 $0x371200, s7;
	s8 =	sadd.s32 $0x1, s5  }
.LBB1_7:
0xe: {  	s20 =	sshll.u32 s13, $0x4  }
0xf: {  	s20 =	sand.u32 $0x10, s20  }
0x10: {  	s21 =	sshll.u32 s12, $0x5;
	s20 =	sadd.s32 s7, s20  }
0x11: {  	s22 =	sor.u32 $0x8000, s22;
	s20 =	sadd.s32 s21, s20  }
0x12: {  	[hbm4b:s20+s9] =	stream.strided.scatter [tilespmem:s22], [sflag:$0x2], s19, s10, s9, $0x38;
	[tilespmem:$0x10000] =	vst v63  }
.LBB1_8:
0x13: {  	p0 =	slt.u32 s16, $0x2  }
0x14: {  	p1 =	sgt.s32 @!p0 s18, $0x13780  }
0x15: {  	s19 =	smov.u32 s18;
	s20 =	sshra.s32 @!p0 s18, $0x1F;
	p1 =	por !p1, p0  }
0x16: {  	s18 =	sand.u32 @!p0 s20, s18;
	s19 =	simm.s32 @p1 $0x13780  }
0x17: {  	s20 =	sshra.s32 @!p0 s17, $0x1F;
	p1 =	sgt.s32 @!p0 s17, $0x1;
	s18 =	ssub.s32 @!p0 s19, s18  }
0x18: {  	p1 =	por !p1, p0;
	s19 =	smov.u32 s17;
	s17 =	sand.u32 @!p0 s20, s17  }
0x19: {  	s21 =	smov.u32 s15;
	s19 =	simm.s32 @p1 $0x1;
	s17 =	sxor.u32 @!p0 $0xFFFFFFFF, s17  }
0x1a: {  	s20 =	sadd.s32 @!p0 $0xFFFEC880, s18;
	s18 =	ssub.s32 @!p0 $0x13880, s18;
	s17 =	sadd.s32 @!p0 s17, s19  }
0x1b: {  	p1 =	sgt.s32 @!p0 s20, $0xFF;
	p2 =	sgt.s32 @!p0 s17, $0x0;
	s17 =	sshll.u32 @!p0 s17, $0x6  }
0x1c: {  	p1 =	por !p1, p0;
	s17 =	ssub.s32 @!p0 $0x40, s17;
	p2 =	por !p2, p0  }
0x1d: {  	s19 =	sadd.s32 $0x1000, s14;
	s18 =	simm.s32 @!p1 $0x0;
	s17 =	simm.s32 @!p2 $0x0  }
0x1e: {  	p1 =	sgt.s32 s19, $0x1387F;
	s17 =	smul.u32 @!p0 s18, s17;
	s18 =	sadd.s32 $0x2, s15  }
0x1f: {  	s21 =	smov.u32 @p1 s18  }
0x20: {  	s19 =	smov.u32 @p1 s3;
	p1 =	sgt.s32 s21, $0x1  }
0x21: {  	s21 =	smov.u32 @p1 s2;
	p1 =	sne.s32 s16, s8  }
.Ltmp1:
0x22: {  	s11 =	sadd.s32 $0x4000, s11;
	s20 =	simm.s32 @!p0 $0x2;
	(pc) =	sbr.rel @!p1 .LBB1_9-.Ltmp1, $4  }
0x23: {  	s18 =	smov.u32 s12;
	s12 =	smov.u32 s14;
	s17 =	sand.u32 @!p0 $0x3FFFFFC0, s17  }
0x24: {  	s14 =	smov.u32 s19;
	_ =	swait.ge @!p0 [sflag:s20], s17;
	s22 =	ssub.s32 @!p0 $0x0, s17  }
0x25: {  	s17 =	smov.u32 s13;
	s16 =	sadd.s32 $0x1, s16;
	[sflag:s20] =	ssyncset.done @!p0 $0x0  }
0x26: {  	s13 =	smov.u32 s15;
	s15 =	smov.u32 s21;
	[sflag:s20] =	ssyncadd.s32 @!p0 s22  }
.LBB1_1:
0x27: {  	p0 =	sge.u32 s16, s5  }
0x28: {  	s21 =	smov.u32 s15;
	p1 =	sgt.s32 @!p0 s15, $0x1  }
0x29: {  	s23 =	smov.u32 s14;
	s19 =	sand.u32 @!p0 $0x1FFFFFF, s14;
	p1 =	por !p1, p0  }
0x2a: {  	s22 =	sshra.s32 @!p0 s15, $0x1F;
	s21 =	simm.s32 @p1 $0x1;
	p1 =	sgt.s32 @!p0 s14, $0x13780  }
0x2b: {  	s24 =	sshra.s32 @!p0 s14, $0x1F;
	s22 =	sand.u32 @!p0 s22, s15;
	p1 =	por !p1, p0  }
0x2c: {  	s24 =	sand.u32 @!p0 s24, s14;
	s22 =	sxor.u32 @!p0 $0xFFFFFFFF, s22;
	s23 =	simm.s32 @p1 $0x13780  }
0x2d: {  	s20 =	smulhi.u32 @!p0 $0x1A36E2F, s19;
	s21 =	sadd.s32 @!p0 s22, s21;
	s22 =	ssub.s32 @!p0 s23, s24  }
0x2e: {  	p1 =	sgt.s32 @!p0 s21, $0x0;
	s21 =	sshll.u32 @!p0 s21, $0x6;
	s23 =	sadd.s32 @!p0 $0xFFFEC880, s22  }
0x2f: {  	s20 =	sshrl.u32 @!p0 s20, $0x9;
	s21 =	ssub.s32 @!p0 $0x40, s21;
	p2 =	sgt.s32 @!p0 s23, $0xFF  }
0x30: {  	p1 =	por !p1, p0;
	s22 =	ssub.s32 @!p0 $0x13880, s22;
	p2 =	por !p2, p0  }
0x31: {  	s20 =	smul.u32 @!p0 $0x13880, s20;
	s21 =	simm.s32 @!p1 $0x0;
	s22 =	simm.s32 @!p2 $0x0  }
0x32: {  	s23 =	sxor.u32 @!p0 $0xFFFFFFFF, s16;
	s21 =	smul.u32 @!p0 s22, s21  }
0x33: {  	s19 =	ssub.s32 @!p0 s19, s20;
	s22 =	sshll.u32 @!p0 s23, $0xE;
	s23 =	smul.u32 @!p0 $0x138800, s15  }
0x34: {  	s31 =	sadd.s32 $0xFFFFFFFF, s16;
	s19 =	sshll.u32 @!p0 s19, $0x4  }
0x35: {  	s22 =	sand.u32 @!p0 $0x4000, s22;
	s20 =	sand.u32 @!p0 $0x3FFFFFC0, s21;
	s21 =	sadd.s32 @!p0 s6, s23  }
0x36: {  	s23 =	simm.s32 @!p0 $0x80;
	s19 =	sadd.s32 @!p0 s19, s21;
	s21 =	simm.s32 @!p0 $0x40  }
0x37: {  	[tilespmem:s22], [sflag:$0x1] =	stream.strided.gather @!p0 [hbm4b:s19+s21], s20, s23, s21, $0x38;
	[tilespmem:$0x10000] =	vst v63  }
0x38: {  	p0 =	sge.u32 s31, s5  }
.Ltmp2:
0x39: {  	_ = 	snop;
	(pc) =	sbr.rel @p0 .LBB1_8-.Ltmp2, $1  }
0x3a: {  	_ =	sdelay $0x3  }
0x3b: {  	p0 =	sgt.s32 s13, $0x1;
	s19 =	smov.u32 s13  }
0x3c: {  	s20 =	sshra.s32 s13, $0x1F;
	s21 =	smov.u32 s12;
	s22 =	sshra.s32 s12, $0x1F  }
0x3d: {  	s19 =	simm.s32 @!p0 $0x1;
	s20 =	sand.u32 s20, s13;
	p0 =	sgt.s32 s12, $0x13780  }
0x3e: {  	s22 =	sand.u32 s22, s12;
	s20 =	sxor.u32 $0xFFFFFFFF, s20;
	s21 =	simm.s32 @!p0 $0x13780  }
0x3f: {  	s19 =	sadd.s32 s20, s19;
	s30 =	ssub.s32 s21, s22;
	s22 =	sadd.s32 $0x100, s12  }
0x40: {  	p0 =	sgt.s32 s19, $0x0;
	s21 =	sadd.s32 $0xFFFEC880, s30;
	s19 =	sshll.u32 s19, $0x6  }
0x41: {  	p1 =	sgt.s32 s21, $0xFF;
	s19 =	ssub.s32 $0x40, s19;
	s21 =	sadd.s32 $0x1, s13  }
0x42: {  	s20 =	ssub.s32 $0x13880, s30;
	s19 =	simm.s32 @p0 $0x0;
	p0 =	slt.s32 s21, $0x2  }
0x43: {  	s20 =	simm.s32 @p1 $0x0;
	s21 =	simm.s32 @!p0 $0x2;
	p0 =	slt.s32 s22, $0x13880  }
0x44: {  	s19 =	smul.u32 s20, s19;
	s20 =	ssub.s32 s21, s13;
	s22 =	simm.s32 @!p0 $0x13880  }
0x45: {  	s21 =	ssub.s32 s22, s12;
	p0 =	slt.s32 s20, $0x1  }
0x46: {  	p1 =	slt.s32 @!p0 s21, $0x1  }
0x47: {  	p0 =	por p0, p1  }
.Ltmp3:
0x48: {  	_ = 	snop;
	(pc) =	sbr.rel @p0 .LBB1_7-.Ltmp3, $4  }
0x49: {  	s19 =	sand.u32 $0x3FFFFFC0, s19  }
0x4a: {  	_ =	swait.ge [sflag:s4], s19  }
0x4b: {  	s23 =	sshll.u32 s16, $0xE;
	s31 =	ssub.s32 $0x0, s19;
	[sflag:s4] =	ssyncset.done $0x0  }
0x4c: {  	s22 =	sand.u32 $0x4000, s23;
	[sflag:s4] =	ssyncadd.s32 s31  }
0x4d: {  	s23 =	sshll.u32 s11, $0x2  }
0x4e: {  	s23 =	sand.u32 $0x10000, s23  }
0x4f: {  	s24 =	simm.s32 $0x0;
	s23 =	sshrl.u32 s23, $0x2  }
0x50: {  	s25 =	simm.s32 $0x0;
	s26 =	simm.s32 $0x0;
	s23 =	sadd.s32 $0x8020, s23  }
.LBB1_4:
0x51: {  	s27 =	sshll.u32 s26, $0x10  }
0x52: {  	s27 =	sshra.s32 s27, $0x2  }
0x53: {  	s27 =	sadd.s32 s27, s22  }
0x54: {  	v0 =	vmov s27;
	_ =	sdelay $0x2  }
0x55: {  	p0 =	sne.s32 s21, $0x1  }
.Ltmp4:
0x56: {  	s29 =	sand.u32 $0x3FC0, s24;
	(pc) =	sbr.rel @!p0 .LBB1_6-.Ltmp4, $4  }
0x57: {  	v1 =	vld.idx.msk [tilespmem:v0+s29+$0x30 ss:$0x1], $0xffff  }
0x58: {  	v2 =	vld.idx.msk [tilespmem:v0+s29+$0x0 ss:$0x1], $0xffff  }
0x59: {  	s27 =	sand.u32 $0x40, s25;
	v3 =	vld.idx.msk [tilespmem:v0+s29+$0x10 ss:$0x1], $0xffff  }
0x5a: {  	s28 =	sadd.s32 $0xFFFFFFFF, s21;
	s27 =	sadd.s32 s27, s23;
	v4 =	vld.idx.msk [tilespmem:v0+s29+$0x20 ss:$0x1], $0xffff;
	s29 =	simm.s32 $0x40  }
.LBB1_5:
0x5b: {  	s30 =	sand.u32 $0x3FC0, s29;
	p0 =	sne.s32 s28, $0x1;
	s28 =	sadd.s32 $0xFFFFFFFF, s28  }
.Ltmp5:
0x5c: {  	[tilespmem:s27+$0x10] =	vst v1;
	v1 =	vld.idx.msk [tilespmem:v0+s30+$0x30 ss:$0x1], $0xffff;
	(pc) =	sbr.rel @p0 .LBB1_5-.Ltmp5, $4  }
0x5d: {  	[tilespmem:s27+$0xFFFFFFE0] =	vst v2;
	v2 =	vld.idx.msk [tilespmem:v0+s30+$0x0 ss:$0x1], $0xffff  }
0x5e: {  	[tilespmem:s27+$0xFFFFFFF0] =	vst v3;
	v3 =	vld.idx.msk [tilespmem:v0+s30+$0x10 ss:$0x1], $0xffff  }
0x5f: {  	[tilespmem:s27+$0x0] =	vst v4;
	v4 =	vld.idx.msk [tilespmem:v0+s30+$0x20 ss:$0x1], $0xffff  }
0x60: {  	s29 =	sadd.s32 $0x40, s29;
	s27 =	sadd.s32 $0x40, s27  }
.LBB1_6:
0x61: {  	s26 =	sadd.s32 $0x1, s26  }
0x62: {  	p0 =	sne.s32 s26, s20  }
.Ltmp6:
0x63: {  	_ = 	snop;
	(pc) =	sbr.rel @p0 .LBB1_4-.Ltmp6, $4  }
.Ltmp7:
0x64: {  	[tilespmem:s27+$0x10] =	vst v1;
	(pc) =	sbr.rel @!p0 .LBB1_7-.Ltmp7, $4  }
0x65: {  	[tilespmem:s27+$0xFFFFFFE0] =	vst v2  }
0x66: {  	[tilespmem:s27+$0xFFFFFFF0] =	vst v3  }
0x67: {  	s25 =	sadd.s32 $0x40, s25;
	[tilespmem:s27+$0x0] =	vst v4  }
0x68: {  	_ = 	snop  }
.LBB1_9:
0x69: {  	_ =	sfence.sel $0x180000  }
0x6a: {  	s2 =	simm.s32 $0x1;
	[bflag:$0x0] =	sbarrier.arrive $0xFFFF  }
0x6b: {  	s31 =	simm.s32 $0x2;
	[sflag:s2] =	ssyncpa.u1 $0x1  }
0x6c: {  	[sflag:s31] =	ssyncpa.u1 $0x1  }
0x6d: {  	p0 =	sne.s32 s0, $0x0;
	_ =	strace $0x90000056  }
0x6e: {  	s0 =	sadd.s32 @!p0 $0x100000, s1;
	[bflag:$0x2] =	sbarrier.arrive $0xFFFF  }
0x6f: {  	[sflag:s0] =	ssyncadd.tile.s32 @!p0 $0x1;
	_ =	shalt  }
.Lfunc_end1:
_tile_overlayer_lowered:
.L_overlay_start_2:
0x70: {  	(tag) =	ssettag $0x2  }
0x71: {  	s0 =	rddreg [dreg:$0x0];
	s2 =	stileid.u32  }
0x72: {  	s1 =	rddreg [dreg:$0x1];
	p0 =	sne.s32 s2, $0x0  }
0x73: {  	s3 =	rddreg [dreg:$0x2];
	[bflag:$0x3] =	sbarrier.arrive $0xFFFF;
	s2 =	simm.s32 @!p0 $0x1C01  }
0x74: {  	[timem:s3], [sflag:s2] =	dma.local @!p0 [hbm:s0], s1  }
0x75: {  	s0 =	simm.s32 @!p0 $0x1  }
0x76: {  	_ =	swait.ge @!p0 [sflag:s0], s1  }
0x77: {  	s1 =	ssub.s32 @!p0 $0x0, s1;
	[sflag:s0] =	ssyncset.done @!p0 $0x0  }
0x78: {  	[sflag:s0] =	ssyncadd.s32 @!p0 s1  }
0x79: {  	[bflag:$0x3] =	sbarrier.arrive $0xFFFF  }
0x7a: {  	_ =	shalt  }

// kernel: sparse-core-data-format-call.19.cloned.1.call-start
scs
called_computation.19_lowered:
.L_overlay_start_0:
0x0: {  	s1 =	sld [smem:$0x3FD9]  }
0x1: {  	s2 =	sld [smem:$0x3FFE];
	_ =	sdelay $0x1  }
0x2: {  	s3 =	srdreg.scid  }
0x3: {  	s0 =	sand.u32 $0x1, s3  }
0x4: {  	s17 =	sshll.u32 s0, $0xA;
	s1 =	sadd.s32 s2, s1  }
0x5: {  	s1 =	sadd.s32 s1, s17  }
0x6: {  	[smem:$0x3F9F] =	sst s1  }
0x7: {  	_ = 	snop  }
0x8: {  	(tm) =	ssettm $0x1  }
0x9: {  	s18 =	sld [smem:$0x3FFB];
	_ =	sdelay $0x3  }
0xa: {  	_ =	strace s18  }
0xb: {  	s1 =	sld [smem:$0x3FFC];
	_ =	sdelay $0x3  }
0xc: {  	_ =	strace s1  }
0xd: {  	s1 =	sld [smem:$0x3FFD];
	_ =	sdelay $0x3  }
0xe: {  	_ =	strace s1  }
0xf: {  	_ =	strace $0x8FFFFFFF  }
0x10: {  	s19 =	sld [smem:$0x3FDB];
	_ =	sdelay $0x1  }
0x11: {  	s20 =	simm.s32 $_scs_section_size  }
0x12: {  	s4 =	simm.s32 $_size__tile_overlayer_lowered;
	s5 =	simm.s32 $_tile_overlayer_lowered  }
0x13: {  	s23 =	simm.s32 $0x1BFF;
	s22 =	sshll.u32 s5, $0x1;
	s1 =	sadd.s32 s20, s19  }
0x14: {  	s6 =	simm.s32 $0x0;
	s21 =	sshll.u32 s4, $0x1;
	s4 =	sadd.s32 s22, s1  }
0x15: {  	[timem:s6], [sflag:s23] =	dma.local [hbm:s4], s21  }
0x16: {  	_ =	swait.ge [sflag:s23], s21  }
0x17: {  	s2 =	ssub.s32 $0x0, s21;
	[sflag:s23] =	ssyncset.done $0x0  }
0x18: {  	[sflag:s23] =	ssyncadd.s32 s2;
	_ =	sdelay $0x1  }
0x19: {  	s24 =	simm.s32 $0x1B8B  }
0x1a: {  	_ =	swait.ge [sflag:s24], $0x1  }
0x1b: {  	[sflag:s24] =	ssyncset.done $0x0  }
0x1c: {  	s26 =	simm.s32 $0x1B8E;
	s25 =	sld [smem:$0x3FFE];
	[sflag:s24] =	ssyncadd.s32 $0xFFFFFFFF  }
0x1d: {  	s27 =	simm.s32 $execute0_lowered;
	[smem:$0x3FD2] =	sst s26  }
0x1e: {  	s4 =	sshll.u32 s27, $0x1;
	_ =	strace $0x80000052;
	[dreg:$0x1] =	wrdreg $0xFFFFFFFF  }
0x1f: {  	s28 =	simm.s32 $_size_execute0_lowered;
	s1 =	sadd.s32 s1, s4;
	[dreg:$0x0] =	wrdreg $0x0  }
0x20: {  	s4 =	sshll.u32 s28, $0x1;
	[dreg:$0x2] =	wrdreg s1  }
0x21: {  	[dreg:$0x3] =	wrdreg s4  }
0x22: {  	[dreg:$0x4] =	wrdreg $0xC0  }
0x23: {  	_ =	task [dreg:s6], $0x5FFFF  }
0x24: {  	[dreg:$0x1] =	wrdreg $0xFFFFFFFF  }
0x25: {  	[dreg:$0x0] =	wrdreg $0x60  }
0x26: {  	[dreg:$0x2] =	wrdreg s25  }
0x27: {  	[dreg:$0x3] =	wrdreg $0xA  }
0x28: {  	_ =	task.clear_ibuf [dreg:s6], $0x4FFFF;
	_ =	strace $0x90000052  }
0x29: {  	s29 =	simm.s32 $0xA;
	_ =	strace $0x80000054  }
0x2a: {  	_ =	swait.ge [sflag:s29], $0x1  }
0x2b: {  	[sflag:s29] =	ssyncadd.s32 $0xFFFFFFFF  }
0x2c: {  	_ =	strace $0x90000054  }
0x2d: {  	_ =	sfence  }
0x2e: {  	s30 =	sld [smem:$0x0];
	_ =	sdelay $0x2  }
0x2f: {  	s31 =	sshll.u32 s3, $0xD;
	s3 =	sshrl.u32 s3, $0x2  }
0x30: {  	s2 =	sand.u32 $0x4000, s31;
	s1 =	sadd.s32 s3, s30  }
0x31: {  	s0 =	sor.u32 s2, s0;
	s1 =	sshll.u32 s1, $0x11  }
0x32: {  	s0 =	sor.u32 s1, s0  }
0x33: {  	s0 =	sadd.s32 $0x8F2B, s0  }
0x34: {  	[sflag:s0] =	ssyncadd.remote.s32 $0x1  }
0x35: {  	_ =	sfence.sel $0xFFFF  }
0x36: {  	[dreg:$0x0] =	wrdreg $0xFFFFFFFF;
	(pc) =	sbr.abs _section_cstart, $3  }
0x37: {  	[dreg:$0x1] =	wrdreg $0xFFFFFFFF  }
0x38: {  	_ =	task.clear_ibuf [dreg:s6], $0x2FFFF;
	_ =	strace $0x9FFFFFFF  }
0x39: {  	(tm) =	ssettm $0x7FFFFFFF  }
tec
execute0_lowered:
.L_overlay_start_1:
0x0: {  	(tag) =	ssettag $0x1  }
0x1: {  	s0 =	stileid.u32  }
0x2: {  	s1 =	srdreg.scid;
	s7 =	rddreg [dreg:$0x0]  }
0x3: {  	s31 =	simm.s32 $0x2;
	s18 =	simm.s32 $0x0;
	s9 =	simm.s32 $0x40  }
0x4: {  	s10 =	simm.s32 $0x100;
	s11 =	simm.s32 $0x0;
	s17 =	simm.s32 $0x0  }
0x5: {  	s12 =	simm.s32 $0x0;
	s2 =	sshll.u32 s0, $0x7;
	s1 =	sshll.u32 s1, $0xB  }
0x6: {  	s13 =	simm.s32 $0x0;
	s3 =	sor.u32 s2, s1;
	s2 =	sand.u32 $0x1, s0  }
0x7: {  	s1 =	rddreg [dreg:$0x1];
	s3 =	sand.u32 $0xF00, s3;
	s4 =	ssub.s32 $0x2, s2  }
0x8: {  	_ =	strace $0x80000053;
	s5 =	ssub.s32 $0x13800, s3;
	s6 =	sshrl.u32 s4, $0x1  }
.Ltmp0:
0x9: {  	s8 =	sand.u32 $0x1, s4;
	s5 =	sshrl.u32 s5, $0xC;
	(pc) =	sbr.rel .LBB1_1-.Ltmp0, $4  }
0xa: {  	s4 =	simm.s32 $0x1;
	s6 =	sadd.s32 s8, s6;
	s5 =	sadd.s32 $0x1, s5  }
0xb: {  	s16 =	simm.s32 $0x0;
	[sflag:s4] =	ssyncpa.u1 $0x0;
	s5 =	smul.u32 s6, s5  }
0xc: {  	s15 =	smov.u32 s2;
	s14 =	smov.u32 s3;
	[sflag:s31] =	ssyncpa.u1 $0x0  }
0xd: {  	s6 =	sadd.s32 $0x100200, s7;
	s7 =	sadd.s32 $0x16F9200, s7;
	s8 =	sadd.s32 $0x1, s5  }
.LBB1_7:
0xe: {  	s20 =	sshll.u32 s13, $0x4  }
0xf: {  	s20 =	sand.u32 $0x10, s20  }
0x10: {  	s21 =	sshll.u32 s12, $0x5;
	s20 =	sadd.s32 s7, s20  }
0x11: {  	s22 =	sor.u32 $0x8000, s22;
	s20 =	sadd.s32 s21, s20  }
0x12: {  	[hbm4b:s20+s9] =	stream.strided.scatter [tilespmem:s22], [sflag:$0x2], s19, s10, s9, $0x38;
	[tilespmem:$0x10000] =	vst v63  }
.LBB1_8:
0x13: {  	p0 =	slt.u32 s16, $0x2  }
0x14: {  	p1 =	sgt.s32 @!p0 s18, $0x13780  }
0x15: {  	s19 =	smov.u32 s18;
	s20 =	sshra.s32 @!p0 s18, $0x1F;
	p1 =	por !p1, p0  }
0x16: {  	s18 =	sand.u32 @!p0 s20, s18;
	s19 =	simm.s32 @p1 $0x13780  }
0x17: {  	s20 =	sshra.s32 @!p0 s17, $0x1F;
	p1 =	sgt.s32 @!p0 s17, $0x1;
	s18 =	ssub.s32 @!p0 s19, s18  }
0x18: {  	p1 =	por !p1, p0;
	s19 =	smov.u32 s17;
	s17 =	sand.u32 @!p0 s20, s17  }
0x19: {  	s21 =	smov.u32 s15;
	s19 =	simm.s32 @p1 $0x1;
	s17 =	sxor.u32 @!p0 $0xFFFFFFFF, s17  }
0x1a: {  	s20 =	sadd.s32 @!p0 $0xFFFEC880, s18;
	s18 =	ssub.s32 @!p0 $0x13880, s18;
	s17 =	sadd.s32 @!p0 s17, s19  }
0x1b: {  	p1 =	sgt.s32 @!p0 s20, $0xFF;
	p2 =	sgt.s32 @!p0 s17, $0x0;
	s17 =	sshll.u32 @!p0 s17, $0x6  }
0x1c: {  	p1 =	por !p1, p0;
	s17 =	ssub.s32 @!p0 $0x40, s17;
	p2 =	por !p2, p0  }
0x1d: {  	s19 =	sadd.s32 $0x1000, s14;
	s18 =	simm.s32 @!p1 $0x0;
	s17 =	simm.s32 @!p2 $0x0  }
0x1e: {  	p1 =	sgt.s32 s19, $0x1387F;
	s17 =	smul.u32 @!p0 s18, s17;
	s18 =	sadd.s32 $0x2, s15  }
0x1f: {  	s21 =	smov.u32 @p1 s18  }
0x20: {  	s19 =	smov.u32 @p1 s3;
	p1 =	sgt.s32 s21, $0x1  }
0x21: {  	s21 =	smov.u32 @p1 s2;
	p1 =	sne.s32 s16, s8  }
.Ltmp1:
0x22: {  	s11 =	sadd.s32 $0x4000, s11;
	s20 =	simm.s32 @!p0 $0x2;
	(pc) =	sbr.rel @!p1 .LBB1_9-.Ltmp1, $4  }
0x23: {  	s18 =	smov.u32 s12;
	s12 =	smov.u32 s14;
	s17 =	sand.u32 @!p0 $0x3FFFFFC0, s17  }
0x24: {  	s14 =	smov.u32 s19;
	_ =	swait.ge @!p0 [sflag:s20], s17;
	s22 =	ssub.s32 @!p0 $0x0, s17  }
0x25: {  	s17 =	smov.u32 s13;
	s16 =	sadd.s32 $0x1, s16;
	[sflag:s20] =	ssyncset.done @!p0 $0x0  }
0x26: {  	s13 =	smov.u32 s15;
	s15 =	smov.u32 s21;
	[sflag:s20] =	ssyncadd.s32 @!p0 s22  }
.LBB1_1:
0x27: {  	p0 =	sge.u32 s16, s5  }
0x28: {  	s21 =	smov.u32 s15;
	p1 =	sgt.s32 @!p0 s15, $0x1  }
0x29: {  	s23 =	smov.u32 s14;
	s19 =	sand.u32 @!p0 $0x1FFFFFF, s14;
	p1 =	por !p1, p0  }
0x2a: {  	s22 =	sshra.s32 @!p0 s15, $0x1F;
	s21 =	simm.s32 @p1 $0x1;
	p1 =	sgt.s32 @!p0 s14, $0x13780  }
0x2b: {  	s24 =	sshra.s32 @!p0 s14, $0x1F;
	s22 =	sand.u32 @!p0 s22, s15;
	p1 =	por !p1, p0  }
0x2c: {  	s24 =	sand.u32 @!p0 s24, s14;
	s22 =	sxor.u32 @!p0 $0xFFFFFFFF, s22;
	s23 =	simm.s32 @p1 $0x13780  }
0x2d: {  	s20 =	smulhi.u32 @!p0 $0x1A36E2F, s19;
	s21 =	sadd.s32 @!p0 s22, s21;
	s22 =	ssub.s32 @!p0 s23, s24  }
0x2e: {  	p1 =	sgt.s32 @!p0 s21, $0x0;
	s21 =	sshll.u32 @!p0 s21, $0x6;
	s23 =	sadd.s32 @!p0 $0xFFFEC880, s22  }
0x2f: {  	s20 =	sshrl.u32 @!p0 s20, $0x9;
	s21 =	ssub.s32 @!p0 $0x40, s21;
	p2 =	sgt.s32 @!p0 s23, $0xFF  }
0x30: {  	p1 =	por !p1, p0;
	s22 =	ssub.s32 @!p0 $0x13880, s22;
	p2 =	por !p2, p0  }
0x31: {  	s20 =	smul.u32 @!p0 $0x13880, s20;
	s21 =	simm.s32 @!p1 $0x0;
	s22 =	simm.s32 @!p2 $0x0  }
0x32: {  	s23 =	sxor.u32 @!p0 $0xFFFFFFFF, s16;
	s21 =	smul.u32 @!p0 s22, s21  }
0x33: {  	s19 =	ssub.s32 @!p0 s19, s20;
	s22 =	sshll.u32 @!p0 s23, $0xE;
	s23 =	smul.u32 @!p0 $0x138800, s15  }
0x34: {  	s31 =	sadd.s32 $0xFFFFFFFF, s16;
	s19 =	sshll.u32 @!p0 s19, $0x4  }
0x35: {  	s22 =	sand.u32 @!p0 $0x4000, s22;
	s20 =	sand.u32 @!p0 $0x3FFFFFC0, s21;
	s21 =	sadd.s32 @!p0 s6, s23  }
0x36: {  	s23 =	simm.s32 @!p0 $0x80;
	s19 =	sadd.s32 @!p0 s19, s21;
	s21 =	simm.s32 @!p0 $0x40  }
0x37: {  	[tilespmem:s22], [sflag:$0x1] =	stream.strided.gather @!p0 [hbm4b:s19+s21], s20, s23, s21, $0x38;
	[tilespmem:$0x10000] =	vst v63  }
0x38: {  	p0 =	sge.u32 s31, s5  }
.Ltmp2:
0x39: {  	_ = 	snop;
	(pc) =	sbr.rel @p0 .LBB1_8-.Ltmp2, $1  }
0x3a: {  	_ =	sdelay $0x3  }
0x3b: {  	p0 =	sgt.s32 s13, $0x1;
	s19 =	smov.u32 s13  }
0x3c: {  	s20 =	sshra.s32 s13, $0x1F;
	s21 =	smov.u32 s12;
	s22 =	sshra.s32 s12, $0x1F  }
0x3d: {  	s19 =	simm.s32 @!p0 $0x1;
	s20 =	sand.u32 s20, s13;
	p0 =	sgt.s32 s12, $0x13780  }
0x3e: {  	s22 =	sand.u32 s22, s12;
	s20 =	sxor.u32 $0xFFFFFFFF, s20;
	s21 =	simm.s32 @!p0 $0x13780  }
0x3f: {  	s19 =	sadd.s32 s20, s19;
	s30 =	ssub.s32 s21, s22;
	s22 =	sadd.s32 $0x100, s12  }
0x40: {  	p0 =	sgt.s32 s19, $0x0;
	s21 =	sadd.s32 $0xFFFEC880, s30;
	s19 =	sshll.u32 s19, $0x6  }
0x41: {  	p1 =	sgt.s32 s21, $0xFF;
	s19 =	ssub.s32 $0x40, s19;
	s21 =	sadd.s32 $0x1, s13  }
0x42: {  	s20 =	ssub.s32 $0x13880, s30;
	s19 =	simm.s32 @p0 $0x0;
	p0 =	slt.s32 s21, $0x2  }
0x43: {  	s20 =	simm.s32 @p1 $0x0;
	s21 =	simm.s32 @!p0 $0x2;
	p0 =	slt.s32 s22, $0x13880  }
0x44: {  	s19 =	smul.u32 s20, s19;
	s20 =	ssub.s32 s21, s13;
	s22 =	simm.s32 @!p0 $0x13880  }
0x45: {  	s21 =	ssub.s32 s22, s12;
	p0 =	slt.s32 s20, $0x1  }
0x46: {  	p1 =	slt.s32 @!p0 s21, $0x1  }
0x47: {  	p0 =	por p0, p1  }
.Ltmp3:
0x48: {  	_ = 	snop;
	(pc) =	sbr.rel @p0 .LBB1_7-.Ltmp3, $4  }
0x49: {  	s19 =	sand.u32 $0x3FFFFFC0, s19  }
0x4a: {  	_ =	swait.ge [sflag:s4], s19  }
0x4b: {  	s23 =	sshll.u32 s16, $0xE;
	s31 =	ssub.s32 $0x0, s19;
	[sflag:s4] =	ssyncset.done $0x0  }
0x4c: {  	s22 =	sand.u32 $0x4000, s23;
	[sflag:s4] =	ssyncadd.s32 s31  }
0x4d: {  	s23 =	sshll.u32 s11, $0x2  }
0x4e: {  	s23 =	sand.u32 $0x10000, s23  }
0x4f: {  	s24 =	simm.s32 $0x0;
	s23 =	sshrl.u32 s23, $0x2  }
0x50: {  	s25 =	simm.s32 $0x0;
	s26 =	simm.s32 $0x0;
	s23 =	sadd.s32 $0x8020, s23  }
.LBB1_4:
0x51: {  	s27 =	sshll.u32 s26, $0x10  }
0x52: {  	s27 =	sshra.s32 s27, $0x2  }
0x53: {  	s27 =	sadd.s32 s27, s22  }
0x54: {  	v0 =	vmov s27;
	_ =	sdelay $0x2  }
0x55: {  	p0 =	sne.s32 s21, $0x1  }
.Ltmp4:
0x56: {  	s29 =	sand.u32 $0x3FC0, s24;
	(pc) =	sbr.rel @!p0 .LBB1_6-.Ltmp4, $4  }
0x57: {  	v1 =	vld.idx.msk [tilespmem:v0+s29+$0x30 ss:$0x1], $0xffff  }
0x58: {  	v2 =	vld.idx.msk [tilespmem:v0+s29+$0x0 ss:$0x1], $0xffff  }
0x59: {  	s27 =	sand.u32 $0x40, s25;
	v3 =	vld.idx.msk [tilespmem:v0+s29+$0x10 ss:$0x1], $0xffff  }
0x5a: {  	s28 =	sadd.s32 $0xFFFFFFFF, s21;
	s27 =	sadd.s32 s27, s23;
	v4 =	vld.idx.msk [tilespmem:v0+s29+$0x20 ss:$0x1], $0xffff;
	s29 =	simm.s32 $0x40  }
.LBB1_5:
0x5b: {  	s30 =	sand.u32 $0x3FC0, s29;
	p0 =	sne.s32 s28, $0x1;
	s28 =	sadd.s32 $0xFFFFFFFF, s28  }
.Ltmp5:
0x5c: {  	[tilespmem:s27+$0x10] =	vst v1;
	v1 =	vld.idx.msk [tilespmem:v0+s30+$0x30 ss:$0x1], $0xffff;
	(pc) =	sbr.rel @p0 .LBB1_5-.Ltmp5, $4  }
0x5d: {  	[tilespmem:s27+$0xFFFFFFE0] =	vst v2;
	v2 =	vld.idx.msk [tilespmem:v0+s30+$0x0 ss:$0x1], $0xffff  }
0x5e: {  	[tilespmem:s27+$0xFFFFFFF0] =	vst v3;
	v3 =	vld.idx.msk [tilespmem:v0+s30+$0x10 ss:$0x1], $0xffff  }
0x5f: {  	[tilespmem:s27+$0x0] =	vst v4;
	v4 =	vld.idx.msk [tilespmem:v0+s30+$0x20 ss:$0x1], $0xffff  }
0x60: {  	s29 =	sadd.s32 $0x40, s29;
	s27 =	sadd.s32 $0x40, s27  }
.LBB1_6:
0x61: {  	s26 =	sadd.s32 $0x1, s26  }
0x62: {  	p0 =	sne.s32 s26, s20  }
.Ltmp6:
0x63: {  	_ = 	snop;
	(pc) =	sbr.rel @p0 .LBB1_4-.Ltmp6, $4  }
.Ltmp7:
0x64: {  	[tilespmem:s27+$0x10] =	vst v1;
	(pc) =	sbr.rel @!p0 .LBB1_7-.Ltmp7, $4  }
0x65: {  	[tilespmem:s27+$0xFFFFFFE0] =	vst v2  }
0x66: {  	[tilespmem:s27+$0xFFFFFFF0] =	vst v3  }
0x67: {  	s25 =	sadd.s32 $0x40, s25;
	[tilespmem:s27+$0x0] =	vst v4  }
0x68: {  	_ = 	snop  }
.LBB1_9:
0x69: {  	_ =	sfence.sel $0x180000  }
0x6a: {  	s2 =	simm.s32 $0x1;
	[bflag:$0x0] =	sbarrier.arrive $0xFFFF  }
0x6b: {  	s31 =	simm.s32 $0x2;
	[sflag:s2] =	ssyncpa.u1 $0x1  }
0x6c: {  	[sflag:s31] =	ssyncpa.u1 $0x1  }
0x6d: {  	p0 =	sne.s32 s0, $0x0;
	_ =	strace $0x90000053  }
0x6e: {  	s0 =	sadd.s32 @!p0 $0x100000, s1;
	[bflag:$0x2] =	sbarrier.arrive $0xFFFF  }
0x6f: {  	[sflag:s0] =	ssyncadd.tile.s32 @!p0 $0x1;
	_ =	shalt  }
.Lfunc_end1:
_tile_overlayer_lowered:
.L_overlay_start_2:
0x70: {  	(tag) =	ssettag $0x2  }
0x71: {  	s0 =	rddreg [dreg:$0x0];
	s2 =	stileid.u32  }
0x72: {  	s1 =	rddreg [dreg:$0x1];
	p0 =	sne.s32 s2, $0x0  }
0x73: {  	s3 =	rddreg [dreg:$0x2];
	[bflag:$0x3] =	sbarrier.arrive $0xFFFF;
	s2 =	simm.s32 @!p0 $0x1C01  }
0x74: {  	[timem:s3], [sflag:s2] =	dma.local @!p0 [hbm:s0], s1  }
0x75: {  	s0 =	simm.s32 @!p0 $0x1  }
0x76: {  	_ =	swait.ge @!p0 [sflag:s0], s1  }
0x77: {  	s1 =	ssub.s32 @!p0 $0x0, s1;
	[sflag:s0] =	ssyncset.done @!p0 $0x0  }
0x78: {  	[sflag:s0] =	ssyncadd.s32 @!p0 s1  }
0x79: {  	[bflag:$0x3] =	sbarrier.arrive $0xFFFF  }
0x7a: {  	_ =	shalt  }

// kernel: sparse-core-data-format-call.2.cloned.1.call-start
scs
called_computation.2_lowered:
.L_overlay_start_0:
0x0: {  	s1 =	sld [smem:$0x3FD9]  }
0x1: {  	s2 =	sld [smem:$0x3FFE];
	_ =	sdelay $0x1  }
0x2: {  	s3 =	srdreg.scid  }
0x3: {  	s0 =	sand.u32 $0x1, s3  }
0x4: {  	s17 =	sshll.u32 s0, $0xA;
	s1 =	sadd.s32 s2, s1  }
0x5: {  	s1 =	sadd.s32 s1, s17  }
0x6: {  	[smem:$0x3F9F] =	sst s1  }
0x7: {  	_ = 	snop  }
0x8: {  	(tm) =	ssettm $0x1  }
0x9: {  	s18 =	sld [smem:$0x3FFB];
	_ =	sdelay $0x3  }
0xa: {  	_ =	strace s18  }
0xb: {  	s1 =	sld [smem:$0x3FFC];
	_ =	sdelay $0x3  }
0xc: {  	_ =	strace s1  }
0xd: {  	s1 =	sld [smem:$0x3FFD];
	_ =	sdelay $0x3  }
0xe: {  	_ =	strace s1  }
0xf: {  	_ =	strace $0x8FFFFFFF  }
0x10: {  	s19 =	sld [smem:$0x3FDB];
	_ =	sdelay $0x1  }
0x11: {  	s20 =	simm.s32 $_scs_section_size  }
0x12: {  	s4 =	simm.s32 $_size__tile_overlayer_lowered;
	s5 =	simm.s32 $_tile_overlayer_lowered  }
0x13: {  	s23 =	simm.s32 $0x1BFF;
	s22 =	sshll.u32 s5, $0x1;
	s1 =	sadd.s32 s20, s19  }
0x14: {  	s6 =	simm.s32 $0x0;
	s21 =	sshll.u32 s4, $0x1;
	s4 =	sadd.s32 s22, s1  }
0x15: {  	[timem:s6], [sflag:s23] =	dma.local [hbm:s4], s21  }
0x16: {  	_ =	swait.ge [sflag:s23], s21  }
0x17: {  	s2 =	ssub.s32 $0x0, s21;
	[sflag:s23] =	ssyncset.done $0x0  }
0x18: {  	[sflag:s23] =	ssyncadd.s32 s2;
	_ =	sdelay $0x1  }
0x19: {  	s24 =	simm.s32 $0x1B8B  }
0x1a: {  	_ =	swait.ge [sflag:s24], $0x1  }
0x1b: {  	[sflag:s24] =	ssyncset.done $0x0  }
0x1c: {  	s26 =	simm.s32 $0x1B8E;
	s25 =	sld [smem:$0x3FFE];
	[sflag:s24] =	ssyncadd.s32 $0xFFFFFFFF  }
0x1d: {  	s27 =	simm.s32 $execute0_lowered;
	[smem:$0x3FD2] =	sst s26  }
0x1e: {  	s4 =	sshll.u32 s27, $0x1;
	_ =	strace $0x8000007C;
	[dreg:$0x1] =	wrdreg $0xFFFFFFFF  }
0x1f: {  	s28 =	simm.s32 $_size_execute0_lowered;
	s1 =	sadd.s32 s1, s4;
	[dreg:$0x0] =	wrdreg $0x0  }
0x20: {  	s4 =	sshll.u32 s28, $0x1;
	[dreg:$0x2] =	wrdreg s1  }
0x21: {  	[dreg:$0x3] =	wrdreg s4  }
0x22: {  	[dreg:$0x4] =	wrdreg $0xC0  }
0x23: {  	_ =	task [dreg:s6], $0x5FFFF  }
0x24: {  	[dreg:$0x1] =	wrdreg $0xFFFFFFFF  }
0x25: {  	[dreg:$0x0] =	wrdreg $0x60  }
0x26: {  	[dreg:$0x2] =	wrdreg s25  }
0x27: {  	[dreg:$0x3] =	wrdreg $0x9  }
0x28: {  	_ =	task.clear_ibuf [dreg:s6], $0x4FFFF;
	_ =	strace $0x9000007C  }
0x29: {  	s29 =	simm.s32 $0x9;
	_ =	strace $0x8000007E  }
0x2a: {  	_ =	swait.ge [sflag:s29], $0x1  }
0x2b: {  	[sflag:s29] =	ssyncadd.s32 $0xFFFFFFFF  }
0x2c: {  	_ =	strace $0x9000007E  }
0x2d: {  	_ =	sfence  }
0x2e: {  	s30 =	sld [smem:$0x0];
	_ =	sdelay $0x2  }
0x2f: {  	s31 =	sshll.u32 s3, $0xD;
	s3 =	sshrl.u32 s3, $0x2  }
0x30: {  	s2 =	sand.u32 $0x4000, s31;
	s1 =	sadd.s32 s3, s30  }
0x31: {  	s0 =	sor.u32 s2, s0;
	s1 =	sshll.u32 s1, $0x11  }
0x32: {  	s0 =	sor.u32 s1, s0  }
0x33: {  	s0 =	sadd.s32 $0x8F2B, s0  }
0x34: {  	[sflag:s0] =	ssyncadd.remote.s32 $0x1  }
0x35: {  	_ =	sfence.sel $0xFFFF  }
0x36: {  	[dreg:$0x0] =	wrdreg $0xFFFFFFFF;
	(pc) =	sbr.abs _section_cstart, $3  }
0x37: {  	[dreg:$0x1] =	wrdreg $0xFFFFFFFF  }
0x38: {  	_ =	task.clear_ibuf [dreg:s6], $0x2FFFF;
	_ =	strace $0x9FFFFFFF  }
0x39: {  	(tm) =	ssettm $0x7FFFFFFF  }
tec
execute0_lowered:
.L_overlay_start_1:
0x0: {  	(tag) =	ssettag $0x1  }
0x1: {  	s6 =	rddreg [dreg:$0x0];
	s2 =	srdreg.scid  }
0x2: {  	s1 =	stileid.u32;
	s0 =	rddreg [dreg:$0x1];
	_ =	strace $0x8000007D  }
0x3: {  	s31 =	simm.s32 $0x2;
	s15 =	simm.s32 $0x0;
	s10 =	simm.s32 $0x80  }
0x4: {  	s11 =	simm.s32 $0x0;
	s16 =	simm.s32 $0x0;
	s12 =	simm.s32 $0x0  }
0x5: {  	s14 =	simm.s32 $0x0;
	s2 =	sand.u32 $0x1, s2;
	s3 =	sshll.u32 s1, $0x8  }
0x6: {  	s4 =	ssub.s32 $0x13800, s3;
	s5 =	ssub.s32 $0x2, s2;
	s7 =	sshll.u32 s2, $0x4  }
.Ltmp0:
0x7: {  	s8 =	sshrl.u32 s4, $0xC;
	s9 =	sshrl.u32 s5, $0x1;
	(pc) =	sbr.rel .LBB1_1-.Ltmp0, $4  }
0x8: {  	s13 =	smov.u32 s3;
	s8 =	sadd.s32 $0x1, s8;
	s5 =	ssub.s32 s5, s9  }
0x9: {  	s4 =	simm.s32 $0x1;
	s7 =	sadd.s32 s7, s6;
	s5 =	smul.u32 s8, s5  }
0xa: {  	s6 =	sadd.s32 $0x3BF400, s6;
	[sflag:s4] =	ssyncpa.u1 $0x0;
	s7 =	sadd.s32 $0x14E400, s7  }
0xb: {  	s9 =	simm.s32 $0x40;
	[sflag:s31] =	ssyncpa.u1 $0x0;
	s8 =	sadd.s32 $0x1, s5  }
.LBB1_5:
0xc: {  	_ =	sdelay $0x3  }
0xd: {  	[tilespmem:v0+s21+$0x0 ss:$0x1] =	vst.idx.msk $0xffff, v1  }
0xe: {  	[tilespmem:v0+s21+$0x10 ss:$0x1] =	vst.idx.msk $0xffff, v2  }
0xf: {  	[tilespmem:v0+s21+$0x20 ss:$0x1] =	vst.idx.msk $0xffff, v3  }
.LBB1_6:
0x10: {  	s19 =	sand.u32 $0x1FFFFFF, s12  }
0x11: {  	s20 =	smulhi.u32 $0x1A36E2F, s19;
	_ =	sdelay $0x1  }
0x12: {  	s20 =	sshrl.u32 s20, $0x9  }
0x13: {  	s20 =	smul.u32 $0x13880, s20  }
0x14: {  	s16 =	smul.u32 $0x138800, s16  }
0x15: {  	s19 =	ssub.s32 s19, s20  }
0x16: {  	s16 =	sadd.s32 s6, s16;
	s19 =	sshll.u32 s19, $0x4  }
0x17: {  	s16 =	sadd.s32 s19, s16  }
0x18: {  	[hbm4b:s16+s9] =	stream.strided.scatter [tilespmem:s18], [sflag:$0x2], s17, s10, s9, $0x38;
	[tilespmem:$0x10000] =	vst v63  }
.LBB1_7:
0x19: {  	p0 =	slt.u32 s14, $0x2  }
0x1a: {  	p1 =	sgt.s32 @!p0 s15, $0x13780  }
0x1b: {  	s16 =	smov.u32 s15;
	s17 =	sshra.s32 @!p0 s15, $0x1F;
	p1 =	por !p1, p0  }
0x1c: {  	s15 =	sand.u32 @!p0 s17, s15;
	s16 =	simm.s32 @p1 $0x13780  }
0x1d: {  	s15 =	ssub.s32 @!p0 s16, s15  }
0x1e: {  	s15 =	sadd.s32 @!p0 $0xFFFEC880, s15  }
0x1f: {  	s16 =	sshll.u32 @!p0 s15, $0x6  }
0x20: {  	p1 =	sgt.s32 @!p0 s15, $0xFF;
	s15 =	ssub.s32 @!p0 $0x4000, s16  }
0x21: {  	s17 =	sadd.s32 $0x1000, s13;
	p1 =	por !p1, p0;
	s15 =	sand.u32 @!p0 $0x3FFFFFC0, s15  }
0x22: {  	s15 =	simm.s32 @!p1 $0x0;
	p1 =	sgt.s32 s17, $0x1387F  }
0x23: {  	s17 =	smov.u32 @p1 s3;
	p1 =	sne.s32 s14, s8  }
.Ltmp1:
0x24: {  	_ = 	snop;
	(pc) =	sbr.rel @!p1 .LBB1_8-.Ltmp1, $4  }
0x25: {  	s11 =	sadd.s32 $0x4000, s11;
	s16 =	simm.s32 @!p0 $0x2  }
0x26: {  	_ =	swait.ge @!p0 [sflag:s16], s15;
	s18 =	ssub.s32 @!p0 $0x0, s15;
	s15 =	smov.u32 s12  }
0x27: {  	s14 =	sadd.s32 $0x1, s14;
	s12 =	smov.u32 s13;
	[sflag:s16] =	ssyncset.done @!p0 $0x0  }
0x28: {  	s13 =	smov.u32 s17;
	[sflag:s16] =	ssyncadd.s32 @!p0 s18;
	s16 =	smov.u32 s2  }
.LBB1_1:
0x29: {  	p0 =	sge.u32 s14, s5  }
0x2a: {  	p1 =	sgt.s32 @!p0 s13, $0x13780  }
0x2b: {  	s17 =	smov.u32 s13;
	s18 =	sshra.s32 @!p0 s13, $0x1F;
	p1 =	por !p1, p0  }
0x2c: {  	s18 =	sand.u32 @!p0 s18, s13;
	s17 =	simm.s32 @p1 $0x13780  }
0x2d: {  	s17 =	ssub.s32 @!p0 s17, s18  }
0x2e: {  	s31 =	sadd.s32 $0xFFFFFFFF, s14;
	s19 =	sxor.u32 @!p0 $0xFFFFFFFF, s14;
	s17 =	sadd.s32 @!p0 $0xFFFEC880, s17  }
0x2f: {  	s20 =	simm.s32 @!p0 $0x40;
	s21 =	simm.s32 @!p0 $0x100;
	s18 =	sshll.u32 @!p0 s17, $0x6  }
0x30: {  	p1 =	sgt.s32 @!p0 s17, $0xFF;
	s17 =	ssub.s32 @!p0 $0x4000, s18;
	s18 =	sshll.u32 @!p0 s19, $0xE  }
0x31: {  	p1 =	por !p1, p0;
	s19 =	sshll.u32 @!p0 s13, $0x5;
	s17 =	sand.u32 @!p0 $0x3FFFFFC0, s17  }
0x32: {  	s18 =	sand.u32 @!p0 $0x4000, s18;
	s19 =	sadd.s32 @!p0 s19, s7;
	s17 =	simm.s32 @!p1 $0x0  }
0x33: {  	[tilespmem:s18], [sflag:$0x1] =	stream.strided.gather @!p0 [hbm4b:s19+s20], s17, s21, s20, $0x38;
	[tilespmem:$0x10000] =	vst v63  }
0x34: {  	p0 =	sge.u32 s31, s5  }
.Ltmp2:
0x35: {  	_ = 	snop;
	(pc) =	sbr.rel @p0 .LBB1_7-.Ltmp2, $1  }
0x36: {  	_ =	sdelay $0x3  }
0x37: {  	p0 =	sgt.s32 s12, $0x13780;
	s17 =	smov.u32 s12;
	s18 =	sshra.s32 s12, $0x1F  }
0x38: {  	s17 =	simm.s32 @!p0 $0x13780;
	s18 =	sand.u32 s18, s12  }
0x39: {  	s17 =	ssub.s32 s17, s18  }
0x3a: {  	s17 =	sadd.s32 $0xFFFEC880, s17  }
0x3b: {  	s30 =	sshll.u32 s17, $0x6  }
0x3c: {  	s18 =	ssub.s32 $0x4000, s30  }
0x3d: {  	p0 =	sgt.s32 s17, $0xFF;
	s17 =	sand.u32 $0x3FFFFFC0, s18;
	s18 =	sadd.s32 $0x100, s12  }
0x3e: {  	s17 =	simm.s32 @p0 $0x0;
	p0 =	slt.s32 s18, $0x13880  }
0x3f: {  	s18 =	simm.s32 @!p0 $0x13880  }
0x40: {  	s20 =	ssub.s32 s18, s12  }
0x41: {  	p0 =	slt.s32 s20, $0x1  }
.Ltmp3:
0x42: {  	_ = 	snop;
	(pc) =	sbr.rel @p0 .LBB1_6-.Ltmp3, $4  }
0x43: {  	_ = 	snop  }
0x44: {  	s21 =	sshll.u32 s14, $0xE;
	_ =	swait.ge [sflag:s4], s17  }
0x45: {  	s31 =	sand.u32 $0x4000, s21;
	s19 =	ssub.s32 $0x0, s17;
	[sflag:s4] =	ssyncset.done $0x0  }
0x46: {  	s18 =	sor.u32 $0x8000, s31;
	[sflag:s4] =	ssyncadd.s32 s19  }
0x47: {  	s19 =	sand.u32 $0x4000, s11  }
0x48: {  	s22 =	sor.u32 $0x20, s19  }
0x49: {  	v0 =	vmov s18;
	p0 =	sne.s32 s20, $0x1;
	v4 =	vld [tilespmem:s22+$0x10]  }
.Ltmp4:
0x4a: {  	v1 =	vld [tilespmem:s22+$0xFFFFFFE0];
	(pc) =	sbr.rel @!p0 .LBB1_5-.Ltmp4, $4  }
0x4b: {  	v2 =	vld [tilespmem:s22+$0xFFFFFFF0]  }
0x4c: {  	s19 =	simm.s32 $0x0;
	v3 =	vld [tilespmem:s22+$0x0]  }
0x4d: {  	s21 =	sand.u32 $0x3FC0, s19  }
0x4e: {  	s20 =	sadd.s32 $0xFFFFFFFF, s20;
	s22 =	sadd.s32 $0x40, s22;
	[tilespmem:v0+s21+$0x30 ss:$0x1] =	vst.idx.msk $0xffff, v4  }
.LBB1_4:
0x4f: {  	v4 =	vld [tilespmem:s22+$0x10];
	p0 =	sne.s32 s20, $0x1;
	s20 =	sadd.s32 $0xFFFFFFFF, s20;
	[tilespmem:v0+s21+$0x0 ss:$0x1] =	vst.idx.msk $0xffff, v1  }
.Ltmp5:
0x50: {  	v1 =	vld [tilespmem:s22+$0xFFFFFFE0];
	[tilespmem:v0+s21+$0x10 ss:$0x1] =	vst.idx.msk $0xffff, v2;
	(pc) =	sbr.rel @p0 .LBB1_4-.Ltmp5, $4  }
0x51: {  	v2 =	vld [tilespmem:s22+$0xFFFFFFF0];
	[tilespmem:v0+s21+$0x20 ss:$0x1] =	vst.idx.msk $0xffff, v3  }
0x52: {  	s19 =	sadd.s32 $0x40, s19;
	v3 =	vld [tilespmem:s22+$0x0]  }
0x53: {  	s21 =	sand.u32 $0x3FC0, s19  }
0x54: {  	s22 =	sadd.s32 $0x40, s22;
	[tilespmem:v0+s21+$0x30 ss:$0x1] =	vst.idx.msk $0xffff, v4  }
.Ltmp6:
0x55: {  	_ = 	snop;
	(pc) =	sbr.rel .LBB1_5-.Ltmp6, $1  }
0x56: {  	_ =	sdelay $0x3  }
.LBB1_8:
0x57: {  	_ =	sfence.sel $0x180000  }
0x58: {  	s2 =	simm.s32 $0x1;
	[bflag:$0x0] =	sbarrier.arrive $0xFFFF  }
0x59: {  	s31 =	simm.s32 $0x2;
	[sflag:s2] =	ssyncpa.u1 $0x1  }
0x5a: {  	[sflag:s31] =	ssyncpa.u1 $0x1  }
0x5b: {  	p0 =	sne.s32 s1, $0x0;
	_ =	strace $0x9000007D  }
0x5c: {  	s0 =	sadd.s32 @!p0 $0x100000, s0;
	[bflag:$0x2] =	sbarrier.arrive $0xFFFF  }
0x5d: {  	[sflag:s0] =	ssyncadd.tile.s32 @!p0 $0x1;
	_ =	shalt  }
.Lfunc_end1:
_tile_overlayer_lowered:
.L_overlay_start_2:
0x5e: {  	(tag) =	ssettag $0x2  }
0x5f: {  	s0 =	rddreg [dreg:$0x0];
	s2 =	stileid.u32  }
0x60: {  	s1 =	rddreg [dreg:$0x1];
	p0 =	sne.s32 s2, $0x0  }
0x61: {  	s3 =	rddreg [dreg:$0x2];
	[bflag:$0x3] =	sbarrier.arrive $0xFFFF;
	s2 =	simm.s32 @!p0 $0x1C01  }
0x62: {  	[timem:s3], [sflag:s2] =	dma.local @!p0 [hbm:s0], s1  }
0x63: {  	s0 =	simm.s32 @!p0 $0x1  }
0x64: {  	_ =	swait.ge @!p0 [sflag:s0], s1  }
0x65: {  	s1 =	ssub.s32 @!p0 $0x0, s1;
	[sflag:s0] =	ssyncset.done @!p0 $0x0  }
0x66: {  	[sflag:s0] =	ssyncadd.s32 @!p0 s1  }
0x67: {  	[bflag:$0x3] =	sbarrier.arrive $0xFFFF  }
0x68: {  	_ =	shalt  }

// kernel: sparse-core-data-format-call.20.cloned.1.call-start
scs
called_computation.20_lowered:
.L_overlay_start_0:
0x0: {  	s1 =	sld [smem:$0x3FD9]  }
0x1: {  	s2 =	sld [smem:$0x3FFE];
	_ =	sdelay $0x1  }
0x2: {  	s3 =	srdreg.scid  }
0x3: {  	s0 =	sand.u32 $0x1, s3  }
0x4: {  	s17 =	sshll.u32 s0, $0xA;
	s1 =	sadd.s32 s2, s1  }
0x5: {  	s1 =	sadd.s32 s1, s17  }
0x6: {  	[smem:$0x3F9F] =	sst s1  }
0x7: {  	_ = 	snop  }
0x8: {  	(tm) =	ssettm $0x1  }
0x9: {  	s18 =	sld [smem:$0x3FFB];
	_ =	sdelay $0x3  }
0xa: {  	_ =	strace s18  }
0xb: {  	s1 =	sld [smem:$0x3FFC];
	_ =	sdelay $0x3  }
0xc: {  	_ =	strace s1  }
0xd: {  	s1 =	sld [smem:$0x3FFD];
	_ =	sdelay $0x3  }
0xe: {  	_ =	strace s1  }
0xf: {  	_ =	strace $0x8FFFFFFF  }
0x10: {  	s19 =	sld [smem:$0x3FDB];
	_ =	sdelay $0x1  }
0x11: {  	s20 =	simm.s32 $_scs_section_size  }
0x12: {  	s4 =	simm.s32 $_size__tile_overlayer_lowered;
	s5 =	simm.s32 $_tile_overlayer_lowered  }
0x13: {  	s23 =	simm.s32 $0x1BFF;
	s22 =	sshll.u32 s5, $0x1;
	s1 =	sadd.s32 s20, s19  }
0x14: {  	s6 =	simm.s32 $0x0;
	s21 =	sshll.u32 s4, $0x1;
	s4 =	sadd.s32 s22, s1  }
0x15: {  	[timem:s6], [sflag:s23] =	dma.local [hbm:s4], s21  }
0x16: {  	_ =	swait.ge [sflag:s23], s21  }
0x17: {  	s2 =	ssub.s32 $0x0, s21;
	[sflag:s23] =	ssyncset.done $0x0  }
0x18: {  	[sflag:s23] =	ssyncadd.s32 s2;
	_ =	sdelay $0x1  }
0x19: {  	s24 =	simm.s32 $0x1B8B  }
0x1a: {  	_ =	swait.ge [sflag:s24], $0x1  }
0x1b: {  	[sflag:s24] =	ssyncset.done $0x0  }
0x1c: {  	s26 =	simm.s32 $0x1B8E;
	s25 =	sld [smem:$0x3FFE];
	[sflag:s24] =	ssyncadd.s32 $0xFFFFFFFF  }
0x1d: {  	s27 =	simm.s32 $execute0_lowered;
	[smem:$0x3FD2] =	sst s26  }
0x1e: {  	s4 =	sshll.u32 s27, $0x1;
	_ =	strace $0x80000046;
	[dreg:$0x1] =	wrdreg $0xFFFFFFFF  }
0x1f: {  	s28 =	simm.s32 $_size_execute0_lowered;
	s1 =	sadd.s32 s1, s4;
	[dreg:$0x0] =	wrdreg $0x0  }
0x20: {  	s4 =	sshll.u32 s28, $0x1;
	[dreg:$0x2] =	wrdreg s1  }
0x21: {  	[dreg:$0x3] =	wrdreg s4  }
0x22: {  	[dreg:$0x4] =	wrdreg $0xC0  }
0x23: {  	_ =	task [dreg:s6], $0x5FFFF  }
0x24: {  	[dreg:$0x1] =	wrdreg $0xFFFFFFFF  }
0x25: {  	[dreg:$0x0] =	wrdreg $0x60  }
0x26: {  	[dreg:$0x2] =	wrdreg s25  }
0x27: {  	[dreg:$0x3] =	wrdreg $0x9  }
0x28: {  	_ =	task.clear_ibuf [dreg:s6], $0x4FFFF;
	_ =	strace $0x90000046  }
0x29: {  	s29 =	simm.s32 $0x9;
	_ =	strace $0x80000048  }
0x2a: {  	_ =	swait.ge [sflag:s29], $0x1  }
0x2b: {  	[sflag:s29] =	ssyncadd.s32 $0xFFFFFFFF  }
0x2c: {  	_ =	strace $0x90000048  }
0x2d: {  	_ =	sfence  }
0x2e: {  	s30 =	sld [smem:$0x0];
	_ =	sdelay $0x2  }
0x2f: {  	s31 =	sshll.u32 s3, $0xD;
	s3 =	sshrl.u32 s3, $0x2  }
0x30: {  	s2 =	sand.u32 $0x4000, s31;
	s1 =	sadd.s32 s3, s30  }
0x31: {  	s0 =	sor.u32 s2, s0;
	s1 =	sshll.u32 s1, $0x11  }
0x32: {  	s0 =	sor.u32 s1, s0  }
0x33: {  	s0 =	sadd.s32 $0x8F2B, s0  }
0x34: {  	[sflag:s0] =	ssyncadd.remote.s32 $0x1  }
0x35: {  	_ =	sfence.sel $0xFFFF  }
0x36: {  	[dreg:$0x0] =	wrdreg $0xFFFFFFFF;
	(pc) =	sbr.abs _section_cstart, $3  }
0x37: {  	[dreg:$0x1] =	wrdreg $0xFFFFFFFF  }
0x38: {  	_ =	task.clear_ibuf [dreg:s6], $0x2FFFF;
	_ =	strace $0x9FFFFFFF  }
0x39: {  	(tm) =	ssettm $0x7FFFFFFF  }
tec
execute0_lowered:
.L_overlay_start_1:
0x0: {  	(tag) =	ssettag $0x1  }
0x1: {  	s6 =	rddreg [dreg:$0x0];
	s2 =	srdreg.scid  }
0x2: {  	s1 =	stileid.u32;
	s0 =	rddreg [dreg:$0x1];
	_ =	strace $0x80000047  }
0x3: {  	s31 =	simm.s32 $0x2;
	s15 =	simm.s32 $0x0;
	s10 =	simm.s32 $0x80  }
0x4: {  	s11 =	simm.s32 $0x0;
	s16 =	simm.s32 $0x0;
	s12 =	simm.s32 $0x0  }
0x5: {  	s14 =	simm.s32 $0x0;
	s2 =	sand.u32 $0x1, s2;
	s3 =	sshll.u32 s1, $0x8  }
0x6: {  	s4 =	ssub.s32 $0x13800, s3;
	s5 =	ssub.s32 $0x2, s2;
	s7 =	sshll.u32 s2, $0x4  }
.Ltmp0:
0x7: {  	s8 =	sshrl.u32 s4, $0xC;
	s9 =	sshrl.u32 s5, $0x1;
	(pc) =	sbr.rel .LBB1_1-.Ltmp0, $4  }
0x8: {  	s13 =	smov.u32 s3;
	s8 =	sadd.s32 $0x1, s8;
	s5 =	ssub.s32 s5, s9  }
0x9: {  	s4 =	simm.s32 $0x1;
	s7 =	sadd.s32 s7, s6;
	s5 =	smul.u32 s8, s5  }
0xa: {  	s6 =	sadd.s32 $0x371200, s6;
	[sflag:s4] =	ssyncpa.u1 $0x0;
	s7 =	sadd.s32 $0x100200, s7  }
0xb: {  	s9 =	simm.s32 $0x40;
	[sflag:s31] =	ssyncpa.u1 $0x0;
	s8 =	sadd.s32 $0x1, s5  }
.LBB1_5:
0xc: {  	_ =	sdelay $0x3  }
0xd: {  	[tilespmem:v0+s21+$0x0 ss:$0x1] =	vst.idx.msk $0xffff, v1  }
0xe: {  	[tilespmem:v0+s21+$0x10 ss:$0x1] =	vst.idx.msk $0xffff, v2  }
0xf: {  	[tilespmem:v0+s21+$0x20 ss:$0x1] =	vst.idx.msk $0xffff, v3  }
.LBB1_6:
0x10: {  	s19 =	sand.u32 $0x1FFFFFF, s12  }
0x11: {  	s20 =	smulhi.u32 $0x1A36E2F, s19;
	_ =	sdelay $0x1  }
0x12: {  	s20 =	sshrl.u32 s20, $0x9  }
0x13: {  	s20 =	smul.u32 $0x13880, s20  }
0x14: {  	s16 =	smul.u32 $0x138800, s16  }
0x15: {  	s19 =	ssub.s32 s19, s20  }
0x16: {  	s16 =	sadd.s32 s6, s16;
	s19 =	sshll.u32 s19, $0x4  }
0x17: {  	s16 =	sadd.s32 s19, s16  }
0x18: {  	[hbm4b:s16+s9] =	stream.strided.scatter [tilespmem:s18], [sflag:$0x2], s17, s10, s9, $0x38;
	[tilespmem:$0x10000] =	vst v63  }
.LBB1_7:
0x19: {  	p0 =	slt.u32 s14, $0x2  }
0x1a: {  	p1 =	sgt.s32 @!p0 s15, $0x13780  }
0x1b: {  	s16 =	smov.u32 s15;
	s17 =	sshra.s32 @!p0 s15, $0x1F;
	p1 =	por !p1, p0  }
0x1c: {  	s15 =	sand.u32 @!p0 s17, s15;
	s16 =	simm.s32 @p1 $0x13780  }
0x1d: {  	s15 =	ssub.s32 @!p0 s16, s15  }
0x1e: {  	s15 =	sadd.s32 @!p0 $0xFFFEC880, s15  }
0x1f: {  	s16 =	sshll.u32 @!p0 s15, $0x6  }
0x20: {  	p1 =	sgt.s32 @!p0 s15, $0xFF;
	s15 =	ssub.s32 @!p0 $0x4000, s16  }
0x21: {  	s17 =	sadd.s32 $0x1000, s13;
	p1 =	por !p1, p0;
	s15 =	sand.u32 @!p0 $0x3FFFFFC0, s15  }
0x22: {  	s15 =	simm.s32 @!p1 $0x0;
	p1 =	sgt.s32 s17, $0x1387F  }
0x23: {  	s17 =	smov.u32 @p1 s3;
	p1 =	sne.s32 s14, s8  }
.Ltmp1:
0x24: {  	_ = 	snop;
	(pc) =	sbr.rel @!p1 .LBB1_8-.Ltmp1, $4  }
0x25: {  	s11 =	sadd.s32 $0x4000, s11;
	s16 =	simm.s32 @!p0 $0x2  }
0x26: {  	_ =	swait.ge @!p0 [sflag:s16], s15;
	s18 =	ssub.s32 @!p0 $0x0, s15;
	s15 =	smov.u32 s12  }
0x27: {  	s14 =	sadd.s32 $0x1, s14;
	s12 =	smov.u32 s13;
	[sflag:s16] =	ssyncset.done @!p0 $0x0  }
0x28: {  	s13 =	smov.u32 s17;
	[sflag:s16] =	ssyncadd.s32 @!p0 s18;
	s16 =	smov.u32 s2  }
.LBB1_1:
0x29: {  	p0 =	sge.u32 s14, s5  }
0x2a: {  	p1 =	sgt.s32 @!p0 s13, $0x13780  }
0x2b: {  	s17 =	smov.u32 s13;
	s18 =	sshra.s32 @!p0 s13, $0x1F;
	p1 =	por !p1, p0  }
0x2c: {  	s18 =	sand.u32 @!p0 s18, s13;
	s17 =	simm.s32 @p1 $0x13780  }
0x2d: {  	s17 =	ssub.s32 @!p0 s17, s18  }
0x2e: {  	s31 =	sadd.s32 $0xFFFFFFFF, s14;
	s19 =	sxor.u32 @!p0 $0xFFFFFFFF, s14;
	s17 =	sadd.s32 @!p0 $0xFFFEC880, s17  }
0x2f: {  	s20 =	simm.s32 @!p0 $0x40;
	s21 =	simm.s32 @!p0 $0x100;
	s18 =	sshll.u32 @!p0 s17, $0x6  }
0x30: {  	p1 =	sgt.s32 @!p0 s17, $0xFF;
	s17 =	ssub.s32 @!p0 $0x4000, s18;
	s18 =	sshll.u32 @!p0 s19, $0xE  }
0x31: {  	p1 =	por !p1, p0;
	s19 =	sshll.u32 @!p0 s13, $0x5;
	s17 =	sand.u32 @!p0 $0x3FFFFFC0, s17  }
0x32: {  	s18 =	sand.u32 @!p0 $0x4000, s18;
	s19 =	sadd.s32 @!p0 s19, s7;
	s17 =	simm.s32 @!p1 $0x0  }
0x33: {  	[tilespmem:s18], [sflag:$0x1] =	stream.strided.gather @!p0 [hbm4b:s19+s20], s17, s21, s20, $0x38;
	[tilespmem:$0x10000] =	vst v63  }
0x34: {  	p0 =	sge.u32 s31, s5  }
.Ltmp2:
0x35: {  	_ = 	snop;
	(pc) =	sbr.rel @p0 .LBB1_7-.Ltmp2, $1  }
0x36: {  	_ =	sdelay $0x3  }
0x37: {  	p0 =	sgt.s32 s12, $0x13780;
	s17 =	smov.u32 s12;
	s18 =	sshra.s32 s12, $0x1F  }
0x38: {  	s17 =	simm.s32 @!p0 $0x13780;
	s18 =	sand.u32 s18, s12  }
0x39: {  	s17 =	ssub.s32 s17, s18  }
0x3a: {  	s17 =	sadd.s32 $0xFFFEC880, s17  }
0x3b: {  	s30 =	sshll.u32 s17, $0x6  }
0x3c: {  	s18 =	ssub.s32 $0x4000, s30  }
0x3d: {  	p0 =	sgt.s32 s17, $0xFF;
	s17 =	sand.u32 $0x3FFFFFC0, s18;
	s18 =	sadd.s32 $0x100, s12  }
0x3e: {  	s17 =	simm.s32 @p0 $0x0;
	p0 =	slt.s32 s18, $0x13880  }
0x3f: {  	s18 =	simm.s32 @!p0 $0x13880  }
0x40: {  	s20 =	ssub.s32 s18, s12  }
0x41: {  	p0 =	slt.s32 s20, $0x1  }
.Ltmp3:
0x42: {  	_ = 	snop;
	(pc) =	sbr.rel @p0 .LBB1_6-.Ltmp3, $4  }
0x43: {  	_ = 	snop  }
0x44: {  	s21 =	sshll.u32 s14, $0xE;
	_ =	swait.ge [sflag:s4], s17  }
0x45: {  	s31 =	sand.u32 $0x4000, s21;
	s19 =	ssub.s32 $0x0, s17;
	[sflag:s4] =	ssyncset.done $0x0  }
0x46: {  	s18 =	sor.u32 $0x8000, s31;
	[sflag:s4] =	ssyncadd.s32 s19  }
0x47: {  	s19 =	sand.u32 $0x4000, s11  }
0x48: {  	s22 =	sor.u32 $0x20, s19  }
0x49: {  	v0 =	vmov s18;
	p0 =	sne.s32 s20, $0x1;
	v4 =	vld [tilespmem:s22+$0x10]  }
.Ltmp4:
0x4a: {  	v1 =	vld [tilespmem:s22+$0xFFFFFFE0];
	(pc) =	sbr.rel @!p0 .LBB1_5-.Ltmp4, $4  }
0x4b: {  	v2 =	vld [tilespmem:s22+$0xFFFFFFF0]  }
0x4c: {  	s19 =	simm.s32 $0x0;
	v3 =	vld [tilespmem:s22+$0x0]  }
0x4d: {  	s21 =	sand.u32 $0x3FC0, s19  }
0x4e: {  	s20 =	sadd.s32 $0xFFFFFFFF, s20;
	s22 =	sadd.s32 $0x40, s22;
	[tilespmem:v0+s21+$0x30 ss:$0x1] =	vst.idx.msk $0xffff, v4  }
.LBB1_4:
0x4f: {  	v4 =	vld [tilespmem:s22+$0x10];
	p0 =	sne.s32 s20, $0x1;
	s20 =	sadd.s32 $0xFFFFFFFF, s20;
	[tilespmem:v0+s21+$0x0 ss:$0x1] =	vst.idx.msk $0xffff, v1  }
.Ltmp5:
0x50: {  	v1 =	vld [tilespmem:s22+$0xFFFFFFE0];
	[tilespmem:v0+s21+$0x10 ss:$0x1] =	vst.idx.msk $0xffff, v2;
	(pc) =	sbr.rel @p0 .LBB1_4-.Ltmp5, $4  }
0x51: {  	v2 =	vld [tilespmem:s22+$0xFFFFFFF0];
	[tilespmem:v0+s21+$0x20 ss:$0x1] =	vst.idx.msk $0xffff, v3  }
0x52: {  	s19 =	sadd.s32 $0x40, s19;
	v3 =	vld [tilespmem:s22+$0x0]  }
0x53: {  	s21 =	sand.u32 $0x3FC0, s19  }
0x54: {  	s22 =	sadd.s32 $0x40, s22;
	[tilespmem:v0+s21+$0x30 ss:$0x1] =	vst.idx.msk $0xffff, v4  }
.Ltmp6:
0x55: {  	_ = 	snop;
	(pc) =	sbr.rel .LBB1_5-.Ltmp6, $1  }
0x56: {  	_ =	sdelay $0x3  }
.LBB1_8:
0x57: {  	_ =	sfence.sel $0x180000  }
0x58: {  	s2 =	simm.s32 $0x1;
	[bflag:$0x0] =	sbarrier.arrive $0xFFFF  }
0x59: {  	s31 =	simm.s32 $0x2;
	[sflag:s2] =	ssyncpa.u1 $0x1  }
0x5a: {  	[sflag:s31] =	ssyncpa.u1 $0x1  }
0x5b: {  	p0 =	sne.s32 s1, $0x0;
	_ =	strace $0x90000047  }
0x5c: {  	s0 =	sadd.s32 @!p0 $0x100000, s0;
	[bflag:$0x2] =	sbarrier.arrive $0xFFFF  }
0x5d: {  	[sflag:s0] =	ssyncadd.tile.s32 @!p0 $0x1;
	_ =	shalt  }
.Lfunc_end1:
_tile_overlayer_lowered:
.L_overlay_start_2:
0x5e: {  	(tag) =	ssettag $0x2  }
0x5f: {  	s0 =	rddreg [dreg:$0x0];
	s2 =	stileid.u32  }
0x60: {  	s1 =	rddreg [dreg:$0x1];
	p0 =	sne.s32 s2, $0x0  }
0x61: {  	s3 =	rddreg [dreg:$0x2];
	[bflag:$0x3] =	sbarrier.arrive $0xFFFF;
	s2 =	simm.s32 @!p0 $0x1C01  }
0x62: {  	[timem:s3], [sflag:s2] =	dma.local @!p0 [hbm:s0], s1  }
0x63: {  	s0 =	simm.s32 @!p0 $0x1  }
0x64: {  	_ =	swait.ge @!p0 [sflag:s0], s1  }
0x65: {  	s1 =	ssub.s32 @!p0 $0x0, s1;
	[sflag:s0] =	ssyncset.done @!p0 $0x0  }
0x66: {  	[sflag:s0] =	ssyncadd.s32 @!p0 s1  }
0x67: {  	[bflag:$0x3] =	sbarrier.arrive $0xFFFF  }
0x68: {  	_ =	shalt  }

// kernel: sparse-core-data-format-call.21.cloned.1.call-start
scs
called_computation.21_lowered:
.L_overlay_start_0:
0x0: {  	s2 =	sld [smem:$0x3FD9]  }
0x1: {  	s3 =	sld [smem:$0x3FFE];
	_ =	sdelay $0x1  }
0x2: {  	s1 =	srdreg.scid  }
0x3: {  	s0 =	sand.u32 $0x1, s1  }
0x4: {  	s18 =	sshll.u32 s0, $0xA;
	s2 =	sadd.s32 s3, s2  }
0x5: {  	s2 =	sadd.s32 s2, s18  }
0x6: {  	[smem:$0x3F9F] =	sst s2  }
0x7: {  	_ = 	snop  }
0x8: {  	(tm) =	ssettm $0x1  }
0x9: {  	s19 =	sld [smem:$0x3FFB];
	_ =	sdelay $0x3  }
0xa: {  	_ =	strace s19  }
0xb: {  	s2 =	sld [smem:$0x3FFC];
	_ =	sdelay $0x3  }
0xc: {  	_ =	strace s2  }
0xd: {  	s2 =	sld [smem:$0x3FFD];
	_ =	sdelay $0x3  }
0xe: {  	_ =	strace s2  }
0xf: {  	_ =	strace $0x8FFFFFFF  }
0x10: {  	s20 =	sld [smem:$0x3FDB];
	_ =	sdelay $0x1  }
0x11: {  	s21 =	simm.s32 $_scs_section_size  }
0x12: {  	s4 =	simm.s32 $_size__tile_overlayer_lowered;
	s5 =	simm.s32 $_tile_overlayer_lowered  }
0x13: {  	s6 =	simm.s32 $0x1BFF;
	s22 =	sshll.u32 s5, $0x1;
	s3 =	sadd.s32 s21, s20  }
0x14: {  	s23 =	simm.s32 $0x0;
	s4 =	sshll.u32 s4, $0x1;
	s5 =	sadd.s32 s22, s3  }
0x15: {  	[timem:s23], [sflag:s6] =	dma.local [hbm:s5], s4  }
0x16: {  	_ =	swait.ge [sflag:s6], s4  }
0x17: {  	s4 =	ssub.s32 $0x0, s4;
	[sflag:s6] =	ssyncset.done $0x0  }
0x18: {  	[sflag:s6] =	ssyncadd.s32 s4;
	_ =	sdelay $0x1  }
0x19: {  	s24 =	simm.s32 $0x1B8B  }
0x1a: {  	_ =	swait.ge [sflag:s24], $0x1  }
0x1b: {  	[sflag:s24] =	ssyncset.done $0x0  }
0x1c: {  	[sflag:s24] =	ssyncadd.s32 $0xFFFFFFFF  }
0x1d: {  	s4 =	sld [smem:$0x0]  }
0x1e: {  	s5 =	sand.u32 $0xFFFFFFFE, s1  }
0x1f: {  	p0 =	sne.s32 s1, s5  }
0x20: {  	s5 =	sshll.u32 @p0 s5, $0xE  }
0x21: {  	s5 =	sadd.s32 @p0 $0x11B8D, s5;
	s6 =	sshll.u32 @p0 s4, $0x11  }
0x22: {  	s5 =	sor.u32 @p0 s6, s5  }
0x23: {  	[sflag:s5] =	ssyncadd.remote.s32 @p0 $0x1;
	_ =	sdelay $0x1  }
0x24: {  	s5 =	simm.s32 @p0 $0x1B8D  }
0x25: {  	_ =	swait.eq @p0 [sflag:s5], $0x1  }
0x26: {  	[sflag:s5] =	ssyncadd.s32 @p0 $0xFFFFFFFF  }
0x27: {  	s6 =	sshll.u32 @!p0 s1, $0xE  }
0x28: {  	s6 =	sor.u32 @!p0 $0x4000, s6;
	s5 =	simm.s32 @!p0 $0x1B8D  }
0x29: {  	s4 =	sshll.u32 @!p0 s4, $0x11;
	s6 =	sadd.s32 @!p0 $0x11B8D, s6;
	_ =	swait.eq @!p0 [sflag:s5], $0x1  }
0x2a: {  	s4 =	sor.u32 @!p0 s4, s6;
	[sflag:s5] =	ssyncadd.s32 @!p0 $0xFFFFFFFF  }
0x2b: {  	s26 =	simm.s32 $0x1B8E;
	s25 =	sld [smem:$0x3FFE];
	[sflag:s4] =	ssyncadd.remote.s32 @!p0 $0x1  }
0x2c: {  	s27 =	simm.s32 $execute0_lowered;
	[smem:$0x3FD2] =	sst s26  }
0x2d: {  	s5 =	sshll.u32 s27, $0x1;
	_ =	strace $0x80000049;
	[dreg:$0x1] =	wrdreg $0xFFFFFFFF  }
0x2e: {  	s28 =	simm.s32 $_size_execute0_lowered;
	s3 =	sadd.s32 s3, s5;
	[dreg:$0x0] =	wrdreg $0x0  }
0x2f: {  	s5 =	sshll.u32 s28, $0x1;
	[dreg:$0x2] =	wrdreg s3  }
0x30: {  	[dreg:$0x3] =	wrdreg s5  }
0x31: {  	[dreg:$0x4] =	wrdreg $0xC0  }
0x32: {  	_ =	task [dreg:s23], $0x5FFFF  }
0x33: {  	[dreg:$0x1] =	wrdreg $0xFFFFFFFF  }
0x34: {  	[dreg:$0x0] =	wrdreg $0x60  }
0x35: {  	[dreg:$0x2] =	wrdreg s25  }
0x36: {  	[dreg:$0x3] =	wrdreg $0xA  }
0x37: {  	_ =	task.clear_ibuf [dreg:s23], $0x4FFFF;
	_ =	strace $0x90000049  }
0x38: {  	s29 =	simm.s32 $0xA;
	_ =	strace $0x8000004B  }
0x39: {  	_ =	swait.ge [sflag:s29], $0x1  }
0x3a: {  	[sflag:s29] =	ssyncadd.s32 $0xFFFFFFFF  }
0x3b: {  	_ =	strace $0x9000004B  }
0x3c: {  	_ =	sfence  }
0x3d: {  	s30 =	sld [smem:$0x0];
	_ =	sdelay $0x2  }
0x3e: {  	s31 =	sshll.u32 s1, $0xD;
	s1 =	sshrl.u32 s1, $0x2  }
0x3f: {  	s4 =	sand.u32 $0x4000, s31;
	s1 =	sadd.s32 s1, s30  }
0x40: {  	s0 =	sor.u32 s4, s0;
	s1 =	sshll.u32 s1, $0x11  }
0x41: {  	s0 =	sor.u32 s1, s0  }
0x42: {  	s0 =	sadd.s32 $0x8F2B, s0  }
0x43: {  	[sflag:s0] =	ssyncadd.remote.s32 $0x1  }
0x44: {  	_ =	sfence.sel $0xFFFF  }
0x45: {  	[dreg:$0x0] =	wrdreg $0xFFFFFFFF;
	(pc) =	sbr.abs _section_cstart, $3  }
0x46: {  	[dreg:$0x1] =	wrdreg $0xFFFFFFFF  }
0x47: {  	_ =	task.clear_ibuf [dreg:s23], $0x2FFFF;
	_ =	strace $0x9FFFFFFF  }
0x48: {  	(tm) =	ssettm $0x7FFFFFFF  }
0x49: {  	_ =	shalt  }
tec
execute0_lowered:
.L_overlay_start_1:
0x0: {  	(tag) =	ssettag $0x1  }
0x1: {  	s6 =	rddreg [dreg:$0x0];
	s2 =	srdreg.scid  }
0x2: {  	s1 =	stileid.u32;
	s0 =	rddreg [dreg:$0x1];
	_ =	strace $0x8000004A  }
0x3: {  	s31 =	simm.s32 $0x2;
	s15 =	simm.s32 $0x0;
	s10 =	simm.s32 $0x80  }
0x4: {  	s11 =	simm.s32 $0x0;
	s16 =	simm.s32 $0x0;
	s12 =	simm.s32 $0x0  }
0x5: {  	s14 =	simm.s32 $0x0;
	s2 =	sand.u32 $0x1, s2;
	s3 =	sshll.u32 s1, $0x8  }
0x6: {  	s4 =	ssub.s32 $0x13800, s3;
	s5 =	ssub.s32 $0x2, s2;
	s7 =	sshll.u32 s2, $0x4  }
.Ltmp0:
0x7: {  	s8 =	sshrl.u32 s4, $0xC;
	s9 =	sshrl.u32 s5, $0x1;
	(pc) =	sbr.rel .LBB1_1-.Ltmp0, $4  }
0x8: {  	s13 =	smov.u32 s3;
	s8 =	sadd.s32 $0x1, s8;
	s5 =	ssub.s32 s5, s9  }
0x9: {  	s4 =	simm.s32 $0x1;
	s7 =	sadd.s32 s7, s6;
	s5 =	smul.u32 s8, s5  }
0xa: {  	s6 =	sadd.s32 $0x853200, s6;
	[sflag:s4] =	ssyncpa.u1 $0x0;
	s7 =	sadd.s32 $0x5E2200, s7  }
0xb: {  	s9 =	simm.s32 $0x40;
	[sflag:s31] =	ssyncpa.u1 $0x0;
	s8 =	sadd.s32 $0x1, s5  }
.LBB1_5:
0xc: {  	_ =	sdelay $0x3  }
0xd: {  	[tilespmem:v0+s21+$0x0 ss:$0x1] =	vst.idx.msk $0xffff, v1  }
0xe: {  	[tilespmem:v0+s21+$0x10 ss:$0x1] =	vst.idx.msk $0xffff, v2  }
0xf: {  	[tilespmem:v0+s21+$0x20 ss:$0x1] =	vst.idx.msk $0xffff, v3  }
.LBB1_6:
0x10: {  	s19 =	sand.u32 $0x1FFFFFF, s12  }
0x11: {  	s20 =	smulhi.u32 $0x1A36E2F, s19;
	_ =	sdelay $0x1  }
0x12: {  	s20 =	sshrl.u32 s20, $0x9  }
0x13: {  	s20 =	smul.u32 $0x13880, s20  }
0x14: {  	s16 =	smul.u32 $0x138800, s16  }
0x15: {  	s19 =	ssub.s32 s19, s20  }
0x16: {  	s16 =	sadd.s32 s6, s16;
	s19 =	sshll.u32 s19, $0x4  }
0x17: {  	s16 =	sadd.s32 s19, s16  }
0x18: {  	[hbm4b:s16+s9] =	stream.strided.scatter [tilespmem:s18], [sflag:$0x2], s17, s10, s9, $0x38;
	[tilespmem:$0x10000] =	vst v63  }
.LBB1_7:
0x19: {  	p0 =	slt.u32 s14, $0x2  }
0x1a: {  	p1 =	sgt.s32 @!p0 s15, $0x13780  }
0x1b: {  	s16 =	smov.u32 s15;
	s17 =	sshra.s32 @!p0 s15, $0x1F;
	p1 =	por !p1, p0  }
0x1c: {  	s15 =	sand.u32 @!p0 s17, s15;
	s16 =	simm.s32 @p1 $0x13780  }
0x1d: {  	s15 =	ssub.s32 @!p0 s16, s15  }
0x1e: {  	s15 =	sadd.s32 @!p0 $0xFFFEC880, s15  }
0x1f: {  	s16 =	sshll.u32 @!p0 s15, $0x6  }
0x20: {  	p1 =	sgt.s32 @!p0 s15, $0xFF;
	s15 =	ssub.s32 @!p0 $0x4000, s16  }
0x21: {  	s17 =	sadd.s32 $0x1000, s13;
	p1 =	por !p1, p0;
	s15 =	sand.u32 @!p0 $0x3FFFFFC0, s15  }
0x22: {  	s15 =	simm.s32 @!p1 $0x0;
	p1 =	sgt.s32 s17, $0x1387F  }
0x23: {  	s17 =	smov.u32 @p1 s3;
	p1 =	sne.s32 s14, s8  }
.Ltmp1:
0x24: {  	_ = 	snop;
	(pc) =	sbr.rel @!p1 .LBB1_8-.Ltmp1, $4  }
0x25: {  	s11 =	sadd.s32 $0x4000, s11;
	s16 =	simm.s32 @!p0 $0x2  }
0x26: {  	_ =	swait.ge @!p0 [sflag:s16], s15;
	s18 =	ssub.s32 @!p0 $0x0, s15;
	s15 =	smov.u32 s12  }
0x27: {  	s14 =	sadd.s32 $0x1, s14;
	s12 =	smov.u32 s13;
	[sflag:s16] =	ssyncset.done @!p0 $0x0  }
0x28: {  	s13 =	smov.u32 s17;
	[sflag:s16] =	ssyncadd.s32 @!p0 s18;
	s16 =	smov.u32 s2  }
.LBB1_1:
0x29: {  	p0 =	sge.u32 s14, s5  }
0x2a: {  	p1 =	sgt.s32 @!p0 s13, $0x13780  }
0x2b: {  	s17 =	smov.u32 s13;
	s18 =	sshra.s32 @!p0 s13, $0x1F;
	p1 =	por !p1, p0  }
0x2c: {  	s18 =	sand.u32 @!p0 s18, s13;
	s17 =	simm.s32 @p1 $0x13780  }
0x2d: {  	s17 =	ssub.s32 @!p0 s17, s18  }
0x2e: {  	s31 =	sadd.s32 $0xFFFFFFFF, s14;
	s19 =	sxor.u32 @!p0 $0xFFFFFFFF, s14;
	s17 =	sadd.s32 @!p0 $0xFFFEC880, s17  }
0x2f: {  	s20 =	simm.s32 @!p0 $0x40;
	s21 =	simm.s32 @!p0 $0x100;
	s18 =	sshll.u32 @!p0 s17, $0x6  }
0x30: {  	p1 =	sgt.s32 @!p0 s17, $0xFF;
	s17 =	ssub.s32 @!p0 $0x4000, s18;
	s18 =	sshll.u32 @!p0 s19, $0xE  }
0x31: {  	p1 =	por !p1, p0;
	s19 =	sshll.u32 @!p0 s13, $0x5;
	s17 =	sand.u32 @!p0 $0x3FFFFFC0, s17  }
0x32: {  	s18 =	sand.u32 @!p0 $0x4000, s18;
	s19 =	sadd.s32 @!p0 s19, s7;
	s17 =	simm.s32 @!p1 $0x0  }
0x33: {  	[tilespmem:s18], [sflag:$0x1] =	stream.strided.gather @!p0 [hbm4b:s19+s20], s17, s21, s20, $0x38;
	[tilespmem:$0x10000] =	vst v63  }
0x34: {  	p0 =	sge.u32 s31, s5  }
.Ltmp2:
0x35: {  	_ = 	snop;
	(pc) =	sbr.rel @p0 .LBB1_7-.Ltmp2, $1  }
0x36: {  	_ =	sdelay $0x3  }
0x37: {  	p0 =	sgt.s32 s12, $0x13780;
	s17 =	smov.u32 s12;
	s18 =	sshra.s32 s12, $0x1F  }
0x38: {  	s17 =	simm.s32 @!p0 $0x13780;
	s18 =	sand.u32 s18, s12  }
0x39: {  	s17 =	ssub.s32 s17, s18  }
0x3a: {  	s17 =	sadd.s32 $0xFFFEC880, s17  }
0x3b: {  	s30 =	sshll.u32 s17, $0x6  }
0x3c: {  	s18 =	ssub.s32 $0x4000, s30  }
0x3d: {  	p0 =	sgt.s32 s17, $0xFF;
	s17 =	sand.u32 $0x3FFFFFC0, s18;
	s18 =	sadd.s32 $0x100, s12  }
0x3e: {  	s17 =	simm.s32 @p0 $0x0;
	p0 =	slt.s32 s18, $0x13880  }
0x3f: {  	s18 =	simm.s32 @!p0 $0x13880  }
0x40: {  	s20 =	ssub.s32 s18, s12  }
0x41: {  	p0 =	slt.s32 s20, $0x1  }
.Ltmp3:
0x42: {  	_ = 	snop;
	(pc) =	sbr.rel @p0 .LBB1_6-.Ltmp3, $4  }
0x43: {  	_ = 	snop  }
0x44: {  	s21 =	sshll.u32 s14, $0xE;
	_ =	swait.ge [sflag:s4], s17  }
0x45: {  	s31 =	sand.u32 $0x4000, s21;
	s19 =	ssub.s32 $0x0, s17;
	[sflag:s4] =	ssyncset.done $0x0  }
0x46: {  	s18 =	sor.u32 $0x8000, s31;
	[sflag:s4] =	ssyncadd.s32 s19  }
0x47: {  	s19 =	sand.u32 $0x4000, s11  }
0x48: {  	s22 =	sor.u32 $0x20, s19  }
0x49: {  	v0 =	vmov s18;
	p0 =	sne.s32 s20, $0x1;
	v4 =	vld [tilespmem:s22+$0x10]  }
.Ltmp4:
0x4a: {  	v1 =	vld [tilespmem:s22+$0xFFFFFFE0];
	(pc) =	sbr.rel @!p0 .LBB1_5-.Ltmp4, $4  }
0x4b: {  	v2 =	vld [tilespmem:s22+$0xFFFFFFF0]  }
0x4c: {  	s19 =	simm.s32 $0x0;
	v3 =	vld [tilespmem:s22+$0x0]  }
0x4d: {  	s21 =	sand.u32 $0x3FC0, s19  }
0x4e: {  	s20 =	sadd.s32 $0xFFFFFFFF, s20;
	s22 =	sadd.s32 $0x40, s22;
	[tilespmem:v0+s21+$0x30 ss:$0x1] =	vst.idx.msk $0xffff, v4  }
.LBB1_4:
0x4f: {  	v4 =	vld [tilespmem:s22+$0x10];
	p0 =	sne.s32 s20, $0x1;
	s20 =	sadd.s32 $0xFFFFFFFF, s20;
	[tilespmem:v0+s21+$0x0 ss:$0x1] =	vst.idx.msk $0xffff, v1  }
.Ltmp5:
0x50: {  	v1 =	vld [tilespmem:s22+$0xFFFFFFE0];
	[tilespmem:v0+s21+$0x10 ss:$0x1] =	vst.idx.msk $0xffff, v2;
	(pc) =	sbr.rel @p0 .LBB1_4-.Ltmp5, $4  }
0x51: {  	v2 =	vld [tilespmem:s22+$0xFFFFFFF0];
	[tilespmem:v0+s21+$0x20 ss:$0x1] =	vst.idx.msk $0xffff, v3  }
0x52: {  	s19 =	sadd.s32 $0x40, s19;
	v3 =	vld [tilespmem:s22+$0x0]  }
0x53: {  	s21 =	sand.u32 $0x3FC0, s19  }
0x54: {  	s22 =	sadd.s32 $0x40, s22;
	[tilespmem:v0+s21+$0x30 ss:$0x1] =	vst.idx.msk $0xffff, v4  }
.Ltmp6:
0x55: {  	_ = 	snop;
	(pc) =	sbr.rel .LBB1_5-.Ltmp6, $1  }
0x56: {  	_ =	sdelay $0x3  }
.LBB1_8:
0x57: {  	_ =	sfence.sel $0x180000  }
0x58: {  	s2 =	simm.s32 $0x1;
	[bflag:$0x0] =	sbarrier.arrive $0xFFFF  }
0x59: {  	s31 =	simm.s32 $0x2;
	[sflag:s2] =	ssyncpa.u1 $0x1  }
0x5a: {  	[sflag:s31] =	ssyncpa.u1 $0x1  }
0x5b: {  	p0 =	sne.s32 s1, $0x0;
	_ =	strace $0x9000004A  }
0x5c: {  	s0 =	sadd.s32 @!p0 $0x100000, s0;
	[bflag:$0x2] =	sbarrier.arrive $0xFFFF  }
0x5d: {  	[sflag:s0] =	ssyncadd.tile.s32 @!p0 $0x1;
	_ =	shalt  }
.Lfunc_end1:
_tile_overlayer_lowered:
.L_overlay_start_2:
0x5e: {  	(tag) =	ssettag $0x2  }
0x5f: {  	s0 =	rddreg [dreg:$0x0];
	s2 =	stileid.u32  }
0x60: {  	s1 =	rddreg [dreg:$0x1];
	p0 =	sne.s32 s2, $0x0  }
0x61: {  	s3 =	rddreg [dreg:$0x2];
	[bflag:$0x3] =	sbarrier.arrive $0xFFFF;
	s2 =	simm.s32 @!p0 $0x1C01  }
0x62: {  	[timem:s3], [sflag:s2] =	dma.local @!p0 [hbm:s0], s1  }
0x63: {  	s0 =	simm.s32 @!p0 $0x1  }
0x64: {  	_ =	swait.ge @!p0 [sflag:s0], s1  }
0x65: {  	s1 =	ssub.s32 @!p0 $0x0, s1;
	[sflag:s0] =	ssyncset.done @!p0 $0x0  }
0x66: {  	[sflag:s0] =	ssyncadd.s32 @!p0 s1  }
0x67: {  	[bflag:$0x3] =	sbarrier.arrive $0xFFFF  }
0x68: {  	_ =	shalt  }

// kernel: sparse-core-data-format-call.22.cloned.1.call-start
scs
called_computation.22_lowered:
.L_overlay_start_0:
0x0: {  	s2 =	sld [smem:$0x3FD9]  }
0x1: {  	s3 =	sld [smem:$0x3FFE];
	_ =	sdelay $0x1  }
0x2: {  	s1 =	srdreg.scid  }
0x3: {  	s0 =	sand.u32 $0x1, s1  }
0x4: {  	s18 =	sshll.u32 s0, $0xA;
	s2 =	sadd.s32 s3, s2  }
0x5: {  	s2 =	sadd.s32 s2, s18  }
0x6: {  	[smem:$0x3F9F] =	sst s2  }
0x7: {  	_ = 	snop  }
0x8: {  	(tm) =	ssettm $0x1  }
0x9: {  	s19 =	sld [smem:$0x3FFB];
	_ =	sdelay $0x3  }
0xa: {  	_ =	strace s19  }
0xb: {  	s2 =	sld [smem:$0x3FFC];
	_ =	sdelay $0x3  }
0xc: {  	_ =	strace s2  }
0xd: {  	s2 =	sld [smem:$0x3FFD];
	_ =	sdelay $0x3  }
0xe: {  	_ =	strace s2  }
0xf: {  	_ =	strace $0x8FFFFFFF  }
0x10: {  	s20 =	sld [smem:$0x3FDB];
	_ =	sdelay $0x1  }
0x11: {  	s21 =	simm.s32 $_scs_section_size  }
0x12: {  	s4 =	simm.s32 $_size__tile_overlayer_lowered;
	s5 =	simm.s32 $_tile_overlayer_lowered  }
0x13: {  	s6 =	simm.s32 $0x1BFF;
	s22 =	sshll.u32 s5, $0x1;
	s3 =	sadd.s32 s21, s20  }
0x14: {  	s23 =	simm.s32 $0x0;
	s4 =	sshll.u32 s4, $0x1;
	s5 =	sadd.s32 s22, s3  }
0x15: {  	[timem:s23], [sflag:s6] =	dma.local [hbm:s5], s4  }
0x16: {  	_ =	swait.ge [sflag:s6], s4  }
0x17: {  	s4 =	ssub.s32 $0x0, s4;
	[sflag:s6] =	ssyncset.done $0x0  }
0x18: {  	[sflag:s6] =	ssyncadd.s32 s4;
	_ =	sdelay $0x1  }
0x19: {  	s24 =	simm.s32 $0x1B8B  }
0x1a: {  	_ =	swait.ge [sflag:s24], $0x1  }
0x1b: {  	[sflag:s24] =	ssyncset.done $0x0  }
0x1c: {  	[sflag:s24] =	ssyncadd.s32 $0xFFFFFFFF  }
0x1d: {  	s4 =	sld [smem:$0x0]  }
0x1e: {  	s5 =	sand.u32 $0xFFFFFFFE, s1  }
0x1f: {  	p0 =	sne.s32 s1, s5  }
0x20: {  	s5 =	sshll.u32 @p0 s5, $0xE  }
0x21: {  	s5 =	sadd.s32 @p0 $0x11B8D, s5;
	s6 =	sshll.u32 @p0 s4, $0x11  }
0x22: {  	s5 =	sor.u32 @p0 s6, s5  }
0x23: {  	[sflag:s5] =	ssyncadd.remote.s32 @p0 $0x1;
	_ =	sdelay $0x1  }
0x24: {  	s5 =	simm.s32 @p0 $0x1B8D  }
0x25: {  	_ =	swait.eq @p0 [sflag:s5], $0x1  }
0x26: {  	[sflag:s5] =	ssyncadd.s32 @p0 $0xFFFFFFFF  }
0x27: {  	s6 =	sshll.u32 @!p0 s1, $0xE  }
0x28: {  	s6 =	sor.u32 @!p0 $0x4000, s6;
	s5 =	simm.s32 @!p0 $0x1B8D  }
0x29: {  	s4 =	sshll.u32 @!p0 s4, $0x11;
	s6 =	sadd.s32 @!p0 $0x11B8D, s6;
	_ =	swait.eq @!p0 [sflag:s5], $0x1  }
0x2a: {  	s4 =	sor.u32 @!p0 s4, s6;
	[sflag:s5] =	ssyncadd.s32 @!p0 $0xFFFFFFFF  }
0x2b: {  	s26 =	simm.s32 $0x1B8E;
	s25 =	sld [smem:$0x3FFE];
	[sflag:s4] =	ssyncadd.remote.s32 @!p0 $0x1  }
0x2c: {  	s27 =	simm.s32 $execute0_lowered;
	[smem:$0x3FD2] =	sst s26  }
0x2d: {  	s5 =	sshll.u32 s27, $0x1;
	_ =	strace $0x8000004C;
	[dreg:$0x1] =	wrdreg $0xFFFFFFFF  }
0x2e: {  	s28 =	simm.s32 $_size_execute0_lowered;
	s3 =	sadd.s32 s3, s5;
	[dreg:$0x0] =	wrdreg $0x0  }
0x2f: {  	s5 =	sshll.u32 s28, $0x1;
	[dreg:$0x2] =	wrdreg s3  }
0x30: {  	[dreg:$0x3] =	wrdreg s5  }
0x31: {  	[dreg:$0x4] =	wrdreg $0xC0  }
0x32: {  	_ =	task [dreg:s23], $0x5FFFF  }
0x33: {  	[dreg:$0x1] =	wrdreg $0xFFFFFFFF  }
0x34: {  	[dreg:$0x0] =	wrdreg $0x60  }
0x35: {  	[dreg:$0x2] =	wrdreg s25  }
0x36: {  	[dreg:$0x3] =	wrdreg $0xB  }
0x37: {  	_ =	task.clear_ibuf [dreg:s23], $0x4FFFF;
	_ =	strace $0x9000004C  }
0x38: {  	s29 =	simm.s32 $0xB;
	_ =	strace $0x8000004E  }
0x39: {  	_ =	swait.ge [sflag:s29], $0x1  }
0x3a: {  	[sflag:s29] =	ssyncadd.s32 $0xFFFFFFFF  }
0x3b: {  	_ =	strace $0x9000004E  }
0x3c: {  	_ =	sfence  }
0x3d: {  	s30 =	sld [smem:$0x0];
	_ =	sdelay $0x2  }
0x3e: {  	s31 =	sshll.u32 s1, $0xD;
	s1 =	sshrl.u32 s1, $0x2  }
0x3f: {  	s4 =	sand.u32 $0x4000, s31;
	s1 =	sadd.s32 s1, s30  }
0x40: {  	s0 =	sor.u32 s4, s0;
	s1 =	sshll.u32 s1, $0x11  }
0x41: {  	s0 =	sor.u32 s1, s0  }
0x42: {  	s0 =	sadd.s32 $0x8F2B, s0  }
0x43: {  	[sflag:s0] =	ssyncadd.remote.s32 $0x1  }
0x44: {  	_ =	sfence.sel $0xFFFF  }
0x45: {  	[dreg:$0x0] =	wrdreg $0xFFFFFFFF;
	(pc) =	sbr.abs _section_cstart, $3  }
0x46: {  	[dreg:$0x1] =	wrdreg $0xFFFFFFFF  }
0x47: {  	_ =	task.clear_ibuf [dreg:s23], $0x2FFFF;
	_ =	strace $0x9FFFFFFF  }
0x48: {  	(tm) =	ssettm $0x7FFFFFFF  }
0x49: {  	_ =	shalt  }
tec
execute0_lowered:
.L_overlay_start_1:
0x0: {  	(tag) =	ssettag $0x1  }
0x1: {  	s6 =	rddreg [dreg:$0x0];
	s2 =	srdreg.scid  }
0x2: {  	s1 =	stileid.u32;
	s0 =	rddreg [dreg:$0x1];
	_ =	strace $0x8000004D  }
0x3: {  	s31 =	simm.s32 $0x2;
	s15 =	simm.s32 $0x0;
	s10 =	simm.s32 $0x80  }
0x4: {  	s11 =	simm.s32 $0x0;
	s16 =	simm.s32 $0x0;
	s12 =	simm.s32 $0x0  }
0x5: {  	s14 =	simm.s32 $0x0;
	s2 =	sand.u32 $0x1, s2;
	s3 =	sshll.u32 s1, $0x8  }
0x6: {  	s4 =	ssub.s32 $0x13800, s3;
	s5 =	ssub.s32 $0x2, s2;
	s7 =	sshll.u32 s2, $0x4  }
.Ltmp0:
0x7: {  	s8 =	sshrl.u32 s4, $0xC;
	s9 =	sshrl.u32 s5, $0x1;
	(pc) =	sbr.rel .LBB1_1-.Ltmp0, $4  }
0x8: {  	s13 =	smov.u32 s3;
	s8 =	sadd.s32 $0x1, s8;
	s5 =	ssub.s32 s5, s9  }
0x9: {  	s4 =	simm.s32 $0x1;
	s7 =	sadd.s32 s7, s6;
	s5 =	smul.u32 s8, s5  }
0xa: {  	s6 =	sadd.s32 $0xD35200, s6;
	[sflag:s4] =	ssyncpa.u1 $0x0;
	s7 =	sadd.s32 $0xAC4200, s7  }
0xb: {  	s9 =	simm.s32 $0x40;
	[sflag:s31] =	ssyncpa.u1 $0x0;
	s8 =	sadd.s32 $0x1, s5  }
.LBB1_5:
0xc: {  	_ =	sdelay $0x3  }
0xd: {  	[tilespmem:v0+s21+$0x0 ss:$0x1] =	vst.idx.msk $0xffff, v1  }
0xe: {  	[tilespmem:v0+s21+$0x10 ss:$0x1] =	vst.idx.msk $0xffff, v2  }
0xf: {  	[tilespmem:v0+s21+$0x20 ss:$0x1] =	vst.idx.msk $0xffff, v3  }
.LBB1_6:
0x10: {  	s19 =	sand.u32 $0x1FFFFFF, s12  }
0x11: {  	s20 =	smulhi.u32 $0x1A36E2F, s19;
	_ =	sdelay $0x1  }
0x12: {  	s20 =	sshrl.u32 s20, $0x9  }
0x13: {  	s20 =	smul.u32 $0x13880, s20  }
0x14: {  	s16 =	smul.u32 $0x138800, s16  }
0x15: {  	s19 =	ssub.s32 s19, s20  }
0x16: {  	s16 =	sadd.s32 s6, s16;
	s19 =	sshll.u32 s19, $0x4  }
0x17: {  	s16 =	sadd.s32 s19, s16  }
0x18: {  	[hbm4b:s16+s9] =	stream.strided.scatter [tilespmem:s18], [sflag:$0x2], s17, s10, s9, $0x38;
	[tilespmem:$0x10000] =	vst v63  }
.LBB1_7:
0x19: {  	p0 =	slt.u32 s14, $0x2  }
0x1a: {  	p1 =	sgt.s32 @!p0 s15, $0x13780  }
0x1b: {  	s16 =	smov.u32 s15;
	s17 =	sshra.s32 @!p0 s15, $0x1F;
	p1 =	por !p1, p0  }
0x1c: {  	s15 =	sand.u32 @!p0 s17, s15;
	s16 =	simm.s32 @p1 $0x13780  }
0x1d: {  	s15 =	ssub.s32 @!p0 s16, s15  }
0x1e: {  	s15 =	sadd.s32 @!p0 $0xFFFEC880, s15  }
0x1f: {  	s16 =	sshll.u32 @!p0 s15, $0x6  }
0x20: {  	p1 =	sgt.s32 @!p0 s15, $0xFF;
	s15 =	ssub.s32 @!p0 $0x4000, s16  }
0x21: {  	s17 =	sadd.s32 $0x1000, s13;
	p1 =	por !p1, p0;
	s15 =	sand.u32 @!p0 $0x3FFFFFC0, s15  }
0x22: {  	s15 =	simm.s32 @!p1 $0x0;
	p1 =	sgt.s32 s17, $0x1387F  }
0x23: {  	s17 =	smov.u32 @p1 s3;
	p1 =	sne.s32 s14, s8  }
.Ltmp1:
0x24: {  	_ = 	snop;
	(pc) =	sbr.rel @!p1 .LBB1_8-.Ltmp1, $4  }
0x25: {  	s11 =	sadd.s32 $0x4000, s11;
	s16 =	simm.s32 @!p0 $0x2  }
0x26: {  	_ =	swait.ge @!p0 [sflag:s16], s15;
	s18 =	ssub.s32 @!p0 $0x0, s15;
	s15 =	smov.u32 s12  }
0x27: {  	s14 =	sadd.s32 $0x1, s14;
	s12 =	smov.u32 s13;
	[sflag:s16] =	ssyncset.done @!p0 $0x0  }
0x28: {  	s13 =	smov.u32 s17;
	[sflag:s16] =	ssyncadd.s32 @!p0 s18;
	s16 =	smov.u32 s2  }
.LBB1_1:
0x29: {  	p0 =	sge.u32 s14, s5  }
0x2a: {  	p1 =	sgt.s32 @!p0 s13, $0x13780  }
0x2b: {  	s17 =	smov.u32 s13;
	s18 =	sshra.s32 @!p0 s13, $0x1F;
	p1 =	por !p1, p0  }
0x2c: {  	s18 =	sand.u32 @!p0 s18, s13;
	s17 =	simm.s32 @p1 $0x13780  }
0x2d: {  	s17 =	ssub.s32 @!p0 s17, s18  }
0x2e: {  	s31 =	sadd.s32 $0xFFFFFFFF, s14;
	s19 =	sxor.u32 @!p0 $0xFFFFFFFF, s14;
	s17 =	sadd.s32 @!p0 $0xFFFEC880, s17  }
0x2f: {  	s20 =	simm.s32 @!p0 $0x40;
	s21 =	simm.s32 @!p0 $0x100;
	s18 =	sshll.u32 @!p0 s17, $0x6  }
0x30: {  	p1 =	sgt.s32 @!p0 s17, $0xFF;
	s17 =	ssub.s32 @!p0 $0x4000, s18;
	s18 =	sshll.u32 @!p0 s19, $0xE  }
0x31: {  	p1 =	por !p1, p0;
	s19 =	sshll.u32 @!p0 s13, $0x5;
	s17 =	sand.u32 @!p0 $0x3FFFFFC0, s17  }
0x32: {  	s18 =	sand.u32 @!p0 $0x4000, s18;
	s19 =	sadd.s32 @!p0 s19, s7;
	s17 =	simm.s32 @!p1 $0x0  }
0x33: {  	[tilespmem:s18], [sflag:$0x1] =	stream.strided.gather @!p0 [hbm4b:s19+s20], s17, s21, s20, $0x38;
	[tilespmem:$0x10000] =	vst v63  }
0x34: {  	p0 =	sge.u32 s31, s5  }
.Ltmp2:
0x35: {  	_ = 	snop;
	(pc) =	sbr.rel @p0 .LBB1_7-.Ltmp2, $1  }
0x36: {  	_ =	sdelay $0x3  }
0x37: {  	p0 =	sgt.s32 s12, $0x13780;
	s17 =	smov.u32 s12;
	s18 =	sshra.s32 s12, $0x1F  }
0x38: {  	s17 =	simm.s32 @!p0 $0x13780;
	s18 =	sand.u32 s18, s12  }
0x39: {  	s17 =	ssub.s32 s17, s18  }
0x3a: {  	s17 =	sadd.s32 $0xFFFEC880, s17  }
0x3b: {  	s30 =	sshll.u32 s17, $0x6  }
0x3c: {  	s18 =	ssub.s32 $0x4000, s30  }
0x3d: {  	p0 =	sgt.s32 s17, $0xFF;
	s17 =	sand.u32 $0x3FFFFFC0, s18;
	s18 =	sadd.s32 $0x100, s12  }
0x3e: {  	s17 =	simm.s32 @p0 $0x0;
	p0 =	slt.s32 s18, $0x13880  }
0x3f: {  	s18 =	simm.s32 @!p0 $0x13880  }
0x40: {  	s20 =	ssub.s32 s18, s12  }
0x41: {  	p0 =	slt.s32 s20, $0x1  }
.Ltmp3:
0x42: {  	_ = 	snop;
	(pc) =	sbr.rel @p0 .LBB1_6-.Ltmp3, $4  }
0x43: {  	_ = 	snop  }
0x44: {  	s21 =	sshll.u32 s14, $0xE;
	_ =	swait.ge [sflag:s4], s17  }
0x45: {  	s31 =	sand.u32 $0x4000, s21;
	s19 =	ssub.s32 $0x0, s17;
	[sflag:s4] =	ssyncset.done $0x0  }
0x46: {  	s18 =	sor.u32 $0x8000, s31;
	[sflag:s4] =	ssyncadd.s32 s19  }
0x47: {  	s19 =	sand.u32 $0x4000, s11  }
0x48: {  	s22 =	sor.u32 $0x20, s19  }
0x49: {  	v0 =	vmov s18;
	p0 =	sne.s32 s20, $0x1;
	v4 =	vld [tilespmem:s22+$0x10]  }
.Ltmp4:
0x4a: {  	v1 =	vld [tilespmem:s22+$0xFFFFFFE0];
	(pc) =	sbr.rel @!p0 .LBB1_5-.Ltmp4, $4  }
0x4b: {  	v2 =	vld [tilespmem:s22+$0xFFFFFFF0]  }
0x4c: {  	s19 =	simm.s32 $0x0;
	v3 =	vld [tilespmem:s22+$0x0]  }
0x4d: {  	s21 =	sand.u32 $0x3FC0, s19  }
0x4e: {  	s20 =	sadd.s32 $0xFFFFFFFF, s20;
	s22 =	sadd.s32 $0x40, s22;
	[tilespmem:v0+s21+$0x30 ss:$0x1] =	vst.idx.msk $0xffff, v4  }
.LBB1_4:
0x4f: {  	v4 =	vld [tilespmem:s22+$0x10];
	p0 =	sne.s32 s20, $0x1;
	s20 =	sadd.s32 $0xFFFFFFFF, s20;
	[tilespmem:v0+s21+$0x0 ss:$0x1] =	vst.idx.msk $0xffff, v1  }
.Ltmp5:
0x50: {  	v1 =	vld [tilespmem:s22+$0xFFFFFFE0];
	[tilespmem:v0+s21+$0x10 ss:$0x1] =	vst.idx.msk $0xffff, v2;
	(pc) =	sbr.rel @p0 .LBB1_4-.Ltmp5, $4  }
0x51: {  	v2 =	vld [tilespmem:s22+$0xFFFFFFF0];
	[tilespmem:v0+s21+$0x20 ss:$0x1] =	vst.idx.msk $0xffff, v3  }
0x52: {  	s19 =	sadd.s32 $0x40, s19;
	v3 =	vld [tilespmem:s22+$0x0]  }
0x53: {  	s21 =	sand.u32 $0x3FC0, s19  }
0x54: {  	s22 =	sadd.s32 $0x40, s22;
	[tilespmem:v0+s21+$0x30 ss:$0x1] =	vst.idx.msk $0xffff, v4  }
.Ltmp6:
0x55: {  	_ = 	snop;
	(pc) =	sbr.rel .LBB1_5-.Ltmp6, $1  }
0x56: {  	_ =	sdelay $0x3  }
.LBB1_8:
0x57: {  	_ =	sfence.sel $0x180000  }
0x58: {  	s2 =	simm.s32 $0x1;
	[bflag:$0x0] =	sbarrier.arrive $0xFFFF  }
0x59: {  	s31 =	simm.s32 $0x2;
	[sflag:s2] =	ssyncpa.u1 $0x1  }
0x5a: {  	[sflag:s31] =	ssyncpa.u1 $0x1  }
0x5b: {  	p0 =	sne.s32 s1, $0x0;
	_ =	strace $0x9000004D  }
0x5c: {  	s0 =	sadd.s32 @!p0 $0x100000, s0;
	[bflag:$0x2] =	sbarrier.arrive $0xFFFF  }
0x5d: {  	[sflag:s0] =	ssyncadd.tile.s32 @!p0 $0x1;
	_ =	shalt  }
.Lfunc_end1:
_tile_overlayer_lowered:
.L_overlay_start_2:
0x5e: {  	(tag) =	ssettag $0x2  }
0x5f: {  	s0 =	rddreg [dreg:$0x0];
	s2 =	stileid.u32  }
0x60: {  	s1 =	rddreg [dreg:$0x1];
	p0 =	sne.s32 s2, $0x0  }
0x61: {  	s3 =	rddreg [dreg:$0x2];
	[bflag:$0x3] =	sbarrier.arrive $0xFFFF;
	s2 =	simm.s32 @!p0 $0x1C01  }
0x62: {  	[timem:s3], [sflag:s2] =	dma.local @!p0 [hbm:s0], s1  }
0x63: {  	s0 =	simm.s32 @!p0 $0x1  }
0x64: {  	_ =	swait.ge @!p0 [sflag:s0], s1  }
0x65: {  	s1 =	ssub.s32 @!p0 $0x0, s1;
	[sflag:s0] =	ssyncset.done @!p0 $0x0  }
0x66: {  	[sflag:s0] =	ssyncadd.s32 @!p0 s1  }
0x67: {  	[bflag:$0x3] =	sbarrier.arrive $0xFFFF  }
0x68: {  	_ =	shalt  }

// kernel: sparse-core-data-format-call.23.cloned.1.call-start
scs
called_computation.23_lowered:
.L_overlay_start_0:
0x0: {  	s2 =	sld [smem:$0x3FD9]  }
0x1: {  	s3 =	sld [smem:$0x3FFE];
	_ =	sdelay $0x1  }
0x2: {  	s1 =	srdreg.scid  }
0x3: {  	s0 =	sand.u32 $0x1, s1  }
0x4: {  	s18 =	sshll.u32 s0, $0xA;
	s2 =	sadd.s32 s3, s2  }
0x5: {  	s2 =	sadd.s32 s2, s18  }
0x6: {  	[smem:$0x3F9F] =	sst s2  }
0x7: {  	_ = 	snop  }
0x8: {  	(tm) =	ssettm $0x1  }
0x9: {  	s19 =	sld [smem:$0x3FFB];
	_ =	sdelay $0x3  }
0xa: {  	_ =	strace s19  }
0xb: {  	s2 =	sld [smem:$0x3FFC];
	_ =	sdelay $0x3  }
0xc: {  	_ =	strace s2  }
0xd: {  	s2 =	sld [smem:$0x3FFD];
	_ =	sdelay $0x3  }
0xe: {  	_ =	strace s2  }
0xf: {  	_ =	strace $0x8FFFFFFF  }
0x10: {  	s20 =	sld [smem:$0x3FDB];
	_ =	sdelay $0x1  }
0x11: {  	s21 =	simm.s32 $_scs_section_size  }
0x12: {  	s4 =	simm.s32 $_size__tile_overlayer_lowered;
	s5 =	simm.s32 $_tile_overlayer_lowered  }
0x13: {  	s6 =	simm.s32 $0x1BFF;
	s22 =	sshll.u32 s5, $0x1;
	s3 =	sadd.s32 s21, s20  }
0x14: {  	s23 =	simm.s32 $0x0;
	s4 =	sshll.u32 s4, $0x1;
	s5 =	sadd.s32 s22, s3  }
0x15: {  	[timem:s23], [sflag:s6] =	dma.local [hbm:s5], s4  }
0x16: {  	_ =	swait.ge [sflag:s6], s4  }
0x17: {  	s4 =	ssub.s32 $0x0, s4;
	[sflag:s6] =	ssyncset.done $0x0  }
0x18: {  	[sflag:s6] =	ssyncadd.s32 s4;
	_ =	sdelay $0x1  }
0x19: {  	s24 =	simm.s32 $0x1B8B  }
0x1a: {  	_ =	swait.ge [sflag:s24], $0x1  }
0x1b: {  	[sflag:s24] =	ssyncset.done $0x0  }
0x1c: {  	[sflag:s24] =	ssyncadd.s32 $0xFFFFFFFF  }
0x1d: {  	s4 =	sld [smem:$0x0]  }
0x1e: {  	s5 =	sand.u32 $0xFFFFFFFE, s1  }
0x1f: {  	p0 =	sne.s32 s1, s5  }
0x20: {  	s5 =	sshll.u32 @p0 s5, $0xE  }
0x21: {  	s5 =	sadd.s32 @p0 $0x11B8D, s5;
	s6 =	sshll.u32 @p0 s4, $0x11  }
0x22: {  	s5 =	sor.u32 @p0 s6, s5  }
0x23: {  	[sflag:s5] =	ssyncadd.remote.s32 @p0 $0x1;
	_ =	sdelay $0x1  }
0x24: {  	s5 =	simm.s32 @p0 $0x1B8D  }
0x25: {  	_ =	swait.eq @p0 [sflag:s5], $0x1  }
0x26: {  	[sflag:s5] =	ssyncadd.s32 @p0 $0xFFFFFFFF  }
0x27: {  	s6 =	sshll.u32 @!p0 s1, $0xE  }
0x28: {  	s6 =	sor.u32 @!p0 $0x4000, s6;
	s5 =	simm.s32 @!p0 $0x1B8D  }
0x29: {  	s4 =	sshll.u32 @!p0 s4, $0x11;
	s6 =	sadd.s32 @!p0 $0x11B8D, s6;
	_ =	swait.eq @!p0 [sflag:s5], $0x1  }
0x2a: {  	s4 =	sor.u32 @!p0 s4, s6;
	[sflag:s5] =	ssyncadd.s32 @!p0 $0xFFFFFFFF  }
0x2b: {  	s26 =	simm.s32 $0x1B8E;
	s25 =	sld [smem:$0x3FFE];
	[sflag:s4] =	ssyncadd.remote.s32 @!p0 $0x1  }
0x2c: {  	s27 =	simm.s32 $execute0_lowered;
	[smem:$0x3FD2] =	sst s26  }
0x2d: {  	s5 =	sshll.u32 s27, $0x1;
	_ =	strace $0x8000004F;
	[dreg:$0x1] =	wrdreg $0xFFFFFFFF  }
0x2e: {  	s28 =	simm.s32 $_size_execute0_lowered;
	s3 =	sadd.s32 s3, s5;
	[dreg:$0x0] =	wrdreg $0x0  }
0x2f: {  	s5 =	sshll.u32 s28, $0x1;
	[dreg:$0x2] =	wrdreg s3  }
0x30: {  	[dreg:$0x3] =	wrdreg s5  }
0x31: {  	[dreg:$0x4] =	wrdreg $0xC0  }
0x32: {  	_ =	task [dreg:s23], $0x5FFFF  }
0x33: {  	[dreg:$0x1] =	wrdreg $0xFFFFFFFF  }
0x34: {  	[dreg:$0x0] =	wrdreg $0x60  }
0x35: {  	[dreg:$0x2] =	wrdreg s25  }
0x36: {  	[dreg:$0x3] =	wrdreg $0xC  }
0x37: {  	_ =	task.clear_ibuf [dreg:s23], $0x4FFFF;
	_ =	strace $0x9000004F  }
0x38: {  	s29 =	simm.s32 $0xC;
	_ =	strace $0x80000051  }
0x39: {  	_ =	swait.ge [sflag:s29], $0x1  }
0x3a: {  	[sflag:s29] =	ssyncadd.s32 $0xFFFFFFFF  }
0x3b: {  	_ =	strace $0x90000051  }
0x3c: {  	_ =	sfence  }
0x3d: {  	s30 =	sld [smem:$0x0];
	_ =	sdelay $0x2  }
0x3e: {  	s31 =	sshll.u32 s1, $0xD;
	s1 =	sshrl.u32 s1, $0x2  }
0x3f: {  	s4 =	sand.u32 $0x4000, s31;
	s1 =	sadd.s32 s1, s30  }
0x40: {  	s0 =	sor.u32 s4, s0;
	s1 =	sshll.u32 s1, $0x11  }
0x41: {  	s0 =	sor.u32 s1, s0  }
0x42: {  	s0 =	sadd.s32 $0x8F2B, s0  }
0x43: {  	[sflag:s0] =	ssyncadd.remote.s32 $0x1  }
0x44: {  	_ =	sfence.sel $0xFFFF  }
0x45: {  	[dreg:$0x0] =	wrdreg $0xFFFFFFFF;
	(pc) =	sbr.abs _section_cstart, $3  }
0x46: {  	[dreg:$0x1] =	wrdreg $0xFFFFFFFF  }
0x47: {  	_ =	task.clear_ibuf [dreg:s23], $0x2FFFF;
	_ =	strace $0x9FFFFFFF  }
0x48: {  	(tm) =	ssettm $0x7FFFFFFF  }
0x49: {  	_ =	shalt  }
tec
execute0_lowered:
.L_overlay_start_1:
0x0: {  	(tag) =	ssettag $0x1  }
0x1: {  	s6 =	rddreg [dreg:$0x0];
	s2 =	srdreg.scid  }
0x2: {  	s1 =	stileid.u32;
	s0 =	rddreg [dreg:$0x1];
	_ =	strace $0x80000050  }
0x3: {  	s31 =	simm.s32 $0x2;
	s15 =	simm.s32 $0x0;
	s10 =	simm.s32 $0x80  }
0x4: {  	s11 =	simm.s32 $0x0;
	s16 =	simm.s32 $0x0;
	s12 =	simm.s32 $0x0  }
0x5: {  	s14 =	simm.s32 $0x0;
	s2 =	sand.u32 $0x1, s2;
	s3 =	sshll.u32 s1, $0x8  }
0x6: {  	s4 =	ssub.s32 $0x13800, s3;
	s5 =	ssub.s32 $0x2, s2;
	s7 =	sshll.u32 s2, $0x4  }
.Ltmp0:
0x7: {  	s8 =	sshrl.u32 s4, $0xC;
	s9 =	sshrl.u32 s5, $0x1;
	(pc) =	sbr.rel .LBB1_1-.Ltmp0, $4  }
0x8: {  	s13 =	smov.u32 s3;
	s8 =	sadd.s32 $0x1, s8;
	s5 =	ssub.s32 s5, s9  }
0x9: {  	s4 =	simm.s32 $0x1;
	s7 =	sadd.s32 s7, s6;
	s5 =	smul.u32 s8, s5  }
0xa: {  	s6 =	sadd.s32 $0x1217200, s6;
	[sflag:s4] =	ssyncpa.u1 $0x0;
	s7 =	sadd.s32 $0xFA6200, s7  }
0xb: {  	s9 =	simm.s32 $0x40;
	[sflag:s31] =	ssyncpa.u1 $0x0;
	s8 =	sadd.s32 $0x1, s5  }
.LBB1_5:
0xc: {  	_ =	sdelay $0x3  }
0xd: {  	[tilespmem:v0+s21+$0x0 ss:$0x1] =	vst.idx.msk $0xffff, v1  }
0xe: {  	[tilespmem:v0+s21+$0x10 ss:$0x1] =	vst.idx.msk $0xffff, v2  }
0xf: {  	[tilespmem:v0+s21+$0x20 ss:$0x1] =	vst.idx.msk $0xffff, v3  }
.LBB1_6:
0x10: {  	s19 =	sand.u32 $0x1FFFFFF, s12  }
0x11: {  	s20 =	smulhi.u32 $0x1A36E2F, s19;
	_ =	sdelay $0x1  }
0x12: {  	s20 =	sshrl.u32 s20, $0x9  }
0x13: {  	s20 =	smul.u32 $0x13880, s20  }
0x14: {  	s16 =	smul.u32 $0x138800, s16  }
0x15: {  	s19 =	ssub.s32 s19, s20  }
0x16: {  	s16 =	sadd.s32 s6, s16;
	s19 =	sshll.u32 s19, $0x4  }
0x17: {  	s16 =	sadd.s32 s19, s16  }
0x18: {  	[hbm4b:s16+s9] =	stream.strided.scatter [tilespmem:s18], [sflag:$0x2], s17, s10, s9, $0x38;
	[tilespmem:$0x10000] =	vst v63  }
.LBB1_7:
0x19: {  	p0 =	slt.u32 s14, $0x2  }
0x1a: {  	p1 =	sgt.s32 @!p0 s15, $0x13780  }
0x1b: {  	s16 =	smov.u32 s15;
	s17 =	sshra.s32 @!p0 s15, $0x1F;
	p1 =	por !p1, p0  }
0x1c: {  	s15 =	sand.u32 @!p0 s17, s15;
	s16 =	simm.s32 @p1 $0x13780  }
0x1d: {  	s15 =	ssub.s32 @!p0 s16, s15  }
0x1e: {  	s15 =	sadd.s32 @!p0 $0xFFFEC880, s15  }
0x1f: {  	s16 =	sshll.u32 @!p0 s15, $0x6  }
0x20: {  	p1 =	sgt.s32 @!p0 s15, $0xFF;
	s15 =	ssub.s32 @!p0 $0x4000, s16  }
0x21: {  	s17 =	sadd.s32 $0x1000, s13;
	p1 =	por !p1, p0;
	s15 =	sand.u32 @!p0 $0x3FFFFFC0, s15  }
0x22: {  	s15 =	simm.s32 @!p1 $0x0;
	p1 =	sgt.s32 s17, $0x1387F  }
0x23: {  	s17 =	smov.u32 @p1 s3;
	p1 =	sne.s32 s14, s8  }
.Ltmp1:
0x24: {  	_ = 	snop;
	(pc) =	sbr.rel @!p1 .LBB1_8-.Ltmp1, $4  }
0x25: {  	s11 =	sadd.s32 $0x4000, s11;
	s16 =	simm.s32 @!p0 $0x2  }
0x26: {  	_ =	swait.ge @!p0 [sflag:s16], s15;
	s18 =	ssub.s32 @!p0 $0x0, s15;
	s15 =	smov.u32 s12  }
0x27: {  	s14 =	sadd.s32 $0x1, s14;
	s12 =	smov.u32 s13;
	[sflag:s16] =	ssyncset.done @!p0 $0x0  }
0x28: {  	s13 =	smov.u32 s17;
	[sflag:s16] =	ssyncadd.s32 @!p0 s18;
	s16 =	smov.u32 s2  }
.LBB1_1:
0x29: {  	p0 =	sge.u32 s14, s5  }
0x2a: {  	p1 =	sgt.s32 @!p0 s13, $0x13780  }
0x2b: {  	s17 =	smov.u32 s13;
	s18 =	sshra.s32 @!p0 s13, $0x1F;
	p1 =	por !p1, p0  }
0x2c: {  	s18 =	sand.u32 @!p0 s18, s13;
	s17 =	simm.s32 @p1 $0x13780  }
0x2d: {  	s17 =	ssub.s32 @!p0 s17, s18  }
0x2e: {  	s31 =	sadd.s32 $0xFFFFFFFF, s14;
	s19 =	sxor.u32 @!p0 $0xFFFFFFFF, s14;
	s17 =	sadd.s32 @!p0 $0xFFFEC880, s17  }
0x2f: {  	s20 =	simm.s32 @!p0 $0x40;
	s21 =	simm.s32 @!p0 $0x100;
	s18 =	sshll.u32 @!p0 s17, $0x6  }
0x30: {  	p1 =	sgt.s32 @!p0 s17, $0xFF;
	s17 =	ssub.s32 @!p0 $0x4000, s18;
	s18 =	sshll.u32 @!p0 s19, $0xE  }
0x31: {  	p1 =	por !p1, p0;
	s19 =	sshll.u32 @!p0 s13, $0x5;
	s17 =	sand.u32 @!p0 $0x3FFFFFC0, s17  }
0x32: {  	s18 =	sand.u32 @!p0 $0x4000, s18;
	s19 =	sadd.s32 @!p0 s19, s7;
	s17 =	simm.s32 @!p1 $0x0  }
0x33: {  	[tilespmem:s18], [sflag:$0x1] =	stream.strided.gather @!p0 [hbm4b:s19+s20], s17, s21, s20, $0x38;
	[tilespmem:$0x10000] =	vst v63  }
0x34: {  	p0 =	sge.u32 s31, s5  }
.Ltmp2:
0x35: {  	_ = 	snop;
	(pc) =	sbr.rel @p0 .LBB1_7-.Ltmp2, $1  }
0x36: {  	_ =	sdelay $0x3  }
0x37: {  	p0 =	sgt.s32 s12, $0x13780;
	s17 =	smov.u32 s12;
	s18 =	sshra.s32 s12, $0x1F  }
0x38: {  	s17 =	simm.s32 @!p0 $0x13780;
	s18 =	sand.u32 s18, s12  }
0x39: {  	s17 =	ssub.s32 s17, s18  }
0x3a: {  	s17 =	sadd.s32 $0xFFFEC880, s17  }
0x3b: {  	s30 =	sshll.u32 s17, $0x6  }
0x3c: {  	s18 =	ssub.s32 $0x4000, s30  }
0x3d: {  	p0 =	sgt.s32 s17, $0xFF;
	s17 =	sand.u32 $0x3FFFFFC0, s18;
	s18 =	sadd.s32 $0x100, s12  }
0x3e: {  	s17 =	simm.s32 @p0 $0x0;
	p0 =	slt.s32 s18, $0x13880  }
0x3f: {  	s18 =	simm.s32 @!p0 $0x13880  }
0x40: {  	s20 =	ssub.s32 s18, s12  }
0x41: {  	p0 =	slt.s32 s20, $0x1  }
.Ltmp3:
0x42: {  	_ = 	snop;
	(pc) =	sbr.rel @p0 .LBB1_6-.Ltmp3, $4  }
0x43: {  	_ = 	snop  }
0x44: {  	s21 =	sshll.u32 s14, $0xE;
	_ =	swait.ge [sflag:s4], s17  }
0x45: {  	s31 =	sand.u32 $0x4000, s21;
	s19 =	ssub.s32 $0x0, s17;
	[sflag:s4] =	ssyncset.done $0x0  }
0x46: {  	s18 =	sor.u32 $0x8000, s31;
	[sflag:s4] =	ssyncadd.s32 s19  }
0x47: {  	s19 =	sand.u32 $0x4000, s11  }
0x48: {  	s22 =	sor.u32 $0x20, s19  }
0x49: {  	v0 =	vmov s18;
	p0 =	sne.s32 s20, $0x1;
	v4 =	vld [tilespmem:s22+$0x10]  }
.Ltmp4:
0x4a: {  	v1 =	vld [tilespmem:s22+$0xFFFFFFE0];
	(pc) =	sbr.rel @!p0 .LBB1_5-.Ltmp4, $4  }
0x4b: {  	v2 =	vld [tilespmem:s22+$0xFFFFFFF0]  }
0x4c: {  	s19 =	simm.s32 $0x0;
	v3 =	vld [tilespmem:s22+$0x0]  }
0x4d: {  	s21 =	sand.u32 $0x3FC0, s19  }
0x4e: {  	s20 =	sadd.s32 $0xFFFFFFFF, s20;
	s22 =	sadd.s32 $0x40, s22;
	[tilespmem:v0+s21+$0x30 ss:$0x1] =	vst.idx.msk $0xffff, v4  }
.LBB1_4:
0x4f: {  	v4 =	vld [tilespmem:s22+$0x10];
	p0 =	sne.s32 s20, $0x1;
	s20 =	sadd.s32 $0xFFFFFFFF, s20;
	[tilespmem:v0+s21+$0x0 ss:$0x1] =	vst.idx.msk $0xffff, v1  }
.Ltmp5:
0x50: {  	v1 =	vld [tilespmem:s22+$0xFFFFFFE0];
	[tilespmem:v0+s21+$0x10 ss:$0x1] =	vst.idx.msk $0xffff, v2;
	(pc) =	sbr.rel @p0 .LBB1_4-.Ltmp5, $4  }
0x51: {  	v2 =	vld [tilespmem:s22+$0xFFFFFFF0];
	[tilespmem:v0+s21+$0x20 ss:$0x1] =	vst.idx.msk $0xffff, v3  }
0x52: {  	s19 =	sadd.s32 $0x40, s19;
	v3 =	vld [tilespmem:s22+$0x0]  }
0x53: {  	s21 =	sand.u32 $0x3FC0, s19  }
0x54: {  	s22 =	sadd.s32 $0x40, s22;
	[tilespmem:v0+s21+$0x30 ss:$0x1] =	vst.idx.msk $0xffff, v4  }
.Ltmp6:
0x55: {  	_ = 	snop;
	(pc) =	sbr.rel .LBB1_5-.Ltmp6, $1  }
0x56: {  	_ =	sdelay $0x3  }
.LBB1_8:
0x57: {  	_ =	sfence.sel $0x180000  }
0x58: {  	s2 =	simm.s32 $0x1;
	[bflag:$0x0] =	sbarrier.arrive $0xFFFF  }
0x59: {  	s31 =	simm.s32 $0x2;
	[sflag:s2] =	ssyncpa.u1 $0x1  }
0x5a: {  	[sflag:s31] =	ssyncpa.u1 $0x1  }
0x5b: {  	p0 =	sne.s32 s1, $0x0;
	_ =	strace $0x90000050  }
0x5c: {  	s0 =	sadd.s32 @!p0 $0x100000, s0;
	[bflag:$0x2] =	sbarrier.arrive $0xFFFF  }
0x5d: {  	[sflag:s0] =	ssyncadd.tile.s32 @!p0 $0x1;
	_ =	shalt  }
.Lfunc_end1:
_tile_overlayer_lowered:
.L_overlay_start_2:
0x5e: {  	(tag) =	ssettag $0x2  }
0x5f: {  	s0 =	rddreg [dreg:$0x0];
	s2 =	stileid.u32  }
0x60: {  	s1 =	rddreg [dreg:$0x1];
	p0 =	sne.s32 s2, $0x0  }
0x61: {  	s3 =	rddreg [dreg:$0x2];
	[bflag:$0x3] =	sbarrier.arrive $0xFFFF;
	s2 =	simm.s32 @!p0 $0x1C01  }
0x62: {  	[timem:s3], [sflag:s2] =	dma.local @!p0 [hbm:s0], s1  }
0x63: {  	s0 =	simm.s32 @!p0 $0x1  }
0x64: {  	_ =	swait.ge @!p0 [sflag:s0], s1  }
0x65: {  	s1 =	ssub.s32 @!p0 $0x0, s1;
	[sflag:s0] =	ssyncset.done @!p0 $0x0  }
0x66: {  	[sflag:s0] =	ssyncadd.s32 @!p0 s1  }
0x67: {  	[bflag:$0x3] =	sbarrier.arrive $0xFFFF  }
0x68: {  	_ =	shalt  }

// kernel: sparse-core-data-format-call.3.cloned.1.call-start
scs
called_computation.3_lowered:
.L_overlay_start_0:
0x0: {  	s2 =	sld [smem:$0x3FD9]  }
0x1: {  	s3 =	sld [smem:$0x3FFE];
	_ =	sdelay $0x1  }
0x2: {  	s1 =	srdreg.scid  }
0x3: {  	s0 =	sand.u32 $0x1, s1  }
0x4: {  	s18 =	sshll.u32 s0, $0xA;
	s2 =	sadd.s32 s3, s2  }
0x5: {  	s2 =	sadd.s32 s2, s18  }
0x6: {  	[smem:$0x3F9F] =	sst s2  }
0x7: {  	_ = 	snop  }
0x8: {  	(tm) =	ssettm $0x1  }
0x9: {  	s19 =	sld [smem:$0x3FFB];
	_ =	sdelay $0x3  }
0xa: {  	_ =	strace s19  }
0xb: {  	s2 =	sld [smem:$0x3FFC];
	_ =	sdelay $0x3  }
0xc: {  	_ =	strace s2  }
0xd: {  	s2 =	sld [smem:$0x3FFD];
	_ =	sdelay $0x3  }
0xe: {  	_ =	strace s2  }
0xf: {  	_ =	strace $0x8FFFFFFF  }
0x10: {  	s20 =	sld [smem:$0x3FDB];
	_ =	sdelay $0x1  }
0x11: {  	s21 =	simm.s32 $_scs_section_size  }
0x12: {  	s4 =	simm.s32 $_size__tile_overlayer_lowered;
	s5 =	simm.s32 $_tile_overlayer_lowered  }
0x13: {  	s6 =	simm.s32 $0x1BFF;
	s22 =	sshll.u32 s5, $0x1;
	s3 =	sadd.s32 s21, s20  }
0x14: {  	s23 =	simm.s32 $0x0;
	s4 =	sshll.u32 s4, $0x1;
	s5 =	sadd.s32 s22, s3  }
0x15: {  	[timem:s23], [sflag:s6] =	dma.local [hbm:s5], s4  }
0x16: {  	_ =	swait.ge [sflag:s6], s4  }
0x17: {  	s4 =	ssub.s32 $0x0, s4;
	[sflag:s6] =	ssyncset.done $0x0  }
0x18: {  	[sflag:s6] =	ssyncadd.s32 s4;
	_ =	sdelay $0x1  }
0x19: {  	s24 =	simm.s32 $0x1B8B  }
0x1a: {  	_ =	swait.ge [sflag:s24], $0x1  }
0x1b: {  	[sflag:s24] =	ssyncset.done $0x0  }
0x1c: {  	[sflag:s24] =	ssyncadd.s32 $0xFFFFFFFF  }
0x1d: {  	s4 =	sld [smem:$0x0]  }
0x1e: {  	s5 =	sand.u32 $0xFFFFFFFE, s1  }
0x1f: {  	p0 =	sne.s32 s1, s5  }
0x20: {  	s5 =	sshll.u32 @p0 s5, $0xE  }
0x21: {  	s5 =	sadd.s32 @p0 $0x11B8D, s5;
	s6 =	sshll.u32 @p0 s4, $0x11  }
0x22: {  	s5 =	sor.u32 @p0 s6, s5  }
0x23: {  	[sflag:s5] =	ssyncadd.remote.s32 @p0 $0x1;
	_ =	sdelay $0x1  }
0x24: {  	s5 =	simm.s32 @p0 $0x1B8D  }
0x25: {  	_ =	swait.eq @p0 [sflag:s5], $0x1  }
0x26: {  	[sflag:s5] =	ssyncadd.s32 @p0 $0xFFFFFFFF  }
0x27: {  	s6 =	sshll.u32 @!p0 s1, $0xE  }
0x28: {  	s6 =	sor.u32 @!p0 $0x4000, s6;
	s5 =	simm.s32 @!p0 $0x1B8D  }
0x29: {  	s4 =	sshll.u32 @!p0 s4, $0x11;
	s6 =	sadd.s32 @!p0 $0x11B8D, s6;
	_ =	swait.eq @!p0 [sflag:s5], $0x1  }
0x2a: {  	s4 =	sor.u32 @!p0 s4, s6;
	[sflag:s5] =	ssyncadd.s32 @!p0 $0xFFFFFFFF  }
0x2b: {  	s26 =	simm.s32 $0x1B8E;
	s25 =	sld [smem:$0x3FFE];
	[sflag:s4] =	ssyncadd.remote.s32 @!p0 $0x1  }
0x2c: {  	s27 =	simm.s32 $execute0_lowered;
	[smem:$0x3FD2] =	sst s26  }
0x2d: {  	s5 =	sshll.u32 s27, $0x1;
	_ =	strace $0x8000007F;
	[dreg:$0x1] =	wrdreg $0xFFFFFFFF  }
0x2e: {  	s28 =	simm.s32 $_size_execute0_lowered;
	s3 =	sadd.s32 s3, s5;
	[dreg:$0x0] =	wrdreg $0x0  }
0x2f: {  	s5 =	sshll.u32 s28, $0x1;
	[dreg:$0x2] =	wrdreg s3  }
0x30: {  	[dreg:$0x3] =	wrdreg s5  }
0x31: {  	[dreg:$0x4] =	wrdreg $0xC0  }
0x32: {  	_ =	task [dreg:s23], $0x5FFFF  }
0x33: {  	[dreg:$0x1] =	wrdreg $0xFFFFFFFF  }
0x34: {  	[dreg:$0x0] =	wrdreg $0x60  }
0x35: {  	[dreg:$0x2] =	wrdreg s25  }
0x36: {  	[dreg:$0x3] =	wrdreg $0xA  }
0x37: {  	_ =	task.clear_ibuf [dreg:s23], $0x4FFFF;
	_ =	strace $0x9000007F  }
0x38: {  	s29 =	simm.s32 $0xA;
	_ =	strace $0x80000081  }
0x39: {  	_ =	swait.ge [sflag:s29], $0x1  }
0x3a: {  	[sflag:s29] =	ssyncadd.s32 $0xFFFFFFFF  }
0x3b: {  	_ =	strace $0x90000081  }
0x3c: {  	_ =	sfence  }
0x3d: {  	s30 =	sld [smem:$0x0];
	_ =	sdelay $0x2  }
0x3e: {  	s31 =	sshll.u32 s1, $0xD;
	s1 =	sshrl.u32 s1, $0x2  }
0x3f: {  	s4 =	sand.u32 $0x4000, s31;
	s1 =	sadd.s32 s1, s30  }
0x40: {  	s0 =	sor.u32 s4, s0;
	s1 =	sshll.u32 s1, $0x11  }
0x41: {  	s0 =	sor.u32 s1, s0  }
0x42: {  	s0 =	sadd.s32 $0x8F2B, s0  }
0x43: {  	[sflag:s0] =	ssyncadd.remote.s32 $0x1  }
0x44: {  	_ =	sfence.sel $0xFFFF  }
0x45: {  	[dreg:$0x0] =	wrdreg $0xFFFFFFFF;
	(pc) =	sbr.abs _section_cstart, $3  }
0x46: {  	[dreg:$0x1] =	wrdreg $0xFFFFFFFF  }
0x47: {  	_ =	task.clear_ibuf [dreg:s23], $0x2FFFF;
	_ =	strace $0x9FFFFFFF  }
0x48: {  	(tm) =	ssettm $0x7FFFFFFF  }
0x49: {  	_ =	shalt  }
tec
execute0_lowered:
.L_overlay_start_1:
0x0: {  	(tag) =	ssettag $0x1  }
0x1: {  	s6 =	rddreg [dreg:$0x0];
	s2 =	srdreg.scid  }
0x2: {  	s1 =	stileid.u32;
	s0 =	rddreg [dreg:$0x1];
	_ =	strace $0x80000080  }
0x3: {  	s31 =	simm.s32 $0x2;
	s15 =	simm.s32 $0x0;
	s10 =	simm.s32 $0x80  }
0x4: {  	s11 =	simm.s32 $0x0;
	s16 =	simm.s32 $0x0;
	s12 =	simm.s32 $0x0  }
0x5: {  	s14 =	simm.s32 $0x0;
	s2 =	sand.u32 $0x1, s2;
	s3 =	sshll.u32 s1, $0x8  }
0x6: {  	s4 =	ssub.s32 $0x13800, s3;
	s5 =	ssub.s32 $0x2, s2;
	s7 =	sshll.u32 s2, $0x4  }
.Ltmp0:
0x7: {  	s8 =	sshrl.u32 s4, $0xC;
	s9 =	sshrl.u32 s5, $0x1;
	(pc) =	sbr.rel .LBB1_1-.Ltmp0, $4  }
0x8: {  	s13 =	smov.u32 s3;
	s8 =	sadd.s32 $0x1, s8;
	s5 =	ssub.s32 s5, s9  }
0x9: {  	s4 =	simm.s32 $0x1;
	s7 =	sadd.s32 s7, s6;
	s5 =	smul.u32 s8, s5  }
0xa: {  	s6 =	sadd.s32 $0x8A1400, s6;
	[sflag:s4] =	ssyncpa.u1 $0x0;
	s7 =	sadd.s32 $0x630400, s7  }
0xb: {  	s9 =	simm.s32 $0x40;
	[sflag:s31] =	ssyncpa.u1 $0x0;
	s8 =	sadd.s32 $0x1, s5  }
.LBB1_5:
0xc: {  	_ =	sdelay $0x3  }
0xd: {  	[tilespmem:v0+s21+$0x0 ss:$0x1] =	vst.idx.msk $0xffff, v1  }
0xe: {  	[tilespmem:v0+s21+$0x10 ss:$0x1] =	vst.idx.msk $0xffff, v2  }
0xf: {  	[tilespmem:v0+s21+$0x20 ss:$0x1] =	vst.idx.msk $0xffff, v3  }
.LBB1_6:
0x10: {  	s19 =	sand.u32 $0x1FFFFFF, s12  }
0x11: {  	s20 =	smulhi.u32 $0x1A36E2F, s19;
	_ =	sdelay $0x1  }
0x12: {  	s20 =	sshrl.u32 s20, $0x9  }
0x13: {  	s20 =	smul.u32 $0x13880, s20  }
0x14: {  	s16 =	smul.u32 $0x138800, s16  }
0x15: {  	s19 =	ssub.s32 s19, s20  }
0x16: {  	s16 =	sadd.s32 s6, s16;
	s19 =	sshll.u32 s19, $0x4  }
0x17: {  	s16 =	sadd.s32 s19, s16  }
0x18: {  	[hbm4b:s16+s9] =	stream.strided.scatter [tilespmem:s18], [sflag:$0x2], s17, s10, s9, $0x38;
	[tilespmem:$0x10000] =	vst v63  }
.LBB1_7:
0x19: {  	p0 =	slt.u32 s14, $0x2  }
0x1a: {  	p1 =	sgt.s32 @!p0 s15, $0x13780  }
0x1b: {  	s16 =	smov.u32 s15;
	s17 =	sshra.s32 @!p0 s15, $0x1F;
	p1 =	por !p1, p0  }
0x1c: {  	s15 =	sand.u32 @!p0 s17, s15;
	s16 =	simm.s32 @p1 $0x13780  }
0x1d: {  	s15 =	ssub.s32 @!p0 s16, s15  }
0x1e: {  	s15 =	sadd.s32 @!p0 $0xFFFEC880, s15  }
0x1f: {  	s16 =	sshll.u32 @!p0 s15, $0x6  }
0x20: {  	p1 =	sgt.s32 @!p0 s15, $0xFF;
	s15 =	ssub.s32 @!p0 $0x4000, s16  }
0x21: {  	s17 =	sadd.s32 $0x1000, s13;
	p1 =	por !p1, p0;
	s15 =	sand.u32 @!p0 $0x3FFFFFC0, s15  }
0x22: {  	s15 =	simm.s32 @!p1 $0x0;
	p1 =	sgt.s32 s17, $0x1387F  }
0x23: {  	s17 =	smov.u32 @p1 s3;
	p1 =	sne.s32 s14, s8  }
.Ltmp1:
0x24: {  	_ = 	snop;
	(pc) =	sbr.rel @!p1 .LBB1_8-.Ltmp1, $4  }
0x25: {  	s11 =	sadd.s32 $0x4000, s11;
	s16 =	simm.s32 @!p0 $0x2  }
0x26: {  	_ =	swait.ge @!p0 [sflag:s16], s15;
	s18 =	ssub.s32 @!p0 $0x0, s15;
	s15 =	smov.u32 s12  }
0x27: {  	s14 =	sadd.s32 $0x1, s14;
	s12 =	smov.u32 s13;
	[sflag:s16] =	ssyncset.done @!p0 $0x0  }
0x28: {  	s13 =	smov.u32 s17;
	[sflag:s16] =	ssyncadd.s32 @!p0 s18;
	s16 =	smov.u32 s2  }
.LBB1_1:
0x29: {  	p0 =	sge.u32 s14, s5  }
0x2a: {  	p1 =	sgt.s32 @!p0 s13, $0x13780  }
0x2b: {  	s17 =	smov.u32 s13;
	s18 =	sshra.s32 @!p0 s13, $0x1F;
	p1 =	por !p1, p0  }
0x2c: {  	s18 =	sand.u32 @!p0 s18, s13;
	s17 =	simm.s32 @p1 $0x13780  }
0x2d: {  	s17 =	ssub.s32 @!p0 s17, s18  }
0x2e: {  	s31 =	sadd.s32 $0xFFFFFFFF, s14;
	s19 =	sxor.u32 @!p0 $0xFFFFFFFF, s14;
	s17 =	sadd.s32 @!p0 $0xFFFEC880, s17  }
0x2f: {  	s20 =	simm.s32 @!p0 $0x40;
	s21 =	simm.s32 @!p0 $0x100;
	s18 =	sshll.u32 @!p0 s17, $0x6  }
0x30: {  	p1 =	sgt.s32 @!p0 s17, $0xFF;
	s17 =	ssub.s32 @!p0 $0x4000, s18;
	s18 =	sshll.u32 @!p0 s19, $0xE  }
0x31: {  	p1 =	por !p1, p0;
	s19 =	sshll.u32 @!p0 s13, $0x5;
	s17 =	sand.u32 @!p0 $0x3FFFFFC0, s17  }
0x32: {  	s18 =	sand.u32 @!p0 $0x4000, s18;
	s19 =	sadd.s32 @!p0 s19, s7;
	s17 =	simm.s32 @!p1 $0x0  }
0x33: {  	[tilespmem:s18], [sflag:$0x1] =	stream.strided.gather @!p0 [hbm4b:s19+s20], s17, s21, s20, $0x38;
	[tilespmem:$0x10000] =	vst v63  }
0x34: {  	p0 =	sge.u32 s31, s5  }
.Ltmp2:
0x35: {  	_ = 	snop;
	(pc) =	sbr.rel @p0 .LBB1_7-.Ltmp2, $1  }
0x36: {  	_ =	sdelay $0x3  }
0x37: {  	p0 =	sgt.s32 s12, $0x13780;
	s17 =	smov.u32 s12;
	s18 =	sshra.s32 s12, $0x1F  }
0x38: {  	s17 =	simm.s32 @!p0 $0x13780;
	s18 =	sand.u32 s18, s12  }
0x39: {  	s17 =	ssub.s32 s17, s18  }
0x3a: {  	s17 =	sadd.s32 $0xFFFEC880, s17  }
0x3b: {  	s30 =	sshll.u32 s17, $0x6  }
0x3c: {  	s18 =	ssub.s32 $0x4000, s30  }
0x3d: {  	p0 =	sgt.s32 s17, $0xFF;
	s17 =	sand.u32 $0x3FFFFFC0, s18;
	s18 =	sadd.s32 $0x100, s12  }
0x3e: {  	s17 =	simm.s32 @p0 $0x0;
	p0 =	slt.s32 s18, $0x13880  }
0x3f: {  	s18 =	simm.s32 @!p0 $0x13880  }
0x40: {  	s20 =	ssub.s32 s18, s12  }
0x41: {  	p0 =	slt.s32 s20, $0x1  }
.Ltmp3:
0x42: {  	_ = 	snop;
	(pc) =	sbr.rel @p0 .LBB1_6-.Ltmp3, $4  }
0x43: {  	_ = 	snop  }
0x44: {  	s21 =	sshll.u32 s14, $0xE;
	_ =	swait.ge [sflag:s4], s17  }
0x45: {  	s31 =	sand.u32 $0x4000, s21;
	s19 =	ssub.s32 $0x0, s17;
	[sflag:s4] =	ssyncset.done $0x0  }
0x46: {  	s18 =	sor.u32 $0x8000, s31;
	[sflag:s4] =	ssyncadd.s32 s19  }
0x47: {  	s19 =	sand.u32 $0x4000, s11  }
0x48: {  	s22 =	sor.u32 $0x20, s19  }
0x49: {  	v0 =	vmov s18;
	p0 =	sne.s32 s20, $0x1;
	v4 =	vld [tilespmem:s22+$0x10]  }
.Ltmp4:
0x4a: {  	v1 =	vld [tilespmem:s22+$0xFFFFFFE0];
	(pc) =	sbr.rel @!p0 .LBB1_5-.Ltmp4, $4  }
0x4b: {  	v2 =	vld [tilespmem:s22+$0xFFFFFFF0]  }
0x4c: {  	s19 =	simm.s32 $0x0;
	v3 =	vld [tilespmem:s22+$0x0]  }
0x4d: {  	s21 =	sand.u32 $0x3FC0, s19  }
0x4e: {  	s20 =	sadd.s32 $0xFFFFFFFF, s20;
	s22 =	sadd.s32 $0x40, s22;
	[tilespmem:v0+s21+$0x30 ss:$0x1] =	vst.idx.msk $0xffff, v4  }
.LBB1_4:
0x4f: {  	v4 =	vld [tilespmem:s22+$0x10];
	p0 =	sne.s32 s20, $0x1;
	s20 =	sadd.s32 $0xFFFFFFFF, s20;
	[tilespmem:v0+s21+$0x0 ss:$0x1] =	vst.idx.msk $0xffff, v1  }
.Ltmp5:
0x50: {  	v1 =	vld [tilespmem:s22+$0xFFFFFFE0];
	[tilespmem:v0+s21+$0x10 ss:$0x1] =	vst.idx.msk $0xffff, v2;
	(pc) =	sbr.rel @p0 .LBB1_4-.Ltmp5, $4  }
0x51: {  	v2 =	vld [tilespmem:s22+$0xFFFFFFF0];
	[tilespmem:v0+s21+$0x20 ss:$0x1] =	vst.idx.msk $0xffff, v3  }
0x52: {  	s19 =	sadd.s32 $0x40, s19;
	v3 =	vld [tilespmem:s22+$0x0]  }
0x53: {  	s21 =	sand.u32 $0x3FC0, s19  }
0x54: {  	s22 =	sadd.s32 $0x40, s22;
	[tilespmem:v0+s21+$0x30 ss:$0x1] =	vst.idx.msk $0xffff, v4  }
.Ltmp6:
0x55: {  	_ = 	snop;
	(pc) =	sbr.rel .LBB1_5-.Ltmp6, $1  }
0x56: {  	_ =	sdelay $0x3  }
.LBB1_8:
0x57: {  	_ =	sfence.sel $0x180000  }
0x58: {  	s2 =	simm.s32 $0x1;
	[bflag:$0x0] =	sbarrier.arrive $0xFFFF  }
0x59: {  	s31 =	simm.s32 $0x2;
	[sflag:s2] =	ssyncpa.u1 $0x1  }
0x5a: {  	[sflag:s31] =	ssyncpa.u1 $0x1  }
0x5b: {  	p0 =	sne.s32 s1, $0x0;
	_ =	strace $0x90000080  }
0x5c: {  	s0 =	sadd.s32 @!p0 $0x100000, s0;
	[bflag:$0x2] =	sbarrier.arrive $0xFFFF  }
0x5d: {  	[sflag:s0] =	ssyncadd.tile.s32 @!p0 $0x1;
	_ =	shalt  }
.Lfunc_end1:
_tile_overlayer_lowered:
.L_overlay_start_2:
0x5e: {  	(tag) =	ssettag $0x2  }
0x5f: {  	s0 =	rddreg [dreg:$0x0];
	s2 =	stileid.u32  }
0x60: {  	s1 =	rddreg [dreg:$0x1];
	p0 =	sne.s32 s2, $0x0  }
0x61: {  	s3 =	rddreg [dreg:$0x2];
	[bflag:$0x3] =	sbarrier.arrive $0xFFFF;
	s2 =	simm.s32 @!p0 $0x1C01  }
0x62: {  	[timem:s3], [sflag:s2] =	dma.local @!p0 [hbm:s0], s1  }
0x63: {  	s0 =	simm.s32 @!p0 $0x1  }
0x64: {  	_ =	swait.ge @!p0 [sflag:s0], s1  }
0x65: {  	s1 =	ssub.s32 @!p0 $0x0, s1;
	[sflag:s0] =	ssyncset.done @!p0 $0x0  }
0x66: {  	[sflag:s0] =	ssyncadd.s32 @!p0 s1  }
0x67: {  	[bflag:$0x3] =	sbarrier.arrive $0xFFFF  }
0x68: {  	_ =	shalt  }

// kernel: sparse-core-data-format-call.4.cloned.1.call-start
scs
called_computation.4_lowered:
.L_overlay_start_0:
0x0: {  	s2 =	sld [smem:$0x3FD9]  }
0x1: {  	s3 =	sld [smem:$0x3FFE];
	_ =	sdelay $0x1  }
0x2: {  	s1 =	srdreg.scid  }
0x3: {  	s0 =	sand.u32 $0x1, s1  }
0x4: {  	s18 =	sshll.u32 s0, $0xA;
	s2 =	sadd.s32 s3, s2  }
0x5: {  	s2 =	sadd.s32 s2, s18  }
0x6: {  	[smem:$0x3F9F] =	sst s2  }
0x7: {  	_ = 	snop  }
0x8: {  	(tm) =	ssettm $0x1  }
0x9: {  	s19 =	sld [smem:$0x3FFB];
	_ =	sdelay $0x3  }
0xa: {  	_ =	strace s19  }
0xb: {  	s2 =	sld [smem:$0x3FFC];
	_ =	sdelay $0x3  }
0xc: {  	_ =	strace s2  }
0xd: {  	s2 =	sld [smem:$0x3FFD];
	_ =	sdelay $0x3  }
0xe: {  	_ =	strace s2  }
0xf: {  	_ =	strace $0x8FFFFFFF  }
0x10: {  	s20 =	sld [smem:$0x3FDB];
	_ =	sdelay $0x1  }
0x11: {  	s21 =	simm.s32 $_scs_section_size  }
0x12: {  	s4 =	simm.s32 $_size__tile_overlayer_lowered;
	s5 =	simm.s32 $_tile_overlayer_lowered  }
0x13: {  	s6 =	simm.s32 $0x1BFF;
	s22 =	sshll.u32 s5, $0x1;
	s3 =	sadd.s32 s21, s20  }
0x14: {  	s23 =	simm.s32 $0x0;
	s4 =	sshll.u32 s4, $0x1;
	s5 =	sadd.s32 s22, s3  }
0x15: {  	[timem:s23], [sflag:s6] =	dma.local [hbm:s5], s4  }
0x16: {  	_ =	swait.ge [sflag:s6], s4  }
0x17: {  	s4 =	ssub.s32 $0x0, s4;
	[sflag:s6] =	ssyncset.done $0x0  }
0x18: {  	[sflag:s6] =	ssyncadd.s32 s4;
	_ =	sdelay $0x1  }
0x19: {  	s24 =	simm.s32 $0x1B8B  }
0x1a: {  	_ =	swait.ge [sflag:s24], $0x1  }
0x1b: {  	[sflag:s24] =	ssyncset.done $0x0  }
0x1c: {  	[sflag:s24] =	ssyncadd.s32 $0xFFFFFFFF  }
0x1d: {  	s4 =	sld [smem:$0x0]  }
0x1e: {  	s5 =	sand.u32 $0xFFFFFFFE, s1  }
0x1f: {  	p0 =	sne.s32 s1, s5  }
0x20: {  	s5 =	sshll.u32 @p0 s5, $0xE  }
0x21: {  	s5 =	sadd.s32 @p0 $0x11B8D, s5;
	s6 =	sshll.u32 @p0 s4, $0x11  }
0x22: {  	s5 =	sor.u32 @p0 s6, s5  }
0x23: {  	[sflag:s5] =	ssyncadd.remote.s32 @p0 $0x1;
	_ =	sdelay $0x1  }
0x24: {  	s5 =	simm.s32 @p0 $0x1B8D  }
0x25: {  	_ =	swait.eq @p0 [sflag:s5], $0x1  }
0x26: {  	[sflag:s5] =	ssyncadd.s32 @p0 $0xFFFFFFFF  }
0x27: {  	s6 =	sshll.u32 @!p0 s1, $0xE  }
0x28: {  	s6 =	sor.u32 @!p0 $0x4000, s6;
	s5 =	simm.s32 @!p0 $0x1B8D  }
0x29: {  	s4 =	sshll.u32 @!p0 s4, $0x11;
	s6 =	sadd.s32 @!p0 $0x11B8D, s6;
	_ =	swait.eq @!p0 [sflag:s5], $0x1  }
0x2a: {  	s4 =	sor.u32 @!p0 s4, s6;
	[sflag:s5] =	ssyncadd.s32 @!p0 $0xFFFFFFFF  }
0x2b: {  	s26 =	simm.s32 $0x1B8E;
	s25 =	sld [smem:$0x3FFE];
	[sflag:s4] =	ssyncadd.remote.s32 @!p0 $0x1  }
0x2c: {  	s27 =	simm.s32 $execute0_lowered;
	[smem:$0x3FD2] =	sst s26  }
0x2d: {  	s5 =	sshll.u32 s27, $0x1;
	_ =	strace $0x80000082;
	[dreg:$0x1] =	wrdreg $0xFFFFFFFF  }
0x2e: {  	s28 =	simm.s32 $_size_execute0_lowered;
	s3 =	sadd.s32 s3, s5;
	[dreg:$0x0] =	wrdreg $0x0  }
0x2f: {  	s5 =	sshll.u32 s28, $0x1;
	[dreg:$0x2] =	wrdreg s3  }
0x30: {  	[dreg:$0x3] =	wrdreg s5  }
0x31: {  	[dreg:$0x4] =	wrdreg $0xC0  }
0x32: {  	_ =	task [dreg:s23], $0x5FFFF  }
0x33: {  	[dreg:$0x1] =	wrdreg $0xFFFFFFFF  }
0x34: {  	[dreg:$0x0] =	wrdreg $0x60  }
0x35: {  	[dreg:$0x2] =	wrdreg s25  }
0x36: {  	[dreg:$0x3] =	wrdreg $0xB  }
0x37: {  	_ =	task.clear_ibuf [dreg:s23], $0x4FFFF;
	_ =	strace $0x90000082  }
0x38: {  	s29 =	simm.s32 $0xB;
	_ =	strace $0x80000084  }
0x39: {  	_ =	swait.ge [sflag:s29], $0x1  }
0x3a: {  	[sflag:s29] =	ssyncadd.s32 $0xFFFFFFFF  }
0x3b: {  	_ =	strace $0x90000084  }
0x3c: {  	_ =	sfence  }
0x3d: {  	s30 =	sld [smem:$0x0];
	_ =	sdelay $0x2  }
0x3e: {  	s31 =	sshll.u32 s1, $0xD;
	s1 =	sshrl.u32 s1, $0x2  }
0x3f: {  	s4 =	sand.u32 $0x4000, s31;
	s1 =	sadd.s32 s1, s30  }
0x40: {  	s0 =	sor.u32 s4, s0;
	s1 =	sshll.u32 s1, $0x11  }
0x41: {  	s0 =	sor.u32 s1, s0  }
0x42: {  	s0 =	sadd.s32 $0x8F2B, s0  }
0x43: {  	[sflag:s0] =	ssyncadd.remote.s32 $0x1  }
0x44: {  	_ =	sfence.sel $0xFFFF  }
0x45: {  	[dreg:$0x0] =	wrdreg $0xFFFFFFFF;
	(pc) =	sbr.abs _section_cstart, $3  }
0x46: {  	[dreg:$0x1] =	wrdreg $0xFFFFFFFF  }
0x47: {  	_ =	task.clear_ibuf [dreg:s23], $0x2FFFF;
	_ =	strace $0x9FFFFFFF  }
0x48: {  	(tm) =	ssettm $0x7FFFFFFF  }
0x49: {  	_ =	shalt  }
tec
execute0_lowered:
.L_overlay_start_1:
0x0: {  	(tag) =	ssettag $0x1  }
0x1: {  	s6 =	rddreg [dreg:$0x0];
	s2 =	srdreg.scid  }
0x2: {  	s1 =	stileid.u32;
	s0 =	rddreg [dreg:$0x1];
	_ =	strace $0x80000083  }
0x3: {  	s31 =	simm.s32 $0x2;
	s15 =	simm.s32 $0x0;
	s10 =	simm.s32 $0x80  }
0x4: {  	s11 =	simm.s32 $0x0;
	s16 =	simm.s32 $0x0;
	s12 =	simm.s32 $0x0  }
0x5: {  	s14 =	simm.s32 $0x0;
	s2 =	sand.u32 $0x1, s2;
	s3 =	sshll.u32 s1, $0x8  }
0x6: {  	s4 =	ssub.s32 $0x13800, s3;
	s5 =	ssub.s32 $0x2, s2;
	s7 =	sshll.u32 s2, $0x4  }
.Ltmp0:
0x7: {  	s8 =	sshrl.u32 s4, $0xC;
	s9 =	sshrl.u32 s5, $0x1;
	(pc) =	sbr.rel .LBB1_1-.Ltmp0, $4  }
0x8: {  	s13 =	smov.u32 s3;
	s8 =	sadd.s32 $0x1, s8;
	s5 =	ssub.s32 s5, s9  }
0x9: {  	s4 =	simm.s32 $0x1;
	s7 =	sadd.s32 s7, s6;
	s5 =	smul.u32 s8, s5  }
0xa: {  	s6 =	sadd.s32 $0xD83400, s6;
	[sflag:s4] =	ssyncpa.u1 $0x0;
	s7 =	sadd.s32 $0xB12400, s7  }
0xb: {  	s9 =	simm.s32 $0x40;
	[sflag:s31] =	ssyncpa.u1 $0x0;
	s8 =	sadd.s32 $0x1, s5  }
.LBB1_5:
0xc: {  	_ =	sdelay $0x3  }
0xd: {  	[tilespmem:v0+s21+$0x0 ss:$0x1] =	vst.idx.msk $0xffff, v1  }
0xe: {  	[tilespmem:v0+s21+$0x10 ss:$0x1] =	vst.idx.msk $0xffff, v2  }
0xf: {  	[tilespmem:v0+s21+$0x20 ss:$0x1] =	vst.idx.msk $0xffff, v3  }
.LBB1_6:
0x10: {  	s19 =	sand.u32 $0x1FFFFFF, s12  }
0x11: {  	s20 =	smulhi.u32 $0x1A36E2F, s19;
	_ =	sdelay $0x1  }
0x12: {  	s20 =	sshrl.u32 s20, $0x9  }
0x13: {  	s20 =	smul.u32 $0x13880, s20  }
0x14: {  	s16 =	smul.u32 $0x138800, s16  }
0x15: {  	s19 =	ssub.s32 s19, s20  }
0x16: {  	s16 =	sadd.s32 s6, s16;
	s19 =	sshll.u32 s19, $0x4  }
0x17: {  	s16 =	sadd.s32 s19, s16  }
0x18: {  	[hbm4b:s16+s9] =	stream.strided.scatter [tilespmem:s18], [sflag:$0x2], s17, s10, s9, $0x38;
	[tilespmem:$0x10000] =	vst v63  }
.LBB1_7:
0x19: {  	p0 =	slt.u32 s14, $0x2  }
0x1a: {  	p1 =	sgt.s32 @!p0 s15, $0x13780  }
0x1b: {  	s16 =	smov.u32 s15;
	s17 =	sshra.s32 @!p0 s15, $0x1F;
	p1 =	por !p1, p0  }
0x1c: {  	s15 =	sand.u32 @!p0 s17, s15;
	s16 =	simm.s32 @p1 $0x13780  }
0x1d: {  	s15 =	ssub.s32 @!p0 s16, s15  }
0x1e: {  	s15 =	sadd.s32 @!p0 $0xFFFEC880, s15  }
0x1f: {  	s16 =	sshll.u32 @!p0 s15, $0x6  }
0x20: {  	p1 =	sgt.s32 @!p0 s15, $0xFF;
	s15 =	ssub.s32 @!p0 $0x4000, s16  }
0x21: {  	s17 =	sadd.s32 $0x1000, s13;
	p1 =	por !p1, p0;
	s15 =	sand.u32 @!p0 $0x3FFFFFC0, s15  }
0x22: {  	s15 =	simm.s32 @!p1 $0x0;
	p1 =	sgt.s32 s17, $0x1387F  }
0x23: {  	s17 =	smov.u32 @p1 s3;
	p1 =	sne.s32 s14, s8  }
.Ltmp1:
0x24: {  	_ = 	snop;
	(pc) =	sbr.rel @!p1 .LBB1_8-.Ltmp1, $4  }
0x25: {  	s11 =	sadd.s32 $0x4000, s11;
	s16 =	simm.s32 @!p0 $0x2  }
0x26: {  	_ =	swait.ge @!p0 [sflag:s16], s15;
	s18 =	ssub.s32 @!p0 $0x0, s15;
	s15 =	smov.u32 s12  }
0x27: {  	s14 =	sadd.s32 $0x1, s14;
	s12 =	smov.u32 s13;
	[sflag:s16] =	ssyncset.done @!p0 $0x0  }
0x28: {  	s13 =	smov.u32 s17;
	[sflag:s16] =	ssyncadd.s32 @!p0 s18;
	s16 =	smov.u32 s2  }
.LBB1_1:
0x29: {  	p0 =	sge.u32 s14, s5  }
0x2a: {  	p1 =	sgt.s32 @!p0 s13, $0x13780  }
0x2b: {  	s17 =	smov.u32 s13;
	s18 =	sshra.s32 @!p0 s13, $0x1F;
	p1 =	por !p1, p0  }
0x2c: {  	s18 =	sand.u32 @!p0 s18, s13;
	s17 =	simm.s32 @p1 $0x13780  }
0x2d: {  	s17 =	ssub.s32 @!p0 s17, s18  }
0x2e: {  	s31 =	sadd.s32 $0xFFFFFFFF, s14;
	s19 =	sxor.u32 @!p0 $0xFFFFFFFF, s14;
	s17 =	sadd.s32 @!p0 $0xFFFEC880, s17  }
0x2f: {  	s20 =	simm.s32 @!p0 $0x40;
	s21 =	simm.s32 @!p0 $0x100;
	s18 =	sshll.u32 @!p0 s17, $0x6  }
0x30: {  	p1 =	sgt.s32 @!p0 s17, $0xFF;
	s17 =	ssub.s32 @!p0 $0x4000, s18;
	s18 =	sshll.u32 @!p0 s19, $0xE  }
0x31: {  	p1 =	por !p1, p0;
	s19 =	sshll.u32 @!p0 s13, $0x5;
	s17 =	sand.u32 @!p0 $0x3FFFFFC0, s17  }
0x32: {  	s18 =	sand.u32 @!p0 $0x4000, s18;
	s19 =	sadd.s32 @!p0 s19, s7;
	s17 =	simm.s32 @!p1 $0x0  }
0x33: {  	[tilespmem:s18], [sflag:$0x1] =	stream.strided.gather @!p0 [hbm4b:s19+s20], s17, s21, s20, $0x38;
	[tilespmem:$0x10000] =	vst v63  }
0x34: {  	p0 =	sge.u32 s31, s5  }
.Ltmp2:
0x35: {  	_ = 	snop;
	(pc) =	sbr.rel @p0 .LBB1_7-.Ltmp2, $1  }
0x36: {  	_ =	sdelay $0x3  }
0x37: {  	p0 =	sgt.s32 s12, $0x13780;
	s17 =	smov.u32 s12;
	s18 =	sshra.s32 s12, $0x1F  }
0x38: {  	s17 =	simm.s32 @!p0 $0x13780;
	s18 =	sand.u32 s18, s12  }
0x39: {  	s17 =	ssub.s32 s17, s18  }
0x3a: {  	s17 =	sadd.s32 $0xFFFEC880, s17  }
0x3b: {  	s30 =	sshll.u32 s17, $0x6  }
0x3c: {  	s18 =	ssub.s32 $0x4000, s30  }
0x3d: {  	p0 =	sgt.s32 s17, $0xFF;
	s17 =	sand.u32 $0x3FFFFFC0, s18;
	s18 =	sadd.s32 $0x100, s12  }
0x3e: {  	s17 =	simm.s32 @p0 $0x0;
	p0 =	slt.s32 s18, $0x13880  }
0x3f: {  	s18 =	simm.s32 @!p0 $0x13880  }
0x40: {  	s20 =	ssub.s32 s18, s12  }
0x41: {  	p0 =	slt.s32 s20, $0x1  }
.Ltmp3:
0x42: {  	_ = 	snop;
	(pc) =	sbr.rel @p0 .LBB1_6-.Ltmp3, $4  }
0x43: {  	_ = 	snop  }
0x44: {  	s21 =	sshll.u32 s14, $0xE;
	_ =	swait.ge [sflag:s4], s17  }
0x45: {  	s31 =	sand.u32 $0x4000, s21;
	s19 =	ssub.s32 $0x0, s17;
	[sflag:s4] =	ssyncset.done $0x0  }
0x46: {  	s18 =	sor.u32 $0x8000, s31;
	[sflag:s4] =	ssyncadd.s32 s19  }
0x47: {  	s19 =	sand.u32 $0x4000, s11  }
0x48: {  	s22 =	sor.u32 $0x20, s19  }
0x49: {  	v0 =	vmov s18;
	p0 =	sne.s32 s20, $0x1;
	v4 =	vld [tilespmem:s22+$0x10]  }
.Ltmp4:
0x4a: {  	v1 =	vld [tilespmem:s22+$0xFFFFFFE0];
	(pc) =	sbr.rel @!p0 .LBB1_5-.Ltmp4, $4  }
0x4b: {  	v2 =	vld [tilespmem:s22+$0xFFFFFFF0]  }
0x4c: {  	s19 =	simm.s32 $0x0;
	v3 =	vld [tilespmem:s22+$0x0]  }
0x4d: {  	s21 =	sand.u32 $0x3FC0, s19  }
0x4e: {  	s20 =	sadd.s32 $0xFFFFFFFF, s20;
	s22 =	sadd.s32 $0x40, s22;
	[tilespmem:v0+s21+$0x30 ss:$0x1] =	vst.idx.msk $0xffff, v4  }
.LBB1_4:
0x4f: {  	v4 =	vld [tilespmem:s22+$0x10];
	p0 =	sne.s32 s20, $0x1;
	s20 =	sadd.s32 $0xFFFFFFFF, s20;
	[tilespmem:v0+s21+$0x0 ss:$0x1] =	vst.idx.msk $0xffff, v1  }
.Ltmp5:
0x50: {  	v1 =	vld [tilespmem:s22+$0xFFFFFFE0];
	[tilespmem:v0+s21+$0x10 ss:$0x1] =	vst.idx.msk $0xffff, v2;
	(pc) =	sbr.rel @p0 .LBB1_4-.Ltmp5, $4  }
0x51: {  	v2 =	vld [tilespmem:s22+$0xFFFFFFF0];
	[tilespmem:v0+s21+$0x20 ss:$0x1] =	vst.idx.msk $0xffff, v3  }
0x52: {  	s19 =	sadd.s32 $0x40, s19;
	v3 =	vld [tilespmem:s22+$0x0]  }
0x53: {  	s21 =	sand.u32 $0x3FC0, s19  }
0x54: {  	s22 =	sadd.s32 $0x40, s22;
	[tilespmem:v0+s21+$0x30 ss:$0x1] =	vst.idx.msk $0xffff, v4  }
.Ltmp6:
0x55: {  	_ = 	snop;
	(pc) =	sbr.rel .LBB1_5-.Ltmp6, $1  }
0x56: {  	_ =	sdelay $0x3  }
.LBB1_8:
0x57: {  	_ =	sfence.sel $0x180000  }
0x58: {  	s2 =	simm.s32 $0x1;
	[bflag:$0x0] =	sbarrier.arrive $0xFFFF  }
0x59: {  	s31 =	simm.s32 $0x2;
	[sflag:s2] =	ssyncpa.u1 $0x1  }
0x5a: {  	[sflag:s31] =	ssyncpa.u1 $0x1  }
0x5b: {  	p0 =	sne.s32 s1, $0x0;
	_ =	strace $0x90000083  }
0x5c: {  	s0 =	sadd.s32 @!p0 $0x100000, s0;
	[bflag:$0x2] =	sbarrier.arrive $0xFFFF  }
0x5d: {  	[sflag:s0] =	ssyncadd.tile.s32 @!p0 $0x1;
	_ =	shalt  }
.Lfunc_end1:
_tile_overlayer_lowered:
.L_overlay_start_2:
0x5e: {  	(tag) =	ssettag $0x2  }
0x5f: {  	s0 =	rddreg [dreg:$0x0];
	s2 =	stileid.u32  }
0x60: {  	s1 =	rddreg [dreg:$0x1];
	p0 =	sne.s32 s2, $0x0  }
0x61: {  	s3 =	rddreg [dreg:$0x2];
	[bflag:$0x3] =	sbarrier.arrive $0xFFFF;
	s2 =	simm.s32 @!p0 $0x1C01  }
0x62: {  	[timem:s3], [sflag:s2] =	dma.local @!p0 [hbm:s0], s1  }
0x63: {  	s0 =	simm.s32 @!p0 $0x1  }
0x64: {  	_ =	swait.ge @!p0 [sflag:s0], s1  }
0x65: {  	s1 =	ssub.s32 @!p0 $0x0, s1;
	[sflag:s0] =	ssyncset.done @!p0 $0x0  }
0x66: {  	[sflag:s0] =	ssyncadd.s32 @!p0 s1  }
0x67: {  	[bflag:$0x3] =	sbarrier.arrive $0xFFFF  }
0x68: {  	_ =	shalt  }

// kernel: sparse-core-data-format-call.5.cloned.1.call-start
scs
called_computation.5_lowered:
.L_overlay_start_0:
0x0: {  	s2 =	sld [smem:$0x3FD9]  }
0x1: {  	s3 =	sld [smem:$0x3FFE];
	_ =	sdelay $0x1  }
0x2: {  	s1 =	srdreg.scid  }
0x3: {  	s0 =	sand.u32 $0x1, s1  }
0x4: {  	s18 =	sshll.u32 s0, $0xA;
	s2 =	sadd.s32 s3, s2  }
0x5: {  	s2 =	sadd.s32 s2, s18  }
0x6: {  	[smem:$0x3F9F] =	sst s2  }
0x7: {  	_ = 	snop  }
0x8: {  	(tm) =	ssettm $0x1  }
0x9: {  	s19 =	sld [smem:$0x3FFB];
	_ =	sdelay $0x3  }
0xa: {  	_ =	strace s19  }
0xb: {  	s2 =	sld [smem:$0x3FFC];
	_ =	sdelay $0x3  }
0xc: {  	_ =	strace s2  }
0xd: {  	s2 =	sld [smem:$0x3FFD];
	_ =	sdelay $0x3  }
0xe: {  	_ =	strace s2  }
0xf: {  	_ =	strace $0x8FFFFFFF  }
0x10: {  	s20 =	sld [smem:$0x3FDB];
	_ =	sdelay $0x1  }
0x11: {  	s21 =	simm.s32 $_scs_section_size  }
0x12: {  	s4 =	simm.s32 $_size__tile_overlayer_lowered;
	s5 =	simm.s32 $_tile_overlayer_lowered  }
0x13: {  	s6 =	simm.s32 $0x1BFF;
	s22 =	sshll.u32 s5, $0x1;
	s3 =	sadd.s32 s21, s20  }
0x14: {  	s23 =	simm.s32 $0x0;
	s4 =	sshll.u32 s4, $0x1;
	s5 =	sadd.s32 s22, s3  }
0x15: {  	[timem:s23], [sflag:s6] =	dma.local [hbm:s5], s4  }
0x16: {  	_ =	swait.ge [sflag:s6], s4  }
0x17: {  	s4 =	ssub.s32 $0x0, s4;
	[sflag:s6] =	ssyncset.done $0x0  }
0x18: {  	[sflag:s6] =	ssyncadd.s32 s4;
	_ =	sdelay $0x1  }
0x19: {  	s24 =	simm.s32 $0x1B8B  }
0x1a: {  	_ =	swait.ge [sflag:s24], $0x1  }
0x1b: {  	[sflag:s24] =	ssyncset.done $0x0  }
0x1c: {  	[sflag:s24] =	ssyncadd.s32 $0xFFFFFFFF  }
0x1d: {  	s4 =	sld [smem:$0x0]  }
0x1e: {  	s5 =	sand.u32 $0xFFFFFFFE, s1  }
0x1f: {  	p0 =	sne.s32 s1, s5  }
0x20: {  	s5 =	sshll.u32 @p0 s5, $0xE  }
0x21: {  	s5 =	sadd.s32 @p0 $0x11B8D, s5;
	s6 =	sshll.u32 @p0 s4, $0x11  }
0x22: {  	s5 =	sor.u32 @p0 s6, s5  }
0x23: {  	[sflag:s5] =	ssyncadd.remote.s32 @p0 $0x1;
	_ =	sdelay $0x1  }
0x24: {  	s5 =	simm.s32 @p0 $0x1B8D  }
0x25: {  	_ =	swait.eq @p0 [sflag:s5], $0x1  }
0x26: {  	[sflag:s5] =	ssyncadd.s32 @p0 $0xFFFFFFFF  }
0x27: {  	s6 =	sshll.u32 @!p0 s1, $0xE  }
0x28: {  	s6 =	sor.u32 @!p0 $0x4000, s6;
	s5 =	simm.s32 @!p0 $0x1B8D  }
0x29: {  	s4 =	sshll.u32 @!p0 s4, $0x11;
	s6 =	sadd.s32 @!p0 $0x11B8D, s6;
	_ =	swait.eq @!p0 [sflag:s5], $0x1  }
0x2a: {  	s4 =	sor.u32 @!p0 s4, s6;
	[sflag:s5] =	ssyncadd.s32 @!p0 $0xFFFFFFFF  }
0x2b: {  	s26 =	simm.s32 $0x1B8E;
	s25 =	sld [smem:$0x3FFE];
	[sflag:s4] =	ssyncadd.remote.s32 @!p0 $0x1  }
0x2c: {  	s27 =	simm.s32 $execute0_lowered;
	[smem:$0x3FD2] =	sst s26  }
0x2d: {  	s5 =	sshll.u32 s27, $0x1;
	_ =	strace $0x80000085;
	[dreg:$0x1] =	wrdreg $0xFFFFFFFF  }
0x2e: {  	s28 =	simm.s32 $_size_execute0_lowered;
	s3 =	sadd.s32 s3, s5;
	[dreg:$0x0] =	wrdreg $0x0  }
0x2f: {  	s5 =	sshll.u32 s28, $0x1;
	[dreg:$0x2] =	wrdreg s3  }
0x30: {  	[dreg:$0x3] =	wrdreg s5  }
0x31: {  	[dreg:$0x4] =	wrdreg $0xC0  }
0x32: {  	_ =	task [dreg:s23], $0x5FFFF  }
0x33: {  	[dreg:$0x1] =	wrdreg $0xFFFFFFFF  }
0x34: {  	[dreg:$0x0] =	wrdreg $0x60  }
0x35: {  	[dreg:$0x2] =	wrdreg s25  }
0x36: {  	[dreg:$0x3] =	wrdreg $0xC  }
0x37: {  	_ =	task.clear_ibuf [dreg:s23], $0x4FFFF;
	_ =	strace $0x90000085  }
0x38: {  	s29 =	simm.s32 $0xC;
	_ =	strace $0x80000087  }
0x39: {  	_ =	swait.ge [sflag:s29], $0x1  }
0x3a: {  	[sflag:s29] =	ssyncadd.s32 $0xFFFFFFFF  }
0x3b: {  	_ =	strace $0x90000087  }
0x3c: {  	_ =	sfence  }
0x3d: {  	s30 =	sld [smem:$0x0];
	_ =	sdelay $0x2  }
0x3e: {  	s31 =	sshll.u32 s1, $0xD;
	s1 =	sshrl.u32 s1, $0x2  }
0x3f: {  	s4 =	sand.u32 $0x4000, s31;
	s1 =	sadd.s32 s1, s30  }
0x40: {  	s0 =	sor.u32 s4, s0;
	s1 =	sshll.u32 s1, $0x11  }
0x41: {  	s0 =	sor.u32 s1, s0  }
0x42: {  	s0 =	sadd.s32 $0x8F2B, s0  }
0x43: {  	[sflag:s0] =	ssyncadd.remote.s32 $0x1  }
0x44: {  	_ =	sfence.sel $0xFFFF  }
0x45: {  	[dreg:$0x0] =	wrdreg $0xFFFFFFFF;
	(pc) =	sbr.abs _section_cstart, $3  }
0x46: {  	[dreg:$0x1] =	wrdreg $0xFFFFFFFF  }
0x47: {  	_ =	task.clear_ibuf [dreg:s23], $0x2FFFF;
	_ =	strace $0x9FFFFFFF  }
0x48: {  	(tm) =	ssettm $0x7FFFFFFF  }
0x49: {  	_ =	shalt  }
tec
execute0_lowered:
.L_overlay_start_1:
0x0: {  	(tag) =	ssettag $0x1  }
0x1: {  	s6 =	rddreg [dreg:$0x0];
	s2 =	srdreg.scid  }
0x2: {  	s1 =	stileid.u32;
	s0 =	rddreg [dreg:$0x1];
	_ =	strace $0x80000086  }
0x3: {  	s31 =	simm.s32 $0x2;
	s15 =	simm.s32 $0x0;
	s10 =	simm.s32 $0x80  }
0x4: {  	s11 =	simm.s32 $0x0;
	s16 =	simm.s32 $0x0;
	s12 =	simm.s32 $0x0  }
0x5: {  	s14 =	simm.s32 $0x0;
	s2 =	sand.u32 $0x1, s2;
	s3 =	sshll.u32 s1, $0x8  }
0x6: {  	s4 =	ssub.s32 $0x13800, s3;
	s5 =	ssub.s32 $0x2, s2;
	s7 =	sshll.u32 s2, $0x4  }
.Ltmp0:
0x7: {  	s8 =	sshrl.u32 s4, $0xC;
	s9 =	sshrl.u32 s5, $0x1;
	(pc) =	sbr.rel .LBB1_1-.Ltmp0, $4  }
0x8: {  	s13 =	smov.u32 s3;
	s8 =	sadd.s32 $0x1, s8;
	s5 =	ssub.s32 s5, s9  }
0x9: {  	s4 =	simm.s32 $0x1;
	s7 =	sadd.s32 s7, s6;
	s5 =	smul.u32 s8, s5  }
0xa: {  	s6 =	sadd.s32 $0x1265400, s6;
	[sflag:s4] =	ssyncpa.u1 $0x0;
	s7 =	sadd.s32 $0xFF4400, s7  }
0xb: {  	s9 =	simm.s32 $0x40;
	[sflag:s31] =	ssyncpa.u1 $0x0;
	s8 =	sadd.s32 $0x1, s5  }
.LBB1_5:
0xc: {  	_ =	sdelay $0x3  }
0xd: {  	[tilespmem:v0+s21+$0x0 ss:$0x1] =	vst.idx.msk $0xffff, v1  }
0xe: {  	[tilespmem:v0+s21+$0x10 ss:$0x1] =	vst.idx.msk $0xffff, v2  }
0xf: {  	[tilespmem:v0+s21+$0x20 ss:$0x1] =	vst.idx.msk $0xffff, v3  }
.LBB1_6:
0x10: {  	s19 =	sand.u32 $0x1FFFFFF, s12  }
0x11: {  	s20 =	smulhi.u32 $0x1A36E2F, s19;
	_ =	sdelay $0x1  }
0x12: {  	s20 =	sshrl.u32 s20, $0x9  }
0x13: {  	s20 =	smul.u32 $0x13880, s20  }
0x14: {  	s16 =	smul.u32 $0x138800, s16  }
0x15: {  	s19 =	ssub.s32 s19, s20  }
0x16: {  	s16 =	sadd.s32 s6, s16;
	s19 =	sshll.u32 s19, $0x4  }
0x17: {  	s16 =	sadd.s32 s19, s16  }
0x18: {  	[hbm4b:s16+s9] =	stream.strided.scatter [tilespmem:s18], [sflag:$0x2], s17, s10, s9, $0x38;
	[tilespmem:$0x10000] =	vst v63  }
.LBB1_7:
0x19: {  	p0 =	slt.u32 s14, $0x2  }
0x1a: {  	p1 =	sgt.s32 @!p0 s15, $0x13780  }
0x1b: {  	s16 =	smov.u32 s15;
	s17 =	sshra.s32 @!p0 s15, $0x1F;
	p1 =	por !p1, p0  }
0x1c: {  	s15 =	sand.u32 @!p0 s17, s15;
	s16 =	simm.s32 @p1 $0x13780  }
0x1d: {  	s15 =	ssub.s32 @!p0 s16, s15  }
0x1e: {  	s15 =	sadd.s32 @!p0 $0xFFFEC880, s15  }
0x1f: {  	s16 =	sshll.u32 @!p0 s15, $0x6  }
0x20: {  	p1 =	sgt.s32 @!p0 s15, $0xFF;
	s15 =	ssub.s32 @!p0 $0x4000, s16  }
0x21: {  	s17 =	sadd.s32 $0x1000, s13;
	p1 =	por !p1, p0;
	s15 =	sand.u32 @!p0 $0x3FFFFFC0, s15  }
0x22: {  	s15 =	simm.s32 @!p1 $0x0;
	p1 =	sgt.s32 s17, $0x1387F  }
0x23: {  	s17 =	smov.u32 @p1 s3;
	p1 =	sne.s32 s14, s8  }
.Ltmp1:
0x24: {  	_ = 	snop;
	(pc) =	sbr.rel @!p1 .LBB1_8-.Ltmp1, $4  }
0x25: {  	s11 =	sadd.s32 $0x4000, s11;
	s16 =	simm.s32 @!p0 $0x2  }
0x26: {  	_ =	swait.ge @!p0 [sflag:s16], s15;
	s18 =	ssub.s32 @!p0 $0x0, s15;
	s15 =	smov.u32 s12  }
0x27: {  	s14 =	sadd.s32 $0x1, s14;
	s12 =	smov.u32 s13;
	[sflag:s16] =	ssyncset.done @!p0 $0x0  }
0x28: {  	s13 =	smov.u32 s17;
	[sflag:s16] =	ssyncadd.s32 @!p0 s18;
	s16 =	smov.u32 s2  }
.LBB1_1:
0x29: {  	p0 =	sge.u32 s14, s5  }
0x2a: {  	p1 =	sgt.s32 @!p0 s13, $0x13780  }
0x2b: {  	s17 =	smov.u32 s13;
	s18 =	sshra.s32 @!p0 s13, $0x1F;
	p1 =	por !p1, p0  }
0x2c: {  	s18 =	sand.u32 @!p0 s18, s13;
	s17 =	simm.s32 @p1 $0x13780  }
0x2d: {  	s17 =	ssub.s32 @!p0 s17, s18  }
0x2e: {  	s31 =	sadd.s32 $0xFFFFFFFF, s14;
	s19 =	sxor.u32 @!p0 $0xFFFFFFFF, s14;
	s17 =	sadd.s32 @!p0 $0xFFFEC880, s17  }
0x2f: {  	s20 =	simm.s32 @!p0 $0x40;
	s21 =	simm.s32 @!p0 $0x100;
	s18 =	sshll.u32 @!p0 s17, $0x6  }
0x30: {  	p1 =	sgt.s32 @!p0 s17, $0xFF;
	s17 =	ssub.s32 @!p0 $0x4000, s18;
	s18 =	sshll.u32 @!p0 s19, $0xE  }
0x31: {  	p1 =	por !p1, p0;
	s19 =	sshll.u32 @!p0 s13, $0x5;
	s17 =	sand.u32 @!p0 $0x3FFFFFC0, s17  }
0x32: {  	s18 =	sand.u32 @!p0 $0x4000, s18;
	s19 =	sadd.s32 @!p0 s19, s7;
	s17 =	simm.s32 @!p1 $0x0  }
0x33: {  	[tilespmem:s18], [sflag:$0x1] =	stream.strided.gather @!p0 [hbm4b:s19+s20], s17, s21, s20, $0x38;
	[tilespmem:$0x10000] =	vst v63  }
0x34: {  	p0 =	sge.u32 s31, s5  }
.Ltmp2:
0x35: {  	_ = 	snop;
	(pc) =	sbr.rel @p0 .LBB1_7-.Ltmp2, $1  }
0x36: {  	_ =	sdelay $0x3  }
0x37: {  	p0 =	sgt.s32 s12, $0x13780;
	s17 =	smov.u32 s12;
	s18 =	sshra.s32 s12, $0x1F  }
0x38: {  	s17 =	simm.s32 @!p0 $0x13780;
	s18 =	sand.u32 s18, s12  }
0x39: {  	s17 =	ssub.s32 s17, s18  }
0x3a: {  	s17 =	sadd.s32 $0xFFFEC880, s17  }
0x3b: {  	s30 =	sshll.u32 s17, $0x6  }
0x3c: {  	s18 =	ssub.s32 $0x4000, s30  }
0x3d: {  	p0 =	sgt.s32 s17, $0xFF;
	s17 =	sand.u32 $0x3FFFFFC0, s18;
	s18 =	sadd.s32 $0x100, s12  }
0x3e: {  	s17 =	simm.s32 @p0 $0x0;
	p0 =	slt.s32 s18, $0x13880  }
0x3f: {  	s18 =	simm.s32 @!p0 $0x13880  }
0x40: {  	s20 =	ssub.s32 s18, s12  }
0x41: {  	p0 =	slt.s32 s20, $0x1  }
.Ltmp3:
0x42: {  	_ = 	snop;
	(pc) =	sbr.rel @p0 .LBB1_6-.Ltmp3, $4  }
0x43: {  	_ = 	snop  }
0x44: {  	s21 =	sshll.u32 s14, $0xE;
	_ =	swait.ge [sflag:s4], s17  }
0x45: {  	s31 =	sand.u32 $0x4000, s21;
	s19 =	ssub.s32 $0x0, s17;
	[sflag:s4] =	ssyncset.done $0x0  }
0x46: {  	s18 =	sor.u32 $0x8000, s31;
	[sflag:s4] =	ssyncadd.s32 s19  }
0x47: {  	s19 =	sand.u32 $0x4000, s11  }
0x48: {  	s22 =	sor.u32 $0x20, s19  }
0x49: {  	v0 =	vmov s18;
	p0 =	sne.s32 s20, $0x1;
	v4 =	vld [tilespmem:s22+$0x10]  }
.Ltmp4:
0x4a: {  	v1 =	vld [tilespmem:s22+$0xFFFFFFE0];
	(pc) =	sbr.rel @!p0 .LBB1_5-.Ltmp4, $4  }
0x4b: {  	v2 =	vld [tilespmem:s22+$0xFFFFFFF0]  }
0x4c: {  	s19 =	simm.s32 $0x0;
	v3 =	vld [tilespmem:s22+$0x0]  }
0x4d: {  	s21 =	sand.u32 $0x3FC0, s19  }
0x4e: {  	s20 =	sadd.s32 $0xFFFFFFFF, s20;
	s22 =	sadd.s32 $0x40, s22;
	[tilespmem:v0+s21+$0x30 ss:$0x1] =	vst.idx.msk $0xffff, v4  }
.LBB1_4:
0x4f: {  	v4 =	vld [tilespmem:s22+$0x10];
	p0 =	sne.s32 s20, $0x1;
	s20 =	sadd.s32 $0xFFFFFFFF, s20;
	[tilespmem:v0+s21+$0x0 ss:$0x1] =	vst.idx.msk $0xffff, v1  }
.Ltmp5:
0x50: {  	v1 =	vld [tilespmem:s22+$0xFFFFFFE0];
	[tilespmem:v0+s21+$0x10 ss:$0x1] =	vst.idx.msk $0xffff, v2;
	(pc) =	sbr.rel @p0 .LBB1_4-.Ltmp5, $4  }
0x51: {  	v2 =	vld [tilespmem:s22+$0xFFFFFFF0];
	[tilespmem:v0+s21+$0x20 ss:$0x1] =	vst.idx.msk $0xffff, v3  }
0x52: {  	s19 =	sadd.s32 $0x40, s19;
	v3 =	vld [tilespmem:s22+$0x0]  }
0x53: {  	s21 =	sand.u32 $0x3FC0, s19  }
0x54: {  	s22 =	sadd.s32 $0x40, s22;
	[tilespmem:v0+s21+$0x30 ss:$0x1] =	vst.idx.msk $0xffff, v4  }
.Ltmp6:
0x55: {  	_ = 	snop;
	(pc) =	sbr.rel .LBB1_5-.Ltmp6, $1  }
0x56: {  	_ =	sdelay $0x3  }
.LBB1_8:
0x57: {  	_ =	sfence.sel $0x180000  }
0x58: {  	s2 =	simm.s32 $0x1;
	[bflag:$0x0] =	sbarrier.arrive $0xFFFF  }
0x59: {  	s31 =	simm.s32 $0x2;
	[sflag:s2] =	ssyncpa.u1 $0x1  }
0x5a: {  	[sflag:s31] =	ssyncpa.u1 $0x1  }
0x5b: {  	p0 =	sne.s32 s1, $0x0;
	_ =	strace $0x90000086  }
0x5c: {  	s0 =	sadd.s32 @!p0 $0x100000, s0;
	[bflag:$0x2] =	sbarrier.arrive $0xFFFF  }
0x5d: {  	[sflag:s0] =	ssyncadd.tile.s32 @!p0 $0x1;
	_ =	shalt  }
.Lfunc_end1:
_tile_overlayer_lowered:
.L_overlay_start_2:
0x5e: {  	(tag) =	ssettag $0x2  }
0x5f: {  	s0 =	rddreg [dreg:$0x0];
	s2 =	stileid.u32  }
0x60: {  	s1 =	rddreg [dreg:$0x1];
	p0 =	sne.s32 s2, $0x0  }
0x61: {  	s3 =	rddreg [dreg:$0x2];
	[bflag:$0x3] =	sbarrier.arrive $0xFFFF;
	s2 =	simm.s32 @!p0 $0x1C01  }
0x62: {  	[timem:s3], [sflag:s2] =	dma.local @!p0 [hbm:s0], s1  }
0x63: {  	s0 =	simm.s32 @!p0 $0x1  }
0x64: {  	_ =	swait.ge @!p0 [sflag:s0], s1  }
0x65: {  	s1 =	ssub.s32 @!p0 $0x0, s1;
	[sflag:s0] =	ssyncset.done @!p0 $0x0  }
0x66: {  	[sflag:s0] =	ssyncadd.s32 @!p0 s1  }
0x67: {  	[bflag:$0x3] =	sbarrier.arrive $0xFFFF  }
0x68: {  	_ =	shalt  }

// kernel: sparse-core-data-format-call.6.cloned.1.call-start
scs
called_computation.6_lowered:
.L_overlay_start_0:
0x0: {  	s2 =	sld [smem:$0x3FD9]  }
0x1: {  	s3 =	sld [smem:$0x3FFE];
	_ =	sdelay $0x1  }
0x2: {  	s1 =	srdreg.scid  }
0x3: {  	s0 =	sand.u32 $0x1, s1  }
0x4: {  	s18 =	sshll.u32 s0, $0xA;
	s2 =	sadd.s32 s3, s2  }
0x5: {  	s2 =	sadd.s32 s2, s18  }
0x6: {  	[smem:$0x3F9F] =	sst s2  }
0x7: {  	_ = 	snop  }
0x8: {  	(tm) =	ssettm $0x1  }
0x9: {  	s19 =	sld [smem:$0x3FFB];
	_ =	sdelay $0x3  }
0xa: {  	_ =	strace s19  }
0xb: {  	s2 =	sld [smem:$0x3FFC];
	_ =	sdelay $0x3  }
0xc: {  	_ =	strace s2  }
0xd: {  	s2 =	sld [smem:$0x3FFD];
	_ =	sdelay $0x3  }
0xe: {  	_ =	strace s2  }
0xf: {  	_ =	strace $0x8FFFFFFF  }
0x10: {  	s20 =	sld [smem:$0x3FDB];
	_ =	sdelay $0x1  }
0x11: {  	s21 =	simm.s32 $_scs_section_size  }
0x12: {  	s4 =	simm.s32 $_size__tile_overlayer_lowered;
	s5 =	simm.s32 $_tile_overlayer_lowered  }
0x13: {  	s6 =	simm.s32 $0x1BFF;
	s22 =	sshll.u32 s5, $0x1;
	s3 =	sadd.s32 s21, s20  }
0x14: {  	s23 =	simm.s32 $0x0;
	s4 =	sshll.u32 s4, $0x1;
	s5 =	sadd.s32 s22, s3  }
0x15: {  	[timem:s23], [sflag:s6] =	dma.local [hbm:s5], s4  }
0x16: {  	_ =	swait.ge [sflag:s6], s4  }
0x17: {  	s4 =	ssub.s32 $0x0, s4;
	[sflag:s6] =	ssyncset.done $0x0  }
0x18: {  	[sflag:s6] =	ssyncadd.s32 s4;
	_ =	sdelay $0x1  }
0x19: {  	s24 =	simm.s32 $0x1B8B  }
0x1a: {  	_ =	swait.ge [sflag:s24], $0x1  }
0x1b: {  	[sflag:s24] =	ssyncset.done $0x0  }
0x1c: {  	[sflag:s24] =	ssyncadd.s32 $0xFFFFFFFF  }
0x1d: {  	s4 =	sld [smem:$0x0]  }
0x1e: {  	s5 =	sand.u32 $0xFFFFFFFE, s1  }
0x1f: {  	p0 =	sne.s32 s1, s5  }
0x20: {  	s5 =	sshll.u32 @p0 s5, $0xE  }
0x21: {  	s5 =	sadd.s32 @p0 $0x11B8D, s5;
	s6 =	sshll.u32 @p0 s4, $0x11  }
0x22: {  	s5 =	sor.u32 @p0 s6, s5  }
0x23: {  	[sflag:s5] =	ssyncadd.remote.s32 @p0 $0x1;
	_ =	sdelay $0x1  }
0x24: {  	s5 =	simm.s32 @p0 $0x1B8D  }
0x25: {  	_ =	swait.eq @p0 [sflag:s5], $0x1  }
0x26: {  	[sflag:s5] =	ssyncadd.s32 @p0 $0xFFFFFFFF  }
0x27: {  	s6 =	sshll.u32 @!p0 s1, $0xE  }
0x28: {  	s6 =	sor.u32 @!p0 $0x4000, s6;
	s5 =	simm.s32 @!p0 $0x1B8D  }
0x29: {  	s4 =	sshll.u32 @!p0 s4, $0x11;
	s6 =	sadd.s32 @!p0 $0x11B8D, s6;
	_ =	swait.eq @!p0 [sflag:s5], $0x1  }
0x2a: {  	s4 =	sor.u32 @!p0 s4, s6;
	[sflag:s5] =	ssyncadd.s32 @!p0 $0xFFFFFFFF  }
0x2b: {  	s26 =	simm.s32 $0x1B8E;
	s25 =	sld [smem:$0x3FFE];
	[sflag:s4] =	ssyncadd.remote.s32 @!p0 $0x1  }
0x2c: {  	s27 =	simm.s32 $execute0_lowered;
	[smem:$0x3FD2] =	sst s26  }
0x2d: {  	s5 =	sshll.u32 s27, $0x1;
	_ =	strace $0x80000079;
	[dreg:$0x1] =	wrdreg $0xFFFFFFFF  }
0x2e: {  	s28 =	simm.s32 $_size_execute0_lowered;
	s3 =	sadd.s32 s3, s5;
	[dreg:$0x0] =	wrdreg $0x0  }
0x2f: {  	s5 =	sshll.u32 s28, $0x1;
	[dreg:$0x2] =	wrdreg s3  }
0x30: {  	[dreg:$0x3] =	wrdreg s5  }
0x31: {  	[dreg:$0x4] =	wrdreg $0xC0  }
0x32: {  	_ =	task [dreg:s23], $0x5FFFF  }
0x33: {  	[dreg:$0x1] =	wrdreg $0xFFFFFFFF  }
0x34: {  	[dreg:$0x0] =	wrdreg $0x60  }
0x35: {  	[dreg:$0x2] =	wrdreg s25  }
0x36: {  	[dreg:$0x3] =	wrdreg $0x9  }
0x37: {  	_ =	task.clear_ibuf [dreg:s23], $0x4FFFF;
	_ =	strace $0x90000079  }
0x38: {  	s29 =	simm.s32 $0x9;
	_ =	strace $0x8000007B  }
0x39: {  	_ =	swait.ge [sflag:s29], $0x1  }
0x3a: {  	[sflag:s29] =	ssyncadd.s32 $0xFFFFFFFF  }
0x3b: {  	_ =	strace $0x9000007B  }
0x3c: {  	_ =	sfence  }
0x3d: {  	s30 =	sld [smem:$0x0];
	_ =	sdelay $0x2  }
0x3e: {  	s31 =	sshll.u32 s1, $0xD;
	s1 =	sshrl.u32 s1, $0x2  }
0x3f: {  	s4 =	sand.u32 $0x4000, s31;
	s1 =	sadd.s32 s1, s30  }
0x40: {  	s0 =	sor.u32 s4, s0;
	s1 =	sshll.u32 s1, $0x11  }
0x41: {  	s0 =	sor.u32 s1, s0  }
0x42: {  	s0 =	sadd.s32 $0x8F2B, s0  }
0x43: {  	[sflag:s0] =	ssyncadd.remote.s32 $0x1  }
0x44: {  	_ =	sfence.sel $0xFFFF  }
0x45: {  	[dreg:$0x0] =	wrdreg $0xFFFFFFFF;
	(pc) =	sbr.abs _section_cstart, $3  }
0x46: {  	[dreg:$0x1] =	wrdreg $0xFFFFFFFF  }
0x47: {  	_ =	task.clear_ibuf [dreg:s23], $0x2FFFF;
	_ =	strace $0x9FFFFFFF  }
0x48: {  	(tm) =	ssettm $0x7FFFFFFF  }
0x49: {  	_ =	shalt  }
tec
execute0_lowered:
.L_overlay_start_1:
0x0: {  	(tag) =	ssettag $0x1  }
0x1: {  	s0 =	stileid.u32  }
0x2: {  	s1 =	srdreg.scid;
	s7 =	rddreg [dreg:$0x0]  }
0x3: {  	s31 =	simm.s32 $0x2;
	s18 =	simm.s32 $0x0;
	s9 =	simm.s32 $0x40  }
0x4: {  	s10 =	simm.s32 $0x100;
	s11 =	simm.s32 $0x0;
	s17 =	simm.s32 $0x0  }
0x5: {  	s12 =	simm.s32 $0x0;
	s2 =	sshll.u32 s0, $0x7;
	s1 =	sshll.u32 s1, $0xB  }
0x6: {  	s13 =	simm.s32 $0x0;
	s3 =	sor.u32 s2, s1;
	s2 =	sand.u32 $0x1, s0  }
0x7: {  	s1 =	rddreg [dreg:$0x1];
	s3 =	sand.u32 $0xF00, s3;
	s4 =	ssub.s32 $0x2, s2  }
0x8: {  	_ =	strace $0x8000007A;
	s5 =	ssub.s32 $0x13800, s3;
	s6 =	sshrl.u32 s4, $0x1  }
.Ltmp0:
0x9: {  	s8 =	sand.u32 $0x1, s4;
	s5 =	sshrl.u32 s5, $0xC;
	(pc) =	sbr.rel .LBB1_1-.Ltmp0, $4  }
0xa: {  	s4 =	simm.s32 $0x1;
	s6 =	sadd.s32 s8, s6;
	s5 =	sadd.s32 $0x1, s5  }
0xb: {  	s16 =	simm.s32 $0x0;
	[sflag:s4] =	ssyncpa.u1 $0x0;
	s5 =	smul.u32 s6, s5  }
0xc: {  	s15 =	smov.u32 s2;
	s14 =	smov.u32 s3;
	[sflag:s31] =	ssyncpa.u1 $0x0  }
0xd: {  	s6 =	sadd.s32 $0x371200, s7;
	s7 =	sadd.s32 $0x8A1400, s7;
	s8 =	sadd.s32 $0x1, s5  }
.LBB1_7:
0xe: {  	s20 =	sshll.u32 s13, $0x4  }
0xf: {  	s20 =	sand.u32 $0x10, s20  }
0x10: {  	s21 =	sshll.u32 s12, $0x5;
	s20 =	sadd.s32 s7, s20  }
0x11: {  	s22 =	sor.u32 $0x8000, s22;
	s20 =	sadd.s32 s21, s20  }
0x12: {  	[hbm4b:s20+s9] =	stream.strided.scatter [tilespmem:s22], [sflag:$0x2], s19, s10, s9, $0x38;
	[tilespmem:$0x10000] =	vst v63  }
.LBB1_8:
0x13: {  	p0 =	slt.u32 s16, $0x2  }
0x14: {  	p1 =	sgt.s32 @!p0 s18, $0x13780  }
0x15: {  	s19 =	smov.u32 s18;
	s20 =	sshra.s32 @!p0 s18, $0x1F;
	p1 =	por !p1, p0  }
0x16: {  	s18 =	sand.u32 @!p0 s20, s18;
	s19 =	simm.s32 @p1 $0x13780  }
0x17: {  	s20 =	sshra.s32 @!p0 s17, $0x1F;
	p1 =	sgt.s32 @!p0 s17, $0x1;
	s18 =	ssub.s32 @!p0 s19, s18  }
0x18: {  	p1 =	por !p1, p0;
	s19 =	smov.u32 s17;
	s17 =	sand.u32 @!p0 s20, s17  }
0x19: {  	s21 =	smov.u32 s15;
	s19 =	simm.s32 @p1 $0x1;
	s17 =	sxor.u32 @!p0 $0xFFFFFFFF, s17  }
0x1a: {  	s20 =	sadd.s32 @!p0 $0xFFFEC880, s18;
	s18 =	ssub.s32 @!p0 $0x13880, s18;
	s17 =	sadd.s32 @!p0 s17, s19  }
0x1b: {  	p1 =	sgt.s32 @!p0 s20, $0xFF;
	p2 =	sgt.s32 @!p0 s17, $0x0;
	s17 =	sshll.u32 @!p0 s17, $0x6  }
0x1c: {  	p1 =	por !p1, p0;
	s17 =	ssub.s32 @!p0 $0x40, s17;
	p2 =	por !p2, p0  }
0x1d: {  	s19 =	sadd.s32 $0x1000, s14;
	s18 =	simm.s32 @!p1 $0x0;
	s17 =	simm.s32 @!p2 $0x0  }
0x1e: {  	p1 =	sgt.s32 s19, $0x1387F;
	s17 =	smul.u32 @!p0 s18, s17;
	s18 =	sadd.s32 $0x2, s15  }
0x1f: {  	s21 =	smov.u32 @p1 s18  }
0x20: {  	s19 =	smov.u32 @p1 s3;
	p1 =	sgt.s32 s21, $0x1  }
0x21: {  	s21 =	smov.u32 @p1 s2;
	p1 =	sne.s32 s16, s8  }
.Ltmp1:
0x22: {  	s11 =	sadd.s32 $0x4000, s11;
	s20 =	simm.s32 @!p0 $0x2;
	(pc) =	sbr.rel @!p1 .LBB1_9-.Ltmp1, $4  }
0x23: {  	s18 =	smov.u32 s12;
	s12 =	smov.u32 s14;
	s17 =	sand.u32 @!p0 $0x3FFFFFC0, s17  }
0x24: {  	s14 =	smov.u32 s19;
	_ =	swait.ge @!p0 [sflag:s20], s17;
	s22 =	ssub.s32 @!p0 $0x0, s17  }
0x25: {  	s17 =	smov.u32 s13;
	s16 =	sadd.s32 $0x1, s16;
	[sflag:s20] =	ssyncset.done @!p0 $0x0  }
0x26: {  	s13 =	smov.u32 s15;
	s15 =	smov.u32 s21;
	[sflag:s20] =	ssyncadd.s32 @!p0 s22  }
.LBB1_1:
0x27: {  	p0 =	sge.u32 s16, s5  }
0x28: {  	s21 =	smov.u32 s15;
	p1 =	sgt.s32 @!p0 s15, $0x1  }
0x29: {  	s23 =	smov.u32 s14;
	s19 =	sand.u32 @!p0 $0x1FFFFFF, s14;
	p1 =	por !p1, p0  }
0x2a: {  	s22 =	sshra.s32 @!p0 s15, $0x1F;
	s21 =	simm.s32 @p1 $0x1;
	p1 =	sgt.s32 @!p0 s14, $0x13780  }
0x2b: {  	s24 =	sshra.s32 @!p0 s14, $0x1F;
	s22 =	sand.u32 @!p0 s22, s15;
	p1 =	por !p1, p0  }
0x2c: {  	s24 =	sand.u32 @!p0 s24, s14;
	s22 =	sxor.u32 @!p0 $0xFFFFFFFF, s22;
	s23 =	simm.s32 @p1 $0x13780  }
0x2d: {  	s20 =	smulhi.u32 @!p0 $0x1A36E2F, s19;
	s21 =	sadd.s32 @!p0 s22, s21;
	s22 =	ssub.s32 @!p0 s23, s24  }
0x2e: {  	p1 =	sgt.s32 @!p0 s21, $0x0;
	s21 =	sshll.u32 @!p0 s21, $0x6;
	s23 =	sadd.s32 @!p0 $0xFFFEC880, s22  }
0x2f: {  	s20 =	sshrl.u32 @!p0 s20, $0x9;
	s21 =	ssub.s32 @!p0 $0x40, s21;
	p2 =	sgt.s32 @!p0 s23, $0xFF  }
0x30: {  	p1 =	por !p1, p0;
	s22 =	ssub.s32 @!p0 $0x13880, s22;
	p2 =	por !p2, p0  }
0x31: {  	s20 =	smul.u32 @!p0 $0x13880, s20;
	s21 =	simm.s32 @!p1 $0x0;
	s22 =	simm.s32 @!p2 $0x0  }
0x32: {  	s23 =	sxor.u32 @!p0 $0xFFFFFFFF, s16;
	s21 =	smul.u32 @!p0 s22, s21  }
0x33: {  	s19 =	ssub.s32 @!p0 s19, s20;
	s22 =	sshll.u32 @!p0 s23, $0xE;
	s23 =	smul.u32 @!p0 $0x138800, s15  }
0x34: {  	s31 =	sadd.s32 $0xFFFFFFFF, s16;
	s19 =	sshll.u32 @!p0 s19, $0x4  }
0x35: {  	s22 =	sand.u32 @!p0 $0x4000, s22;
	s20 =	sand.u32 @!p0 $0x3FFFFFC0, s21;
	s21 =	sadd.s32 @!p0 s6, s23  }
0x36: {  	s23 =	simm.s32 @!p0 $0x80;
	s19 =	sadd.s32 @!p0 s19, s21;
	s21 =	simm.s32 @!p0 $0x40  }
0x37: {  	[tilespmem:s22], [sflag:$0x1] =	stream.strided.gather @!p0 [hbm4b:s19+s21], s20, s23, s21, $0x38;
	[tilespmem:$0x10000] =	vst v63  }
0x38: {  	p0 =	sge.u32 s31, s5  }
.Ltmp2:
0x39: {  	_ = 	snop;
	(pc) =	sbr.rel @p0 .LBB1_8-.Ltmp2, $1  }
0x3a: {  	_ =	sdelay $0x3  }
0x3b: {  	p0 =	sgt.s32 s13, $0x1;
	s19 =	smov.u32 s13  }
0x3c: {  	s20 =	sshra.s32 s13, $0x1F;
	s21 =	smov.u32 s12;
	s22 =	sshra.s32 s12, $0x1F  }
0x3d: {  	s19 =	simm.s32 @!p0 $0x1;
	s20 =	sand.u32 s20, s13;
	p0 =	sgt.s32 s12, $0x13780  }
0x3e: {  	s22 =	sand.u32 s22, s12;
	s20 =	sxor.u32 $0xFFFFFFFF, s20;
	s21 =	simm.s32 @!p0 $0x13780  }
0x3f: {  	s19 =	sadd.s32 s20, s19;
	s30 =	ssub.s32 s21, s22;
	s22 =	sadd.s32 $0x100, s12  }
0x40: {  	p0 =	sgt.s32 s19, $0x0;
	s21 =	sadd.s32 $0xFFFEC880, s30;
	s19 =	sshll.u32 s19, $0x6  }
0x41: {  	p1 =	sgt.s32 s21, $0xFF;
	s19 =	ssub.s32 $0x40, s19;
	s21 =	sadd.s32 $0x1, s13  }
0x42: {  	s20 =	ssub.s32 $0x13880, s30;
	s19 =	simm.s32 @p0 $0x0;
	p0 =	slt.s32 s21, $0x2  }
0x43: {  	s20 =	simm.s32 @p1 $0x0;
	s21 =	simm.s32 @!p0 $0x2;
	p0 =	slt.s32 s22, $0x13880  }
0x44: {  	s19 =	smul.u32 s20, s19;
	s20 =	ssub.s32 s21, s13;
	s22 =	simm.s32 @!p0 $0x13880  }
0x45: {  	s21 =	ssub.s32 s22, s12;
	p0 =	slt.s32 s20, $0x1  }
0x46: {  	p1 =	slt.s32 @!p0 s21, $0x1  }
0x47: {  	p0 =	por p0, p1  }
.Ltmp3:
0x48: {  	_ = 	snop;
	(pc) =	sbr.rel @p0 .LBB1_7-.Ltmp3, $4  }
0x49: {  	s19 =	sand.u32 $0x3FFFFFC0, s19  }
0x4a: {  	_ =	swait.ge [sflag:s4], s19  }
0x4b: {  	s23 =	sshll.u32 s16, $0xE;
	s31 =	ssub.s32 $0x0, s19;
	[sflag:s4] =	ssyncset.done $0x0  }
0x4c: {  	s22 =	sand.u32 $0x4000, s23;
	[sflag:s4] =	ssyncadd.s32 s31  }
0x4d: {  	s23 =	sshll.u32 s11, $0x2  }
0x4e: {  	s23 =	sand.u32 $0x10000, s23  }
0x4f: {  	s24 =	simm.s32 $0x0;
	s23 =	sshrl.u32 s23, $0x2  }
0x50: {  	s25 =	simm.s32 $0x0;
	s26 =	simm.s32 $0x0;
	s23 =	sadd.s32 $0x8020, s23  }
.LBB1_4:
0x51: {  	s27 =	sshll.u32 s26, $0x10  }
0x52: {  	s27 =	sshra.s32 s27, $0x2  }
0x53: {  	s27 =	sadd.s32 s27, s22  }
0x54: {  	v0 =	vmov s27;
	_ =	sdelay $0x2  }
0x55: {  	p0 =	sne.s32 s21, $0x1  }
.Ltmp4:
0x56: {  	s29 =	sand.u32 $0x3FC0, s24;
	(pc) =	sbr.rel @!p0 .LBB1_6-.Ltmp4, $4  }
0x57: {  	v1 =	vld.idx.msk [tilespmem:v0+s29+$0x30 ss:$0x1], $0xffff  }
0x58: {  	v2 =	vld.idx.msk [tilespmem:v0+s29+$0x0 ss:$0x1], $0xffff  }
0x59: {  	s27 =	sand.u32 $0x40, s25;
	v3 =	vld.idx.msk [tilespmem:v0+s29+$0x10 ss:$0x1], $0xffff  }
0x5a: {  	s28 =	sadd.s32 $0xFFFFFFFF, s21;
	s27 =	sadd.s32 s27, s23;
	v4 =	vld.idx.msk [tilespmem:v0+s29+$0x20 ss:$0x1], $0xffff;
	s29 =	simm.s32 $0x40  }
.LBB1_5:
0x5b: {  	s30 =	sand.u32 $0x3FC0, s29;
	p0 =	sne.s32 s28, $0x1;
	s28 =	sadd.s32 $0xFFFFFFFF, s28  }
.Ltmp5:
0x5c: {  	[tilespmem:s27+$0x10] =	vst v1;
	v1 =	vld.idx.msk [tilespmem:v0+s30+$0x30 ss:$0x1], $0xffff;
	(pc) =	sbr.rel @p0 .LBB1_5-.Ltmp5, $4  }
0x5d: {  	[tilespmem:s27+$0xFFFFFFE0] =	vst v2;
	v2 =	vld.idx.msk [tilespmem:v0+s30+$0x0 ss:$0x1], $0xffff  }
0x5e: {  	[tilespmem:s27+$0xFFFFFFF0] =	vst v3;
	v3 =	vld.idx.msk [tilespmem:v0+s30+$0x10 ss:$0x1], $0xffff  }
0x5f: {  	[tilespmem:s27+$0x0] =	vst v4;
	v4 =	vld.idx.msk [tilespmem:v0+s30+$0x20 ss:$0x1], $0xffff  }
0x60: {  	s29 =	sadd.s32 $0x40, s29;
	s27 =	sadd.s32 $0x40, s27  }
.LBB1_6:
0x61: {  	s26 =	sadd.s32 $0x1, s26  }
0x62: {  	p0 =	sne.s32 s26, s20  }
.Ltmp6:
0x63: {  	_ = 	snop;
	(pc) =	sbr.rel @p0 .LBB1_4-.Ltmp6, $4  }
.Ltmp7:
0x64: {  	[tilespmem:s27+$0x10] =	vst v1;
	(pc) =	sbr.rel @!p0 .LBB1_7-.Ltmp7, $4  }
0x65: {  	[tilespmem:s27+$0xFFFFFFE0] =	vst v2  }
0x66: {  	[tilespmem:s27+$0xFFFFFFF0] =	vst v3  }
0x67: {  	s25 =	sadd.s32 $0x40, s25;
	[tilespmem:s27+$0x0] =	vst v4  }
0x68: {  	_ = 	snop  }
.LBB1_9:
0x69: {  	_ =	sfence.sel $0x180000  }
0x6a: {  	s2 =	simm.s32 $0x1;
	[bflag:$0x0] =	sbarrier.arrive $0xFFFF  }
0x6b: {  	s31 =	simm.s32 $0x2;
	[sflag:s2] =	ssyncpa.u1 $0x1  }
0x6c: {  	[sflag:s31] =	ssyncpa.u1 $0x1  }
0x6d: {  	p0 =	sne.s32 s0, $0x0;
	_ =	strace $0x9000007A  }
0x6e: {  	s0 =	sadd.s32 @!p0 $0x100000, s1;
	[bflag:$0x2] =	sbarrier.arrive $0xFFFF  }
0x6f: {  	[sflag:s0] =	ssyncadd.tile.s32 @!p0 $0x1;
	_ =	shalt  }
.Lfunc_end1:
_tile_overlayer_lowered:
.L_overlay_start_2:
0x70: {  	(tag) =	ssettag $0x2  }
0x71: {  	s0 =	rddreg [dreg:$0x0];
	s2 =	stileid.u32  }
0x72: {  	s1 =	rddreg [dreg:$0x1];
	p0 =	sne.s32 s2, $0x0  }
0x73: {  	s3 =	rddreg [dreg:$0x2];
	[bflag:$0x3] =	sbarrier.arrive $0xFFFF;
	s2 =	simm.s32 @!p0 $0x1C01  }
0x74: {  	[timem:s3], [sflag:s2] =	dma.local @!p0 [hbm:s0], s1  }
0x75: {  	s0 =	simm.s32 @!p0 $0x1  }
0x76: {  	_ =	swait.ge @!p0 [sflag:s0], s1  }
0x77: {  	s1 =	ssub.s32 @!p0 $0x0, s1;
	[sflag:s0] =	ssyncset.done @!p0 $0x0  }
0x78: {  	[sflag:s0] =	ssyncadd.s32 @!p0 s1  }
0x79: {  	[bflag:$0x3] =	sbarrier.arrive $0xFFFF  }
0x7a: {  	_ =	shalt  }

// kernel: sparse-core-data-format-call.7.cloned.1.call-start
scs
called_computation.7_lowered:
.L_overlay_start_0:
0x0: {  	s1 =	sld [smem:$0x3FD9]  }
0x1: {  	s2 =	sld [smem:$0x3FFE];
	_ =	sdelay $0x1  }
0x2: {  	s3 =	srdreg.scid  }
0x3: {  	s0 =	sand.u32 $0x1, s3  }
0x4: {  	s17 =	sshll.u32 s0, $0xA;
	s1 =	sadd.s32 s2, s1  }
0x5: {  	s1 =	sadd.s32 s1, s17  }
0x6: {  	[smem:$0x3F9F] =	sst s1  }
0x7: {  	_ = 	snop  }
0x8: {  	(tm) =	ssettm $0x1  }
0x9: {  	s18 =	sld [smem:$0x3FFB];
	_ =	sdelay $0x3  }
0xa: {  	_ =	strace s18  }
0xb: {  	s1 =	sld [smem:$0x3FFC];
	_ =	sdelay $0x3  }
0xc: {  	_ =	strace s1  }
0xd: {  	s1 =	sld [smem:$0x3FFD];
	_ =	sdelay $0x3  }
0xe: {  	_ =	strace s1  }
0xf: {  	_ =	strace $0x8FFFFFFF  }
0x10: {  	s19 =	sld [smem:$0x3FDB];
	_ =	sdelay $0x1  }
0x11: {  	s20 =	simm.s32 $_scs_section_size  }
0x12: {  	s4 =	simm.s32 $_size__tile_overlayer_lowered;
	s5 =	simm.s32 $_tile_overlayer_lowered  }
0x13: {  	s23 =	simm.s32 $0x1BFF;
	s22 =	sshll.u32 s5, $0x1;
	s1 =	sadd.s32 s20, s19  }
0x14: {  	s6 =	simm.s32 $0x0;
	s21 =	sshll.u32 s4, $0x1;
	s4 =	sadd.s32 s22, s1  }
0x15: {  	[timem:s6], [sflag:s23] =	dma.local [hbm:s4], s21  }
0x16: {  	_ =	swait.ge [sflag:s23], s21  }
0x17: {  	s2 =	ssub.s32 $0x0, s21;
	[sflag:s23] =	ssyncset.done $0x0  }
0x18: {  	[sflag:s23] =	ssyncadd.s32 s2;
	_ =	sdelay $0x1  }
0x19: {  	s24 =	simm.s32 $0x1B8B  }
0x1a: {  	_ =	swait.ge [sflag:s24], $0x1  }
0x1b: {  	[sflag:s24] =	ssyncset.done $0x0  }
0x1c: {  	s26 =	simm.s32 $0x1B8E;
	s25 =	sld [smem:$0x3FFE];
	[sflag:s24] =	ssyncadd.s32 $0xFFFFFFFF  }
0x1d: {  	s27 =	simm.s32 $execute0_lowered;
	[smem:$0x3FD2] =	sst s26  }
0x1e: {  	s4 =	sshll.u32 s27, $0x1;
	_ =	strace $0x80000076;
	[dreg:$0x1] =	wrdreg $0xFFFFFFFF  }
0x1f: {  	s28 =	simm.s32 $_size_execute0_lowered;
	s1 =	sadd.s32 s1, s4;
	[dreg:$0x0] =	wrdreg $0x0  }
0x20: {  	s4 =	sshll.u32 s28, $0x1;
	[dreg:$0x2] =	wrdreg s1  }
0x21: {  	[dreg:$0x3] =	wrdreg s4  }
0x22: {  	[dreg:$0x4] =	wrdreg $0xC0  }
0x23: {  	_ =	task [dreg:s6], $0x5FFFF  }
0x24: {  	[dreg:$0x1] =	wrdreg $0xFFFFFFFF  }
0x25: {  	[dreg:$0x0] =	wrdreg $0x60  }
0x26: {  	[dreg:$0x2] =	wrdreg s25  }
0x27: {  	[dreg:$0x3] =	wrdreg $0xA  }
0x28: {  	_ =	task.clear_ibuf [dreg:s6], $0x4FFFF;
	_ =	strace $0x90000076  }
0x29: {  	s29 =	simm.s32 $0xA;
	_ =	strace $0x80000078  }
0x2a: {  	_ =	swait.ge [sflag:s29], $0x1  }
0x2b: {  	[sflag:s29] =	ssyncadd.s32 $0xFFFFFFFF  }
0x2c: {  	_ =	strace $0x90000078  }
0x2d: {  	_ =	sfence  }
0x2e: {  	s30 =	sld [smem:$0x0];
	_ =	sdelay $0x2  }
0x2f: {  	s31 =	sshll.u32 s3, $0xD;
	s3 =	sshrl.u32 s3, $0x2  }
0x30: {  	s2 =	sand.u32 $0x4000, s31;
	s1 =	sadd.s32 s3, s30  }
0x31: {  	s0 =	sor.u32 s2, s0;
	s1 =	sshll.u32 s1, $0x11  }
0x32: {  	s0 =	sor.u32 s1, s0  }
0x33: {  	s0 =	sadd.s32 $0x8F2B, s0  }
0x34: {  	[sflag:s0] =	ssyncadd.remote.s32 $0x1  }
0x35: {  	_ =	sfence.sel $0xFFFF  }
0x36: {  	[dreg:$0x0] =	wrdreg $0xFFFFFFFF;
	(pc) =	sbr.abs _section_cstart, $3  }
0x37: {  	[dreg:$0x1] =	wrdreg $0xFFFFFFFF  }
0x38: {  	_ =	task.clear_ibuf [dreg:s6], $0x2FFFF;
	_ =	strace $0x9FFFFFFF  }
0x39: {  	(tm) =	ssettm $0x7FFFFFFF  }
tec
execute0_lowered:
.L_overlay_start_1:
0x0: {  	(tag) =	ssettag $0x1  }
0x1: {  	s0 =	stileid.u32  }
0x2: {  	s1 =	srdreg.scid;
	s7 =	rddreg [dreg:$0x0]  }
0x3: {  	s31 =	simm.s32 $0x2;
	s18 =	simm.s32 $0x0;
	s9 =	simm.s32 $0x40  }
0x4: {  	s10 =	simm.s32 $0x100;
	s11 =	simm.s32 $0x0;
	s17 =	simm.s32 $0x0  }
0x5: {  	s12 =	simm.s32 $0x0;
	s2 =	sshll.u32 s0, $0x7;
	s1 =	sshll.u32 s1, $0xB  }
0x6: {  	s13 =	simm.s32 $0x0;
	s3 =	sor.u32 s2, s1;
	s2 =	sand.u32 $0x1, s0  }
0x7: {  	s1 =	rddreg [dreg:$0x1];
	s3 =	sand.u32 $0xF00, s3;
	s4 =	ssub.s32 $0x2, s2  }
0x8: {  	_ =	strace $0x80000077;
	s5 =	ssub.s32 $0x13800, s3;
	s6 =	sshrl.u32 s4, $0x1  }
.Ltmp0:
0x9: {  	s8 =	sand.u32 $0x1, s4;
	s5 =	sshrl.u32 s5, $0xC;
	(pc) =	sbr.rel .LBB1_1-.Ltmp0, $4  }
0xa: {  	s4 =	simm.s32 $0x1;
	s6 =	sadd.s32 s8, s6;
	s5 =	sadd.s32 $0x1, s5  }
0xb: {  	s16 =	simm.s32 $0x0;
	[sflag:s4] =	ssyncpa.u1 $0x0;
	s5 =	smul.u32 s6, s5  }
0xc: {  	s15 =	smov.u32 s2;
	s14 =	smov.u32 s3;
	[sflag:s31] =	ssyncpa.u1 $0x0  }
0xd: {  	s6 =	sadd.s32 $0x630400, s7;
	s7 =	sadd.s32 $0x100200, s7;
	s8 =	sadd.s32 $0x1, s5  }
.LBB1_7:
0xe: {  	s20 =	sshll.u32 s13, $0x4  }
0xf: {  	s20 =	sand.u32 $0x10, s20  }
0x10: {  	s21 =	sshll.u32 s12, $0x5;
	s20 =	sadd.s32 s7, s20  }
0x11: {  	s22 =	sor.u32 $0x8000, s22;
	s20 =	sadd.s32 s21, s20  }
0x12: {  	[hbm4b:s20+s9] =	stream.strided.scatter [tilespmem:s22], [sflag:$0x2], s19, s10, s9, $0x38;
	[tilespmem:$0x10000] =	vst v63  }
.LBB1_8:
0x13: {  	p0 =	slt.u32 s16, $0x2  }
0x14: {  	p1 =	sgt.s32 @!p0 s18, $0x13780  }
0x15: {  	s19 =	smov.u32 s18;
	s20 =	sshra.s32 @!p0 s18, $0x1F;
	p1 =	por !p1, p0  }
0x16: {  	s18 =	sand.u32 @!p0 s20, s18;
	s19 =	simm.s32 @p1 $0x13780  }
0x17: {  	s20 =	sshra.s32 @!p0 s17, $0x1F;
	p1 =	sgt.s32 @!p0 s17, $0x1;
	s18 =	ssub.s32 @!p0 s19, s18  }
0x18: {  	p1 =	por !p1, p0;
	s19 =	smov.u32 s17;
	s17 =	sand.u32 @!p0 s20, s17  }
0x19: {  	s21 =	smov.u32 s15;
	s19 =	simm.s32 @p1 $0x1;
	s17 =	sxor.u32 @!p0 $0xFFFFFFFF, s17  }
0x1a: {  	s20 =	sadd.s32 @!p0 $0xFFFEC880, s18;
	s18 =	ssub.s32 @!p0 $0x13880, s18;
	s17 =	sadd.s32 @!p0 s17, s19  }
0x1b: {  	p1 =	sgt.s32 @!p0 s20, $0xFF;
	p2 =	sgt.s32 @!p0 s17, $0x0;
	s17 =	sshll.u32 @!p0 s17, $0x6  }
0x1c: {  	p1 =	por !p1, p0;
	s17 =	ssub.s32 @!p0 $0x40, s17;
	p2 =	por !p2, p0  }
0x1d: {  	s19 =	sadd.s32 $0x1000, s14;
	s18 =	simm.s32 @!p1 $0x0;
	s17 =	simm.s32 @!p2 $0x0  }
0x1e: {  	p1 =	sgt.s32 s19, $0x1387F;
	s17 =	smul.u32 @!p0 s18, s17;
	s18 =	sadd.s32 $0x2, s15  }
0x1f: {  	s21 =	smov.u32 @p1 s18  }
0x20: {  	s19 =	smov.u32 @p1 s3;
	p1 =	sgt.s32 s21, $0x1  }
0x21: {  	s21 =	smov.u32 @p1 s2;
	p1 =	sne.s32 s16, s8  }
.Ltmp1:
0x22: {  	s11 =	sadd.s32 $0x4000, s11;
	s20 =	simm.s32 @!p0 $0x2;
	(pc) =	sbr.rel @!p1 .LBB1_9-.Ltmp1, $4  }
0x23: {  	s18 =	smov.u32 s12;
	s12 =	smov.u32 s14;
	s17 =	sand.u32 @!p0 $0x3FFFFFC0, s17  }
0x24: {  	s14 =	smov.u32 s19;
	_ =	swait.ge @!p0 [sflag:s20], s17;
	s22 =	ssub.s32 @!p0 $0x0, s17  }
0x25: {  	s17 =	smov.u32 s13;
	s16 =	sadd.s32 $0x1, s16;
	[sflag:s20] =	ssyncset.done @!p0 $0x0  }
0x26: {  	s13 =	smov.u32 s15;
	s15 =	smov.u32 s21;
	[sflag:s20] =	ssyncadd.s32 @!p0 s22  }
.LBB1_1:
0x27: {  	p0 =	sge.u32 s16, s5  }
0x28: {  	s21 =	smov.u32 s15;
	p1 =	sgt.s32 @!p0 s15, $0x1  }
0x29: {  	s23 =	smov.u32 s14;
	s19 =	sand.u32 @!p0 $0x1FFFFFF, s14;
	p1 =	por !p1, p0  }
0x2a: {  	s22 =	sshra.s32 @!p0 s15, $0x1F;
	s21 =	simm.s32 @p1 $0x1;
	p1 =	sgt.s32 @!p0 s14, $0x13780  }
0x2b: {  	s24 =	sshra.s32 @!p0 s14, $0x1F;
	s22 =	sand.u32 @!p0 s22, s15;
	p1 =	por !p1, p0  }
0x2c: {  	s24 =	sand.u32 @!p0 s24, s14;
	s22 =	sxor.u32 @!p0 $0xFFFFFFFF, s22;
	s23 =	simm.s32 @p1 $0x13780  }
0x2d: {  	s20 =	smulhi.u32 @!p0 $0x1A36E2F, s19;
	s21 =	sadd.s32 @!p0 s22, s21;
	s22 =	ssub.s32 @!p0 s23, s24  }
0x2e: {  	p1 =	sgt.s32 @!p0 s21, $0x0;
	s21 =	sshll.u32 @!p0 s21, $0x6;
	s23 =	sadd.s32 @!p0 $0xFFFEC880, s22  }
0x2f: {  	s20 =	sshrl.u32 @!p0 s20, $0x9;
	s21 =	ssub.s32 @!p0 $0x40, s21;
	p2 =	sgt.s32 @!p0 s23, $0xFF  }
0x30: {  	p1 =	por !p1, p0;
	s22 =	ssub.s32 @!p0 $0x13880, s22;
	p2 =	por !p2, p0  }
0x31: {  	s20 =	smul.u32 @!p0 $0x13880, s20;
	s21 =	simm.s32 @!p1 $0x0;
	s22 =	simm.s32 @!p2 $0x0  }
0x32: {  	s23 =	sxor.u32 @!p0 $0xFFFFFFFF, s16;
	s21 =	smul.u32 @!p0 s22, s21  }
0x33: {  	s19 =	ssub.s32 @!p0 s19, s20;
	s22 =	sshll.u32 @!p0 s23, $0xE;
	s23 =	smul.u32 @!p0 $0x138800, s15  }
0x34: {  	s31 =	sadd.s32 $0xFFFFFFFF, s16;
	s19 =	sshll.u32 @!p0 s19, $0x4  }
0x35: {  	s22 =	sand.u32 @!p0 $0x4000, s22;
	s20 =	sand.u32 @!p0 $0x3FFFFFC0, s21;
	s21 =	sadd.s32 @!p0 s6, s23  }
0x36: {  	s23 =	simm.s32 @!p0 $0x80;
	s19 =	sadd.s32 @!p0 s19, s21;
	s21 =	simm.s32 @!p0 $0x40  }
0x37: {  	[tilespmem:s22], [sflag:$0x1] =	stream.strided.gather @!p0 [hbm4b:s19+s21], s20, s23, s21, $0x38;
	[tilespmem:$0x10000] =	vst v63  }
0x38: {  	p0 =	sge.u32 s31, s5  }
.Ltmp2:
0x39: {  	_ = 	snop;
	(pc) =	sbr.rel @p0 .LBB1_8-.Ltmp2, $1  }
0x3a: {  	_ =	sdelay $0x3  }
0x3b: {  	p0 =	sgt.s32 s13, $0x1;
	s19 =	smov.u32 s13  }
0x3c: {  	s20 =	sshra.s32 s13, $0x1F;
	s21 =	smov.u32 s12;
	s22 =	sshra.s32 s12, $0x1F  }
0x3d: {  	s19 =	simm.s32 @!p0 $0x1;
	s20 =	sand.u32 s20, s13;
	p0 =	sgt.s32 s12, $0x13780  }
0x3e: {  	s22 =	sand.u32 s22, s12;
	s20 =	sxor.u32 $0xFFFFFFFF, s20;
	s21 =	simm.s32 @!p0 $0x13780  }
0x3f: {  	s19 =	sadd.s32 s20, s19;
	s30 =	ssub.s32 s21, s22;
	s22 =	sadd.s32 $0x100, s12  }
0x40: {  	p0 =	sgt.s32 s19, $0x0;
	s21 =	sadd.s32 $0xFFFEC880, s30;
	s19 =	sshll.u32 s19, $0x6  }
0x41: {  	p1 =	sgt.s32 s21, $0xFF;
	s19 =	ssub.s32 $0x40, s19;
	s21 =	sadd.s32 $0x1, s13  }
0x42: {  	s20 =	ssub.s32 $0x13880, s30;
	s19 =	simm.s32 @p0 $0x0;
	p0 =	slt.s32 s21, $0x2  }
0x43: {  	s20 =	simm.s32 @p1 $0x0;
	s21 =	simm.s32 @!p0 $0x2;
	p0 =	slt.s32 s22, $0x13880  }
0x44: {  	s19 =	smul.u32 s20, s19;
	s20 =	ssub.s32 s21, s13;
	s22 =	simm.s32 @!p0 $0x13880  }
0x45: {  	s21 =	ssub.s32 s22, s12;
	p0 =	slt.s32 s20, $0x1  }
0x46: {  	p1 =	slt.s32 @!p0 s21, $0x1  }
0x47: {  	p0 =	por p0, p1  }
.Ltmp3:
0x48: {  	_ = 	snop;
	(pc) =	sbr.rel @p0 .LBB1_7-.Ltmp3, $4  }
0x49: {  	s19 =	sand.u32 $0x3FFFFFC0, s19  }
0x4a: {  	_ =	swait.ge [sflag:s4], s19  }
0x4b: {  	s23 =	sshll.u32 s16, $0xE;
	s31 =	ssub.s32 $0x0, s19;
	[sflag:s4] =	ssyncset.done $0x0  }
0x4c: {  	s22 =	sand.u32 $0x4000, s23;
	[sflag:s4] =	ssyncadd.s32 s31  }
0x4d: {  	s23 =	sshll.u32 s11, $0x2  }
0x4e: {  	s23 =	sand.u32 $0x10000, s23  }
0x4f: {  	s24 =	simm.s32 $0x0;
	s23 =	sshrl.u32 s23, $0x2  }
0x50: {  	s25 =	simm.s32 $0x0;
	s26 =	simm.s32 $0x0;
	s23 =	sadd.s32 $0x8020, s23  }
.LBB1_4:
0x51: {  	s27 =	sshll.u32 s26, $0x10  }
0x52: {  	s27 =	sshra.s32 s27, $0x2  }
0x53: {  	s27 =	sadd.s32 s27, s22  }
0x54: {  	v0 =	vmov s27;
	_ =	sdelay $0x2  }
0x55: {  	p0 =	sne.s32 s21, $0x1  }
.Ltmp4:
0x56: {  	s29 =	sand.u32 $0x3FC0, s24;
	(pc) =	sbr.rel @!p0 .LBB1_6-.Ltmp4, $4  }
0x57: {  	v1 =	vld.idx.msk [tilespmem:v0+s29+$0x30 ss:$0x1], $0xffff  }
0x58: {  	v2 =	vld.idx.msk [tilespmem:v0+s29+$0x0 ss:$0x1], $0xffff  }
0x59: {  	s27 =	sand.u32 $0x40, s25;
	v3 =	vld.idx.msk [tilespmem:v0+s29+$0x10 ss:$0x1], $0xffff  }
0x5a: {  	s28 =	sadd.s32 $0xFFFFFFFF, s21;
	s27 =	sadd.s32 s27, s23;
	v4 =	vld.idx.msk [tilespmem:v0+s29+$0x20 ss:$0x1], $0xffff;
	s29 =	simm.s32 $0x40  }
.LBB1_5:
0x5b: {  	s30 =	sand.u32 $0x3FC0, s29;
	p0 =	sne.s32 s28, $0x1;
	s28 =	sadd.s32 $0xFFFFFFFF, s28  }
.Ltmp5:
0x5c: {  	[tilespmem:s27+$0x10] =	vst v1;
	v1 =	vld.idx.msk [tilespmem:v0+s30+$0x30 ss:$0x1], $0xffff;
	(pc) =	sbr.rel @p0 .LBB1_5-.Ltmp5, $4  }
0x5d: {  	[tilespmem:s27+$0xFFFFFFE0] =	vst v2;
	v2 =	vld.idx.msk [tilespmem:v0+s30+$0x0 ss:$0x1], $0xffff  }
0x5e: {  	[tilespmem:s27+$0xFFFFFFF0] =	vst v3;
	v3 =	vld.idx.msk [tilespmem:v0+s30+$0x10 ss:$0x1], $0xffff  }
0x5f: {  	[tilespmem:s27+$0x0] =	vst v4;
	v4 =	vld.idx.msk [tilespmem:v0+s30+$0x20 ss:$0x1], $0xffff  }
0x60: {  	s29 =	sadd.s32 $0x40, s29;
	s27 =	sadd.s32 $0x40, s27  }
.LBB1_6:
0x61: {  	s26 =	sadd.s32 $0x1, s26  }
0x62: {  	p0 =	sne.s32 s26, s20  }
.Ltmp6:
0x63: {  	_ = 	snop;
	(pc) =	sbr.rel @p0 .LBB1_4-.Ltmp6, $4  }
.Ltmp7:
0x64: {  	[tilespmem:s27+$0x10] =	vst v1;
	(pc) =	sbr.rel @!p0 .LBB1_7-.Ltmp7, $4  }
0x65: {  	[tilespmem:s27+$0xFFFFFFE0] =	vst v2  }
0x66: {  	[tilespmem:s27+$0xFFFFFFF0] =	vst v3  }
0x67: {  	s25 =	sadd.s32 $0x40, s25;
	[tilespmem:s27+$0x0] =	vst v4  }
0x68: {  	_ = 	snop  }
.LBB1_9:
0x69: {  	_ =	sfence.sel $0x180000  }
0x6a: {  	s2 =	simm.s32 $0x1;
	[bflag:$0x0] =	sbarrier.arrive $0xFFFF  }
0x6b: {  	s31 =	simm.s32 $0x2;
	[sflag:s2] =	ssyncpa.u1 $0x1  }
0x6c: {  	[sflag:s31] =	ssyncpa.u1 $0x1  }
0x6d: {  	p0 =	sne.s32 s0, $0x0;
	_ =	strace $0x90000077  }
0x6e: {  	s0 =	sadd.s32 @!p0 $0x100000, s1;
	[bflag:$0x2] =	sbarrier.arrive $0xFFFF  }
0x6f: {  	[sflag:s0] =	ssyncadd.tile.s32 @!p0 $0x1;
	_ =	shalt  }
.Lfunc_end1:
_tile_overlayer_lowered:
.L_overlay_start_2:
0x70: {  	(tag) =	ssettag $0x2  }
0x71: {  	s0 =	rddreg [dreg:$0x0];
	s2 =	stileid.u32  }
0x72: {  	s1 =	rddreg [dreg:$0x1];
	p0 =	sne.s32 s2, $0x0  }
0x73: {  	s3 =	rddreg [dreg:$0x2];
	[bflag:$0x3] =	sbarrier.arrive $0xFFFF;
	s2 =	simm.s32 @!p0 $0x1C01  }
0x74: {  	[timem:s3], [sflag:s2] =	dma.local @!p0 [hbm:s0], s1  }
0x75: {  	s0 =	simm.s32 @!p0 $0x1  }
0x76: {  	_ =	swait.ge @!p0 [sflag:s0], s1  }
0x77: {  	s1 =	ssub.s32 @!p0 $0x0, s1;
	[sflag:s0] =	ssyncset.done @!p0 $0x0  }
0x78: {  	[sflag:s0] =	ssyncadd.s32 @!p0 s1  }
0x79: {  	[bflag:$0x3] =	sbarrier.arrive $0xFFFF  }
0x7a: {  	_ =	shalt  }

// kernel: sparse-core-data-format-call.8.cloned.1.call-start
scs
called_computation.8_lowered:
.L_overlay_start_0:
0x0: {  	s2 =	sld [smem:$0x3FD9]  }
0x1: {  	s3 =	sld [smem:$0x3FFE];
	_ =	sdelay $0x1  }
0x2: {  	s1 =	srdreg.scid  }
0x3: {  	s0 =	sand.u32 $0x1, s1  }
0x4: {  	s18 =	sshll.u32 s0, $0xA;
	s2 =	sadd.s32 s3, s2  }
0x5: {  	s2 =	sadd.s32 s2, s18  }
0x6: {  	[smem:$0x3F9F] =	sst s2  }
0x7: {  	_ = 	snop  }
0x8: {  	(tm) =	ssettm $0x1  }
0x9: {  	s19 =	sld [smem:$0x3FFB];
	_ =	sdelay $0x3  }
0xa: {  	_ =	strace s19  }
0xb: {  	s2 =	sld [smem:$0x3FFC];
	_ =	sdelay $0x3  }
0xc: {  	_ =	strace s2  }
0xd: {  	s2 =	sld [smem:$0x3FFD];
	_ =	sdelay $0x3  }
0xe: {  	_ =	strace s2  }
0xf: {  	_ =	strace $0x8FFFFFFF  }
0x10: {  	s20 =	sld [smem:$0x3FDB];
	_ =	sdelay $0x1  }
0x11: {  	s21 =	simm.s32 $_scs_section_size  }
0x12: {  	s4 =	simm.s32 $_size__tile_overlayer_lowered;
	s5 =	simm.s32 $_tile_overlayer_lowered  }
0x13: {  	s6 =	simm.s32 $0x1BFF;
	s22 =	sshll.u32 s5, $0x1;
	s3 =	sadd.s32 s21, s20  }
0x14: {  	s23 =	simm.s32 $0x0;
	s4 =	sshll.u32 s4, $0x1;
	s5 =	sadd.s32 s22, s3  }
0x15: {  	[timem:s23], [sflag:s6] =	dma.local [hbm:s5], s4  }
0x16: {  	_ =	swait.ge [sflag:s6], s4  }
0x17: {  	s4 =	ssub.s32 $0x0, s4;
	[sflag:s6] =	ssyncset.done $0x0  }
0x18: {  	[sflag:s6] =	ssyncadd.s32 s4;
	_ =	sdelay $0x1  }
0x19: {  	s24 =	simm.s32 $0x1B8B  }
0x1a: {  	_ =	swait.ge [sflag:s24], $0x1  }
0x1b: {  	[sflag:s24] =	ssyncset.done $0x0  }
0x1c: {  	[sflag:s24] =	ssyncadd.s32 $0xFFFFFFFF  }
0x1d: {  	s4 =	sld [smem:$0x0]  }
0x1e: {  	s5 =	sand.u32 $0xFFFFFFFE, s1  }
0x1f: {  	p0 =	sne.s32 s1, s5  }
0x20: {  	s5 =	sshll.u32 @p0 s5, $0xE  }
0x21: {  	s5 =	sadd.s32 @p0 $0x11B8D, s5;
	s6 =	sshll.u32 @p0 s4, $0x11  }
0x22: {  	s5 =	sor.u32 @p0 s6, s5  }
0x23: {  	[sflag:s5] =	ssyncadd.remote.s32 @p0 $0x1;
	_ =	sdelay $0x1  }
0x24: {  	s5 =	simm.s32 @p0 $0x1B8D  }
0x25: {  	_ =	swait.eq @p0 [sflag:s5], $0x1  }
0x26: {  	[sflag:s5] =	ssyncadd.s32 @p0 $0xFFFFFFFF  }
0x27: {  	s6 =	sshll.u32 @!p0 s1, $0xE  }
0x28: {  	s6 =	sor.u32 @!p0 $0x4000, s6;
	s5 =	simm.s32 @!p0 $0x1B8D  }
0x29: {  	s4 =	sshll.u32 @!p0 s4, $0x11;
	s6 =	sadd.s32 @!p0 $0x11B8D, s6;
	_ =	swait.eq @!p0 [sflag:s5], $0x1  }
0x2a: {  	s4 =	sor.u32 @!p0 s4, s6;
	[sflag:s5] =	ssyncadd.s32 @!p0 $0xFFFFFFFF  }
0x2b: {  	s26 =	simm.s32 $0x1B8E;
	s25 =	sld [smem:$0x3FFE];
	[sflag:s4] =	ssyncadd.remote.s32 @!p0 $0x1  }
0x2c: {  	s27 =	simm.s32 $execute0_lowered;
	[smem:$0x3FD2] =	sst s26  }
0x2d: {  	s5 =	sshll.u32 s27, $0x1;
	_ =	strace $0x8000006D;
	[dreg:$0x1] =	wrdreg $0xFFFFFFFF  }
0x2e: {  	s28 =	simm.s32 $_size_execute0_lowered;
	s3 =	sadd.s32 s3, s5;
	[dreg:$0x0] =	wrdreg $0x0  }
0x2f: {  	s5 =	sshll.u32 s28, $0x1;
	[dreg:$0x2] =	wrdreg s3  }
0x30: {  	[dreg:$0x3] =	wrdreg s5  }
0x31: {  	[dreg:$0x4] =	wrdreg $0xC0  }
0x32: {  	_ =	task [dreg:s23], $0x5FFFF  }
0x33: {  	[dreg:$0x1] =	wrdreg $0xFFFFFFFF  }
0x34: {  	[dreg:$0x0] =	wrdreg $0x60  }
0x35: {  	[dreg:$0x2] =	wrdreg s25  }
0x36: {  	[dreg:$0x3] =	wrdreg $0x9  }
0x37: {  	_ =	task.clear_ibuf [dreg:s23], $0x4FFFF;
	_ =	strace $0x9000006D  }
0x38: {  	s29 =	simm.s32 $0x9;
	_ =	strace $0x8000006F  }
0x39: {  	_ =	swait.ge [sflag:s29], $0x1  }
0x3a: {  	[sflag:s29] =	ssyncadd.s32 $0xFFFFFFFF  }
0x3b: {  	_ =	strace $0x9000006F  }
0x3c: {  	_ =	sfence  }
0x3d: {  	s30 =	sld [smem:$0x0];
	_ =	sdelay $0x2  }
0x3e: {  	s31 =	sshll.u32 s1, $0xD;
	s1 =	sshrl.u32 s1, $0x2  }
0x3f: {  	s4 =	sand.u32 $0x4000, s31;
	s1 =	sadd.s32 s1, s30  }
0x40: {  	s0 =	sor.u32 s4, s0;
	s1 =	sshll.u32 s1, $0x11  }
0x41: {  	s0 =	sor.u32 s1, s0  }
0x42: {  	s0 =	sadd.s32 $0x8F2B, s0  }
0x43: {  	[sflag:s0] =	ssyncadd.remote.s32 $0x1  }
0x44: {  	_ =	sfence.sel $0xFFFF  }
0x45: {  	[dreg:$0x0] =	wrdreg $0xFFFFFFFF;
	(pc) =	sbr.abs _section_cstart, $3  }
0x46: {  	[dreg:$0x1] =	wrdreg $0xFFFFFFFF  }
0x47: {  	_ =	task.clear_ibuf [dreg:s23], $0x2FFFF;
	_ =	strace $0x9FFFFFFF  }
0x48: {  	(tm) =	ssettm $0x7FFFFFFF  }
0x49: {  	_ =	shalt  }
tec
execute0_lowered:
.L_overlay_start_1:
0x0: {  	(tag) =	ssettag $0x1  }
0x1: {  	s6 =	rddreg [dreg:$0x0];
	s2 =	srdreg.scid  }
0x2: {  	s1 =	stileid.u32;
	s0 =	rddreg [dreg:$0x1];
	_ =	strace $0x8000006E  }
0x3: {  	s31 =	simm.s32 $0x2;
	s15 =	simm.s32 $0x0;
	s10 =	simm.s32 $0x80  }
0x4: {  	s11 =	simm.s32 $0x0;
	s16 =	simm.s32 $0x0;
	s12 =	simm.s32 $0x0  }
0x5: {  	s14 =	simm.s32 $0x0;
	s2 =	sand.u32 $0x1, s2;
	s3 =	sshll.u32 s1, $0x8  }
0x6: {  	s4 =	ssub.s32 $0x13800, s3;
	s5 =	ssub.s32 $0x2, s2;
	s7 =	sshll.u32 s2, $0x4  }
.Ltmp0:
0x7: {  	s8 =	sshrl.u32 s4, $0xC;
	s9 =	sshrl.u32 s5, $0x1;
	(pc) =	sbr.rel .LBB1_1-.Ltmp0, $4  }
0x8: {  	s13 =	smov.u32 s3;
	s8 =	sadd.s32 $0x1, s8;
	s5 =	ssub.s32 s5, s9  }
0x9: {  	s4 =	simm.s32 $0x1;
	s7 =	sadd.s32 s7, s6;
	s5 =	smul.u32 s8, s5  }
0xa: {  	s6 =	sadd.s32 $0x8A1400, s6;
	[sflag:s4] =	ssyncpa.u1 $0x0;
	s7 =	sadd.s32 $0x630400, s7  }
0xb: {  	s9 =	simm.s32 $0x40;
	[sflag:s31] =	ssyncpa.u1 $0x0;
	s8 =	sadd.s32 $0x1, s5  }
.LBB1_5:
0xc: {  	_ =	sdelay $0x3  }
0xd: {  	[tilespmem:v0+s21+$0x0 ss:$0x1] =	vst.idx.msk $0xffff, v1  }
0xe: {  	[tilespmem:v0+s21+$0x10 ss:$0x1] =	vst.idx.msk $0xffff, v2  }
0xf: {  	[tilespmem:v0+s21+$0x20 ss:$0x1] =	vst.idx.msk $0xffff, v3  }
.LBB1_6:
0x10: {  	s19 =	sand.u32 $0x1FFFFFF, s12  }
0x11: {  	s20 =	smulhi.u32 $0x1A36E2F, s19;
	_ =	sdelay $0x1  }
0x12: {  	s20 =	sshrl.u32 s20, $0x9  }
0x13: {  	s20 =	smul.u32 $0x13880, s20  }
0x14: {  	s16 =	smul.u32 $0x138800, s16  }
0x15: {  	s19 =	ssub.s32 s19, s20  }
0x16: {  	s16 =	sadd.s32 s6, s16;
	s19 =	sshll.u32 s19, $0x4  }
0x17: {  	s16 =	sadd.s32 s19, s16  }
0x18: {  	[hbm4b:s16+s9] =	stream.strided.scatter [tilespmem:s18], [sflag:$0x2], s17, s10, s9, $0x38;
	[tilespmem:$0x10000] =	vst v63  }
.LBB1_7:
0x19: {  	p0 =	slt.u32 s14, $0x2  }
0x1a: {  	p1 =	sgt.s32 @!p0 s15, $0x13780  }
0x1b: {  	s16 =	smov.u32 s15;
	s17 =	sshra.s32 @!p0 s15, $0x1F;
	p1 =	por !p1, p0  }
0x1c: {  	s15 =	sand.u32 @!p0 s17, s15;
	s16 =	simm.s32 @p1 $0x13780  }
0x1d: {  	s15 =	ssub.s32 @!p0 s16, s15  }
0x1e: {  	s15 =	sadd.s32 @!p0 $0xFFFEC880, s15  }
0x1f: {  	s16 =	sshll.u32 @!p0 s15, $0x6  }
0x20: {  	p1 =	sgt.s32 @!p0 s15, $0xFF;
	s15 =	ssub.s32 @!p0 $0x4000, s16  }
0x21: {  	s17 =	sadd.s32 $0x1000, s13;
	p1 =	por !p1, p0;
	s15 =	sand.u32 @!p0 $0x3FFFFFC0, s15  }
0x22: {  	s15 =	simm.s32 @!p1 $0x0;
	p1 =	sgt.s32 s17, $0x1387F  }
0x23: {  	s17 =	smov.u32 @p1 s3;
	p1 =	sne.s32 s14, s8  }
.Ltmp1:
0x24: {  	_ = 	snop;
	(pc) =	sbr.rel @!p1 .LBB1_8-.Ltmp1, $4  }
0x25: {  	s11 =	sadd.s32 $0x4000, s11;
	s16 =	simm.s32 @!p0 $0x2  }
0x26: {  	_ =	swait.ge @!p0 [sflag:s16], s15;
	s18 =	ssub.s32 @!p0 $0x0, s15;
	s15 =	smov.u32 s12  }
0x27: {  	s14 =	sadd.s32 $0x1, s14;
	s12 =	smov.u32 s13;
	[sflag:s16] =	ssyncset.done @!p0 $0x0  }
0x28: {  	s13 =	smov.u32 s17;
	[sflag:s16] =	ssyncadd.s32 @!p0 s18;
	s16 =	smov.u32 s2  }
.LBB1_1:
0x29: {  	p0 =	sge.u32 s14, s5  }
0x2a: {  	p1 =	sgt.s32 @!p0 s13, $0x13780  }
0x2b: {  	s17 =	smov.u32 s13;
	s18 =	sshra.s32 @!p0 s13, $0x1F;
	p1 =	por !p1, p0  }
0x2c: {  	s18 =	sand.u32 @!p0 s18, s13;
	s17 =	simm.s32 @p1 $0x13780  }
0x2d: {  	s17 =	ssub.s32 @!p0 s17, s18  }
0x2e: {  	s31 =	sadd.s32 $0xFFFFFFFF, s14;
	s19 =	sxor.u32 @!p0 $0xFFFFFFFF, s14;
	s17 =	sadd.s32 @!p0 $0xFFFEC880, s17  }
0x2f: {  	s20 =	simm.s32 @!p0 $0x40;
	s21 =	simm.s32 @!p0 $0x100;
	s18 =	sshll.u32 @!p0 s17, $0x6  }
0x30: {  	p1 =	sgt.s32 @!p0 s17, $0xFF;
	s17 =	ssub.s32 @!p0 $0x4000, s18;
	s18 =	sshll.u32 @!p0 s19, $0xE  }
0x31: {  	p1 =	por !p1, p0;
	s19 =	sshll.u32 @!p0 s13, $0x5;
	s17 =	sand.u32 @!p0 $0x3FFFFFC0, s17  }
0x32: {  	s18 =	sand.u32 @!p0 $0x4000, s18;
	s19 =	sadd.s32 @!p0 s19, s7;
	s17 =	simm.s32 @!p1 $0x0  }
0x33: {  	[tilespmem:s18], [sflag:$0x1] =	stream.strided.gather @!p0 [hbm4b:s19+s20], s17, s21, s20, $0x38;
	[tilespmem:$0x10000] =	vst v63  }
0x34: {  	p0 =	sge.u32 s31, s5  }
.Ltmp2:
0x35: {  	_ = 	snop;
	(pc) =	sbr.rel @p0 .LBB1_7-.Ltmp2, $1  }
0x36: {  	_ =	sdelay $0x3  }
0x37: {  	p0 =	sgt.s32 s12, $0x13780;
	s17 =	smov.u32 s12;
	s18 =	sshra.s32 s12, $0x1F  }
0x38: {  	s17 =	simm.s32 @!p0 $0x13780;
	s18 =	sand.u32 s18, s12  }
0x39: {  	s17 =	ssub.s32 s17, s18  }
0x3a: {  	s17 =	sadd.s32 $0xFFFEC880, s17  }
0x3b: {  	s30 =	sshll.u32 s17, $0x6  }
0x3c: {  	s18 =	ssub.s32 $0x4000, s30  }
0x3d: {  	p0 =	sgt.s32 s17, $0xFF;
	s17 =	sand.u32 $0x3FFFFFC0, s18;
	s18 =	sadd.s32 $0x100, s12  }
0x3e: {  	s17 =	simm.s32 @p0 $0x0;
	p0 =	slt.s32 s18, $0x13880  }
0x3f: {  	s18 =	simm.s32 @!p0 $0x13880  }
0x40: {  	s20 =	ssub.s32 s18, s12  }
0x41: {  	p0 =	slt.s32 s20, $0x1  }
.Ltmp3:
0x42: {  	_ = 	snop;
	(pc) =	sbr.rel @p0 .LBB1_6-.Ltmp3, $4  }
0x43: {  	_ = 	snop  }
0x44: {  	s21 =	sshll.u32 s14, $0xE;
	_ =	swait.ge [sflag:s4], s17  }
0x45: {  	s31 =	sand.u32 $0x4000, s21;
	s19 =	ssub.s32 $0x0, s17;
	[sflag:s4] =	ssyncset.done $0x0  }
0x46: {  	s18 =	sor.u32 $0x8000, s31;
	[sflag:s4] =	ssyncadd.s32 s19  }
0x47: {  	s19 =	sand.u32 $0x4000, s11  }
0x48: {  	s22 =	sor.u32 $0x20, s19  }
0x49: {  	v0 =	vmov s18;
	p0 =	sne.s32 s20, $0x1;
	v4 =	vld [tilespmem:s22+$0x10]  }
.Ltmp4:
0x4a: {  	v1 =	vld [tilespmem:s22+$0xFFFFFFE0];
	(pc) =	sbr.rel @!p0 .LBB1_5-.Ltmp4, $4  }
0x4b: {  	v2 =	vld [tilespmem:s22+$0xFFFFFFF0]  }
0x4c: {  	s19 =	simm.s32 $0x0;
	v3 =	vld [tilespmem:s22+$0x0]  }
0x4d: {  	s21 =	sand.u32 $0x3FC0, s19  }
0x4e: {  	s20 =	sadd.s32 $0xFFFFFFFF, s20;
	s22 =	sadd.s32 $0x40, s22;
	[tilespmem:v0+s21+$0x30 ss:$0x1] =	vst.idx.msk $0xffff, v4  }
.LBB1_4:
0x4f: {  	v4 =	vld [tilespmem:s22+$0x10];
	p0 =	sne.s32 s20, $0x1;
	s20 =	sadd.s32 $0xFFFFFFFF, s20;
	[tilespmem:v0+s21+$0x0 ss:$0x1] =	vst.idx.msk $0xffff, v1  }
.Ltmp5:
0x50: {  	v1 =	vld [tilespmem:s22+$0xFFFFFFE0];
	[tilespmem:v0+s21+$0x10 ss:$0x1] =	vst.idx.msk $0xffff, v2;
	(pc) =	sbr.rel @p0 .LBB1_4-.Ltmp5, $4  }
0x51: {  	v2 =	vld [tilespmem:s22+$0xFFFFFFF0];
	[tilespmem:v0+s21+$0x20 ss:$0x1] =	vst.idx.msk $0xffff, v3  }
0x52: {  	s19 =	sadd.s32 $0x40, s19;
	v3 =	vld [tilespmem:s22+$0x0]  }
0x53: {  	s21 =	sand.u32 $0x3FC0, s19  }
0x54: {  	s22 =	sadd.s32 $0x40, s22;
	[tilespmem:v0+s21+$0x30 ss:$0x1] =	vst.idx.msk $0xffff, v4  }
.Ltmp6:
0x55: {  	_ = 	snop;
	(pc) =	sbr.rel .LBB1_5-.Ltmp6, $1  }
0x56: {  	_ =	sdelay $0x3  }
.LBB1_8:
0x57: {  	_ =	sfence.sel $0x180000  }
0x58: {  	s2 =	simm.s32 $0x1;
	[bflag:$0x0] =	sbarrier.arrive $0xFFFF  }
0x59: {  	s31 =	simm.s32 $0x2;
	[sflag:s2] =	ssyncpa.u1 $0x1  }
0x5a: {  	[sflag:s31] =	ssyncpa.u1 $0x1  }
0x5b: {  	p0 =	sne.s32 s1, $0x0;
	_ =	strace $0x9000006E  }
0x5c: {  	s0 =	sadd.s32 @!p0 $0x100000, s0;
	[bflag:$0x2] =	sbarrier.arrive $0xFFFF  }
0x5d: {  	[sflag:s0] =	ssyncadd.tile.s32 @!p0 $0x1;
	_ =	shalt  }
.Lfunc_end1:
_tile_overlayer_lowered:
.L_overlay_start_2:
0x5e: {  	(tag) =	ssettag $0x2  }
0x5f: {  	s0 =	rddreg [dreg:$0x0];
	s2 =	stileid.u32  }
0x60: {  	s1 =	rddreg [dreg:$0x1];
	p0 =	sne.s32 s2, $0x0  }
0x61: {  	s3 =	rddreg [dreg:$0x2];
	[bflag:$0x3] =	sbarrier.arrive $0xFFFF;
	s2 =	simm.s32 @!p0 $0x1C01  }
0x62: {  	[timem:s3], [sflag:s2] =	dma.local @!p0 [hbm:s0], s1  }
0x63: {  	s0 =	simm.s32 @!p0 $0x1  }
0x64: {  	_ =	swait.ge @!p0 [sflag:s0], s1  }
0x65: {  	s1 =	ssub.s32 @!p0 $0x0, s1;
	[sflag:s0] =	ssyncset.done @!p0 $0x0  }
0x66: {  	[sflag:s0] =	ssyncadd.s32 @!p0 s1  }
0x67: {  	[bflag:$0x3] =	sbarrier.arrive $0xFFFF  }
0x68: {  	_ =	shalt  }

// kernel: sparse-core-data-format-call.9.cloned.1.call-start
scs
called_computation.9_lowered:
.L_overlay_start_0:
0x0: {  	s2 =	sld [smem:$0x3FD9]  }
0x1: {  	s3 =	sld [smem:$0x3FFE];
	_ =	sdelay $0x1  }
0x2: {  	s1 =	srdreg.scid  }
0x3: {  	s0 =	sand.u32 $0x1, s1  }
0x4: {  	s18 =	sshll.u32 s0, $0xA;
	s2 =	sadd.s32 s3, s2  }
0x5: {  	s2 =	sadd.s32 s2, s18  }
0x6: {  	[smem:$0x3F9F] =	sst s2  }
0x7: {  	_ = 	snop  }
0x8: {  	(tm) =	ssettm $0x1  }
0x9: {  	s19 =	sld [smem:$0x3FFB];
	_ =	sdelay $0x3  }
0xa: {  	_ =	strace s19  }
0xb: {  	s2 =	sld [smem:$0x3FFC];
	_ =	sdelay $0x3  }
0xc: {  	_ =	strace s2  }
0xd: {  	s2 =	sld [smem:$0x3FFD];
	_ =	sdelay $0x3  }
0xe: {  	_ =	strace s2  }
0xf: {  	_ =	strace $0x8FFFFFFF  }
0x10: {  	s20 =	sld [smem:$0x3FDB];
	_ =	sdelay $0x1  }
0x11: {  	s21 =	simm.s32 $_scs_section_size  }
0x12: {  	s4 =	simm.s32 $_size__tile_overlayer_lowered;
	s5 =	simm.s32 $_tile_overlayer_lowered  }
0x13: {  	s6 =	simm.s32 $0x1BFF;
	s22 =	sshll.u32 s5, $0x1;
	s3 =	sadd.s32 s21, s20  }
0x14: {  	s23 =	simm.s32 $0x0;
	s4 =	sshll.u32 s4, $0x1;
	s5 =	sadd.s32 s22, s3  }
0x15: {  	[timem:s23], [sflag:s6] =	dma.local [hbm:s5], s4  }
0x16: {  	_ =	swait.ge [sflag:s6], s4  }
0x17: {  	s4 =	ssub.s32 $0x0, s4;
	[sflag:s6] =	ssyncset.done $0x0  }
0x18: {  	[sflag:s6] =	ssyncadd.s32 s4;
	_ =	sdelay $0x1  }
0x19: {  	s24 =	simm.s32 $0x1B8B  }
0x1a: {  	_ =	swait.ge [sflag:s24], $0x1  }
0x1b: {  	[sflag:s24] =	ssyncset.done $0x0  }
0x1c: {  	[sflag:s24] =	ssyncadd.s32 $0xFFFFFFFF  }
0x1d: {  	s4 =	sld [smem:$0x0]  }
0x1e: {  	s5 =	sand.u32 $0xFFFFFFFE, s1  }
0x1f: {  	p0 =	sne.s32 s1, s5  }
0x20: {  	s5 =	sshll.u32 @p0 s5, $0xE  }
0x21: {  	s5 =	sadd.s32 @p0 $0x11B8D, s5;
	s6 =	sshll.u32 @p0 s4, $0x11  }
0x22: {  	s5 =	sor.u32 @p0 s6, s5  }
0x23: {  	[sflag:s5] =	ssyncadd.remote.s32 @p0 $0x1;
	_ =	sdelay $0x1  }
0x24: {  	s5 =	simm.s32 @p0 $0x1B8D  }
0x25: {  	_ =	swait.eq @p0 [sflag:s5], $0x1  }
0x26: {  	[sflag:s5] =	ssyncadd.s32 @p0 $0xFFFFFFFF  }
0x27: {  	s6 =	sshll.u32 @!p0 s1, $0xE  }
0x28: {  	s6 =	sor.u32 @!p0 $0x4000, s6;
	s5 =	simm.s32 @!p0 $0x1B8D  }
0x29: {  	s4 =	sshll.u32 @!p0 s4, $0x11;
	s6 =	sadd.s32 @!p0 $0x11B8D, s6;
	_ =	swait.eq @!p0 [sflag:s5], $0x1  }
0x2a: {  	s4 =	sor.u32 @!p0 s4, s6;
	[sflag:s5] =	ssyncadd.s32 @!p0 $0xFFFFFFFF  }
0x2b: {  	s26 =	simm.s32 $0x1B8E;
	s25 =	sld [smem:$0x3FFE];
	[sflag:s4] =	ssyncadd.remote.s32 @!p0 $0x1  }
0x2c: {  	s27 =	simm.s32 $execute0_lowered;
	[smem:$0x3FD2] =	sst s26  }
0x2d: {  	s5 =	sshll.u32 s27, $0x1;
	_ =	strace $0x80000070;
	[dreg:$0x1] =	wrdreg $0xFFFFFFFF  }
0x2e: {  	s28 =	simm.s32 $_size_execute0_lowered;
	s3 =	sadd.s32 s3, s5;
	[dreg:$0x0] =	wrdreg $0x0  }
0x2f: {  	s5 =	sshll.u32 s28, $0x1;
	[dreg:$0x2] =	wrdreg s3  }
0x30: {  	[dreg:$0x3] =	wrdreg s5  }
0x31: {  	[dreg:$0x4] =	wrdreg $0xC0  }
0x32: {  	_ =	task [dreg:s23], $0x5FFFF  }
0x33: {  	[dreg:$0x1] =	wrdreg $0xFFFFFFFF  }
0x34: {  	[dreg:$0x0] =	wrdreg $0x60  }
0x35: {  	[dreg:$0x2] =	wrdreg s25  }
0x36: {  	[dreg:$0x3] =	wrdreg $0xA  }
0x37: {  	_ =	task.clear_ibuf [dreg:s23], $0x4FFFF;
	_ =	strace $0x90000070  }
0x38: {  	s29 =	simm.s32 $0xA;
	_ =	strace $0x80000072  }
0x39: {  	_ =	swait.ge [sflag:s29], $0x1  }
0x3a: {  	[sflag:s29] =	ssyncadd.s32 $0xFFFFFFFF  }
0x3b: {  	_ =	strace $0x90000072  }
0x3c: {  	_ =	sfence  }
0x3d: {  	s30 =	sld [smem:$0x0];
	_ =	sdelay $0x2  }
0x3e: {  	s31 =	sshll.u32 s1, $0xD;
	s1 =	sshrl.u32 s1, $0x2  }
0x3f: {  	s4 =	sand.u32 $0x4000, s31;
	s1 =	sadd.s32 s1, s30  }
0x40: {  	s0 =	sor.u32 s4, s0;
	s1 =	sshll.u32 s1, $0x11  }
0x41: {  	s0 =	sor.u32 s1, s0  }
0x42: {  	s0 =	sadd.s32 $0x8F2B, s0  }
0x43: {  	[sflag:s0] =	ssyncadd.remote.s32 $0x1  }
0x44: {  	_ =	sfence.sel $0xFFFF  }
0x45: {  	[dreg:$0x0] =	wrdreg $0xFFFFFFFF;
	(pc) =	sbr.abs _section_cstart, $3  }
0x46: {  	[dreg:$0x1] =	wrdreg $0xFFFFFFFF  }
0x47: {  	_ =	task.clear_ibuf [dreg:s23], $0x2FFFF;
	_ =	strace $0x9FFFFFFF  }
0x48: {  	(tm) =	ssettm $0x7FFFFFFF  }
0x49: {  	_ =	shalt  }
tec
execute0_lowered:
.L_overlay_start_1:
0x0: {  	(tag) =	ssettag $0x1  }
0x1: {  	s6 =	rddreg [dreg:$0x0];
	s2 =	srdreg.scid  }
0x2: {  	s1 =	stileid.u32;
	s0 =	rddreg [dreg:$0x1];
	_ =	strace $0x80000071  }
0x3: {  	s31 =	simm.s32 $0x2;
	s15 =	simm.s32 $0x0;
	s10 =	simm.s32 $0x80  }
0x4: {  	s11 =	simm.s32 $0x0;
	s16 =	simm.s32 $0x0;
	s12 =	simm.s32 $0x0  }
0x5: {  	s14 =	simm.s32 $0x0;
	s2 =	sand.u32 $0x1, s2;
	s3 =	sshll.u32 s1, $0x8  }
0x6: {  	s4 =	ssub.s32 $0x13800, s3;
	s5 =	ssub.s32 $0x2, s2;
	s7 =	sshll.u32 s2, $0x4  }
.Ltmp0:
0x7: {  	s8 =	sshrl.u32 s4, $0xC;
	s9 =	sshrl.u32 s5, $0x1;
	(pc) =	sbr.rel .LBB1_1-.Ltmp0, $4  }
0x8: {  	s13 =	smov.u32 s3;
	s8 =	sadd.s32 $0x1, s8;
	s5 =	ssub.s32 s5, s9  }
0x9: {  	s4 =	simm.s32 $0x1;
	s7 =	sadd.s32 s7, s6;
	s5 =	smul.u32 s8, s5  }
0xa: {  	s6 =	sadd.s32 $0xD83400, s6;
	[sflag:s4] =	ssyncpa.u1 $0x0;
	s7 =	sadd.s32 $0xB12400, s7  }
0xb: {  	s9 =	simm.s32 $0x40;
	[sflag:s31] =	ssyncpa.u1 $0x0;
	s8 =	sadd.s32 $0x1, s5  }
.LBB1_5:
0xc: {  	_ =	sdelay $0x3  }
0xd: {  	[tilespmem:v0+s21+$0x0 ss:$0x1] =	vst.idx.msk $0xffff, v1  }
0xe: {  	[tilespmem:v0+s21+$0x10 ss:$0x1] =	vst.idx.msk $0xffff, v2  }
0xf: {  	[tilespmem:v0+s21+$0x20 ss:$0x1] =	vst.idx.msk $0xffff, v3  }
.LBB1_6:
0x10: {  	s19 =	sand.u32 $0x1FFFFFF, s12  }
0x11: {  	s20 =	smulhi.u32 $0x1A36E2F, s19;
	_ =	sdelay $0x1  }
0x12: {  	s20 =	sshrl.u32 s20, $0x9  }
0x13: {  	s20 =	smul.u32 $0x13880, s20  }
0x14: {  	s16 =	smul.u32 $0x138800, s16  }
0x15: {  	s19 =	ssub.s32 s19, s20  }
0x16: {  	s16 =	sadd.s32 s6, s16;
	s19 =	sshll.u32 s19, $0x4  }
0x17: {  	s16 =	sadd.s32 s19, s16  }
0x18: {  	[hbm4b:s16+s9] =	stream.strided.scatter [tilespmem:s18], [sflag:$0x2], s17, s10, s9, $0x38;
	[tilespmem:$0x10000] =	vst v63  }
.LBB1_7:
0x19: {  	p0 =	slt.u32 s14, $0x2  }
0x1a: {  	p1 =	sgt.s32 @!p0 s15, $0x13780  }
0x1b: {  	s16 =	smov.u32 s15;
	s17 =	sshra.s32 @!p0 s15, $0x1F;
	p1 =	por !p1, p0  }
0x1c: {  	s15 =	sand.u32 @!p0 s17, s15;
	s16 =	simm.s32 @p1 $0x13780  }
0x1d: {  	s15 =	ssub.s32 @!p0 s16, s15  }
0x1e: {  	s15 =	sadd.s32 @!p0 $0xFFFEC880, s15  }
0x1f: {  	s16 =	sshll.u32 @!p0 s15, $0x6  }
0x20: {  	p1 =	sgt.s32 @!p0 s15, $0xFF;
	s15 =	ssub.s32 @!p0 $0x4000, s16  }
0x21: {  	s17 =	sadd.s32 $0x1000, s13;
	p1 =	por !p1, p0;
	s15 =	sand.u32 @!p0 $0x3FFFFFC0, s15  }
0x22: {  	s15 =	simm.s32 @!p1 $0x0;
	p1 =	sgt.s32 s17, $0x1387F  }
0x23: {  	s17 =	smov.u32 @p1 s3;
	p1 =	sne.s32 s14, s8  }
.Ltmp1:
0x24: {  	_ = 	snop;
	(pc) =	sbr.rel @!p1 .LBB1_8-.Ltmp1, $4  }
0x25: {  	s11 =	sadd.s32 $0x4000, s11;
	s16 =	simm.s32 @!p0 $0x2  }
0x26: {  	_ =	swait.ge @!p0 [sflag:s16], s15;
	s18 =	ssub.s32 @!p0 $0x0, s15;
	s15 =	smov.u32 s12  }
0x27: {  	s14 =	sadd.s32 $0x1, s14;
	s12 =	smov.u32 s13;
	[sflag:s16] =	ssyncset.done @!p0 $0x0  }
0x28: {  	s13 =	smov.u32 s17;
	[sflag:s16] =	ssyncadd.s32 @!p0 s18;
	s16 =	smov.u32 s2  }
.LBB1_1:
0x29: {  	p0 =	sge.u32 s14, s5  }
0x2a: {  	p1 =	sgt.s32 @!p0 s13, $0x13780  }
0x2b: {  	s17 =	smov.u32 s13;
	s18 =	sshra.s32 @!p0 s13, $0x1F;
	p1 =	por !p1, p0  }
0x2c: {  	s18 =	sand.u32 @!p0 s18, s13;
	s17 =	simm.s32 @p1 $0x13780  }
0x2d: {  	s17 =	ssub.s32 @!p0 s17, s18  }
0x2e: {  	s31 =	sadd.s32 $0xFFFFFFFF, s14;
	s19 =	sxor.u32 @!p0 $0xFFFFFFFF, s14;
	s17 =	sadd.s32 @!p0 $0xFFFEC880, s17  }
0x2f: {  	s20 =	simm.s32 @!p0 $0x40;
	s21 =	simm.s32 @!p0 $0x100;
	s18 =	sshll.u32 @!p0 s17, $0x6  }
0x30: {  	p1 =	sgt.s32 @!p0 s17, $0xFF;
	s17 =	ssub.s32 @!p0 $0x4000, s18;
	s18 =	sshll.u32 @!p0 s19, $0xE  }
0x31: {  	p1 =	por !p1, p0;
	s19 =	sshll.u32 @!p0 s13, $0x5;
	s17 =	sand.u32 @!p0 $0x3FFFFFC0, s17  }
0x32: {  	s18 =	sand.u32 @!p0 $0x4000, s18;
	s19 =	sadd.s32 @!p0 s19, s7;
	s17 =	simm.s32 @!p1 $0x0  }
0x33: {  	[tilespmem:s18], [sflag:$0x1] =	stream.strided.gather @!p0 [hbm4b:s19+s20], s17, s21, s20, $0x38;
	[tilespmem:$0x10000] =	vst v63  }
0x34: {  	p0 =	sge.u32 s31, s5  }
.Ltmp2:
0x35: {  	_ = 	snop;
	(pc) =	sbr.rel @p0 .LBB1_7-.Ltmp2, $1  }
0x36: {  	_ =	sdelay $0x3  }
0x37: {  	p0 =	sgt.s32 s12, $0x13780;
	s17 =	smov.u32 s12;
	s18 =	sshra.s32 s12, $0x1F  }
0x38: {  	s17 =	simm.s32 @!p0 $0x13780;
	s18 =	sand.u32 s18, s12  }
0x39: {  	s17 =	ssub.s32 s17, s18  }
0x3a: {  	s17 =	sadd.s32 $0xFFFEC880, s17  }
0x3b: {  	s30 =	sshll.u32 s17, $0x6  }
0x3c: {  	s18 =	ssub.s32 $0x4000, s30  }
0x3d: {  	p0 =	sgt.s32 s17, $0xFF;
	s17 =	sand.u32 $0x3FFFFFC0, s18;
	s18 =	sadd.s32 $0x100, s12  }
0x3e: {  	s17 =	simm.s32 @p0 $0x0;
	p0 =	slt.s32 s18, $0x13880  }
0x3f: {  	s18 =	simm.s32 @!p0 $0x13880  }
0x40: {  	s20 =	ssub.s32 s18, s12  }
0x41: {  	p0 =	slt.s32 s20, $0x1  }
.Ltmp3:
0x42: {  	_ = 	snop;
	(pc) =	sbr.rel @p0 .LBB1_6-.Ltmp3, $4  }
0x43: {  	_ = 	snop  }
0x44: {  	s21 =	sshll.u32 s14, $0xE;
	_ =	swait.ge [sflag:s4], s17  }
0x45: {  	s31 =	sand.u32 $0x4000, s21;
	s19 =	ssub.s32 $0x0, s17;
	[sflag:s4] =	ssyncset.done $0x0  }
0x46: {  	s18 =	sor.u32 $0x8000, s31;
	[sflag:s4] =	ssyncadd.s32 s19  }
0x47: {  	s19 =	sand.u32 $0x4000, s11  }
0x48: {  	s22 =	sor.u32 $0x20, s19  }
0x49: {  	v0 =	vmov s18;
	p0 =	sne.s32 s20, $0x1;
	v4 =	vld [tilespmem:s22+$0x10]  }
.Ltmp4:
0x4a: {  	v1 =	vld [tilespmem:s22+$0xFFFFFFE0];
	(pc) =	sbr.rel @!p0 .LBB1_5-.Ltmp4, $4  }
0x4b: {  	v2 =	vld [tilespmem:s22+$0xFFFFFFF0]  }
0x4c: {  	s19 =	simm.s32 $0x0;
	v3 =	vld [tilespmem:s22+$0x0]  }
0x4d: {  	s21 =	sand.u32 $0x3FC0, s19  }
0x4e: {  	s20 =	sadd.s32 $0xFFFFFFFF, s20;
	s22 =	sadd.s32 $0x40, s22;
	[tilespmem:v0+s21+$0x30 ss:$0x1] =	vst.idx.msk $0xffff, v4  }
.LBB1_4:
0x4f: {  	v4 =	vld [tilespmem:s22+$0x10];
	p0 =	sne.s32 s20, $0x1;
	s20 =	sadd.s32 $0xFFFFFFFF, s20;
	[tilespmem:v0+s21+$0x0 ss:$0x1] =	vst.idx.msk $0xffff, v1  }
.Ltmp5:
0x50: {  	v1 =	vld [tilespmem:s22+$0xFFFFFFE0];
	[tilespmem:v0+s21+$0x10 ss:$0x1] =	vst.idx.msk $0xffff, v2;
	(pc) =	sbr.rel @p0 .LBB1_4-.Ltmp5, $4  }
0x51: {  	v2 =	vld [tilespmem:s22+$0xFFFFFFF0];
	[tilespmem:v0+s21+$0x20 ss:$0x1] =	vst.idx.msk $0xffff, v3  }
0x52: {  	s19 =	sadd.s32 $0x40, s19;
	v3 =	vld [tilespmem:s22+$0x0]  }
0x53: {  	s21 =	sand.u32 $0x3FC0, s19  }
0x54: {  	s22 =	sadd.s32 $0x40, s22;
	[tilespmem:v0+s21+$0x30 ss:$0x1] =	vst.idx.msk $0xffff, v4  }
.Ltmp6:
0x55: {  	_ = 	snop;
	(pc) =	sbr.rel .LBB1_5-.Ltmp6, $1  }
0x56: {  	_ =	sdelay $0x3  }
.LBB1_8:
0x57: {  	_ =	sfence.sel $0x180000  }
0x58: {  	s2 =	simm.s32 $0x1;
	[bflag:$0x0] =	sbarrier.arrive $0xFFFF  }
0x59: {  	s31 =	simm.s32 $0x2;
	[sflag:s2] =	ssyncpa.u1 $0x1  }
0x5a: {  	[sflag:s31] =	ssyncpa.u1 $0x1  }
0x5b: {  	p0 =	sne.s32 s1, $0x0;
	_ =	strace $0x90000071  }
0x5c: {  	s0 =	sadd.s32 @!p0 $0x100000, s0;
	[bflag:$0x2] =	sbarrier.arrive $0xFFFF  }
0x5d: {  	[sflag:s0] =	ssyncadd.tile.s32 @!p0 $0x1;
	_ =	shalt  }
.Lfunc_end1:
_tile_overlayer_lowered:
.L_overlay_start_2:
0x5e: {  	(tag) =	ssettag $0x2  }
0x5f: {  	s0 =	rddreg [dreg:$0x0];
	s2 =	stileid.u32  }
0x60: {  	s1 =	rddreg [dreg:$0x1];
	p0 =	sne.s32 s2, $0x0  }
0x61: {  	s3 =	rddreg [dreg:$0x2];
	[bflag:$0x3] =	sbarrier.arrive $0xFFFF;
	s2 =	simm.s32 @!p0 $0x1C01  }
0x62: {  	[timem:s3], [sflag:s2] =	dma.local @!p0 [hbm:s0], s1  }
0x63: {  	s0 =	simm.s32 @!p0 $0x1  }
0x64: {  	_ =	swait.ge @!p0 [sflag:s0], s1  }
0x65: {  	s1 =	ssub.s32 @!p0 $0x0, s1;
	[sflag:s0] =	ssyncset.done @!p0 $0x0  }
0x66: {  	[sflag:s0] =	ssyncadd.s32 @!p0 s1  }
0x67: {  	[bflag:$0x3] =	sbarrier.arrive $0xFFFF  }
0x68: {  	_ =	shalt  }

// kernel: sparse-core-data-format-call.cloned.1.call-start
scs
called_computation_lowered:
.L_overlay_start_0:
0x0: {  	s2 =	sld [smem:$0x3FD9]  }
0x1: {  	s3 =	sld [smem:$0x3FFE];
	_ =	sdelay $0x1  }
0x2: {  	s1 =	srdreg.scid  }
0x3: {  	s0 =	sand.u32 $0x1, s1  }
0x4: {  	s18 =	sshll.u32 s0, $0xA;
	s2 =	sadd.s32 s3, s2  }
0x5: {  	s2 =	sadd.s32 s2, s18  }
0x6: {  	[smem:$0x3F9F] =	sst s2  }
0x7: {  	_ = 	snop  }
0x8: {  	(tm) =	ssettm $0x1  }
0x9: {  	s19 =	sld [smem:$0x3FFB];
	_ =	sdelay $0x3  }
0xa: {  	_ =	strace s19  }
0xb: {  	s2 =	sld [smem:$0x3FFC];
	_ =	sdelay $0x3  }
0xc: {  	_ =	strace s2  }
0xd: {  	s2 =	sld [smem:$0x3FFD];
	_ =	sdelay $0x3  }
0xe: {  	_ =	strace s2  }
0xf: {  	_ =	strace $0x8FFFFFFF  }
0x10: {  	s20 =	sld [smem:$0x3FDB];
	_ =	sdelay $0x1  }
0x11: {  	s21 =	simm.s32 $_scs_section_size  }
0x12: {  	s4 =	simm.s32 $_size__tile_overlayer_lowered;
	s5 =	simm.s32 $_tile_overlayer_lowered  }
0x13: {  	s6 =	simm.s32 $0x1BFF;
	s22 =	sshll.u32 s5, $0x1;
	s3 =	sadd.s32 s21, s20  }
0x14: {  	s23 =	simm.s32 $0x0;
	s4 =	sshll.u32 s4, $0x1;
	s5 =	sadd.s32 s22, s3  }
0x15: {  	[timem:s23], [sflag:s6] =	dma.local [hbm:s5], s4  }
0x16: {  	_ =	swait.ge [sflag:s6], s4  }
0x17: {  	s4 =	ssub.s32 $0x0, s4;
	[sflag:s6] =	ssyncset.done $0x0  }
0x18: {  	[sflag:s6] =	ssyncadd.s32 s4;
	_ =	sdelay $0x1  }
0x19: {  	s24 =	simm.s32 $0x1B8B  }
0x1a: {  	_ =	swait.ge [sflag:s24], $0x1  }
0x1b: {  	[sflag:s24] =	ssyncset.done $0x0  }
0x1c: {  	[sflag:s24] =	ssyncadd.s32 $0xFFFFFFFF  }
0x1d: {  	s4 =	sld [smem:$0x0]  }
0x1e: {  	s5 =	sand.u32 $0xFFFFFFFE, s1  }
0x1f: {  	p0 =	sne.s32 s1, s5  }
0x20: {  	s5 =	sshll.u32 @p0 s5, $0xE  }
0x21: {  	s5 =	sadd.s32 @p0 $0x11B8D, s5;
	s6 =	sshll.u32 @p0 s4, $0x11  }
0x22: {  	s5 =	sor.u32 @p0 s6, s5  }
0x23: {  	[sflag:s5] =	ssyncadd.remote.s32 @p0 $0x1;
	_ =	sdelay $0x1  }
0x24: {  	s5 =	simm.s32 @p0 $0x1B8D  }
0x25: {  	_ =	swait.eq @p0 [sflag:s5], $0x1  }
0x26: {  	[sflag:s5] =	ssyncadd.s32 @p0 $0xFFFFFFFF  }
0x27: {  	s6 =	sshll.u32 @!p0 s1, $0xE  }
0x28: {  	s6 =	sor.u32 @!p0 $0x4000, s6;
	s5 =	simm.s32 @!p0 $0x1B8D  }
0x29: {  	s4 =	sshll.u32 @!p0 s4, $0x11;
	s6 =	sadd.s32 @!p0 $0x11B8D, s6;
	_ =	swait.eq @!p0 [sflag:s5], $0x1  }
0x2a: {  	s4 =	sor.u32 @!p0 s4, s6;
	[sflag:s5] =	ssyncadd.s32 @!p0 $0xFFFFFFFF  }
0x2b: {  	s26 =	simm.s32 $0x1B8E;
	s25 =	sld [smem:$0x3FFE];
	[sflag:s4] =	ssyncadd.remote.s32 @!p0 $0x1  }
0x2c: {  	s27 =	simm.s32 $execute0_lowered;
	[smem:$0x3FD2] =	sst s26  }
0x2d: {  	s5 =	sshll.u32 s27, $0x1;
	_ =	strace $0x8000008B;
	[dreg:$0x1] =	wrdreg $0xFFFFFFFF  }
0x2e: {  	s28 =	simm.s32 $_size_execute0_lowered;
	s3 =	sadd.s32 s3, s5;
	[dreg:$0x0] =	wrdreg $0x0  }
0x2f: {  	s5 =	sshll.u32 s28, $0x1;
	[dreg:$0x2] =	wrdreg s3  }
0x30: {  	[dreg:$0x3] =	wrdreg s5  }
0x31: {  	[dreg:$0x4] =	wrdreg $0xC0  }
0x32: {  	_ =	task [dreg:s23], $0x5FFFF  }
0x33: {  	[dreg:$0x1] =	wrdreg $0xFFFFFFFF  }
0x34: {  	[dreg:$0x0] =	wrdreg $0x60  }
0x35: {  	[dreg:$0x2] =	wrdreg s25  }
0x36: {  	[dreg:$0x3] =	wrdreg $0x9  }
0x37: {  	_ =	task.clear_ibuf [dreg:s23], $0x4FFFF;
	_ =	strace $0x9000008B  }
0x38: {  	s29 =	simm.s32 $0x9;
	_ =	strace $0x8000008D  }
0x39: {  	_ =	swait.ge [sflag:s29], $0x1  }
0x3a: {  	[sflag:s29] =	ssyncadd.s32 $0xFFFFFFFF  }
0x3b: {  	_ =	strace $0x9000008D  }
0x3c: {  	_ =	sfence  }
0x3d: {  	s30 =	sld [smem:$0x0];
	_ =	sdelay $0x2  }
0x3e: {  	s31 =	sshll.u32 s1, $0xD;
	s1 =	sshrl.u32 s1, $0x2  }
0x3f: {  	s4 =	sand.u32 $0x4000, s31;
	s1 =	sadd.s32 s1, s30  }
0x40: {  	s0 =	sor.u32 s4, s0;
	s1 =	sshll.u32 s1, $0x11  }
0x41: {  	s0 =	sor.u32 s1, s0  }
0x42: {  	s0 =	sadd.s32 $0x8F2B, s0  }
0x43: {  	[sflag:s0] =	ssyncadd.remote.s32 $0x1  }
0x44: {  	_ =	sfence.sel $0xFFFF  }
0x45: {  	[dreg:$0x0] =	wrdreg $0xFFFFFFFF;
	(pc) =	sbr.abs _section_cstart, $3  }
0x46: {  	[dreg:$0x1] =	wrdreg $0xFFFFFFFF  }
0x47: {  	_ =	task.clear_ibuf [dreg:s23], $0x2FFFF;
	_ =	strace $0x9FFFFFFF  }
0x48: {  	(tm) =	ssettm $0x7FFFFFFF  }
0x49: {  	_ =	shalt  }
tec
execute0_lowered:
.L_overlay_start_1:
0x0: {  	(tag) =	ssettag $0x1  }
0x1: {  	s0 =	stileid.u32  }
0x2: {  	s1 =	srdreg.scid;
	s7 =	rddreg [dreg:$0x0]  }
0x3: {  	s31 =	simm.s32 $0x2;
	s18 =	simm.s32 $0x0;
	s9 =	simm.s32 $0x40  }
0x4: {  	s10 =	simm.s32 $0x100;
	s11 =	simm.s32 $0x0;
	s17 =	simm.s32 $0x0  }
0x5: {  	s12 =	simm.s32 $0x0;
	s2 =	sshll.u32 s0, $0x7;
	s1 =	sshll.u32 s1, $0xB  }
0x6: {  	s13 =	simm.s32 $0x0;
	s3 =	sor.u32 s2, s1;
	s2 =	sand.u32 $0x1, s0  }
0x7: {  	s1 =	rddreg [dreg:$0x1];
	s3 =	sand.u32 $0xF00, s3;
	s4 =	ssub.s32 $0x2, s2  }
0x8: {  	_ =	strace $0x8000008C;
	s5 =	ssub.s32 $0x13800, s3;
	s6 =	sshrl.u32 s4, $0x1  }
.Ltmp0:
0x9: {  	s8 =	sand.u32 $0x1, s4;
	s5 =	sshrl.u32 s5, $0xC;
	(pc) =	sbr.rel .LBB1_1-.Ltmp0, $4  }
0xa: {  	s4 =	simm.s32 $0x1;
	s6 =	sadd.s32 s8, s6;
	s5 =	sadd.s32 $0x1, s5  }
0xb: {  	s16 =	simm.s32 $0x0;
	[sflag:s4] =	ssyncpa.u1 $0x0;
	s5 =	smul.u32 s6, s5  }
0xc: {  	s15 =	smov.u32 s2;
	s14 =	smov.u32 s3;
	[sflag:s31] =	ssyncpa.u1 $0x0  }
0xd: {  	s6 =	sadd.s32 $0x36EA00, s7;
	s7 =	sadd.s32 $0x8A1400, s7;
	s8 =	sadd.s32 $0x1, s5  }
.LBB1_7:
0xe: {  	s20 =	sshll.u32 s13, $0x4  }
0xf: {  	s20 =	sand.u32 $0x10, s20  }
0x10: {  	s21 =	sshll.u32 s12, $0x5;
	s20 =	sadd.s32 s7, s20  }
0x11: {  	s22 =	sor.u32 $0x8000, s22;
	s20 =	sadd.s32 s21, s20  }
0x12: {  	[hbm4b:s20+s9] =	stream.strided.scatter [tilespmem:s22], [sflag:$0x2], s19, s10, s9, $0x38;
	[tilespmem:$0x10000] =	vst v63  }
.LBB1_8:
0x13: {  	p0 =	slt.u32 s16, $0x2  }
0x14: {  	p1 =	sgt.s32 @!p0 s18, $0x13780  }
0x15: {  	s19 =	smov.u32 s18;
	s20 =	sshra.s32 @!p0 s18, $0x1F;
	p1 =	por !p1, p0  }
0x16: {  	s18 =	sand.u32 @!p0 s20, s18;
	s19 =	simm.s32 @p1 $0x13780  }
0x17: {  	s20 =	sshra.s32 @!p0 s17, $0x1F;
	p1 =	sgt.s32 @!p0 s17, $0x1;
	s18 =	ssub.s32 @!p0 s19, s18  }
0x18: {  	p1 =	por !p1, p0;
	s19 =	smov.u32 s17;
	s17 =	sand.u32 @!p0 s20, s17  }
0x19: {  	s21 =	smov.u32 s15;
	s19 =	simm.s32 @p1 $0x1;
	s17 =	sxor.u32 @!p0 $0xFFFFFFFF, s17  }
0x1a: {  	s20 =	sadd.s32 @!p0 $0xFFFEC880, s18;
	s18 =	ssub.s32 @!p0 $0x13880, s18;
	s17 =	sadd.s32 @!p0 s17, s19  }
0x1b: {  	p1 =	sgt.s32 @!p0 s20, $0xFF;
	p2 =	sgt.s32 @!p0 s17, $0x0;
	s17 =	sshll.u32 @!p0 s17, $0x6  }
0x1c: {  	p1 =	por !p1, p0;
	s17 =	ssub.s32 @!p0 $0x40, s17;
	p2 =	por !p2, p0  }
0x1d: {  	s19 =	sadd.s32 $0x1000, s14;
	s18 =	simm.s32 @!p1 $0x0;
	s17 =	simm.s32 @!p2 $0x0  }
0x1e: {  	p1 =	sgt.s32 s19, $0x1387F;
	s17 =	smul.u32 @!p0 s18, s17;
	s18 =	sadd.s32 $0x2, s15  }
0x1f: {  	s21 =	smov.u32 @p1 s18  }
0x20: {  	s19 =	smov.u32 @p1 s3;
	p1 =	sgt.s32 s21, $0x1  }
0x21: {  	s21 =	smov.u32 @p1 s2;
	p1 =	sne.s32 s16, s8  }
.Ltmp1:
0x22: {  	s11 =	sadd.s32 $0x4000, s11;
	s20 =	simm.s32 @!p0 $0x2;
	(pc) =	sbr.rel @!p1 .LBB1_9-.Ltmp1, $4  }
0x23: {  	s18 =	smov.u32 s12;
	s12 =	smov.u32 s14;
	s17 =	sand.u32 @!p0 $0x3FFFFFC0, s17  }
0x24: {  	s14 =	smov.u32 s19;
	_ =	swait.ge @!p0 [sflag:s20], s17;
	s22 =	ssub.s32 @!p0 $0x0, s17  }
0x25: {  	s17 =	smov.u32 s13;
	s16 =	sadd.s32 $0x1, s16;
	[sflag:s20] =	ssyncset.done @!p0 $0x0  }
0x26: {  	s13 =	smov.u32 s15;
	s15 =	smov.u32 s21;
	[sflag:s20] =	ssyncadd.s32 @!p0 s22  }
.LBB1_1:
0x27: {  	p0 =	sge.u32 s16, s5  }
0x28: {  	s21 =	smov.u32 s15;
	p1 =	sgt.s32 @!p0 s15, $0x1  }
0x29: {  	s23 =	smov.u32 s14;
	s19 =	sand.u32 @!p0 $0x1FFFFFF, s14;
	p1 =	por !p1, p0  }
0x2a: {  	s22 =	sshra.s32 @!p0 s15, $0x1F;
	s21 =	simm.s32 @p1 $0x1;
	p1 =	sgt.s32 @!p0 s14, $0x13780  }
0x2b: {  	s24 =	sshra.s32 @!p0 s14, $0x1F;
	s22 =	sand.u32 @!p0 s22, s15;
	p1 =	por !p1, p0  }
0x2c: {  	s24 =	sand.u32 @!p0 s24, s14;
	s22 =	sxor.u32 @!p0 $0xFFFFFFFF, s22;
	s23 =	simm.s32 @p1 $0x13780  }
0x2d: {  	s20 =	smulhi.u32 @!p0 $0x1A36E2F, s19;
	s21 =	sadd.s32 @!p0 s22, s21;
	s22 =	ssub.s32 @!p0 s23, s24  }
0x2e: {  	p1 =	sgt.s32 @!p0 s21, $0x0;
	s21 =	sshll.u32 @!p0 s21, $0x6;
	s23 =	sadd.s32 @!p0 $0xFFFEC880, s22  }
0x2f: {  	s20 =	sshrl.u32 @!p0 s20, $0x9;
	s21 =	ssub.s32 @!p0 $0x40, s21;
	p2 =	sgt.s32 @!p0 s23, $0xFF  }
0x30: {  	p1 =	por !p1, p0;
	s22 =	ssub.s32 @!p0 $0x13880, s22;
	p2 =	por !p2, p0  }
0x31: {  	s20 =	smul.u32 @!p0 $0x13880, s20;
	s21 =	simm.s32 @!p1 $0x0;
	s22 =	simm.s32 @!p2 $0x0  }
0x32: {  	s23 =	sxor.u32 @!p0 $0xFFFFFFFF, s16;
	s21 =	smul.u32 @!p0 s22, s21  }
0x33: {  	s19 =	ssub.s32 @!p0 s19, s20;
	s22 =	sshll.u32 @!p0 s23, $0xE;
	s23 =	smul.u32 @!p0 $0x138800, s15  }
0x34: {  	s31 =	sadd.s32 $0xFFFFFFFF, s16;
	s19 =	sshll.u32 @!p0 s19, $0x4  }
0x35: {  	s22 =	sand.u32 @!p0 $0x4000, s22;
	s20 =	sand.u32 @!p0 $0x3FFFFFC0, s21;
	s21 =	sadd.s32 @!p0 s6, s23  }
0x36: {  	s23 =	simm.s32 @!p0 $0x80;
	s19 =	sadd.s32 @!p0 s19, s21;
	s21 =	simm.s32 @!p0 $0x40  }
0x37: {  	[tilespmem:s22], [sflag:$0x1] =	stream.strided.gather @!p0 [hbm4b:s19+s21], s20, s23, s21, $0x38;
	[tilespmem:$0x10000] =	vst v63  }
0x38: {  	p0 =	sge.u32 s31, s5  }
.Ltmp2:
0x39: {  	_ = 	snop;
	(pc) =	sbr.rel @p0 .LBB1_8-.Ltmp2, $1  }
0x3a: {  	_ =	sdelay $0x3  }
0x3b: {  	p0 =	sgt.s32 s13, $0x1;
	s19 =	smov.u32 s13  }
0x3c: {  	s20 =	sshra.s32 s13, $0x1F;
	s21 =	smov.u32 s12;
	s22 =	sshra.s32 s12, $0x1F  }
0x3d: {  	s19 =	simm.s32 @!p0 $0x1;
	s20 =	sand.u32 s20, s13;
	p0 =	sgt.s32 s12, $0x13780  }
0x3e: {  	s22 =	sand.u32 s22, s12;
	s20 =	sxor.u32 $0xFFFFFFFF, s20;
	s21 =	simm.s32 @!p0 $0x13780  }
0x3f: {  	s19 =	sadd.s32 s20, s19;
	s30 =	ssub.s32 s21, s22;
	s22 =	sadd.s32 $0x100, s12  }
0x40: {  	p0 =	sgt.s32 s19, $0x0;
	s21 =	sadd.s32 $0xFFFEC880, s30;
	s19 =	sshll.u32 s19, $0x6  }
0x41: {  	p1 =	sgt.s32 s21, $0xFF;
	s19 =	ssub.s32 $0x40, s19;
	s21 =	sadd.s32 $0x1, s13  }
0x42: {  	s20 =	ssub.s32 $0x13880, s30;
	s19 =	simm.s32 @p0 $0x0;
	p0 =	slt.s32 s21, $0x2  }
0x43: {  	s20 =	simm.s32 @p1 $0x0;
	s21 =	simm.s32 @!p0 $0x2;
	p0 =	slt.s32 s22, $0x13880  }
0x44: {  	s19 =	smul.u32 s20, s19;
	s20 =	ssub.s32 s21, s13;
	s22 =	simm.s32 @!p0 $0x13880  }
0x45: {  	s21 =	ssub.s32 s22, s12;
	p0 =	slt.s32 s20, $0x1  }
0x46: {  	p1 =	slt.s32 @!p0 s21, $0x1  }
0x47: {  	p0 =	por p0, p1  }
.Ltmp3:
0x48: {  	_ = 	snop;
	(pc) =	sbr.rel @p0 .LBB1_7-.Ltmp3, $4  }
0x49: {  	s19 =	sand.u32 $0x3FFFFFC0, s19  }
0x4a: {  	_ =	swait.ge [sflag:s4], s19  }
0x4b: {  	s23 =	sshll.u32 s16, $0xE;
	s31 =	ssub.s32 $0x0, s19;
	[sflag:s4] =	ssyncset.done $0x0  }
0x4c: {  	s22 =	sand.u32 $0x4000, s23;
	[sflag:s4] =	ssyncadd.s32 s31  }
0x4d: {  	s23 =	sshll.u32 s11, $0x2  }
0x4e: {  	s23 =	sand.u32 $0x10000, s23  }
0x4f: {  	s24 =	simm.s32 $0x0;
	s23 =	sshrl.u32 s23, $0x2  }
0x50: {  	s25 =	simm.s32 $0x0;
	s26 =	simm.s32 $0x0;
	s23 =	sadd.s32 $0x8020, s23  }
.LBB1_4:
0x51: {  	s27 =	sshll.u32 s26, $0x10  }
0x52: {  	s27 =	sshra.s32 s27, $0x2  }
0x53: {  	s27 =	sadd.s32 s27, s22  }
0x54: {  	v0 =	vmov s27;
	_ =	sdelay $0x2  }
0x55: {  	p0 =	sne.s32 s21, $0x1  }
.Ltmp4:
0x56: {  	s29 =	sand.u32 $0x3FC0, s24;
	(pc) =	sbr.rel @!p0 .LBB1_6-.Ltmp4, $4  }
0x57: {  	v1 =	vld.idx.msk [tilespmem:v0+s29+$0x30 ss:$0x1], $0xffff  }
0x58: {  	v2 =	vld.idx.msk [tilespmem:v0+s29+$0x0 ss:$0x1], $0xffff  }
0x59: {  	s27 =	sand.u32 $0x40, s25;
	v3 =	vld.idx.msk [tilespmem:v0+s29+$0x10 ss:$0x1], $0xffff  }
0x5a: {  	s28 =	sadd.s32 $0xFFFFFFFF, s21;
	s27 =	sadd.s32 s27, s23;
	v4 =	vld.idx.msk [tilespmem:v0+s29+$0x20 ss:$0x1], $0xffff;
	s29 =	simm.s32 $0x40  }
.LBB1_5:
0x5b: {  	s30 =	sand.u32 $0x3FC0, s29;
	p0 =	sne.s32 s28, $0x1;
	s28 =	sadd.s32 $0xFFFFFFFF, s28  }
.Ltmp5:
0x5c: {  	[tilespmem:s27+$0x10] =	vst v1;
	v1 =	vld.idx.msk [tilespmem:v0+s30+$0x30 ss:$0x1], $0xffff;
	(pc) =	sbr.rel @p0 .LBB1_5-.Ltmp5, $4  }
0x5d: {  	[tilespmem:s27+$0xFFFFFFE0] =	vst v2;
	v2 =	vld.idx.msk [tilespmem:v0+s30+$0x0 ss:$0x1], $0xffff  }
0x5e: {  	[tilespmem:s27+$0xFFFFFFF0] =	vst v3;
	v3 =	vld.idx.msk [tilespmem:v0+s30+$0x10 ss:$0x1], $0xffff  }
0x5f: {  	[tilespmem:s27+$0x0] =	vst v4;
	v4 =	vld.idx.msk [tilespmem:v0+s30+$0x20 ss:$0x1], $0xffff  }
0x60: {  	s29 =	sadd.s32 $0x40, s29;
	s27 =	sadd.s32 $0x40, s27  }
.LBB1_6:
0x61: {  	s26 =	sadd.s32 $0x1, s26  }
0x62: {  	p0 =	sne.s32 s26, s20  }
.Ltmp6:
0x63: {  	_ = 	snop;
	(pc) =	sbr.rel @p0 .LBB1_4-.Ltmp6, $4  }
.Ltmp7:
0x64: {  	[tilespmem:s27+$0x10] =	vst v1;
	(pc) =	sbr.rel @!p0 .LBB1_7-.Ltmp7, $4  }
0x65: {  	[tilespmem:s27+$0xFFFFFFE0] =	vst v2  }
0x66: {  	[tilespmem:s27+$0xFFFFFFF0] =	vst v3  }
0x67: {  	s25 =	sadd.s32 $0x40, s25;
	[tilespmem:s27+$0x0] =	vst v4  }
0x68: {  	_ = 	snop  }
.LBB1_9:
0x69: {  	_ =	sfence.sel $0x180000  }
0x6a: {  	s2 =	simm.s32 $0x1;
	[bflag:$0x0] =	sbarrier.arrive $0xFFFF  }
0x6b: {  	s31 =	simm.s32 $0x2;
	[sflag:s2] =	ssyncpa.u1 $0x1  }
0x6c: {  	[sflag:s31] =	ssyncpa.u1 $0x1  }
0x6d: {  	p0 =	sne.s32 s0, $0x0;
	_ =	strace $0x9000008C  }
0x6e: {  	s0 =	sadd.s32 @!p0 $0x100000, s1;
	[bflag:$0x2] =	sbarrier.arrive $0xFFFF  }
0x6f: {  	[sflag:s0] =	ssyncadd.tile.s32 @!p0 $0x1;
	_ =	shalt  }
.Lfunc_end1:
_tile_overlayer_lowered:
.L_overlay_start_2:
0x70: {  	(tag) =	ssettag $0x2  }
0x71: {  	s0 =	rddreg [dreg:$0x0];
	s2 =	stileid.u32  }
0x72: {  	s1 =	rddreg [dreg:$0x1];
	p0 =	sne.s32 s2, $0x0  }
0x73: {  	s3 =	rddreg [dreg:$0x2];
	[bflag:$0x3] =	sbarrier.arrive $0xFFFF;
	s2 =	simm.s32 @!p0 $0x1C01  }
0x74: {  	[timem:s3], [sflag:s2] =	dma.local @!p0 [hbm:s0], s1  }
0x75: {  	s0 =	simm.s32 @!p0 $0x1  }
0x76: {  	_ =	swait.ge @!p0 [sflag:s0], s1  }
0x77: {  	s1 =	ssub.s32 @!p0 $0x0, s1;
	[sflag:s0] =	ssyncset.done @!p0 $0x0  }
0x78: {  	[sflag:s0] =	ssyncadd.s32 @!p0 s1  }
0x79: {  	[bflag:$0x3] =	sbarrier.arrive $0xFFFF  }
0x7a: {  	_ =	shalt  }

</sc_bundles>
